<compile_context>
chip_gen: v7x
topology: tpu7x:2x2x1
jax: 0.10.2.dev20260603
libtpu: 0.0.44.dev20260713+nightly
codegen_flags: <defaults>
</compile_context>

<pallas_src>
import jax
import jax.numpy as jnp
from jax import lax
from jax.experimental import pallas as pl
from jax.experimental.pallas import tpu as pltpu
from jax.experimental.pallas import tpu_sc as plsc

DIM = 128
NUM_CORES = 2
NUM_SUBCORES = 16
NUM_WORKERS = NUM_CORES * NUM_SUBCORES
STRIPE = 128
NCH = 2
CHUNK = 64
NBUF = 10


def _emb_body(idx_hbm, table_hbm, out_hbm, idx_v, rows_v, gsem, osem):
    n_groups = idx_hbm.shape[1] * (STRIPE // CHUNK)
    n_rot = n_groups // NBUF
    wid = lax.axis_index("s") * NUM_CORES + lax.axis_index("c")
    b0 = wid * STRIPE
    pltpu.sync_copy(idx_hbm.at[wid], idx_v)

    def gstart(g, b):
        s, h = g // NCH, g % NCH
        pltpu.async_copy(table_hbm.at[idx_v.at[s, pl.ds(h * CHUNK, CHUNK)]],
                         rows_v.at[b], gsem.at[b])

    def gwait(g, b):
        s, h = g // NCH, g % NCH
        pltpu.make_async_copy(
            table_hbm.at[idx_v.at[s, pl.ds(h * CHUNK, CHUNK)]],
            rows_v.at[b], gsem.at[b]).wait()

    def wstart(g, b):
        s, h = g // NCH, g % NCH
        pltpu.async_copy(rows_v.at[b],
                         out_hbm.at[s, pl.ds(b0 + h * CHUNK, CHUNK)],
                         osem.at[b])

    def wwait(g, b):
        s, h = g // NCH, g % NCH
        pltpu.make_async_copy(rows_v.at[b],
                              out_hbm.at[s, pl.ds(b0 + h * CHUNK, CHUNK)],
                              osem.at[b]).wait()

    for b in range(NBUF):
        gstart(b, b)

    def body(r, carry):
        g0 = r * NBUF
        for b in range(NBUF):
            gwait(g0 + b, b)
            wstart(g0 + b, b)
        for b in range(NBUF):
            wwait(g0 + b, b)
            gstart(g0 + NBUF + b, b)
        return carry

    lax.fori_loop(0, n_rot - 1, body, 0)

    g0 = (n_rot - 1) * NBUF
    for b in range(NBUF):
        gwait(g0 + b, b)
        wstart(g0 + b, b)
    for b in range(NBUF):
        wwait(g0 + b, b)


def kernel(input_ids, embedding_weight):
    batch, seq = input_ids.shape
    assert batch == NUM_WORKERS * STRIPE
    assert (seq * STRIPE // CHUNK) % NBUF == 0

    idx = (input_ids.astype(jnp.int32)
           .reshape(NUM_WORKERS, STRIPE, seq)
           .transpose(0, 2, 1))
    mesh = plsc.VectorSubcoreMesh(core_axis_name="c", subcore_axis_name="s")
    out = pl.kernel(
        _emb_body,
        out_type=jax.ShapeDtypeStruct((seq, batch, DIM), jnp.float32),
        mesh=mesh,
        scratch_types=[
            pltpu.VMEM((seq, STRIPE), jnp.int32),
            pltpu.VMEM((NBUF, CHUNK, DIM), jnp.float32),
            pltpu.SemaphoreType.DMA((NBUF,)),
            pltpu.SemaphoreType.DMA((NBUF,)),
        ],
    )(idx, embedding_weight)
    return out.transpose(1, 0, 2)

# --- scband reference (transcript-rebuilt; emitter-appended) ---
"""Pipeline reference for scband-token-embedding-56075093016936 (READ-ONLY COPY).

The authoritative reference and input builder live on the scoring server;
editing this copy changes nothing except your own understanding.
"""

import math
import jax, jax.numpy as jnp
import numpy as np

VOCAB_SIZE = 100000
DIM = 128
BATCH = 4096
SEQ = 50

def setup_inputs(seed: int = 0) -> dict:
    key = jax.random.key(seed)
    k_idx, k_w = jax.random.split(key)
    input_ids = jax.random.randint(k_idx, (BATCH, SEQ), 0, VOCAB_SIZE, dtype=jnp.int64 if jax.config.jax_enable_x64 else jnp.int32)
    init_std = 1.0 / math.sqrt(DIM)
    embedding_weight = jax.random.normal(k_w, (VOCAB_SIZE, DIM), dtype=jnp.float32) * init_std
    return {"input_ids": input_ids, "embedding_weight": embedding_weight}

def reference(input_ids, embedding_weight):
    # TokenEmbedding.forward: nn.Embedding lookup -> table[indices]
    return jnp.take(embedding_weight, input_ids, axis=0)

if __name__ == "__main__":
    import jax
    _d = setup_inputs()
    print(jax.jit(kernel)(*tuple(_d.values())))

</pallas_src>

<mosaic_0001>
#map = affine_map<(d0, d1) -> (0, 0, 0)>
#map1 = affine_map<(d0, d1) -> (0, 0)>
module attributes {stable_mosaic.version = 14 : i64} {
  func.func @_emb_body(%arg0: i32, %arg1: i32, %arg2: memref<32x50x128xi32, #tpu.memory_space<hbm>>, %arg3: memref<100000x128xf32, #tpu.memory_space<hbm>>, %arg4: memref<50x4096x128xf32, #tpu.memory_space<hbm>>, %arg5: memref<50x128xi32, #tpu.memory_space<vmem>>, %arg6: memref<10x64x128xf32, #tpu.memory_space<vmem>>, %arg7: memref<10x!tpu.dma_semaphore, #tpu.memory_space<semaphore_mem>>, %arg8: memref<10x!tpu.dma_semaphore, #tpu.memory_space<semaphore_mem>>) attributes {dimension_semantics = [#tpu.dimension_semantics<core_parallel>, #tpu.dimension_semantics<subcore_parallel>], iteration_bounds = array<i64: 2, 16>, scalar_prefetch = 0 : i64, scratch_operands = 4 : i64, tpu.core_type = #tpu.core_type<sc_vector_subcore>, window_params = [{transform_indices = #map}, {transform_indices = #map1}, {transform_indices = #map}]} {
    %mul3A = arith.constant 2 : i32
    %mul3A_0 = arith.muli %arg1, %mul3A : i32
    %add3A = arith.addi %mul3A_0, %arg0 : i32
    %mul3A_1 = arith.constant 128 : i32
    %mul3A_2 = arith.muli %add3A, %mul3A_1 : i32
    "tpu.region"() ({
      %run_scoped3A = tpu.sem_alloc : memref<!tpu.dma_semaphore, #tpu.memory_space<semaphore_mem>>
      %dma_start3A_726 = arith.constant 0 : i32
      %dma_start3A_727 = arith.constant 0 : i32
      %dma_start3A_728 = tpu.memref_slice %arg2[%add3A, %dma_start3A_726, %dma_start3A_727] : memref<32x50x128xi32, #tpu.memory_space<hbm>> -> memref<1x50x128xi32, #tpu.memory_space<hbm>>
      %dma_start3A_729 = tpu.memref_squeeze %dma_start3A_728 : memref<1x50x128xi32, #tpu.memory_space<hbm>> -> memref<50x128xi32, #tpu.memory_space<hbm>>
      %dma_start3A_730 = arith.constant 0 : i32
      %dma_start3A_731 = arith.constant 0 : i32
      %dma_start3A_732 = tpu.memref_slice %arg2[%add3A, %dma_start3A_730, %dma_start3A_731] : memref<32x50x128xi32, #tpu.memory_space<hbm>> -> memref<1x50x128xi32, #tpu.memory_space<hbm>>
      %dma_start3A_733 = tpu.memref_squeeze %dma_start3A_732 : memref<1x50x128xi32, #tpu.memory_space<hbm>> -> memref<50x128xi32, #tpu.memory_space<hbm>>
      tpu.enqueue_dma source(%dma_start3A_733 : memref<50x128xi32, #tpu.memory_space<hbm>>) target(%arg5 : memref<50x128xi32, #tpu.memory_space<vmem>>) target_semaphore(%run_scoped3A : memref<!tpu.dma_semaphore, #tpu.memory_space<semaphore_mem>>)
      %dma_wait3A_734 = arith.constant 0 : i32
      %dma_wait3A_735 = arith.constant 0 : i32
      %dma_wait3A_736 = tpu.memref_slice %arg2[%add3A, %dma_wait3A_734, %dma_wait3A_735] : memref<32x50x128xi32, #tpu.memory_space<hbm>> -> memref<1x50x128xi32, #tpu.memory_space<hbm>>
      %dma_wait3A_737 = tpu.memref_squeeze %dma_wait3A_736 : memref<1x50x128xi32, #tpu.memory_space<hbm>> -> memref<50x128xi32, #tpu.memory_space<hbm>>
      %dma_wait3A_738 = arith.constant 0 : i32
      %dma_wait3A_739 = arith.constant 0 : i32
      %dma_wait3A_740 = tpu.memref_slice %arg2[%add3A, %dma_wait3A_738, %dma_wait3A_739] : memref<32x50x128xi32, #tpu.memory_space<hbm>> -> memref<1x50x128xi32, #tpu.memory_space<hbm>>
      %dma_wait3A_741 = tpu.memref_squeeze %dma_wait3A_740 : memref<1x50x128xi32, #tpu.memory_space<hbm>> -> memref<50x128xi32, #tpu.memory_space<hbm>>
      tpu.wait_dma2 semaphore(%run_scoped3A : memref<!tpu.dma_semaphore, #tpu.memory_space<semaphore_mem>>) src(%dma_wait3A_741 : memref<50x128xi32, #tpu.memory_space<hbm>>) dst(%arg5 : memref<50x128xi32, #tpu.memory_space<vmem>>)
      tpu.yield
    }) : () -> ()
    %dma_start3A = arith.constant 0 : i32
    %dma_start3A_3 = arith.constant 0 : i32
    %dma_start3A_4 = arith.constant 0 : i32
    %dma_start3A_5 = arith.constant 0 : i32
    %dma_start3A_6 = arith.constant 0 : i32
    %dma_start3A_7 = tpu.memref_slice %arg6[%dma_start3A_3, %dma_start3A_5, %dma_start3A_6] : memref<10x64x128xf32, #tpu.memory_space<vmem>> -> memref<1x64x128xf32, #tpu.memory_space<vmem>>
    %dma_start3A_8 = tpu.memref_squeeze %dma_start3A_7 : memref<1x64x128xf32, #tpu.memory_space<vmem>> -> memref<64x128xf32, #tpu.memory_space<vmem>>
    %dma_start3A_9 = arith.constant 0 : i32
    %dma_start3A_10 = tpu.memref_slice %arg5[%dma_start3A, %dma_start3A_9] : memref<50x128xi32, #tpu.memory_space<vmem>> -> memref<1x64xi32, #tpu.memory_space<vmem>>
    %dma_start3A_11 = tpu.memref_squeeze %dma_start3A_10 : memref<1x64xi32, #tpu.memory_space<vmem>> -> memref<64xi32, #tpu.memory_space<vmem>>
    %dma_start3A_12 = arith.constant 0 : i32
    %dma_start3A_13 = arith.constant 0 : i32
    %dma_start3A_14 = tpu.memref_slice %arg3[%dma_start3A_12, %dma_start3A_13] : memref<100000x128xf32, #tpu.memory_space<hbm>> -> memref<100000x128xf32, #tpu.memory_space<hbm>>
    %dma_start3A_15 = tpu.memref_slice %arg7[%dma_start3A_4] : memref<10x!tpu.dma_semaphore, #tpu.memory_space<semaphore_mem>> -> memref<1x!tpu.dma_semaphore, #tpu.memory_space<semaphore_mem>>
    %dma_start3A_16 = tpu.memref_squeeze %dma_start3A_15 : memref<1x!tpu.dma_semaphore, #tpu.memory_space<semaphore_mem>> -> memref<!tpu.dma_semaphore, #tpu.memory_space<semaphore_mem>>
    tpu.enqueue_indirect_dma source(%dma_start3A_14 : memref<100000x128xf32, #tpu.memory_space<hbm>>) target(%dma_start3A_8 : memref<64x128xf32, #tpu.memory_space<vmem>>) offsets(%dma_start3A_11 : memref<64xi32, #tpu.memory_space<vmem>>) semaphore(%dma_start3A_16 : memref<!tpu.dma_semaphore, #tpu.memory_space<semaphore_mem>>)
    %dma_start3A_17 = arith.constant 0 : i32
    %dma_start3A_18 = arith.constant 1 : i32
    %dma_start3A_19 = arith.constant 1 : i32
    %dma_start3A_20 = arith.constant 0 : i32
    %dma_start3A_21 = arith.constant 0 : i32
    %dma_start3A_22 = tpu.memref_slice %arg6[%dma_start3A_18, %dma_start3A_20, %dma_start3A_21] : memref<10x64x128xf32, #tpu.memory_space<vmem>> -> memref<1x64x128xf32, #tpu.memory_space<vmem>>
    %dma_start3A_23 = tpu.memref_squeeze %dma_start3A_22 : memref<1x64x128xf32, #tpu.memory_space<vmem>> -> memref<64x128xf32, #tpu.memory_space<vmem>>
    %dma_start3A_24 = arith.constant 64 : i32
    %dma_start3A_25 = tpu.memref_slice %arg5[%dma_start3A_17, %dma_start3A_24] : memref<50x128xi32, #tpu.memory_space<vmem>> -> memref<1x64xi32, #tpu.memory_space<vmem>>
    %dma_start3A_26 = tpu.memref_squeeze %dma_start3A_25 : memref<1x64xi32, #tpu.memory_space<vmem>> -> memref<64xi32, #tpu.memory_space<vmem>>
    %dma_start3A_27 = arith.constant 0 : i32
    %dma_start3A_28 = arith.constant 0 : i32
    %dma_start3A_29 = tpu.memref_slice %arg3[%dma_start3A_27, %dma_start3A_28] : memref<100000x128xf32, #tpu.memory_space<hbm>> -> memref<100000x128xf32, #tpu.memory_space<hbm>>
    %dma_start3A_30 = tpu.memref_slice %arg7[%dma_start3A_19] : memref<10x!tpu.dma_semaphore, #tpu.memory_space<semaphore_mem>> -> memref<1x!tpu.dma_semaphore, #tpu.memory_space<semaphore_mem>>
    %dma_start3A_31 = tpu.memref_squeeze %dma_start3A_30 : memref<1x!tpu.dma_semaphore, #tpu.memory_space<semaphore_mem>> -> memref<!tpu.dma_semaphore, #tpu.memory_space<semaphore_mem>>
    tpu.enqueue_indirect_dma source(%dma_start3A_29 : memref<100000x128xf32, #tpu.memory_space<hbm>>) target(%dma_start3A_23 : memref<64x128xf32, #tpu.memory_space<vmem>>) offsets(%dma_start3A_26 : memref<64xi32, #tpu.memory_space<vmem>>) semaphore(%dma_start3A_31 : memref<!tpu.dma_semaphore, #tpu.memory_space<semaphore_mem>>)
    %dma_start3A_32 = arith.constant 1 : i32
    %dma_start3A_33 = arith.constant 2 : i32
    %dma_start3A_34 = arith.constant 2 : i32
    %dma_start3A_35 = arith.constant 0 : i32
    %dma_start3A_36 = arith.constant 0 : i32
    %dma_start3A_37 = tpu.memref_slice %arg6[%dma_start3A_33, %dma_start3A_35, %dma_start3A_36] : memref<10x64x128xf32, #tpu.memory_space<vmem>> -> memref<1x64x128xf32, #tpu.memory_space<vmem>>
    %dma_start3A_38 = tpu.memref_squeeze %dma_start3A_37 : memref<1x64x128xf32, #tpu.memory_space<vmem>> -> memref<64x128xf32, #tpu.memory_space<vmem>>
    %dma_start3A_39 = arith.constant 0 : i32
    %dma_start3A_40 = tpu.memref_slice %arg5[%dma_start3A_32, %dma_start3A_39] : memref<50x128xi32, #tpu.memory_space<vmem>> -> memref<1x64xi32, #tpu.memory_space<vmem>>
    %dma_start3A_41 = tpu.memref_squeeze %dma_start3A_40 : memref<1x64xi32, #tpu.memory_space<vmem>> -> memref<64xi32, #tpu.memory_space<vmem>>
    %dma_start3A_42 = arith.constant 0 : i32
    %dma_start3A_43 = arith.constant 0 : i32
    %dma_start3A_44 = tpu.memref_slice %arg3[%dma_start3A_42, %dma_start3A_43] : memref<100000x128xf32, #tpu.memory_space<hbm>> -> memref<100000x128xf32, #tpu.memory_space<hbm>>
    %dma_start3A_45 = tpu.memref_slice %arg7[%dma_start3A_34] : memref<10x!tpu.dma_semaphore, #tpu.memory_space<semaphore_mem>> -> memref<1x!tpu.dma_semaphore, #tpu.memory_space<semaphore_mem>>
    %dma_start3A_46 = tpu.memref_squeeze %dma_start3A_45 : memref<1x!tpu.dma_semaphore, #tpu.memory_space<semaphore_mem>> -> memref<!tpu.dma_semaphore, #tpu.memory_space<semaphore_mem>>
    tpu.enqueue_indirect_dma source(%dma_start3A_44 : memref<100000x128xf32, #tpu.memory_space<hbm>>) target(%dma_start3A_38 : memref<64x128xf32, #tpu.memory_space<vmem>>) offsets(%dma_start3A_41 : memref<64xi32, #tpu.memory_space<vmem>>) semaphore(%dma_start3A_46 : memref<!tpu.dma_semaphore, #tpu.memory_space<semaphore_mem>>)
    %dma_start3A_47 = arith.constant 1 : i32
    %dma_start3A_48 = arith.constant 3 : i32
    %dma_start3A_49 = arith.constant 3 : i32
    %dma_start3A_50 = arith.constant 0 : i32
    %dma_start3A_51 = arith.constant 0 : i32
    %dma_start3A_52 = tpu.memref_slice %arg6[%dma_start3A_48, %dma_start3A_50, %dma_start3A_51] : memref<10x64x128xf32, #tpu.memory_space<vmem>> -> memref<1x64x128xf32, #tpu.memory_space<vmem>>
    %dma_start3A_53 = tpu.memref_squeeze %dma_start3A_52 : memref<1x64x128xf32, #tpu.memory_space<vmem>> -> memref<64x128xf32, #tpu.memory_space<vmem>>
    %dma_start3A_54 = arith.constant 64 : i32
    %dma_start3A_55 = tpu.memref_slice %arg5[%dma_start3A_47, %dma_start3A_54] : memref<50x128xi32, #tpu.memory_space<vmem>> -> memref<1x64xi32, #tpu.memory_space<vmem>>
    %dma_start3A_56 = tpu.memref_squeeze %dma_start3A_55 : memref<1x64xi32, #tpu.memory_space<vmem>> -> memref<64xi32, #tpu.memory_space<vmem>>
    %dma_start3A_57 = arith.constant 0 : i32
    %dma_start3A_58 = arith.constant 0 : i32
    %dma_start3A_59 = tpu.memref_slice %arg3[%dma_start3A_57, %dma_start3A_58] : memref<100000x128xf32, #tpu.memory_space<hbm>> -> memref<100000x128xf32, #tpu.memory_space<hbm>>
    %dma_start3A_60 = tpu.memref_slice %arg7[%dma_start3A_49] : memref<10x!tpu.dma_semaphore, #tpu.memory_space<semaphore_mem>> -> memref<1x!tpu.dma_semaphore, #tpu.memory_space<semaphore_mem>>
    %dma_start3A_61 = tpu.memref_squeeze %dma_start3A_60 : memref<1x!tpu.dma_semaphore, #tpu.memory_space<semaphore_mem>> -> memref<!tpu.dma_semaphore, #tpu.memory_space<semaphore_mem>>
    tpu.enqueue_indirect_dma source(%dma_start3A_59 : memref<100000x128xf32, #tpu.memory_space<hbm>>) target(%dma_start3A_53 : memref<64x128xf32, #tpu.memory_space<vmem>>) offsets(%dma_start3A_56 : memref<64xi32, #tpu.memory_space<vmem>>) semaphore(%dma_start3A_61 : memref<!tpu.dma_semaphore, #tpu.memory_space<semaphore_mem>>)
    %dma_start3A_62 = arith.constant 2 : i32
    %dma_start3A_63 = arith.constant 4 : i32
    %dma_start3A_64 = arith.constant 4 : i32
    %dma_start3A_65 = arith.constant 0 : i32
    %dma_start3A_66 = arith.constant 0 : i32
    %dma_start3A_67 = tpu.memref_slice %arg6[%dma_start3A_63, %dma_start3A_65, %dma_start3A_66] : memref<10x64x128xf32, #tpu.memory_space<vmem>> -> memref<1x64x128xf32, #tpu.memory_space<vmem>>
    %dma_start3A_68 = tpu.memref_squeeze %dma_start3A_67 : memref<1x64x128xf32, #tpu.memory_space<vmem>> -> memref<64x128xf32, #tpu.memory_space<vmem>>
    %dma_start3A_69 = arith.constant 0 : i32
    %dma_start3A_70 = tpu.memref_slice %arg5[%dma_start3A_62, %dma_start3A_69] : memref<50x128xi32, #tpu.memory_space<vmem>> -> memref<1x64xi32, #tpu.memory_space<vmem>>
    %dma_start3A_71 = tpu.memref_squeeze %dma_start3A_70 : memref<1x64xi32, #tpu.memory_space<vmem>> -> memref<64xi32, #tpu.memory_space<vmem>>
    %dma_start3A_72 = arith.constant 0 : i32
    %dma_start3A_73 = arith.constant 0 : i32
    %dma_start3A_74 = tpu.memref_slice %arg3[%dma_start3A_72, %dma_start3A_73] : memref<100000x128xf32, #tpu.memory_space<hbm>> -> memref<100000x128xf32, #tpu.memory_space<hbm>>
    %dma_start3A_75 = tpu.memref_slice %arg7[%dma_start3A_64] : memref<10x!tpu.dma_semaphore, #tpu.memory_space<semaphore_mem>> -> memref<1x!tpu.dma_semaphore, #tpu.memory_space<semaphore_mem>>
    %dma_start3A_76 = tpu.memref_squeeze %dma_start3A_75 : memref<1x!tpu.dma_semaphore, #tpu.memory_space<semaphore_mem>> -> memref<!tpu.dma_semaphore, #tpu.memory_space<semaphore_mem>>
    tpu.enqueue_indirect_dma source(%dma_start3A_74 : memref<100000x128xf32, #tpu.memory_space<hbm>>) target(%dma_start3A_68 : memref<64x128xf32, #tpu.memory_space<vmem>>) offsets(%dma_start3A_71 : memref<64xi32, #tpu.memory_space<vmem>>) semaphore(%dma_start3A_76 : memref<!tpu.dma_semaphore, #tpu.memory_space<semaphore_mem>>)
    %dma_start3A_77 = arith.constant 2 : i32
    %dma_start3A_78 = arith.constant 5 : i32
    %dma_start3A_79 = arith.constant 5 : i32
    %dma_start3A_80 = arith.constant 0 : i32
    %dma_start3A_81 = arith.constant 0 : i32
    %dma_start3A_82 = tpu.memref_slice %arg6[%dma_start3A_78, %dma_start3A_80, %dma_start3A_81] : memref<10x64x128xf32, #tpu.memory_space<vmem>> -> memref<1x64x128xf32, #tpu.memory_space<vmem>>
    %dma_start3A_83 = tpu.memref_squeeze %dma_start3A_82 : memref<1x64x128xf32, #tpu.memory_space<vmem>> -> memref<64x128xf32, #tpu.memory_space<vmem>>
    %dma_start3A_84 = arith.constant 64 : i32
    %dma_start3A_85 = tpu.memref_slice %arg5[%dma_start3A_77, %dma_start3A_84] : memref<50x128xi32, #tpu.memory_space<vmem>> -> memref<1x64xi32, #tpu.memory_space<vmem>>
    %dma_start3A_86 = tpu.memref_squeeze %dma_start3A_85 : memref<1x64xi32, #tpu.memory_space<vmem>> -> memref<64xi32, #tpu.memory_space<vmem>>
    %dma_start3A_87 = arith.constant 0 : i32
    %dma_start3A_88 = arith.constant 0 : i32
    %dma_start3A_89 = tpu.memref_slice %arg3[%dma_start3A_87, %dma_start3A_88] : memref<100000x128xf32, #tpu.memory_space<hbm>> -> memref<100000x128xf32, #tpu.memory_space<hbm>>
    %dma_start3A_90 = tpu.memref_slice %arg7[%dma_start3A_79] : memref<10x!tpu.dma_semaphore, #tpu.memory_space<semaphore_mem>> -> memref<1x!tpu.dma_semaphore, #tpu.memory_space<semaphore_mem>>
    %dma_start3A_91 = tpu.memref_squeeze %dma_start3A_90 : memref<1x!tpu.dma_semaphore, #tpu.memory_space<semaphore_mem>> -> memref<!tpu.dma_semaphore, #tpu.memory_space<semaphore_mem>>
    tpu.enqueue_indirect_dma source(%dma_start3A_89 : memref<100000x128xf32, #tpu.memory_space<hbm>>) target(%dma_start3A_83 : memref<64x128xf32, #tpu.memory_space<vmem>>) offsets(%dma_start3A_86 : memref<64xi32, #tpu.memory_space<vmem>>) semaphore(%dma_start3A_91 : memref<!tpu.dma_semaphore, #tpu.memory_space<semaphore_mem>>)
    %dma_start3A_92 = arith.constant 3 : i32
    %dma_start3A_93 = arith.constant 6 : i32
    %dma_start3A_94 = arith.constant 6 : i32
    %dma_start3A_95 = arith.constant 0 : i32
    %dma_start3A_96 = arith.constant 0 : i32
    %dma_start3A_97 = tpu.memref_slice %arg6[%dma_start3A_93, %dma_start3A_95, %dma_start3A_96] : memref<10x64x128xf32, #tpu.memory_space<vmem>> -> memref<1x64x128xf32, #tpu.memory_space<vmem>>
    %dma_start3A_98 = tpu.memref_squeeze %dma_start3A_97 : memref<1x64x128xf32, #tpu.memory_space<vmem>> -> memref<64x128xf32, #tpu.memory_space<vmem>>
    %dma_start3A_99 = arith.constant 0 : i32
    %dma_start3A_100 = tpu.memref_slice %arg5[%dma_start3A_92, %dma_start3A_99] : memref<50x128xi32, #tpu.memory_space<vmem>> -> memref<1x64xi32, #tpu.memory_space<vmem>>
    %dma_start3A_101 = tpu.memref_squeeze %dma_start3A_100 : memref<1x64xi32, #tpu.memory_space<vmem>> -> memref<64xi32, #tpu.memory_space<vmem>>
    %dma_start3A_102 = arith.constant 0 : i32
    %dma_start3A_103 = arith.constant 0 : i32
    %dma_start3A_104 = tpu.memref_slice %arg3[%dma_start3A_102, %dma_start3A_103] : memref<100000x128xf32, #tpu.memory_space<hbm>> -> memref<100000x128xf32, #tpu.memory_space<hbm>>
    %dma_start3A_105 = tpu.memref_slice %arg7[%dma_start3A_94] : memref<10x!tpu.dma_semaphore, #tpu.memory_space<semaphore_mem>> -> memref<1x!tpu.dma_semaphore, #tpu.memory_space<semaphore_mem>>
    %dma_start3A_106 = tpu.memref_squeeze %dma_start3A_105 : memref<1x!tpu.dma_semaphore, #tpu.memory_space<semaphore_mem>> -> memref<!tpu.dma_semaphore, #tpu.memory_space<semaphore_mem>>
    tpu.enqueue_indirect_dma source(%dma_start3A_104 : memref<100000x128xf32, #tpu.memory_space<hbm>>) target(%dma_start3A_98 : memref<64x128xf32, #tpu.memory_space<vmem>>) offsets(%dma_start3A_101 : memref<64xi32, #tpu.memory_space<vmem>>) semaphore(%dma_start3A_106 : memref<!tpu.dma_semaphore, #tpu.memory_space<semaphore_mem>>)
    %dma_start3A_107 = arith.constant 3 : i32
    %dma_start3A_108 = arith.constant 7 : i32
    %dma_start3A_109 = arith.constant 7 : i32
    %dma_start3A_110 = arith.constant 0 : i32
    %dma_start3A_111 = arith.constant 0 : i32
    %dma_start3A_112 = tpu.memref_slice %arg6[%dma_start3A_108, %dma_start3A_110, %dma_start3A_111] : memref<10x64x128xf32, #tpu.memory_space<vmem>> -> memref<1x64x128xf32, #tpu.memory_space<vmem>>
    %dma_start3A_113 = tpu.memref_squeeze %dma_start3A_112 : memref<1x64x128xf32, #tpu.memory_space<vmem>> -> memref<64x128xf32, #tpu.memory_space<vmem>>
    %dma_start3A_114 = arith.constant 64 : i32
    %dma_start3A_115 = tpu.memref_slice %arg5[%dma_start3A_107, %dma_start3A_114] : memref<50x128xi32, #tpu.memory_space<vmem>> -> memref<1x64xi32, #tpu.memory_space<vmem>>
    %dma_start3A_116 = tpu.memref_squeeze %dma_start3A_115 : memref<1x64xi32, #tpu.memory_space<vmem>> -> memref<64xi32, #tpu.memory_space<vmem>>
    %dma_start3A_117 = arith.constant 0 : i32
    %dma_start3A_118 = arith.constant 0 : i32
    %dma_start3A_119 = tpu.memref_slice %arg3[%dma_start3A_117, %dma_start3A_118] : memref<100000x128xf32, #tpu.memory_space<hbm>> -> memref<100000x128xf32, #tpu.memory_space<hbm>>
    %dma_start3A_120 = tpu.memref_slice %arg7[%dma_start3A_109] : memref<10x!tpu.dma_semaphore, #tpu.memory_space<semaphore_mem>> -> memref<1x!tpu.dma_semaphore, #tpu.memory_space<semaphore_mem>>
    %dma_start3A_121 = tpu.memref_squeeze %dma_start3A_120 : memref<1x!tpu.dma_semaphore, #tpu.memory_space<semaphore_mem>> -> memref<!tpu.dma_semaphore, #tpu.memory_space<semaphore_mem>>
    tpu.enqueue_indirect_dma source(%dma_start3A_119 : memref<100000x128xf32, #tpu.memory_space<hbm>>) target(%dma_start3A_113 : memref<64x128xf32, #tpu.memory_space<vmem>>) offsets(%dma_start3A_116 : memref<64xi32, #tpu.memory_space<vmem>>) semaphore(%dma_start3A_121 : memref<!tpu.dma_semaphore, #tpu.memory_space<semaphore_mem>>)
    %dma_start3A_122 = arith.constant 4 : i32
    %dma_start3A_123 = arith.constant 8 : i32
    %dma_start3A_124 = arith.constant 8 : i32
    %dma_start3A_125 = arith.constant 0 : i32
    %dma_start3A_126 = arith.constant 0 : i32
    %dma_start3A_127 = tpu.memref_slice %arg6[%dma_start3A_123, %dma_start3A_125, %dma_start3A_126] : memref<10x64x128xf32, #tpu.memory_space<vmem>> -> memref<1x64x128xf32, #tpu.memory_space<vmem>>
    %dma_start3A_128 = tpu.memref_squeeze %dma_start3A_127 : memref<1x64x128xf32, #tpu.memory_space<vmem>> -> memref<64x128xf32, #tpu.memory_space<vmem>>
    %dma_start3A_129 = arith.constant 0 : i32
    %dma_start3A_130 = tpu.memref_slice %arg5[%dma_start3A_122, %dma_start3A_129] : memref<50x128xi32, #tpu.memory_space<vmem>> -> memref<1x64xi32, #tpu.memory_space<vmem>>
    %dma_start3A_131 = tpu.memref_squeeze %dma_start3A_130 : memref<1x64xi32, #tpu.memory_space<vmem>> -> memref<64xi32, #tpu.memory_space<vmem>>
    %dma_start3A_132 = arith.constant 0 : i32
    %dma_start3A_133 = arith.constant 0 : i32
    %dma_start3A_134 = tpu.memref_slice %arg3[%dma_start3A_132, %dma_start3A_133] : memref<100000x128xf32, #tpu.memory_space<hbm>> -> memref<100000x128xf32, #tpu.memory_space<hbm>>
    %dma_start3A_135 = tpu.memref_slice %arg7[%dma_start3A_124] : memref<10x!tpu.dma_semaphore, #tpu.memory_space<semaphore_mem>> -> memref<1x!tpu.dma_semaphore, #tpu.memory_space<semaphore_mem>>
    %dma_start3A_136 = tpu.memref_squeeze %dma_start3A_135 : memref<1x!tpu.dma_semaphore, #tpu.memory_space<semaphore_mem>> -> memref<!tpu.dma_semaphore, #tpu.memory_space<semaphore_mem>>
    tpu.enqueue_indirect_dma source(%dma_start3A_134 : memref<100000x128xf32, #tpu.memory_space<hbm>>) target(%dma_start3A_128 : memref<64x128xf32, #tpu.memory_space<vmem>>) offsets(%dma_start3A_131 : memref<64xi32, #tpu.memory_space<vmem>>) semaphore(%dma_start3A_136 : memref<!tpu.dma_semaphore, #tpu.memory_space<semaphore_mem>>)
    %dma_start3A_137 = arith.constant 4 : i32
    %dma_start3A_138 = arith.constant 9 : i32
    %dma_start3A_139 = arith.constant 9 : i32
    %dma_start3A_140 = arith.constant 0 : i32
    %dma_start3A_141 = arith.constant 0 : i32
    %dma_start3A_142 = tpu.memref_slice %arg6[%dma_start3A_138, %dma_start3A_140, %dma_start3A_141] : memref<10x64x128xf32, #tpu.memory_space<vmem>> -> memref<1x64x128xf32, #tpu.memory_space<vmem>>
    %dma_start3A_143 = tpu.memref_squeeze %dma_start3A_142 : memref<1x64x128xf32, #tpu.memory_space<vmem>> -> memref<64x128xf32, #tpu.memory_space<vmem>>
    %dma_start3A_144 = arith.constant 64 : i32
    %dma_start3A_145 = tpu.memref_slice %arg5[%dma_start3A_137, %dma_start3A_144] : memref<50x128xi32, #tpu.memory_space<vmem>> -> memref<1x64xi32, #tpu.memory_space<vmem>>
    %dma_start3A_146 = tpu.memref_squeeze %dma_start3A_145 : memref<1x64xi32, #tpu.memory_space<vmem>> -> memref<64xi32, #tpu.memory_space<vmem>>
    %dma_start3A_147 = arith.constant 0 : i32
    %dma_start3A_148 = arith.constant 0 : i32
    %dma_start3A_149 = tpu.memref_slice %arg3[%dma_start3A_147, %dma_start3A_148] : memref<100000x128xf32, #tpu.memory_space<hbm>> -> memref<100000x128xf32, #tpu.memory_space<hbm>>
    %dma_start3A_150 = tpu.memref_slice %arg7[%dma_start3A_139] : memref<10x!tpu.dma_semaphore, #tpu.memory_space<semaphore_mem>> -> memref<1x!tpu.dma_semaphore, #tpu.memory_space<semaphore_mem>>
    %dma_start3A_151 = tpu.memref_squeeze %dma_start3A_150 : memref<1x!tpu.dma_semaphore, #tpu.memory_space<semaphore_mem>> -> memref<!tpu.dma_semaphore, #tpu.memory_space<semaphore_mem>>
    tpu.enqueue_indirect_dma source(%dma_start3A_149 : memref<100000x128xf32, #tpu.memory_space<hbm>>) target(%dma_start3A_143 : memref<64x128xf32, #tpu.memory_space<vmem>>) offsets(%dma_start3A_146 : memref<64xi32, #tpu.memory_space<vmem>>) semaphore(%dma_start3A_151 : memref<!tpu.dma_semaphore, #tpu.memory_space<semaphore_mem>>)
    %scan3A = arith.constant 0 : i32
    %scan3A_152 = arith.constant 0 : i32
    %scan3A_153 = arith.constant 9 : i32
    %scan3A_154 = arith.addi %scan3A_152, %scan3A_153 : i32
    %scan3A_155 = arith.constant 1 : i32
    scf.for %scan3A_726 = %scan3A_152 to %scan3A_154 step %scan3A_155  : i32 {
      %mul3A_727 = arith.constant 10 : i32
      %mul3A_728 = arith.muli %scan3A_726, %mul3A_727 : i32
      %add3A_729 = arith.constant 0 : i32
      %add3A_730 = arith.addi %mul3A_728, %add3A_729 : i32
      %jit3A = arith.constant 2 : i32
      %div3A = arith.divsi %add3A_730, %jit3A : i32
      %sign3A = arith.constant 0 : i32
      %sign3A_731 = arith.cmpi sgt, %add3A_730, %sign3A : i32
      %sign3A_732 = arith.extui %sign3A_731 : i1 to i32
      %sign3A_733 = arith.constant 0 : i32
      %sign3A_734 = arith.cmpi slt, %add3A_730, %sign3A_733 : i32
      %sign3A_735 = arith.extui %sign3A_734 : i1 to i32
      %sign3A_736 = arith.subi %sign3A_732, %sign3A_735 : i32
      %sign3A_737 = arith.constant 0 : i32
      %sign3A_738 = arith.cmpi sgt, %jit3A, %sign3A_737 : i32
      %sign3A_739 = arith.extui %sign3A_738 : i1 to i32
      %sign3A_740 = arith.constant 0 : i32
      %sign3A_741 = arith.cmpi slt, %jit3A, %sign3A_740 : i32
      %sign3A_742 = arith.extui %sign3A_741 : i1 to i32
      %sign3A_743 = arith.subi %sign3A_739, %sign3A_742 : i32
      %ne3A = arith.cmpi ne, %sign3A_736, %sign3A_743 : i32
      %rem3A = arith.remsi %add3A_730, %jit3A : i32
      %ne3A_744 = arith.constant 0 : i32
      %ne3A_745 = arith.cmpi ne, %rem3A, %ne3A_744 : i32
      %and3A = arith.andi %ne3A, %ne3A_745 : i1
      %sub3A = arith.constant 1 : i32
      %sub3A_746 = arith.subi %div3A, %sub3A : i32
      %select_n3A = arith.select %and3A, %sub3A_746, %div3A : i32
      %jit3A_747 = arith.constant 2 : i32
      %eq3A = arith.constant 0 : i32
      %eq3A_748 = arith.cmpi eq, %jit3A_747, %eq3A : i32
      %jit3A_749 = arith.constant 1 : i32
      %select_n3A_750 = arith.select %eq3A_748, %jit3A_749, %jit3A_747 : i32
      %rem3A_751 = arith.remsi %add3A_730, %select_n3A_750 : i32
      %ne3A_752 = arith.constant 0 : i32
      %ne3A_753 = arith.cmpi ne, %rem3A_751, %ne3A_752 : i32
      %lt3A = arith.constant 0 : i32
      %lt3A_754 = arith.cmpi slt, %rem3A_751, %lt3A : i32
      %lt3A_755 = arith.constant 0 : i32
      %lt3A_756 = arith.cmpi slt, %select_n3A_750, %lt3A_755 : i32
      %ne3A_757 = arith.xori %lt3A_754, %lt3A_756 : i1
      %and3A_758 = arith.andi %ne3A_757, %ne3A_753 : i1
      %add3A_759 = arith.addi %rem3A_751, %select_n3A_750 : i32
      %select_n3A_760 = arith.select %and3A_758, %add3A_759, %rem3A_751 : i32
      %mul3A_761 = arith.constant 64 : i32
      %mul3A_762 = arith.muli %select_n3A_760, %mul3A_761 : i32
      %dma_wait3A_763 = arith.constant 0 : i32
      %dma_wait3A_764 = arith.constant 0 : i32
      %dma_wait3A_765 = arith.constant 0 : i32
      %dma_wait3A_766 = arith.constant 0 : i32
      %dma_wait3A_767 = tpu.memref_slice %arg6[%dma_wait3A_763, %dma_wait3A_765, %dma_wait3A_766] : memref<10x64x128xf32, #tpu.memory_space<vmem>> -> memref<1x64x128xf32, #tpu.memory_space<vmem>>
      %dma_wait3A_768 = tpu.memref_squeeze %dma_wait3A_767 : memref<1x64x128xf32, #tpu.memory_space<vmem>> -> memref<64x128xf32, #tpu.memory_space<vmem>>
      %dma_wait3A_769 = tpu.memref_slice %arg5[%select_n3A, %mul3A_762] : memref<50x128xi32, #tpu.memory_space<vmem>> -> memref<1x64xi32, #tpu.memory_space<vmem>>
      %dma_wait3A_770 = tpu.memref_squeeze %dma_wait3A_769 : memref<1x64xi32, #tpu.memory_space<vmem>> -> memref<64xi32, #tpu.memory_space<vmem>>
      %dma_wait3A_771 = arith.constant 0 : i32
      %dma_wait3A_772 = arith.constant 0 : i32
      %dma_wait3A_773 = tpu.memref_slice %arg3[%dma_wait3A_771, %dma_wait3A_772] : memref<100000x128xf32, #tpu.memory_space<hbm>> -> memref<100000x128xf32, #tpu.memory_space<hbm>>
      %dma_wait3A_774 = tpu.memref_slice %arg7[%dma_wait3A_764] : memref<10x!tpu.dma_semaphore, #tpu.memory_space<semaphore_mem>> -> memref<1x!tpu.dma_semaphore, #tpu.memory_space<semaphore_mem>>
      %dma_wait3A_775 = tpu.memref_squeeze %dma_wait3A_774 : memref<1x!tpu.dma_semaphore, #tpu.memory_space<semaphore_mem>> -> memref<!tpu.dma_semaphore, #tpu.memory_space<semaphore_mem>>
      tpu.wait_indirect_dma semaphore(%dma_wait3A_775 : memref<!tpu.dma_semaphore, #tpu.memory_space<semaphore_mem>>) src(%dma_wait3A_773 : memref<100000x128xf32, #tpu.memory_space<hbm>>) dst(%dma_wait3A_768 : memref<64x128xf32, #tpu.memory_space<vmem>>)
      %add3A_776 = arith.constant 0 : i32
      %add3A_777 = arith.addi %mul3A_728, %add3A_776 : i32
      %jit3A_778 = arith.constant 2 : i32
      %div3A_779 = arith.divsi %add3A_777, %jit3A_778 : i32
      %sign3A_780 = arith.constant 0 : i32
      %sign3A_781 = arith.cmpi sgt, %add3A_777, %sign3A_780 : i32
      %sign3A_782 = arith.extui %sign3A_781 : i1 to i32
      %sign3A_783 = arith.constant 0 : i32
      %sign3A_784 = arith.cmpi slt, %add3A_777, %sign3A_783 : i32
      %sign3A_785 = arith.extui %sign3A_784 : i1 to i32
      %sign3A_786 = arith.subi %sign3A_782, %sign3A_785 : i32
      %sign3A_787 = arith.constant 0 : i32
      %sign3A_788 = arith.cmpi sgt, %jit3A_778, %sign3A_787 : i32
      %sign3A_789 = arith.extui %sign3A_788 : i1 to i32
      %sign3A_790 = arith.constant 0 : i32
      %sign3A_791 = arith.cmpi slt, %jit3A_778, %sign3A_790 : i32
      %sign3A_792 = arith.extui %sign3A_791 : i1 to i32
      %sign3A_793 = arith.subi %sign3A_789, %sign3A_792 : i32
      %ne3A_794 = arith.cmpi ne, %sign3A_786, %sign3A_793 : i32
      %rem3A_795 = arith.remsi %add3A_777, %jit3A_778 : i32
      %ne3A_796 = arith.constant 0 : i32
      %ne3A_797 = arith.cmpi ne, %rem3A_795, %ne3A_796 : i32
      %and3A_798 = arith.andi %ne3A_794, %ne3A_797 : i1
      %sub3A_799 = arith.constant 1 : i32
      %sub3A_800 = arith.subi %div3A_779, %sub3A_799 : i32
      %select_n3A_801 = arith.select %and3A_798, %sub3A_800, %div3A_779 : i32
      %jit3A_802 = arith.constant 2 : i32
      %eq3A_803 = arith.constant 0 : i32
      %eq3A_804 = arith.cmpi eq, %jit3A_802, %eq3A_803 : i32
      %jit3A_805 = arith.constant 1 : i32
      %select_n3A_806 = arith.select %eq3A_804, %jit3A_805, %jit3A_802 : i32
      %rem3A_807 = arith.remsi %add3A_777, %select_n3A_806 : i32
      %ne3A_808 = arith.constant 0 : i32
      %ne3A_809 = arith.cmpi ne, %rem3A_807, %ne3A_808 : i32
      %lt3A_810 = arith.constant 0 : i32
      %lt3A_811 = arith.cmpi slt, %rem3A_807, %lt3A_810 : i32
      %lt3A_812 = arith.constant 0 : i32
      %lt3A_813 = arith.cmpi slt, %select_n3A_806, %lt3A_812 : i32
      %ne3A_814 = arith.xori %lt3A_811, %lt3A_813 : i1
      %and3A_815 = arith.andi %ne3A_814, %ne3A_809 : i1
      %add3A_816 = arith.addi %rem3A_807, %select_n3A_806 : i32
      %select_n3A_817 = arith.select %and3A_815, %add3A_816, %rem3A_807 : i32
      %mul3A_818 = arith.constant 64 : i32
      %mul3A_819 = arith.muli %select_n3A_817, %mul3A_818 : i32
      %add3A_820 = arith.addi %mul3A_2, %mul3A_819 : i32
      %dma_start3A_821 = arith.constant 0 : i32
      %dma_start3A_822 = arith.constant 0 : i32
      %dma_start3A_823 = arith.constant 0 : i32
      %dma_start3A_824 = arith.constant 0 : i32
      %dma_start3A_825 = tpu.memref_slice %arg6[%dma_start3A_821, %dma_start3A_823, %dma_start3A_824] : memref<10x64x128xf32, #tpu.memory_space<vmem>> -> memref<1x64x128xf32, #tpu.memory_space<vmem>>
      %dma_start3A_826 = tpu.memref_squeeze %dma_start3A_825 : memref<1x64x128xf32, #tpu.memory_space<vmem>> -> memref<64x128xf32, #tpu.memory_space<vmem>>
      %dma_start3A_827 = arith.constant 0 : i32
      %dma_start3A_828 = tpu.memref_slice %arg4[%select_n3A_801, %add3A_820, %dma_start3A_827] : memref<50x4096x128xf32, #tpu.memory_space<hbm>> -> memref<1x64x128xf32, #tpu.memory_space<hbm>>
      %dma_start3A_829 = tpu.memref_squeeze %dma_start3A_828 : memref<1x64x128xf32, #tpu.memory_space<hbm>> -> memref<64x128xf32, #tpu.memory_space<hbm>>
      %dma_start3A_830 = tpu.memref_slice %arg8[%dma_start3A_822] : memref<10x!tpu.dma_semaphore, #tpu.memory_space<semaphore_mem>> -> memref<1x!tpu.dma_semaphore, #tpu.memory_space<semaphore_mem>>
      %dma_start3A_831 = tpu.memref_squeeze %dma_start3A_830 : memref<1x!tpu.dma_semaphore, #tpu.memory_space<semaphore_mem>> -> memref<!tpu.dma_semaphore, #tpu.memory_space<semaphore_mem>>
      %dma_start3A_832 = arith.constant 0 : i32
      %dma_start3A_833 = tpu.memref_slice %arg4[%select_n3A_801, %add3A_820, %dma_start3A_832] : memref<50x4096x128xf32, #tpu.memory_space<hbm>> -> memref<1x64x128xf32, #tpu.memory_space<hbm>>
      %dma_start3A_834 = tpu.memref_squeeze %dma_start3A_833 : memref<1x64x128xf32, #tpu.memory_space<hbm>> -> memref<64x128xf32, #tpu.memory_space<hbm>>
      %dma_start3A_835 = arith.constant 0 : i32
      %dma_start3A_836 = arith.constant 0 : i32
      %dma_start3A_837 = tpu.memref_slice %arg6[%dma_start3A_821, %dma_start3A_835, %dma_start3A_836] : memref<10x64x128xf32, #tpu.memory_space<vmem>> -> memref<1x64x128xf32, #tpu.memory_space<vmem>>
      %dma_start3A_838 = tpu.memref_squeeze %dma_start3A_837 : memref<1x64x128xf32, #tpu.memory_space<vmem>> -> memref<64x128xf32, #tpu.memory_space<vmem>>
      tpu.enqueue_dma source(%dma_start3A_838 : memref<64x128xf32, #tpu.memory_space<vmem>>) target(%dma_start3A_834 : memref<64x128xf32, #tpu.memory_space<hbm>>) target_semaphore(%dma_start3A_831 : memref<!tpu.dma_semaphore, #tpu.memory_space<semaphore_mem>>)
      %add3A_839 = arith.constant 1 : i32
      %add3A_840 = arith.addi %mul3A_728, %add3A_839 : i32
      %jit3A_841 = arith.constant 2 : i32
      %div3A_842 = arith.divsi %add3A_840, %jit3A_841 : i32
      %sign3A_843 = arith.constant 0 : i32
      %sign3A_844 = arith.cmpi sgt, %add3A_840, %sign3A_843 : i32
      %sign3A_845 = arith.extui %sign3A_844 : i1 to i32
      %sign3A_846 = arith.constant 0 : i32
      %sign3A_847 = arith.cmpi slt, %add3A_840, %sign3A_846 : i32
      %sign3A_848 = arith.extui %sign3A_847 : i1 to i32
      %sign3A_849 = arith.subi %sign3A_845, %sign3A_848 : i32
      %sign3A_850 = arith.constant 0 : i32
      %sign3A_851 = arith.cmpi sgt, %jit3A_841, %sign3A_850 : i32
      %sign3A_852 = arith.extui %sign3A_851 : i1 to i32
      %sign3A_853 = arith.constant 0 : i32
      %sign3A_854 = arith.cmpi slt, %jit3A_841, %sign3A_853 : i32
      %sign3A_855 = arith.extui %sign3A_854 : i1 to i32
      %sign3A_856 = arith.subi %sign3A_852, %sign3A_855 : i32
      %ne3A_857 = arith.cmpi ne, %sign3A_849, %sign3A_856 : i32
      %rem3A_858 = arith.remsi %add3A_840, %jit3A_841 : i32
      %ne3A_859 = arith.constant 0 : i32
      %ne3A_860 = arith.cmpi ne, %rem3A_858, %ne3A_859 : i32
      %and3A_861 = arith.andi %ne3A_857, %ne3A_860 : i1
      %sub3A_862 = arith.constant 1 : i32
      %sub3A_863 = arith.subi %div3A_842, %sub3A_862 : i32
      %select_n3A_864 = arith.select %and3A_861, %sub3A_863, %div3A_842 : i32
      %jit3A_865 = arith.constant 2 : i32
      %eq3A_866 = arith.constant 0 : i32
      %eq3A_867 = arith.cmpi eq, %jit3A_865, %eq3A_866 : i32
      %jit3A_868 = arith.constant 1 : i32
      %select_n3A_869 = arith.select %eq3A_867, %jit3A_868, %jit3A_865 : i32
      %rem3A_870 = arith.remsi %add3A_840, %select_n3A_869 : i32
      %ne3A_871 = arith.constant 0 : i32
      %ne3A_872 = arith.cmpi ne, %rem3A_870, %ne3A_871 : i32
      %lt3A_873 = arith.constant 0 : i32
      %lt3A_874 = arith.cmpi slt, %rem3A_870, %lt3A_873 : i32
      %lt3A_875 = arith.constant 0 : i32
      %lt3A_876 = arith.cmpi slt, %select_n3A_869, %lt3A_875 : i32
      %ne3A_877 = arith.xori %lt3A_874, %lt3A_876 : i1
      %and3A_878 = arith.andi %ne3A_877, %ne3A_872 : i1
      %add3A_879 = arith.addi %rem3A_870, %select_n3A_869 : i32
      %select_n3A_880 = arith.select %and3A_878, %add3A_879, %rem3A_870 : i32
      %mul3A_881 = arith.constant 64 : i32
      %mul3A_882 = arith.muli %select_n3A_880, %mul3A_881 : i32
      %dma_wait3A_883 = arith.constant 1 : i32
      %dma_wait3A_884 = arith.constant 1 : i32
      %dma_wait3A_885 = arith.constant 0 : i32
      %dma_wait3A_886 = arith.constant 0 : i32
      %dma_wait3A_887 = tpu.memref_slice %arg6[%dma_wait3A_883, %dma_wait3A_885, %dma_wait3A_886] : memref<10x64x128xf32, #tpu.memory_space<vmem>> -> memref<1x64x128xf32, #tpu.memory_space<vmem>>
      %dma_wait3A_888 = tpu.memref_squeeze %dma_wait3A_887 : memref<1x64x128xf32, #tpu.memory_space<vmem>> -> memref<64x128xf32, #tpu.memory_space<vmem>>
      %dma_wait3A_889 = tpu.memref_slice %arg5[%select_n3A_864, %mul3A_882] : memref<50x128xi32, #tpu.memory_space<vmem>> -> memref<1x64xi32, #tpu.memory_space<vmem>>
      %dma_wait3A_890 = tpu.memref_squeeze %dma_wait3A_889 : memref<1x64xi32, #tpu.memory_space<vmem>> -> memref<64xi32, #tpu.memory_space<vmem>>
      %dma_wait3A_891 = arith.constant 0 : i32
      %dma_wait3A_892 = arith.constant 0 : i32
      %dma_wait3A_893 = tpu.memref_slice %arg3[%dma_wait3A_891, %dma_wait3A_892] : memref<100000x128xf32, #tpu.memory_space<hbm>> -> memref<100000x128xf32, #tpu.memory_space<hbm>>
      %dma_wait3A_894 = tpu.memref_slice %arg7[%dma_wait3A_884] : memref<10x!tpu.dma_semaphore, #tpu.memory_space<semaphore_mem>> -> memref<1x!tpu.dma_semaphore, #tpu.memory_space<semaphore_mem>>
      %dma_wait3A_895 = tpu.memref_squeeze %dma_wait3A_894 : memref<1x!tpu.dma_semaphore, #tpu.memory_space<semaphore_mem>> -> memref<!tpu.dma_semaphore, #tpu.memory_space<semaphore_mem>>
      tpu.wait_indirect_dma semaphore(%dma_wait3A_895 : memref<!tpu.dma_semaphore, #tpu.memory_space<semaphore_mem>>) src(%dma_wait3A_893 : memref<100000x128xf32, #tpu.memory_space<hbm>>) dst(%dma_wait3A_888 : memref<64x128xf32, #tpu.memory_space<vmem>>)
      %add3A_896 = arith.constant 1 : i32
      %add3A_897 = arith.addi %mul3A_728, %add3A_896 : i32
      %jit3A_898 = arith.constant 2 : i32
      %div3A_899 = arith.divsi %add3A_897, %jit3A_898 : i32
      %sign3A_900 = arith.constant 0 : i32
      %sign3A_901 = arith.cmpi sgt, %add3A_897, %sign3A_900 : i32
      %sign3A_902 = arith.extui %sign3A_901 : i1 to i32
      %sign3A_903 = arith.constant 0 : i32
      %sign3A_904 = arith.cmpi slt, %add3A_897, %sign3A_903 : i32
      %sign3A_905 = arith.extui %sign3A_904 : i1 to i32
      %sign3A_906 = arith.subi %sign3A_902, %sign3A_905 : i32
      %sign3A_907 = arith.constant 0 : i32
      %sign3A_908 = arith.cmpi sgt, %jit3A_898, %sign3A_907 : i32
      %sign3A_909 = arith.extui %sign3A_908 : i1 to i32
      %sign3A_910 = arith.constant 0 : i32
      %sign3A_911 = arith.cmpi slt, %jit3A_898, %sign3A_910 : i32
      %sign3A_912 = arith.extui %sign3A_911 : i1 to i32
      %sign3A_913 = arith.subi %sign3A_909, %sign3A_912 : i32
      %ne3A_914 = arith.cmpi ne, %sign3A_906, %sign3A_913 : i32
      %rem3A_915 = arith.remsi %add3A_897, %jit3A_898 : i32
      %ne3A_916 = arith.constant 0 : i32
      %ne3A_917 = arith.cmpi ne, %rem3A_915, %ne3A_916 : i32
      %and3A_918 = arith.andi %ne3A_914, %ne3A_917 : i1
      %sub3A_919 = arith.constant 1 : i32
      %sub3A_920 = arith.subi %div3A_899, %sub3A_919 : i32
      %select_n3A_921 = arith.select %and3A_918, %sub3A_920, %div3A_899 : i32
      %jit3A_922 = arith.constant 2 : i32
      %eq3A_923 = arith.constant 0 : i32
      %eq3A_924 = arith.cmpi eq, %jit3A_922, %eq3A_923 : i32
      %jit3A_925 = arith.constant 1 : i32
      %select_n3A_926 = arith.select %eq3A_924, %jit3A_925, %jit3A_922 : i32
      %rem3A_927 = arith.remsi %add3A_897, %select_n3A_926 : i32
      %ne3A_928 = arith.constant 0 : i32
      %ne3A_929 = arith.cmpi ne, %rem3A_927, %ne3A_928 : i32
      %lt3A_930 = arith.constant 0 : i32
      %lt3A_931 = arith.cmpi slt, %rem3A_927, %lt3A_930 : i32
      %lt3A_932 = arith.constant 0 : i32
      %lt3A_933 = arith.cmpi slt, %select_n3A_926, %lt3A_932 : i32
      %ne3A_934 = arith.xori %lt3A_931, %lt3A_933 : i1
      %and3A_935 = arith.andi %ne3A_934, %ne3A_929 : i1
      %add3A_936 = arith.addi %rem3A_927, %select_n3A_926 : i32
      %select_n3A_937 = arith.select %and3A_935, %add3A_936, %rem3A_927 : i32
      %mul3A_938 = arith.constant 64 : i32
      %mul3A_939 = arith.muli %select_n3A_937, %mul3A_938 : i32
      %add3A_940 = arith.addi %mul3A_2, %mul3A_939 : i32
      %dma_start3A_941 = arith.constant 1 : i32
      %dma_start3A_942 = arith.constant 1 : i32
      %dma_start3A_943 = arith.constant 0 : i32
      %dma_start3A_944 = arith.constant 0 : i32
      %dma_start3A_945 = tpu.memref_slice %arg6[%dma_start3A_941, %dma_start3A_943, %dma_start3A_944] : memref<10x64x128xf32, #tpu.memory_space<vmem>> -> memref<1x64x128xf32, #tpu.memory_space<vmem>>
      %dma_start3A_946 = tpu.memref_squeeze %dma_start3A_945 : memref<1x64x128xf32, #tpu.memory_space<vmem>> -> memref<64x128xf32, #tpu.memory_space<vmem>>
      %dma_start3A_947 = arith.constant 0 : i32
      %dma_start3A_948 = tpu.memref_slice %arg4[%select_n3A_921, %add3A_940, %dma_start3A_947] : memref<50x4096x128xf32, #tpu.memory_space<hbm>> -> memref<1x64x128xf32, #tpu.memory_space<hbm>>
      %dma_start3A_949 = tpu.memref_squeeze %dma_start3A_948 : memref<1x64x128xf32, #tpu.memory_space<hbm>> -> memref<64x128xf32, #tpu.memory_space<hbm>>
      %dma_start3A_950 = tpu.memref_slice %arg8[%dma_start3A_942] : memref<10x!tpu.dma_semaphore, #tpu.memory_space<semaphore_mem>> -> memref<1x!tpu.dma_semaphore, #tpu.memory_space<semaphore_mem>>
      %dma_start3A_951 = tpu.memref_squeeze %dma_start3A_950 : memref<1x!tpu.dma_semaphore, #tpu.memory_space<semaphore_mem>> -> memref<!tpu.dma_semaphore, #tpu.memory_space<semaphore_mem>>
      %dma_start3A_952 = arith.constant 0 : i32
      %dma_start3A_953 = tpu.memref_slice %arg4[%select_n3A_921, %add3A_940, %dma_start3A_952] : memref<50x4096x128xf32, #tpu.memory_space<hbm>> -> memref<1x64x128xf32, #tpu.memory_space<hbm>>
      %dma_start3A_954 = tpu.memref_squeeze %dma_start3A_953 : memref<1x64x128xf32, #tpu.memory_space<hbm>> -> memref<64x128xf32, #tpu.memory_space<hbm>>
      %dma_start3A_955 = arith.constant 0 : i32
      %dma_start3A_956 = arith.constant 0 : i32
      %dma_start3A_957 = tpu.memref_slice %arg6[%dma_start3A_941, %dma_start3A_955, %dma_start3A_956] : memref<10x64x128xf32, #tpu.memory_space<vmem>> -> memref<1x64x128xf32, #tpu.memory_space<vmem>>
      %dma_start3A_958 = tpu.memref_squeeze %dma_start3A_957 : memref<1x64x128xf32, #tpu.memory_space<vmem>> -> memref<64x128xf32, #tpu.memory_space<vmem>>
      tpu.enqueue_dma source(%dma_start3A_958 : memref<64x128xf32, #tpu.memory_space<vmem>>) target(%dma_start3A_954 : memref<64x128xf32, #tpu.memory_space<hbm>>) target_semaphore(%dma_start3A_951 : memref<!tpu.dma_semaphore, #tpu.memory_space<semaphore_mem>>)
      %add3A_959 = arith.constant 2 : i32
      %add3A_960 = arith.addi %mul3A_728, %add3A_959 : i32
      %jit3A_961 = arith.constant 2 : i32
      %div3A_962 = arith.divsi %add3A_960, %jit3A_961 : i32
      %sign3A_963 = arith.constant 0 : i32
      %sign3A_964 = arith.cmpi sgt, %add3A_960, %sign3A_963 : i32
      %sign3A_965 = arith.extui %sign3A_964 : i1 to i32
      %sign3A_966 = arith.constant 0 : i32
      %sign3A_967 = arith.cmpi slt, %add3A_960, %sign3A_966 : i32
      %sign3A_968 = arith.extui %sign3A_967 : i1 to i32
      %sign3A_969 = arith.subi %sign3A_965, %sign3A_968 : i32
      %sign3A_970 = arith.constant 0 : i32
      %sign3A_971 = arith.cmpi sgt, %jit3A_961, %sign3A_970 : i32
      %sign3A_972 = arith.extui %sign3A_971 : i1 to i32
      %sign3A_973 = arith.constant 0 : i32
      %sign3A_974 = arith.cmpi slt, %jit3A_961, %sign3A_973 : i32
      %sign3A_975 = arith.extui %sign3A_974 : i1 to i32
      %sign3A_976 = arith.subi %sign3A_972, %sign3A_975 : i32
      %ne3A_977 = arith.cmpi ne, %sign3A_969, %sign3A_976 : i32
      %rem3A_978 = arith.remsi %add3A_960, %jit3A_961 : i32
      %ne3A_979 = arith.constant 0 : i32
      %ne3A_980 = arith.cmpi ne, %rem3A_978, %ne3A_979 : i32
      %and3A_981 = arith.andi %ne3A_977, %ne3A_980 : i1
      %sub3A_982 = arith.constant 1 : i32
      %sub3A_983 = arith.subi %div3A_962, %sub3A_982 : i32
      %select_n3A_984 = arith.select %and3A_981, %sub3A_983, %div3A_962 : i32
      %jit3A_985 = arith.constant 2 : i32
      %eq3A_986 = arith.constant 0 : i32
      %eq3A_987 = arith.cmpi eq, %jit3A_985, %eq3A_986 : i32
      %jit3A_988 = arith.constant 1 : i32
      %select_n3A_989 = arith.select %eq3A_987, %jit3A_988, %jit3A_985 : i32
      %rem3A_990 = arith.remsi %add3A_960, %select_n3A_989 : i32
      %ne3A_991 = arith.constant 0 : i32
      %ne3A_992 = arith.cmpi ne, %rem3A_990, %ne3A_991 : i32
      %lt3A_993 = arith.constant 0 : i32
      %lt3A_994 = arith.cmpi slt, %rem3A_990, %lt3A_993 : i32
      %lt3A_995 = arith.constant 0 : i32
      %lt3A_996 = arith.cmpi slt, %select_n3A_989, %lt3A_995 : i32
      %ne3A_997 = arith.xori %lt3A_994, %lt3A_996 : i1
      %and3A_998 = arith.andi %ne3A_997, %ne3A_992 : i1
      %add3A_999 = arith.addi %rem3A_990, %select_n3A_989 : i32
      %select_n3A_1000 = arith.select %and3A_998, %add3A_999, %rem3A_990 : i32
      %mul3A_1001 = arith.constant 64 : i32
      %mul3A_1002 = arith.muli %select_n3A_1000, %mul3A_1001 : i32
      %dma_wait3A_1003 = arith.constant 2 : i32
      %dma_wait3A_1004 = arith.constant 2 : i32
      %dma_wait3A_1005 = arith.constant 0 : i32
      %dma_wait3A_1006 = arith.constant 0 : i32
      %dma_wait3A_1007 = tpu.memref_slice %arg6[%dma_wait3A_1003, %dma_wait3A_1005, %dma_wait3A_1006] : memref<10x64x128xf32, #tpu.memory_space<vmem>> -> memref<1x64x128xf32, #tpu.memory_space<vmem>>
      %dma_wait3A_1008 = tpu.memref_squeeze %dma_wait3A_1007 : memref<1x64x128xf32, #tpu.memory_space<vmem>> -> memref<64x128xf32, #tpu.memory_space<vmem>>
      %dma_wait3A_1009 = tpu.memref_slice %arg5[%select_n3A_984, %mul3A_1002] : memref<50x128xi32, #tpu.memory_space<vmem>> -> memref<1x64xi32, #tpu.memory_space<vmem>>
      %dma_wait3A_1010 = tpu.memref_squeeze %dma_wait3A_1009 : memref<1x64xi32, #tpu.memory_space<vmem>> -> memref<64xi32, #tpu.memory_space<vmem>>
      %dma_wait3A_1011 = arith.constant 0 : i32
      %dma_wait3A_1012 = arith.constant 0 : i32
      %dma_wait3A_1013 = tpu.memref_slice %arg3[%dma_wait3A_1011, %dma_wait3A_1012] : memref<100000x128xf32, #tpu.memory_space<hbm>> -> memref<100000x128xf32, #tpu.memory_space<hbm>>
      %dma_wait3A_1014 = tpu.memref_slice %arg7[%dma_wait3A_1004] : memref<10x!tpu.dma_semaphore, #tpu.memory_space<semaphore_mem>> -> memref<1x!tpu.dma_semaphore, #tpu.memory_space<semaphore_mem>>
      %dma_wait3A_1015 = tpu.memref_squeeze %dma_wait3A_1014 : memref<1x!tpu.dma_semaphore, #tpu.memory_space<semaphore_mem>> -> memref<!tpu.dma_semaphore, #tpu.memory_space<semaphore_mem>>
      tpu.wait_indirect_dma semaphore(%dma_wait3A_1015 : memref<!tpu.dma_semaphore, #tpu.memory_space<semaphore_mem>>) src(%dma_wait3A_1013 : memref<100000x128xf32, #tpu.memory_space<hbm>>) dst(%dma_wait3A_1008 : memref<64x128xf32, #tpu.memory_space<vmem>>)
      %add3A_1016 = arith.constant 2 : i32
      %add3A_1017 = arith.addi %mul3A_728, %add3A_1016 : i32
      %jit3A_1018 = arith.constant 2 : i32
      %div3A_1019 = arith.divsi %add3A_1017, %jit3A_1018 : i32
      %sign3A_1020 = arith.constant 0 : i32
      %sign3A_1021 = arith.cmpi sgt, %add3A_1017, %sign3A_1020 : i32
      %sign3A_1022 = arith.extui %sign3A_1021 : i1 to i32
      %sign3A_1023 = arith.constant 0 : i32
      %sign3A_1024 = arith.cmpi slt, %add3A_1017, %sign3A_1023 : i32
      %sign3A_1025 = arith.extui %sign3A_1024 : i1 to i32
      %sign3A_1026 = arith.subi %sign3A_1022, %sign3A_1025 : i32
      %sign3A_1027 = arith.constant 0 : i32
      %sign3A_1028 = arith.cmpi sgt, %jit3A_1018, %sign3A_1027 : i32
      %sign3A_1029 = arith.extui %sign3A_1028 : i1 to i32
      %sign3A_1030 = arith.constant 0 : i32
      %sign3A_1031 = arith.cmpi slt, %jit3A_1018, %sign3A_1030 : i32
      %sign3A_1032 = arith.extui %sign3A_1031 : i1 to i32
      %sign3A_1033 = arith.subi %sign3A_1029, %sign3A_1032 : i32
      %ne3A_1034 = arith.cmpi ne, %sign3A_1026, %sign3A_1033 : i32
      %rem3A_1035 = arith.remsi %add3A_1017, %jit3A_1018 : i32
      %ne3A_1036 = arith.constant 0 : i32
      %ne3A_1037 = arith.cmpi ne, %rem3A_1035, %ne3A_1036 : i32
      %and3A_1038 = arith.andi %ne3A_1034, %ne3A_1037 : i1
      %sub3A_1039 = arith.constant 1 : i32
      %sub3A_1040 = arith.subi %div3A_1019, %sub3A_1039 : i32
      %select_n3A_1041 = arith.select %and3A_1038, %sub3A_1040, %div3A_1019 : i32
      %jit3A_1042 = arith.constant 2 : i32
      %eq3A_1043 = arith.constant 0 : i32
      %eq3A_1044 = arith.cmpi eq, %jit3A_1042, %eq3A_1043 : i32
      %jit3A_1045 = arith.constant 1 : i32
      %select_n3A_1046 = arith.select %eq3A_1044, %jit3A_1045, %jit3A_1042 : i32
      %rem3A_1047 = arith.remsi %add3A_1017, %select_n3A_1046 : i32
      %ne3A_1048 = arith.constant 0 : i32
      %ne3A_1049 = arith.cmpi ne, %rem3A_1047, %ne3A_1048 : i32
      %lt3A_1050 = arith.constant 0 : i32
      %lt3A_1051 = arith.cmpi slt, %rem3A_1047, %lt3A_1050 : i32
      %lt3A_1052 = arith.constant 0 : i32
      %lt3A_1053 = arith.cmpi slt, %select_n3A_1046, %lt3A_1052 : i32
      %ne3A_1054 = arith.xori %lt3A_1051, %lt3A_1053 : i1
      %and3A_1055 = arith.andi %ne3A_1054, %ne3A_1049 : i1
      %add3A_1056 = arith.addi %rem3A_1047, %select_n3A_1046 : i32
      %select_n3A_1057 = arith.select %and3A_1055, %add3A_1056, %rem3A_1047 : i32
      %mul3A_1058 = arith.constant 64 : i32
      %mul3A_1059 = arith.muli %select_n3A_1057, %mul3A_1058 : i32
      %add3A_1060 = arith.addi %mul3A_2, %mul3A_1059 : i32
      %dma_start3A_1061 = arith.constant 2 : i32
      %dma_start3A_1062 = arith.constant 2 : i32
      %dma_start3A_1063 = arith.constant 0 : i32
      %dma_start3A_1064 = arith.constant 0 : i32
      %dma_start3A_1065 = tpu.memref_slice %arg6[%dma_start3A_1061, %dma_start3A_1063, %dma_start3A_1064] : memref<10x64x128xf32, #tpu.memory_space<vmem>> -> memref<1x64x128xf32, #tpu.memory_space<vmem>>
      %dma_start3A_1066 = tpu.memref_squeeze %dma_start3A_1065 : memref<1x64x128xf32, #tpu.memory_space<vmem>> -> memref<64x128xf32, #tpu.memory_space<vmem>>
      %dma_start3A_1067 = arith.constant 0 : i32
      %dma_start3A_1068 = tpu.memref_slice %arg4[%select_n3A_1041, %add3A_1060, %dma_start3A_1067] : memref<50x4096x128xf32, #tpu.memory_space<hbm>> -> memref<1x64x128xf32, #tpu.memory_space<hbm>>
      %dma_start3A_1069 = tpu.memref_squeeze %dma_start3A_1068 : memref<1x64x128xf32, #tpu.memory_space<hbm>> -> memref<64x128xf32, #tpu.memory_space<hbm>>
      %dma_start3A_1070 = tpu.memref_slice %arg8[%dma_start3A_1062] : memref<10x!tpu.dma_semaphore, #tpu.memory_space<semaphore_mem>> -> memref<1x!tpu.dma_semaphore, #tpu.memory_space<semaphore_mem>>
      %dma_start3A_1071 = tpu.memref_squeeze %dma_start3A_1070 : memref<1x!tpu.dma_semaphore, #tpu.memory_space<semaphore_mem>> -> memref<!tpu.dma_semaphore, #tpu.memory_space<semaphore_mem>>
      %dma_start3A_1072 = arith.constant 0 : i32
      %dma_start3A_1073 = tpu.memref_slice %arg4[%select_n3A_1041, %add3A_1060, %dma_start3A_1072] : memref<50x4096x128xf32, #tpu.memory_space<hbm>> -> memref<1x64x128xf32, #tpu.memory_space<hbm>>
      %dma_start3A_1074 = tpu.memref_squeeze %dma_start3A_1073 : memref<1x64x128xf32, #tpu.memory_space<hbm>> -> memref<64x128xf32, #tpu.memory_space<hbm>>
      %dma_start3A_1075 = arith.constant 0 : i32
      %dma_start3A_1076 = arith.constant 0 : i32
      %dma_start3A_1077 = tpu.memref_slice %arg6[%dma_start3A_1061, %dma_start3A_1075, %dma_start3A_1076] : memref<10x64x128xf32, #tpu.memory_space<vmem>> -> memref<1x64x128xf32, #tpu.memory_space<vmem>>
      %dma_start3A_1078 = tpu.memref_squeeze %dma_start3A_1077 : memref<1x64x128xf32, #tpu.memory_space<vmem>> -> memref<64x128xf32, #tpu.memory_space<vmem>>
      tpu.enqueue_dma source(%dma_start3A_1078 : memref<64x128xf32, #tpu.memory_space<vmem>>) target(%dma_start3A_1074 : memref<64x128xf32, #tpu.memory_space<hbm>>) target_semaphore(%dma_start3A_1071 : memref<!tpu.dma_semaphore, #tpu.memory_space<semaphore_mem>>)
      %add3A_1079 = arith.constant 3 : i32
      %add3A_1080 = arith.addi %mul3A_728, %add3A_1079 : i32
      %jit3A_1081 = arith.constant 2 : i32
      %div3A_1082 = arith.divsi %add3A_1080, %jit3A_1081 : i32
      %sign3A_1083 = arith.constant 0 : i32
      %sign3A_1084 = arith.cmpi sgt, %add3A_1080, %sign3A_1083 : i32
      %sign3A_1085 = arith.extui %sign3A_1084 : i1 to i32
      %sign3A_1086 = arith.constant 0 : i32
      %sign3A_1087 = arith.cmpi slt, %add3A_1080, %sign3A_1086 : i32
      %sign3A_1088 = arith.extui %sign3A_1087 : i1 to i32
      %sign3A_1089 = arith.subi %sign3A_1085, %sign3A_1088 : i32
      %sign3A_1090 = arith.constant 0 : i32
      %sign3A_1091 = arith.cmpi sgt, %jit3A_1081, %sign3A_1090 : i32
      %sign3A_1092 = arith.extui %sign3A_1091 : i1 to i32
      %sign3A_1093 = arith.constant 0 : i32
      %sign3A_1094 = arith.cmpi slt, %jit3A_1081, %sign3A_1093 : i32
      %sign3A_1095 = arith.extui %sign3A_1094 : i1 to i32
      %sign3A_1096 = arith.subi %sign3A_1092, %sign3A_1095 : i32
      %ne3A_1097 = arith.cmpi ne, %sign3A_1089, %sign3A_1096 : i32
      %rem3A_1098 = arith.remsi %add3A_1080, %jit3A_1081 : i32
      %ne3A_1099 = arith.constant 0 : i32
      %ne3A_1100 = arith.cmpi ne, %rem3A_1098, %ne3A_1099 : i32
      %and3A_1101 = arith.andi %ne3A_1097, %ne3A_1100 : i1
      %sub3A_1102 = arith.constant 1 : i32
      %sub3A_1103 = arith.subi %div3A_1082, %sub3A_1102 : i32
      %select_n3A_1104 = arith.select %and3A_1101, %sub3A_1103, %div3A_1082 : i32
      %jit3A_1105 = arith.constant 2 : i32
      %eq3A_1106 = arith.constant 0 : i32
      %eq3A_1107 = arith.cmpi eq, %jit3A_1105, %eq3A_1106 : i32
      %jit3A_1108 = arith.constant 1 : i32
      %select_n3A_1109 = arith.select %eq3A_1107, %jit3A_1108, %jit3A_1105 : i32
      %rem3A_1110 = arith.remsi %add3A_1080, %select_n3A_1109 : i32
      %ne3A_1111 = arith.constant 0 : i32
      %ne3A_1112 = arith.cmpi ne, %rem3A_1110, %ne3A_1111 : i32
      %lt3A_1113 = arith.constant 0 : i32
      %lt3A_1114 = arith.cmpi slt, %rem3A_1110, %lt3A_1113 : i32
      %lt3A_1115 = arith.constant 0 : i32
      %lt3A_1116 = arith.cmpi slt, %select_n3A_1109, %lt3A_1115 : i32
      %ne3A_1117 = arith.xori %lt3A_1114, %lt3A_1116 : i1
      %and3A_1118 = arith.andi %ne3A_1117, %ne3A_1112 : i1
      %add3A_1119 = arith.addi %rem3A_1110, %select_n3A_1109 : i32
      %select_n3A_1120 = arith.select %and3A_1118, %add3A_1119, %rem3A_1110 : i32
      %mul3A_1121 = arith.constant 64 : i32
      %mul3A_1122 = arith.muli %select_n3A_1120, %mul3A_1121 : i32
      %dma_wait3A_1123 = arith.constant 3 : i32
      %dma_wait3A_1124 = arith.constant 3 : i32
      %dma_wait3A_1125 = arith.constant 0 : i32
      %dma_wait3A_1126 = arith.constant 0 : i32
      %dma_wait3A_1127 = tpu.memref_slice %arg6[%dma_wait3A_1123, %dma_wait3A_1125, %dma_wait3A_1126] : memref<10x64x128xf32, #tpu.memory_space<vmem>> -> memref<1x64x128xf32, #tpu.memory_space<vmem>>
      %dma_wait3A_1128 = tpu.memref_squeeze %dma_wait3A_1127 : memref<1x64x128xf32, #tpu.memory_space<vmem>> -> memref<64x128xf32, #tpu.memory_space<vmem>>
      %dma_wait3A_1129 = tpu.memref_slice %arg5[%select_n3A_1104, %mul3A_1122] : memref<50x128xi32, #tpu.memory_space<vmem>> -> memref<1x64xi32, #tpu.memory_space<vmem>>
      %dma_wait3A_1130 = tpu.memref_squeeze %dma_wait3A_1129 : memref<1x64xi32, #tpu.memory_space<vmem>> -> memref<64xi32, #tpu.memory_space<vmem>>
      %dma_wait3A_1131 = arith.constant 0 : i32
      %dma_wait3A_1132 = arith.constant 0 : i32
      %dma_wait3A_1133 = tpu.memref_slice %arg3[%dma_wait3A_1131, %dma_wait3A_1132] : memref<100000x128xf32, #tpu.memory_space<hbm>> -> memref<100000x128xf32, #tpu.memory_space<hbm>>
      %dma_wait3A_1134 = tpu.memref_slice %arg7[%dma_wait3A_1124] : memref<10x!tpu.dma_semaphore, #tpu.memory_space<semaphore_mem>> -> memref<1x!tpu.dma_semaphore, #tpu.memory_space<semaphore_mem>>
      %dma_wait3A_1135 = tpu.memref_squeeze %dma_wait3A_1134 : memref<1x!tpu.dma_semaphore, #tpu.memory_space<semaphore_mem>> -> memref<!tpu.dma_semaphore, #tpu.memory_space<semaphore_mem>>
      tpu.wait_indirect_dma semaphore(%dma_wait3A_1135 : memref<!tpu.dma_semaphore, #tpu.memory_space<semaphore_mem>>) src(%dma_wait3A_1133 : memref<100000x128xf32, #tpu.memory_space<hbm>>) dst(%dma_wait3A_1128 : memref<64x128xf32, #tpu.memory_space<vmem>>)
      %add3A_1136 = arith.constant 3 : i32
      %add3A_1137 = arith.addi %mul3A_728, %add3A_1136 : i32
      %jit3A_1138 = arith.constant 2 : i32
      %div3A_1139 = arith.divsi %add3A_1137, %jit3A_1138 : i32
      %sign3A_1140 = arith.constant 0 : i32
      %sign3A_1141 = arith.cmpi sgt, %add3A_1137, %sign3A_1140 : i32
      %sign3A_1142 = arith.extui %sign3A_1141 : i1 to i32
      %sign3A_1143 = arith.constant 0 : i32
      %sign3A_1144 = arith.cmpi slt, %add3A_1137, %sign3A_1143 : i32
      %sign3A_1145 = arith.extui %sign3A_1144 : i1 to i32
      %sign3A_1146 = arith.subi %sign3A_1142, %sign3A_1145 : i32
      %sign3A_1147 = arith.constant 0 : i32
      %sign3A_1148 = arith.cmpi sgt, %jit3A_1138, %sign3A_1147 : i32
      %sign3A_1149 = arith.extui %sign3A_1148 : i1 to i32
      %sign3A_1150 = arith.constant 0 : i32
      %sign3A_1151 = arith.cmpi slt, %jit3A_1138, %sign3A_1150 : i32
      %sign3A_1152 = arith.extui %sign3A_1151 : i1 to i32
      %sign3A_1153 = arith.subi %sign3A_1149, %sign3A_1152 : i32
      %ne3A_1154 = arith.cmpi ne, %sign3A_1146, %sign3A_1153 : i32
      %rem3A_1155 = arith.remsi %add3A_1137, %jit3A_1138 : i32
      %ne3A_1156 = arith.constant 0 : i32
      %ne3A_1157 = arith.cmpi ne, %rem3A_1155, %ne3A_1156 : i32
      %and3A_1158 = arith.andi %ne3A_1154, %ne3A_1157 : i1
      %sub3A_1159 = arith.constant 1 : i32
      %sub3A_1160 = arith.subi %div3A_1139, %sub3A_1159 : i32
      %select_n3A_1161 = arith.select %and3A_1158, %sub3A_1160, %div3A_1139 : i32
      %jit3A_1162 = arith.constant 2 : i32
      %eq3A_1163 = arith.constant 0 : i32
      %eq3A_1164 = arith.cmpi eq, %jit3A_1162, %eq3A_1163 : i32
      %jit3A_1165 = arith.constant 1 : i32
      %select_n3A_1166 = arith.select %eq3A_1164, %jit3A_1165, %jit3A_1162 : i32
      %rem3A_1167 = arith.remsi %add3A_1137, %select_n3A_1166 : i32
      %ne3A_1168 = arith.constant 0 : i32
      %ne3A_1169 = arith.cmpi ne, %rem3A_1167, %ne3A_1168 : i32
      %lt3A_1170 = arith.constant 0 : i32
      %lt3A_1171 = arith.cmpi slt, %rem3A_1167, %lt3A_1170 : i32
      %lt3A_1172 = arith.constant 0 : i32
      %lt3A_1173 = arith.cmpi slt, %select_n3A_1166, %lt3A_1172 : i32
      %ne3A_1174 = arith.xori %lt3A_1171, %lt3A_1173 : i1
      %and3A_1175 = arith.andi %ne3A_1174, %ne3A_1169 : i1
      %add3A_1176 = arith.addi %rem3A_1167, %select_n3A_1166 : i32
      %select_n3A_1177 = arith.select %and3A_1175, %add3A_1176, %rem3A_1167 : i32
      %mul3A_1178 = arith.constant 64 : i32
      %mul3A_1179 = arith.muli %select_n3A_1177, %mul3A_1178 : i32
      %add3A_1180 = arith.addi %mul3A_2, %mul3A_1179 : i32
      %dma_start3A_1181 = arith.constant 3 : i32
      %dma_start3A_1182 = arith.constant 3 : i32
      %dma_start3A_1183 = arith.constant 0 : i32
      %dma_start3A_1184 = arith.constant 0 : i32
      %dma_start3A_1185 = tpu.memref_slice %arg6[%dma_start3A_1181, %dma_start3A_1183, %dma_start3A_1184] : memref<10x64x128xf32, #tpu.memory_space<vmem>> -> memref<1x64x128xf32, #tpu.memory_space<vmem>>
      %dma_start3A_1186 = tpu.memref_squeeze %dma_start3A_1185 : memref<1x64x128xf32, #tpu.memory_space<vmem>> -> memref<64x128xf32, #tpu.memory_space<vmem>>
      %dma_start3A_1187 = arith.constant 0 : i32
      %dma_start3A_1188 = tpu.memref_slice %arg4[%select_n3A_1161, %add3A_1180, %dma_start3A_1187] : memref<50x4096x128xf32, #tpu.memory_space<hbm>> -> memref<1x64x128xf32, #tpu.memory_space<hbm>>
      %dma_start3A_1189 = tpu.memref_squeeze %dma_start3A_1188 : memref<1x64x128xf32, #tpu.memory_space<hbm>> -> memref<64x128xf32, #tpu.memory_space<hbm>>
      %dma_start3A_1190 = tpu.memref_slice %arg8[%dma_start3A_1182] : memref<10x!tpu.dma_semaphore, #tpu.memory_space<semaphore_mem>> -> memref<1x!tpu.dma_semaphore, #tpu.memory_space<semaphore_mem>>
      %dma_start3A_1191 = tpu.memref_squeeze %dma_start3A_1190 : memref<1x!tpu.dma_semaphore, #tpu.memory_space<semaphore_mem>> -> memref<!tpu.dma_semaphore, #tpu.memory_space<semaphore_mem>>
      %dma_start3A_1192 = arith.constant 0 : i32
      %dma_start3A_1193 = tpu.memref_slice %arg4[%select_n3A_1161, %add3A_1180, %dma_start3A_1192] : memref<50x4096x128xf32, #tpu.memory_space<hbm>> -> memref<1x64x128xf32, #tpu.memory_space<hbm>>
      %dma_start3A_1194 = tpu.memref_squeeze %dma_start3A_1193 : memref<1x64x128xf32, #tpu.memory_space<hbm>> -> memref<64x128xf32, #tpu.memory_space<hbm>>
      %dma_start3A_1195 = arith.constant 0 : i32
      %dma_start3A_1196 = arith.constant 0 : i32
      %dma_start3A_1197 = tpu.memref_slice %arg6[%dma_start3A_1181, %dma_start3A_1195, %dma_start3A_1196] : memref<10x64x128xf32, #tpu.memory_space<vmem>> -> memref<1x64x128xf32, #tpu.memory_space<vmem>>
      %dma_start3A_1198 = tpu.memref_squeeze %dma_start3A_1197 : memref<1x64x128xf32, #tpu.memory_space<vmem>> -> memref<64x128xf32, #tpu.memory_space<vmem>>
      tpu.enqueue_dma source(%dma_start3A_1198 : memref<64x128xf32, #tpu.memory_space<vmem>>) target(%dma_start3A_1194 : memref<64x128xf32, #tpu.memory_space<hbm>>) target_semaphore(%dma_start3A_1191 : memref<!tpu.dma_semaphore, #tpu.memory_space<semaphore_mem>>)
      %add3A_1199 = arith.constant 4 : i32
      %add3A_1200 = arith.addi %mul3A_728, %add3A_1199 : i32
      %jit3A_1201 = arith.constant 2 : i32
      %div3A_1202 = arith.divsi %add3A_1200, %jit3A_1201 : i32
      %sign3A_1203 = arith.constant 0 : i32
      %sign3A_1204 = arith.cmpi sgt, %add3A_1200, %sign3A_1203 : i32
      %sign3A_1205 = arith.extui %sign3A_1204 : i1 to i32
      %sign3A_1206 = arith.constant 0 : i32
      %sign3A_1207 = arith.cmpi slt, %add3A_1200, %sign3A_1206 : i32
      %sign3A_1208 = arith.extui %sign3A_1207 : i1 to i32
      %sign3A_1209 = arith.subi %sign3A_1205, %sign3A_1208 : i32
      %sign3A_1210 = arith.constant 0 : i32
      %sign3A_1211 = arith.cmpi sgt, %jit3A_1201, %sign3A_1210 : i32
      %sign3A_1212 = arith.extui %sign3A_1211 : i1 to i32
      %sign3A_1213 = arith.constant 0 : i32
      %sign3A_1214 = arith.cmpi slt, %jit3A_1201, %sign3A_1213 : i32
      %sign3A_1215 = arith.extui %sign3A_1214 : i1 to i32
      %sign3A_1216 = arith.subi %sign3A_1212, %sign3A_1215 : i32
      %ne3A_1217 = arith.cmpi ne, %sign3A_1209, %sign3A_1216 : i32
      %rem3A_1218 = arith.remsi %add3A_1200, %jit3A_1201 : i32
      %ne3A_1219 = arith.constant 0 : i32
      %ne3A_1220 = arith.cmpi ne, %rem3A_1218, %ne3A_1219 : i32
      %and3A_1221 = arith.andi %ne3A_1217, %ne3A_1220 : i1
      %sub3A_1222 = arith.constant 1 : i32
      %sub3A_1223 = arith.subi %div3A_1202, %sub3A_1222 : i32
      %select_n3A_1224 = arith.select %and3A_1221, %sub3A_1223, %div3A_1202 : i32
      %jit3A_1225 = arith.constant 2 : i32
      %eq3A_1226 = arith.constant 0 : i32
      %eq3A_1227 = arith.cmpi eq, %jit3A_1225, %eq3A_1226 : i32
      %jit3A_1228 = arith.constant 1 : i32
      %select_n3A_1229 = arith.select %eq3A_1227, %jit3A_1228, %jit3A_1225 : i32
      %rem3A_1230 = arith.remsi %add3A_1200, %select_n3A_1229 : i32
      %ne3A_1231 = arith.constant 0 : i32
      %ne3A_1232 = arith.cmpi ne, %rem3A_1230, %ne3A_1231 : i32
      %lt3A_1233 = arith.constant 0 : i32
      %lt3A_1234 = arith.cmpi slt, %rem3A_1230, %lt3A_1233 : i32
      %lt3A_1235 = arith.constant 0 : i32
      %lt3A_1236 = arith.cmpi slt, %select_n3A_1229, %lt3A_1235 : i32
      %ne3A_1237 = arith.xori %lt3A_1234, %lt3A_1236 : i1
      %and3A_1238 = arith.andi %ne3A_1237, %ne3A_1232 : i1
      %add3A_1239 = arith.addi %rem3A_1230, %select_n3A_1229 : i32
      %select_n3A_1240 = arith.select %and3A_1238, %add3A_1239, %rem3A_1230 : i32
      %mul3A_1241 = arith.constant 64 : i32
      %mul3A_1242 = arith.muli %select_n3A_1240, %mul3A_1241 : i32
      %dma_wait3A_1243 = arith.constant 4 : i32
      %dma_wait3A_1244 = arith.constant 4 : i32
      %dma_wait3A_1245 = arith.constant 0 : i32
      %dma_wait3A_1246 = arith.constant 0 : i32
      %dma_wait3A_1247 = tpu.memref_slice %arg6[%dma_wait3A_1243, %dma_wait3A_1245, %dma_wait3A_1246] : memref<10x64x128xf32, #tpu.memory_space<vmem>> -> memref<1x64x128xf32, #tpu.memory_space<vmem>>
      %dma_wait3A_1248 = tpu.memref_squeeze %dma_wait3A_1247 : memref<1x64x128xf32, #tpu.memory_space<vmem>> -> memref<64x128xf32, #tpu.memory_space<vmem>>
      %dma_wait3A_1249 = tpu.memref_slice %arg5[%select_n3A_1224, %mul3A_1242] : memref<50x128xi32, #tpu.memory_space<vmem>> -> memref<1x64xi32, #tpu.memory_space<vmem>>
      %dma_wait3A_1250 = tpu.memref_squeeze %dma_wait3A_1249 : memref<1x64xi32, #tpu.memory_space<vmem>> -> memref<64xi32, #tpu.memory_space<vmem>>
      %dma_wait3A_1251 = arith.constant 0 : i32
      %dma_wait3A_1252 = arith.constant 0 : i32
      %dma_wait3A_1253 = tpu.memref_slice %arg3[%dma_wait3A_1251, %dma_wait3A_1252] : memref<100000x128xf32, #tpu.memory_space<hbm>> -> memref<100000x128xf32, #tpu.memory_space<hbm>>
      %dma_wait3A_1254 = tpu.memref_slice %arg7[%dma_wait3A_1244] : memref<10x!tpu.dma_semaphore, #tpu.memory_space<semaphore_mem>> -> memref<1x!tpu.dma_semaphore, #tpu.memory_space<semaphore_mem>>
      %dma_wait3A_1255 = tpu.memref_squeeze %dma_wait3A_1254 : memref<1x!tpu.dma_semaphore, #tpu.memory_space<semaphore_mem>> -> memref<!tpu.dma_semaphore, #tpu.memory_space<semaphore_mem>>
      tpu.wait_indirect_dma semaphore(%dma_wait3A_1255 : memref<!tpu.dma_semaphore, #tpu.memory_space<semaphore_mem>>) src(%dma_wait3A_1253 : memref<100000x128xf32, #tpu.memory_space<hbm>>) dst(%dma_wait3A_1248 : memref<64x128xf32, #tpu.memory_space<vmem>>)
      %add3A_1256 = arith.constant 4 : i32
      %add3A_1257 = arith.addi %mul3A_728, %add3A_1256 : i32
      %jit3A_1258 = arith.constant 2 : i32
      %div3A_1259 = arith.divsi %add3A_1257, %jit3A_1258 : i32
      %sign3A_1260 = arith.constant 0 : i32
      %sign3A_1261 = arith.cmpi sgt, %add3A_1257, %sign3A_1260 : i32
      %sign3A_1262 = arith.extui %sign3A_1261 : i1 to i32
      %sign3A_1263 = arith.constant 0 : i32
      %sign3A_1264 = arith.cmpi slt, %add3A_1257, %sign3A_1263 : i32
      %sign3A_1265 = arith.extui %sign3A_1264 : i1 to i32
      %sign3A_1266 = arith.subi %sign3A_1262, %sign3A_1265 : i32
      %sign3A_1267 = arith.constant 0 : i32
      %sign3A_1268 = arith.cmpi sgt, %jit3A_1258, %sign3A_1267 : i32
      %sign3A_1269 = arith.extui %sign3A_1268 : i1 to i32
      %sign3A_1270 = arith.constant 0 : i32
      %sign3A_1271 = arith.cmpi slt, %jit3A_1258, %sign3A_1270 : i32
      %sign3A_1272 = arith.extui %sign3A_1271 : i1 to i32
      %sign3A_1273 = arith.subi %sign3A_1269, %sign3A_1272 : i32
      %ne3A_1274 = arith.cmpi ne, %sign3A_1266, %sign3A_1273 : i32
      %rem3A_1275 = arith.remsi %add3A_1257, %jit3A_1258 : i32
      %ne3A_1276 = arith.constant 0 : i32
      %ne3A_1277 = arith.cmpi ne, %rem3A_1275, %ne3A_1276 : i32
      %and3A_1278 = arith.andi %ne3A_1274, %ne3A_1277 : i1
      %sub3A_1279 = arith.constant 1 : i32
      %sub3A_1280 = arith.subi %div3A_1259, %sub3A_1279 : i32
      %select_n3A_1281 = arith.select %and3A_1278, %sub3A_1280, %div3A_1259 : i32
      %jit3A_1282 = arith.constant 2 : i32
      %eq3A_1283 = arith.constant 0 : i32
      %eq3A_1284 = arith.cmpi eq, %jit3A_1282, %eq3A_1283 : i32
      %jit3A_1285 = arith.constant 1 : i32
      %select_n3A_1286 = arith.select %eq3A_1284, %jit3A_1285, %jit3A_1282 : i32
      %rem3A_1287 = arith.remsi %add3A_1257, %select_n3A_1286 : i32
      %ne3A_1288 = arith.constant 0 : i32
      %ne3A_1289 = arith.cmpi ne, %rem3A_1287, %ne3A_1288 : i32
      %lt3A_1290 = arith.constant 0 : i32
      %lt3A_1291 = arith.cmpi slt, %rem3A_1287, %lt3A_1290 : i32
      %lt3A_1292 = arith.constant 0 : i32
      %lt3A_1293 = arith.cmpi slt, %select_n3A_1286, %lt3A_1292 : i32
      %ne3A_1294 = arith.xori %lt3A_1291, %lt3A_1293 : i1
      %and3A_1295 = arith.andi %ne3A_1294, %ne3A_1289 : i1
      %add3A_1296 = arith.addi %rem3A_1287, %select_n3A_1286 : i32
      %select_n3A_1297 = arith.select %and3A_1295, %add3A_1296, %rem3A_1287 : i32
      %mul3A_1298 = arith.constant 64 : i32
      %mul3A_1299 = arith.muli %select_n3A_1297, %mul3A_1298 : i32
      %add3A_1300 = arith.addi %mul3A_2, %mul3A_1299 : i32
      %dma_start3A_1301 = arith.constant 4 : i32
      %dma_start3A_1302 = arith.constant 4 : i32
      %dma_start3A_1303 = arith.constant 0 : i32
      %dma_start3A_1304 = arith.constant 0 : i32
      %dma_start3A_1305 = tpu.memref_slice %arg6[%dma_start3A_1301, %dma_start3A_1303, %dma_start3A_1304] : memref<10x64x128xf32, #tpu.memory_space<vmem>> -> memref<1x64x128xf32, #tpu.memory_space<vmem>>
      %dma_start3A_1306 = tpu.memref_squeeze %dma_start3A_1305 : memref<1x64x128xf32, #tpu.memory_space<vmem>> -> memref<64x128xf32, #tpu.memory_space<vmem>>
      %dma_start3A_1307 = arith.constant 0 : i32
      %dma_start3A_1308 = tpu.memref_slice %arg4[%select_n3A_1281, %add3A_1300, %dma_start3A_1307] : memref<50x4096x128xf32, #tpu.memory_space<hbm>> -> memref<1x64x128xf32, #tpu.memory_space<hbm>>
      %dma_start3A_1309 = tpu.memref_squeeze %dma_start3A_1308 : memref<1x64x128xf32, #tpu.memory_space<hbm>> -> memref<64x128xf32, #tpu.memory_space<hbm>>
      %dma_start3A_1310 = tpu.memref_slice %arg8[%dma_start3A_1302] : memref<10x!tpu.dma_semaphore, #tpu.memory_space<semaphore_mem>> -> memref<1x!tpu.dma_semaphore, #tpu.memory_space<semaphore_mem>>
      %dma_start3A_1311 = tpu.memref_squeeze %dma_start3A_1310 : memref<1x!tpu.dma_semaphore, #tpu.memory_space<semaphore_mem>> -> memref<!tpu.dma_semaphore, #tpu.memory_space<semaphore_mem>>
      %dma_start3A_1312 = arith.constant 0 : i32
      %dma_start3A_1313 = tpu.memref_slice %arg4[%select_n3A_1281, %add3A_1300, %dma_start3A_1312] : memref<50x4096x128xf32, #tpu.memory_space<hbm>> -> memref<1x64x128xf32, #tpu.memory_space<hbm>>
      %dma_start3A_1314 = tpu.memref_squeeze %dma_start3A_1313 : memref<1x64x128xf32, #tpu.memory_space<hbm>> -> memref<64x128xf32, #tpu.memory_space<hbm>>
      %dma_start3A_1315 = arith.constant 0 : i32
      %dma_start3A_1316 = arith.constant 0 : i32
      %dma_start3A_1317 = tpu.memref_slice %arg6[%dma_start3A_1301, %dma_start3A_1315, %dma_start3A_1316] : memref<10x64x128xf32, #tpu.memory_space<vmem>> -> memref<1x64x128xf32, #tpu.memory_space<vmem>>
      %dma_start3A_1318 = tpu.memref_squeeze %dma_start3A_1317 : memref<1x64x128xf32, #tpu.memory_space<vmem>> -> memref<64x128xf32, #tpu.memory_space<vmem>>
      tpu.enqueue_dma source(%dma_start3A_1318 : memref<64x128xf32, #tpu.memory_space<vmem>>) target(%dma_start3A_1314 : memref<64x128xf32, #tpu.memory_space<hbm>>) target_semaphore(%dma_start3A_1311 : memref<!tpu.dma_semaphore, #tpu.memory_space<semaphore_mem>>)
      %add3A_1319 = arith.constant 5 : i32
      %add3A_1320 = arith.addi %mul3A_728, %add3A_1319 : i32
      %jit3A_1321 = arith.constant 2 : i32
      %div3A_1322 = arith.divsi %add3A_1320, %jit3A_1321 : i32
      %sign3A_1323 = arith.constant 0 : i32
      %sign3A_1324 = arith.cmpi sgt, %add3A_1320, %sign3A_1323 : i32
      %sign3A_1325 = arith.extui %sign3A_1324 : i1 to i32
      %sign3A_1326 = arith.constant 0 : i32
      %sign3A_1327 = arith.cmpi slt, %add3A_1320, %sign3A_1326 : i32
      %sign3A_1328 = arith.extui %sign3A_1327 : i1 to i32
      %sign3A_1329 = arith.subi %sign3A_1325, %sign3A_1328 : i32
      %sign3A_1330 = arith.constant 0 : i32
      %sign3A_1331 = arith.cmpi sgt, %jit3A_1321, %sign3A_1330 : i32
      %sign3A_1332 = arith.extui %sign3A_1331 : i1 to i32
      %sign3A_1333 = arith.constant 0 : i32
      %sign3A_1334 = arith.cmpi slt, %jit3A_1321, %sign3A_1333 : i32
      %sign3A_1335 = arith.extui %sign3A_1334 : i1 to i32
      %sign3A_1336 = arith.subi %sign3A_1332, %sign3A_1335 : i32
      %ne3A_1337 = arith.cmpi ne, %sign3A_1329, %sign3A_1336 : i32
      %rem3A_1338 = arith.remsi %add3A_1320, %jit3A_1321 : i32
      %ne3A_1339 = arith.constant 0 : i32
      %ne3A_1340 = arith.cmpi ne, %rem3A_1338, %ne3A_1339 : i32
      %and3A_1341 = arith.andi %ne3A_1337, %ne3A_1340 : i1
      %sub3A_1342 = arith.constant 1 : i32
      %sub3A_1343 = arith.subi %div3A_1322, %sub3A_1342 : i32
      %select_n3A_1344 = arith.select %and3A_1341, %sub3A_1343, %div3A_1322 : i32
      %jit3A_1345 = arith.constant 2 : i32
      %eq3A_1346 = arith.constant 0 : i32
      %eq3A_1347 = arith.cmpi eq, %jit3A_1345, %eq3A_1346 : i32
      %jit3A_1348 = arith.constant 1 : i32
      %select_n3A_1349 = arith.select %eq3A_1347, %jit3A_1348, %jit3A_1345 : i32
      %rem3A_1350 = arith.remsi %add3A_1320, %select_n3A_1349 : i32
      %ne3A_1351 = arith.constant 0 : i32
      %ne3A_1352 = arith.cmpi ne, %rem3A_1350, %ne3A_1351 : i32
      %lt3A_1353 = arith.constant 0 : i32
      %lt3A_1354 = arith.cmpi slt, %rem3A_1350, %lt3A_1353 : i32
      %lt3A_1355 = arith.constant 0 : i32
      %lt3A_1356 = arith.cmpi slt, %select_n3A_1349, %lt3A_1355 : i32
      %ne3A_1357 = arith.xori %lt3A_1354, %lt3A_1356 : i1
      %and3A_1358 = arith.andi %ne3A_1357, %ne3A_1352 : i1
      %add3A_1359 = arith.addi %rem3A_1350, %select_n3A_1349 : i32
      %select_n3A_1360 = arith.select %and3A_1358, %add3A_1359, %rem3A_1350 : i32
      %mul3A_1361 = arith.constant 64 : i32
      %mul3A_1362 = arith.muli %select_n3A_1360, %mul3A_1361 : i32
      %dma_wait3A_1363 = arith.constant 5 : i32
      %dma_wait3A_1364 = arith.constant 5 : i32
      %dma_wait3A_1365 = arith.constant 0 : i32
      %dma_wait3A_1366 = arith.constant 0 : i32
      %dma_wait3A_1367 = tpu.memref_slice %arg6[%dma_wait3A_1363, %dma_wait3A_1365, %dma_wait3A_1366] : memref<10x64x128xf32, #tpu.memory_space<vmem>> -> memref<1x64x128xf32, #tpu.memory_space<vmem>>
      %dma_wait3A_1368 = tpu.memref_squeeze %dma_wait3A_1367 : memref<1x64x128xf32, #tpu.memory_space<vmem>> -> memref<64x128xf32, #tpu.memory_space<vmem>>
      %dma_wait3A_1369 = tpu.memref_slice %arg5[%select_n3A_1344, %mul3A_1362] : memref<50x128xi32, #tpu.memory_space<vmem>> -> memref<1x64xi32, #tpu.memory_space<vmem>>
      %dma_wait3A_1370 = tpu.memref_squeeze %dma_wait3A_1369 : memref<1x64xi32, #tpu.memory_space<vmem>> -> memref<64xi32, #tpu.memory_space<vmem>>
      %dma_wait3A_1371 = arith.constant 0 : i32
      %dma_wait3A_1372 = arith.constant 0 : i32
      %dma_wait3A_1373 = tpu.memref_slice %arg3[%dma_wait3A_1371, %dma_wait3A_1372] : memref<100000x128xf32, #tpu.memory_space<hbm>> -> memref<100000x128xf32, #tpu.memory_space<hbm>>
      %dma_wait3A_1374 = tpu.memref_slice %arg7[%dma_wait3A_1364] : memref<10x!tpu.dma_semaphore, #tpu.memory_space<semaphore_mem>> -> memref<1x!tpu.dma_semaphore, #tpu.memory_space<semaphore_mem>>
      %dma_wait3A_1375 = tpu.memref_squeeze %dma_wait3A_1374 : memref<1x!tpu.dma_semaphore, #tpu.memory_space<semaphore_mem>> -> memref<!tpu.dma_semaphore, #tpu.memory_space<semaphore_mem>>
      tpu.wait_indirect_dma semaphore(%dma_wait3A_1375 : memref<!tpu.dma_semaphore, #tpu.memory_space<semaphore_mem>>) src(%dma_wait3A_1373 : memref<100000x128xf32, #tpu.memory_space<hbm>>) dst(%dma_wait3A_1368 : memref<64x128xf32, #tpu.memory_space<vmem>>)
      %add3A_1376 = arith.constant 5 : i32
      %add3A_1377 = arith.addi %mul3A_728, %add3A_1376 : i32
      %jit3A_1378 = arith.constant 2 : i32
      %div3A_1379 = arith.divsi %add3A_1377, %jit3A_1378 : i32
      %sign3A_1380 = arith.constant 0 : i32
      %sign3A_1381 = arith.cmpi sgt, %add3A_1377, %sign3A_1380 : i32
      %sign3A_1382 = arith.extui %sign3A_1381 : i1 to i32
      %sign3A_1383 = arith.constant 0 : i32
      %sign3A_1384 = arith.cmpi slt, %add3A_1377, %sign3A_1383 : i32
      %sign3A_1385 = arith.extui %sign3A_1384 : i1 to i32
      %sign3A_1386 = arith.subi %sign3A_1382, %sign3A_1385 : i32
      %sign3A_1387 = arith.constant 0 : i32
      %sign3A_1388 = arith.cmpi sgt, %jit3A_1378, %sign3A_1387 : i32
      %sign3A_1389 = arith.extui %sign3A_1388 : i1 to i32
      %sign3A_1390 = arith.constant 0 : i32
      %sign3A_1391 = arith.cmpi slt, %jit3A_1378, %sign3A_1390 : i32
      %sign3A_1392 = arith.extui %sign3A_1391 : i1 to i32
      %sign3A_1393 = arith.subi %sign3A_1389, %sign3A_1392 : i32
      %ne3A_1394 = arith.cmpi ne, %sign3A_1386, %sign3A_1393 : i32
      %rem3A_1395 = arith.remsi %add3A_1377, %jit3A_1378 : i32
      %ne3A_1396 = arith.constant 0 : i32
      %ne3A_1397 = arith.cmpi ne, %rem3A_1395, %ne3A_1396 : i32
      %and3A_1398 = arith.andi %ne3A_1394, %ne3A_1397 : i1
      %sub3A_1399 = arith.constant 1 : i32
      %sub3A_1400 = arith.subi %div3A_1379, %sub3A_1399 : i32
      %select_n3A_1401 = arith.select %and3A_1398, %sub3A_1400, %div3A_1379 : i32
      %jit3A_1402 = arith.constant 2 : i32
      %eq3A_1403 = arith.constant 0 : i32
      %eq3A_1404 = arith.cmpi eq, %jit3A_1402, %eq3A_1403 : i32
      %jit3A_1405 = arith.constant 1 : i32
      %select_n3A_1406 = arith.select %eq3A_1404, %jit3A_1405, %jit3A_1402 : i32
      %rem3A_1407 = arith.remsi %add3A_1377, %select_n3A_1406 : i32
      %ne3A_1408 = arith.constant 0 : i32
      %ne3A_1409 = arith.cmpi ne, %rem3A_1407, %ne3A_1408 : i32
      %lt3A_1410 = arith.constant 0 : i32
      %lt3A_1411 = arith.cmpi slt, %rem3A_1407, %lt3A_1410 : i32
      %lt3A_1412 = arith.constant 0 : i32
      %lt3A_1413 = arith.cmpi slt, %select_n3A_1406, %lt3A_1412 : i32
      %ne3A_1414 = arith.xori %lt3A_1411, %lt3A_1413 : i1
      %and3A_1415 = arith.andi %ne3A_1414, %ne3A_1409 : i1
      %add3A_1416 = arith.addi %rem3A_1407, %select_n3A_1406 : i32
      %select_n3A_1417 = arith.select %and3A_1415, %add3A_1416, %rem3A_1407 : i32
      %mul3A_1418 = arith.constant 64 : i32
      %mul3A_1419 = arith.muli %select_n3A_1417, %mul3A_1418 : i32
      %add3A_1420 = arith.addi %mul3A_2, %mul3A_1419 : i32
      %dma_start3A_1421 = arith.constant 5 : i32
      %dma_start3A_1422 = arith.constant 5 : i32
      %dma_start3A_1423 = arith.constant 0 : i32
      %dma_start3A_1424 = arith.constant 0 : i32
      %dma_start3A_1425 = tpu.memref_slice %arg6[%dma_start3A_1421, %dma_start3A_1423, %dma_start3A_1424] : memref<10x64x128xf32, #tpu.memory_space<vmem>> -> memref<1x64x128xf32, #tpu.memory_space<vmem>>
      %dma_start3A_1426 = tpu.memref_squeeze %dma_start3A_1425 : memref<1x64x128xf32, #tpu.memory_space<vmem>> -> memref<64x128xf32, #tpu.memory_space<vmem>>
      %dma_start3A_1427 = arith.constant 0 : i32
      %dma_start3A_1428 = tpu.memref_slice %arg4[%select_n3A_1401, %add3A_1420, %dma_start3A_1427] : memref<50x4096x128xf32, #tpu.memory_space<hbm>> -> memref<1x64x128xf32, #tpu.memory_space<hbm>>
      %dma_start3A_1429 = tpu.memref_squeeze %dma_start3A_1428 : memref<1x64x128xf32, #tpu.memory_space<hbm>> -> memref<64x128xf32, #tpu.memory_space<hbm>>
      %dma_start3A_1430 = tpu.memref_slice %arg8[%dma_start3A_1422] : memref<10x!tpu.dma_semaphore, #tpu.memory_space<semaphore_mem>> -> memref<1x!tpu.dma_semaphore, #tpu.memory_space<semaphore_mem>>
      %dma_start3A_1431 = tpu.memref_squeeze %dma_start3A_1430 : memref<1x!tpu.dma_semaphore, #tpu.memory_space<semaphore_mem>> -> memref<!tpu.dma_semaphore, #tpu.memory_space<semaphore_mem>>
      %dma_start3A_1432 = arith.constant 0 : i32
      %dma_start3A_1433 = tpu.memref_slice %arg4[%select_n3A_1401, %add3A_1420, %dma_start3A_1432] : memref<50x4096x128xf32, #tpu.memory_space<hbm>> -> memref<1x64x128xf32, #tpu.memory_space<hbm>>
      %dma_start3A_1434 = tpu.memref_squeeze %dma_start3A_1433 : memref<1x64x128xf32, #tpu.memory_space<hbm>> -> memref<64x128xf32, #tpu.memory_space<hbm>>
      %dma_start3A_1435 = arith.constant 0 : i32
      %dma_start3A_1436 = arith.constant 0 : i32
      %dma_start3A_1437 = tpu.memref_slice %arg6[%dma_start3A_1421, %dma_start3A_1435, %dma_start3A_1436] : memref<10x64x128xf32, #tpu.memory_space<vmem>> -> memref<1x64x128xf32, #tpu.memory_space<vmem>>
      %dma_start3A_1438 = tpu.memref_squeeze %dma_start3A_1437 : memref<1x64x128xf32, #tpu.memory_space<vmem>> -> memref<64x128xf32, #tpu.memory_space<vmem>>
      tpu.enqueue_dma source(%dma_start3A_1438 : memref<64x128xf32, #tpu.memory_space<vmem>>) target(%dma_start3A_1434 : memref<64x128xf32, #tpu.memory_space<hbm>>) target_semaphore(%dma_start3A_1431 : memref<!tpu.dma_semaphore, #tpu.memory_space<semaphore_mem>>)
      %add3A_1439 = arith.constant 6 : i32
      %add3A_1440 = arith.addi %mul3A_728, %add3A_1439 : i32
      %jit3A_1441 = arith.constant 2 : i32
      %div3A_1442 = arith.divsi %add3A_1440, %jit3A_1441 : i32
      %sign3A_1443 = arith.constant 0 : i32
      %sign3A_1444 = arith.cmpi sgt, %add3A_1440, %sign3A_1443 : i32
      %sign3A_1445 = arith.extui %sign3A_1444 : i1 to i32
      %sign3A_1446 = arith.constant 0 : i32
      %sign3A_1447 = arith.cmpi slt, %add3A_1440, %sign3A_1446 : i32
      %sign3A_1448 = arith.extui %sign3A_1447 : i1 to i32
      %sign3A_1449 = arith.subi %sign3A_1445, %sign3A_1448 : i32
      %sign3A_1450 = arith.constant 0 : i32
      %sign3A_1451 = arith.cmpi sgt, %jit3A_1441, %sign3A_1450 : i32
      %sign3A_1452 = arith.extui %sign3A_1451 : i1 to i32
      %sign3A_1453 = arith.constant 0 : i32
      %sign3A_1454 = arith.cmpi slt, %jit3A_1441, %sign3A_1453 : i32
      %sign3A_1455 = arith.extui %sign3A_1454 : i1 to i32
      %sign3A_1456 = arith.subi %sign3A_1452, %sign3A_1455 : i32
      %ne3A_1457 = arith.cmpi ne, %sign3A_1449, %sign3A_1456 : i32
      %rem3A_1458 = arith.remsi %add3A_1440, %jit3A_1441 : i32
      %ne3A_1459 = arith.constant 0 : i32
      %ne3A_1460 = arith.cmpi ne, %rem3A_1458, %ne3A_1459 : i32
      %and3A_1461 = arith.andi %ne3A_1457, %ne3A_1460 : i1
      %sub3A_1462 = arith.constant 1 : i32
      %sub3A_1463 = arith.subi %div3A_1442, %sub3A_1462 : i32
      %select_n3A_1464 = arith.select %and3A_1461, %sub3A_1463, %div3A_1442 : i32
      %jit3A_1465 = arith.constant 2 : i32
      %eq3A_1466 = arith.constant 0 : i32
      %eq3A_1467 = arith.cmpi eq, %jit3A_1465, %eq3A_1466 : i32
      %jit3A_1468 = arith.constant 1 : i32
      %select_n3A_1469 = arith.select %eq3A_1467, %jit3A_1468, %jit3A_1465 : i32
      %rem3A_1470 = arith.remsi %add3A_1440, %select_n3A_1469 : i32
      %ne3A_1471 = arith.constant 0 : i32
      %ne3A_1472 = arith.cmpi ne, %rem3A_1470, %ne3A_1471 : i32
      %lt3A_1473 = arith.constant 0 : i32
      %lt3A_1474 = arith.cmpi slt, %rem3A_1470, %lt3A_1473 : i32
      %lt3A_1475 = arith.constant 0 : i32
      %lt3A_1476 = arith.cmpi slt, %select_n3A_1469, %lt3A_1475 : i32
      %ne3A_1477 = arith.xori %lt3A_1474, %lt3A_1476 : i1
      %and3A_1478 = arith.andi %ne3A_1477, %ne3A_1472 : i1
      %add3A_1479 = arith.addi %rem3A_1470, %select_n3A_1469 : i32
      %select_n3A_1480 = arith.select %and3A_1478, %add3A_1479, %rem3A_1470 : i32
      %mul3A_1481 = arith.constant 64 : i32
      %mul3A_1482 = arith.muli %select_n3A_1480, %mul3A_1481 : i32
      %dma_wait3A_1483 = arith.constant 6 : i32
      %dma_wait3A_1484 = arith.constant 6 : i32
      %dma_wait3A_1485 = arith.constant 0 : i32
      %dma_wait3A_1486 = arith.constant 0 : i32
      %dma_wait3A_1487 = tpu.memref_slice %arg6[%dma_wait3A_1483, %dma_wait3A_1485, %dma_wait3A_1486] : memref<10x64x128xf32, #tpu.memory_space<vmem>> -> memref<1x64x128xf32, #tpu.memory_space<vmem>>
      %dma_wait3A_1488 = tpu.memref_squeeze %dma_wait3A_1487 : memref<1x64x128xf32, #tpu.memory_space<vmem>> -> memref<64x128xf32, #tpu.memory_space<vmem>>
      %dma_wait3A_1489 = tpu.memref_slice %arg5[%select_n3A_1464, %mul3A_1482] : memref<50x128xi32, #tpu.memory_space<vmem>> -> memref<1x64xi32, #tpu.memory_space<vmem>>
      %dma_wait3A_1490 = tpu.memref_squeeze %dma_wait3A_1489 : memref<1x64xi32, #tpu.memory_space<vmem>> -> memref<64xi32, #tpu.memory_space<vmem>>
      %dma_wait3A_1491 = arith.constant 0 : i32
      %dma_wait3A_1492 = arith.constant 0 : i32
      %dma_wait3A_1493 = tpu.memref_slice %arg3[%dma_wait3A_1491, %dma_wait3A_1492] : memref<100000x128xf32, #tpu.memory_space<hbm>> -> memref<100000x128xf32, #tpu.memory_space<hbm>>
      %dma_wait3A_1494 = tpu.memref_slice %arg7[%dma_wait3A_1484] : memref<10x!tpu.dma_semaphore, #tpu.memory_space<semaphore_mem>> -> memref<1x!tpu.dma_semaphore, #tpu.memory_space<semaphore_mem>>
      %dma_wait3A_1495 = tpu.memref_squeeze %dma_wait3A_1494 : memref<1x!tpu.dma_semaphore, #tpu.memory_space<semaphore_mem>> -> memref<!tpu.dma_semaphore, #tpu.memory_space<semaphore_mem>>
      tpu.wait_indirect_dma semaphore(%dma_wait3A_1495 : memref<!tpu.dma_semaphore, #tpu.memory_space<semaphore_mem>>) src(%dma_wait3A_1493 : memref<100000x128xf32, #tpu.memory_space<hbm>>) dst(%dma_wait3A_1488 : memref<64x128xf32, #tpu.memory_space<vmem>>)
      %add3A_1496 = arith.constant 6 : i32
      %add3A_1497 = arith.addi %mul3A_728, %add3A_1496 : i32
      %jit3A_1498 = arith.constant 2 : i32
      %div3A_1499 = arith.divsi %add3A_1497, %jit3A_1498 : i32
      %sign3A_1500 = arith.constant 0 : i32
      %sign3A_1501 = arith.cmpi sgt, %add3A_1497, %sign3A_1500 : i32
      %sign3A_1502 = arith.extui %sign3A_1501 : i1 to i32
      %sign3A_1503 = arith.constant 0 : i32
      %sign3A_1504 = arith.cmpi slt, %add3A_1497, %sign3A_1503 : i32
      %sign3A_1505 = arith.extui %sign3A_1504 : i1 to i32
      %sign3A_1506 = arith.subi %sign3A_1502, %sign3A_1505 : i32
      %sign3A_1507 = arith.constant 0 : i32
      %sign3A_1508 = arith.cmpi sgt, %jit3A_1498, %sign3A_1507 : i32
      %sign3A_1509 = arith.extui %sign3A_1508 : i1 to i32
      %sign3A_1510 = arith.constant 0 : i32
      %sign3A_1511 = arith.cmpi slt, %jit3A_1498, %sign3A_1510 : i32
      %sign3A_1512 = arith.extui %sign3A_1511 : i1 to i32
      %sign3A_1513 = arith.subi %sign3A_1509, %sign3A_1512 : i32
      %ne3A_1514 = arith.cmpi ne, %sign3A_1506, %sign3A_1513 : i32
      %rem3A_1515 = arith.remsi %add3A_1497, %jit3A_1498 : i32
      %ne3A_1516 = arith.constant 0 : i32
      %ne3A_1517 = arith.cmpi ne, %rem3A_1515, %ne3A_1516 : i32
      %and3A_1518 = arith.andi %ne3A_1514, %ne3A_1517 : i1
      %sub3A_1519 = arith.constant 1 : i32
      %sub3A_1520 = arith.subi %div3A_1499, %sub3A_1519 : i32
      %select_n3A_1521 = arith.select %and3A_1518, %sub3A_1520, %div3A_1499 : i32
      %jit3A_1522 = arith.constant 2 : i32
      %eq3A_1523 = arith.constant 0 : i32
      %eq3A_1524 = arith.cmpi eq, %jit3A_1522, %eq3A_1523 : i32
      %jit3A_1525 = arith.constant 1 : i32
      %select_n3A_1526 = arith.select %eq3A_1524, %jit3A_1525, %jit3A_1522 : i32
      %rem3A_1527 = arith.remsi %add3A_1497, %select_n3A_1526 : i32
      %ne3A_1528 = arith.constant 0 : i32
      %ne3A_1529 = arith.cmpi ne, %rem3A_1527, %ne3A_1528 : i32
      %lt3A_1530 = arith.constant 0 : i32
      %lt3A_1531 = arith.cmpi slt, %rem3A_1527, %lt3A_1530 : i32
      %lt3A_1532 = arith.constant 0 : i32
      %lt3A_1533 = arith.cmpi slt, %select_n3A_1526, %lt3A_1532 : i32
      %ne3A_1534 = arith.xori %lt3A_1531, %lt3A_1533 : i1
      %and3A_1535 = arith.andi %ne3A_1534, %ne3A_1529 : i1
      %add3A_1536 = arith.addi %rem3A_1527, %select_n3A_1526 : i32
      %select_n3A_1537 = arith.select %and3A_1535, %add3A_1536, %rem3A_1527 : i32
      %mul3A_1538 = arith.constant 64 : i32
      %mul3A_1539 = arith.muli %select_n3A_1537, %mul3A_1538 : i32
      %add3A_1540 = arith.addi %mul3A_2, %mul3A_1539 : i32
      %dma_start3A_1541 = arith.constant 6 : i32
      %dma_start3A_1542 = arith.constant 6 : i32
      %dma_start3A_1543 = arith.constant 0 : i32
      %dma_start3A_1544 = arith.constant 0 : i32
      %dma_start3A_1545 = tpu.memref_slice %arg6[%dma_start3A_1541, %dma_start3A_1543, %dma_start3A_1544] : memref<10x64x128xf32, #tpu.memory_space<vmem>> -> memref<1x64x128xf32, #tpu.memory_space<vmem>>
      %dma_start3A_1546 = tpu.memref_squeeze %dma_start3A_1545 : memref<1x64x128xf32, #tpu.memory_space<vmem>> -> memref<64x128xf32, #tpu.memory_space<vmem>>
      %dma_start3A_1547 = arith.constant 0 : i32
      %dma_start3A_1548 = tpu.memref_slice %arg4[%select_n3A_1521, %add3A_1540, %dma_start3A_1547] : memref<50x4096x128xf32, #tpu.memory_space<hbm>> -> memref<1x64x128xf32, #tpu.memory_space<hbm>>
      %dma_start3A_1549 = tpu.memref_squeeze %dma_start3A_1548 : memref<1x64x128xf32, #tpu.memory_space<hbm>> -> memref<64x128xf32, #tpu.memory_space<hbm>>
      %dma_start3A_1550 = tpu.memref_slice %arg8[%dma_start3A_1542] : memref<10x!tpu.dma_semaphore, #tpu.memory_space<semaphore_mem>> -> memref<1x!tpu.dma_semaphore, #tpu.memory_space<semaphore_mem>>
      %dma_start3A_1551 = tpu.memref_squeeze %dma_start3A_1550 : memref<1x!tpu.dma_semaphore, #tpu.memory_space<semaphore_mem>> -> memref<!tpu.dma_semaphore, #tpu.memory_space<semaphore_mem>>
      %dma_start3A_1552 = arith.constant 0 : i32
      %dma_start3A_1553 = tpu.memref_slice %arg4[%select_n3A_1521, %add3A_1540, %dma_start3A_1552] : memref<50x4096x128xf32, #tpu.memory_space<hbm>> -> memref<1x64x128xf32, #tpu.memory_space<hbm>>
      %dma_start3A_1554 = tpu.memref_squeeze %dma_start3A_1553 : memref<1x64x128xf32, #tpu.memory_space<hbm>> -> memref<64x128xf32, #tpu.memory_space<hbm>>
      %dma_start3A_1555 = arith.constant 0 : i32
      %dma_start3A_1556 = arith.constant 0 : i32
      %dma_start3A_1557 = tpu.memref_slice %arg6[%dma_start3A_1541, %dma_start3A_1555, %dma_start3A_1556] : memref<10x64x128xf32, #tpu.memory_space<vmem>> -> memref<1x64x128xf32, #tpu.memory_space<vmem>>
      %dma_start3A_1558 = tpu.memref_squeeze %dma_start3A_1557 : memref<1x64x128xf32, #tpu.memory_space<vmem>> -> memref<64x128xf32, #tpu.memory_space<vmem>>
      tpu.enqueue_dma source(%dma_start3A_1558 : memref<64x128xf32, #tpu.memory_space<vmem>>) target(%dma_start3A_1554 : memref<64x128xf32, #tpu.memory_space<hbm>>) target_semaphore(%dma_start3A_1551 : memref<!tpu.dma_semaphore, #tpu.memory_space<semaphore_mem>>)
      %add3A_1559 = arith.constant 7 : i32
      %add3A_1560 = arith.addi %mul3A_728, %add3A_1559 : i32
      %jit3A_1561 = arith.constant 2 : i32
      %div3A_1562 = arith.divsi %add3A_1560, %jit3A_1561 : i32
      %sign3A_1563 = arith.constant 0 : i32
      %sign3A_1564 = arith.cmpi sgt, %add3A_1560, %sign3A_1563 : i32
      %sign3A_1565 = arith.extui %sign3A_1564 : i1 to i32
      %sign3A_1566 = arith.constant 0 : i32
      %sign3A_1567 = arith.cmpi slt, %add3A_1560, %sign3A_1566 : i32
      %sign3A_1568 = arith.extui %sign3A_1567 : i1 to i32
      %sign3A_1569 = arith.subi %sign3A_1565, %sign3A_1568 : i32
      %sign3A_1570 = arith.constant 0 : i32
      %sign3A_1571 = arith.cmpi sgt, %jit3A_1561, %sign3A_1570 : i32
      %sign3A_1572 = arith.extui %sign3A_1571 : i1 to i32
      %sign3A_1573 = arith.constant 0 : i32
      %sign3A_1574 = arith.cmpi slt, %jit3A_1561, %sign3A_1573 : i32
      %sign3A_1575 = arith.extui %sign3A_1574 : i1 to i32
      %sign3A_1576 = arith.subi %sign3A_1572, %sign3A_1575 : i32
      %ne3A_1577 = arith.cmpi ne, %sign3A_1569, %sign3A_1576 : i32
      %rem3A_1578 = arith.remsi %add3A_1560, %jit3A_1561 : i32
      %ne3A_1579 = arith.constant 0 : i32
      %ne3A_1580 = arith.cmpi ne, %rem3A_1578, %ne3A_1579 : i32
      %and3A_1581 = arith.andi %ne3A_1577, %ne3A_1580 : i1
      %sub3A_1582 = arith.constant 1 : i32
      %sub3A_1583 = arith.subi %div3A_1562, %sub3A_1582 : i32
      %select_n3A_1584 = arith.select %and3A_1581, %sub3A_1583, %div3A_1562 : i32
      %jit3A_1585 = arith.constant 2 : i32
      %eq3A_1586 = arith.constant 0 : i32
      %eq3A_1587 = arith.cmpi eq, %jit3A_1585, %eq3A_1586 : i32
      %jit3A_1588 = arith.constant 1 : i32
      %select_n3A_1589 = arith.select %eq3A_1587, %jit3A_1588, %jit3A_1585 : i32
      %rem3A_1590 = arith.remsi %add3A_1560, %select_n3A_1589 : i32
      %ne3A_1591 = arith.constant 0 : i32
      %ne3A_1592 = arith.cmpi ne, %rem3A_1590, %ne3A_1591 : i32
      %lt3A_1593 = arith.constant 0 : i32
      %lt3A_1594 = arith.cmpi slt, %rem3A_1590, %lt3A_1593 : i32
      %lt3A_1595 = arith.constant 0 : i32
      %lt3A_1596 = arith.cmpi slt, %select_n3A_1589, %lt3A_1595 : i32
      %ne3A_1597 = arith.xori %lt3A_1594, %lt3A_1596 : i1
      %and3A_1598 = arith.andi %ne3A_1597, %ne3A_1592 : i1
      %add3A_1599 = arith.addi %rem3A_1590, %select_n3A_1589 : i32
      %select_n3A_1600 = arith.select %and3A_1598, %add3A_1599, %rem3A_1590 : i32
      %mul3A_1601 = arith.constant 64 : i32
      %mul3A_1602 = arith.muli %select_n3A_1600, %mul3A_1601 : i32
      %dma_wait3A_1603 = arith.constant 7 : i32
      %dma_wait3A_1604 = arith.constant 7 : i32
      %dma_wait3A_1605 = arith.constant 0 : i32
      %dma_wait3A_1606 = arith.constant 0 : i32
      %dma_wait3A_1607 = tpu.memref_slice %arg6[%dma_wait3A_1603, %dma_wait3A_1605, %dma_wait3A_1606] : memref<10x64x128xf32, #tpu.memory_space<vmem>> -> memref<1x64x128xf32, #tpu.memory_space<vmem>>
      %dma_wait3A_1608 = tpu.memref_squeeze %dma_wait3A_1607 : memref<1x64x128xf32, #tpu.memory_space<vmem>> -> memref<64x128xf32, #tpu.memory_space<vmem>>
      %dma_wait3A_1609 = tpu.memref_slice %arg5[%select_n3A_1584, %mul3A_1602] : memref<50x128xi32, #tpu.memory_space<vmem>> -> memref<1x64xi32, #tpu.memory_space<vmem>>
      %dma_wait3A_1610 = tpu.memref_squeeze %dma_wait3A_1609 : memref<1x64xi32, #tpu.memory_space<vmem>> -> memref<64xi32, #tpu.memory_space<vmem>>
      %dma_wait3A_1611 = arith.constant 0 : i32
      %dma_wait3A_1612 = arith.constant 0 : i32
      %dma_wait3A_1613 = tpu.memref_slice %arg3[%dma_wait3A_1611, %dma_wait3A_1612] : memref<100000x128xf32, #tpu.memory_space<hbm>> -> memref<100000x128xf32, #tpu.memory_space<hbm>>
      %dma_wait3A_1614 = tpu.memref_slice %arg7[%dma_wait3A_1604] : memref<10x!tpu.dma_semaphore, #tpu.memory_space<semaphore_mem>> -> memref<1x!tpu.dma_semaphore, #tpu.memory_space<semaphore_mem>>
      %dma_wait3A_1615 = tpu.memref_squeeze %dma_wait3A_1614 : memref<1x!tpu.dma_semaphore, #tpu.memory_space<semaphore_mem>> -> memref<!tpu.dma_semaphore, #tpu.memory_space<semaphore_mem>>
      tpu.wait_indirect_dma semaphore(%dma_wait3A_1615 : memref<!tpu.dma_semaphore, #tpu.memory_space<semaphore_mem>>) src(%dma_wait3A_1613 : memref<100000x128xf32, #tpu.memory_space<hbm>>) dst(%dma_wait3A_1608 : memref<64x128xf32, #tpu.memory_space<vmem>>)
      %add3A_1616 = arith.constant 7 : i32
      %add3A_1617 = arith.addi %mul3A_728, %add3A_1616 : i32
      %jit3A_1618 = arith.constant 2 : i32
      %div3A_1619 = arith.divsi %add3A_1617, %jit3A_1618 : i32
      %sign3A_1620 = arith.constant 0 : i32
      %sign3A_1621 = arith.cmpi sgt, %add3A_1617, %sign3A_1620 : i32
      %sign3A_1622 = arith.extui %sign3A_1621 : i1 to i32
      %sign3A_1623 = arith.constant 0 : i32
      %sign3A_1624 = arith.cmpi slt, %add3A_1617, %sign3A_1623 : i32
      %sign3A_1625 = arith.extui %sign3A_1624 : i1 to i32
      %sign3A_1626 = arith.subi %sign3A_1622, %sign3A_1625 : i32
      %sign3A_1627 = arith.constant 0 : i32
      %sign3A_1628 = arith.cmpi sgt, %jit3A_1618, %sign3A_1627 : i32
      %sign3A_1629 = arith.extui %sign3A_1628 : i1 to i32
      %sign3A_1630 = arith.constant 0 : i32
      %sign3A_1631 = arith.cmpi slt, %jit3A_1618, %sign3A_1630 : i32
      %sign3A_1632 = arith.extui %sign3A_1631 : i1 to i32
      %sign3A_1633 = arith.subi %sign3A_1629, %sign3A_1632 : i32
      %ne3A_1634 = arith.cmpi ne, %sign3A_1626, %sign3A_1633 : i32
      %rem3A_1635 = arith.remsi %add3A_1617, %jit3A_1618 : i32
      %ne3A_1636 = arith.constant 0 : i32
      %ne3A_1637 = arith.cmpi ne, %rem3A_1635, %ne3A_1636 : i32
      %and3A_1638 = arith.andi %ne3A_1634, %ne3A_1637 : i1
      %sub3A_1639 = arith.constant 1 : i32
      %sub3A_1640 = arith.subi %div3A_1619, %sub3A_1639 : i32
      %select_n3A_1641 = arith.select %and3A_1638, %sub3A_1640, %div3A_1619 : i32
      %jit3A_1642 = arith.constant 2 : i32
      %eq3A_1643 = arith.constant 0 : i32
      %eq3A_1644 = arith.cmpi eq, %jit3A_1642, %eq3A_1643 : i32
      %jit3A_1645 = arith.constant 1 : i32
      %select_n3A_1646 = arith.select %eq3A_1644, %jit3A_1645, %jit3A_1642 : i32
      %rem3A_1647 = arith.remsi %add3A_1617, %select_n3A_1646 : i32
      %ne3A_1648 = arith.constant 0 : i32
      %ne3A_1649 = arith.cmpi ne, %rem3A_1647, %ne3A_1648 : i32
      %lt3A_1650 = arith.constant 0 : i32
      %lt3A_1651 = arith.cmpi slt, %rem3A_1647, %lt3A_1650 : i32
      %lt3A_1652 = arith.constant 0 : i32
      %lt3A_1653 = arith.cmpi slt, %select_n3A_1646, %lt3A_1652 : i32
      %ne3A_1654 = arith.xori %lt3A_1651, %lt3A_1653 : i1
      %and3A_1655 = arith.andi %ne3A_1654, %ne3A_1649 : i1
      %add3A_1656 = arith.addi %rem3A_1647, %select_n3A_1646 : i32
      %select_n3A_1657 = arith.select %and3A_1655, %add3A_1656, %rem3A_1647 : i32
      %mul3A_1658 = arith.constant 64 : i32
      %mul3A_1659 = arith.muli %select_n3A_1657, %mul3A_1658 : i32
      %add3A_1660 = arith.addi %mul3A_2, %mul3A_1659 : i32
      %dma_start3A_1661 = arith.constant 7 : i32
      %dma_start3A_1662 = arith.constant 7 : i32
      %dma_start3A_1663 = arith.constant 0 : i32
      %dma_start3A_1664 = arith.constant 0 : i32
      %dma_start3A_1665 = tpu.memref_slice %arg6[%dma_start3A_1661, %dma_start3A_1663, %dma_start3A_1664] : memref<10x64x128xf32, #tpu.memory_space<vmem>> -> memref<1x64x128xf32, #tpu.memory_space<vmem>>
      %dma_start3A_1666 = tpu.memref_squeeze %dma_start3A_1665 : memref<1x64x128xf32, #tpu.memory_space<vmem>> -> memref<64x128xf32, #tpu.memory_space<vmem>>
      %dma_start3A_1667 = arith.constant 0 : i32
      %dma_start3A_1668 = tpu.memref_slice %arg4[%select_n3A_1641, %add3A_1660, %dma_start3A_1667] : memref<50x4096x128xf32, #tpu.memory_space<hbm>> -> memref<1x64x128xf32, #tpu.memory_space<hbm>>
      %dma_start3A_1669 = tpu.memref_squeeze %dma_start3A_1668 : memref<1x64x128xf32, #tpu.memory_space<hbm>> -> memref<64x128xf32, #tpu.memory_space<hbm>>
      %dma_start3A_1670 = tpu.memref_slice %arg8[%dma_start3A_1662] : memref<10x!tpu.dma_semaphore, #tpu.memory_space<semaphore_mem>> -> memref<1x!tpu.dma_semaphore, #tpu.memory_space<semaphore_mem>>
      %dma_start3A_1671 = tpu.memref_squeeze %dma_start3A_1670 : memref<1x!tpu.dma_semaphore, #tpu.memory_space<semaphore_mem>> -> memref<!tpu.dma_semaphore, #tpu.memory_space<semaphore_mem>>
      %dma_start3A_1672 = arith.constant 0 : i32
      %dma_start3A_1673 = tpu.memref_slice %arg4[%select_n3A_1641, %add3A_1660, %dma_start3A_1672] : memref<50x4096x128xf32, #tpu.memory_space<hbm>> -> memref<1x64x128xf32, #tpu.memory_space<hbm>>
      %dma_start3A_1674 = tpu.memref_squeeze %dma_start3A_1673 : memref<1x64x128xf32, #tpu.memory_space<hbm>> -> memref<64x128xf32, #tpu.memory_space<hbm>>
      %dma_start3A_1675 = arith.constant 0 : i32
      %dma_start3A_1676 = arith.constant 0 : i32
      %dma_start3A_1677 = tpu.memref_slice %arg6[%dma_start3A_1661, %dma_start3A_1675, %dma_start3A_1676] : memref<10x64x128xf32, #tpu.memory_space<vmem>> -> memref<1x64x128xf32, #tpu.memory_space<vmem>>
      %dma_start3A_1678 = tpu.memref_squeeze %dma_start3A_1677 : memref<1x64x128xf32, #tpu.memory_space<vmem>> -> memref<64x128xf32, #tpu.memory_space<vmem>>
      tpu.enqueue_dma source(%dma_start3A_1678 : memref<64x128xf32, #tpu.memory_space<vmem>>) target(%dma_start3A_1674 : memref<64x128xf32, #tpu.memory_space<hbm>>) target_semaphore(%dma_start3A_1671 : memref<!tpu.dma_semaphore, #tpu.memory_space<semaphore_mem>>)
      %add3A_1679 = arith.constant 8 : i32
      %add3A_1680 = arith.addi %mul3A_728, %add3A_1679 : i32
      %jit3A_1681 = arith.constant 2 : i32
      %div3A_1682 = arith.divsi %add3A_1680, %jit3A_1681 : i32
      %sign3A_1683 = arith.constant 0 : i32
      %sign3A_1684 = arith.cmpi sgt, %add3A_1680, %sign3A_1683 : i32
      %sign3A_1685 = arith.extui %sign3A_1684 : i1 to i32
      %sign3A_1686 = arith.constant 0 : i32
      %sign3A_1687 = arith.cmpi slt, %add3A_1680, %sign3A_1686 : i32
      %sign3A_1688 = arith.extui %sign3A_1687 : i1 to i32
      %sign3A_1689 = arith.subi %sign3A_1685, %sign3A_1688 : i32
      %sign3A_1690 = arith.constant 0 : i32
      %sign3A_1691 = arith.cmpi sgt, %jit3A_1681, %sign3A_1690 : i32
      %sign3A_1692 = arith.extui %sign3A_1691 : i1 to i32
      %sign3A_1693 = arith.constant 0 : i32
      %sign3A_1694 = arith.cmpi slt, %jit3A_1681, %sign3A_1693 : i32
      %sign3A_1695 = arith.extui %sign3A_1694 : i1 to i32
      %sign3A_1696 = arith.subi %sign3A_1692, %sign3A_1695 : i32
      %ne3A_1697 = arith.cmpi ne, %sign3A_1689, %sign3A_1696 : i32
      %rem3A_1698 = arith.remsi %add3A_1680, %jit3A_1681 : i32
      %ne3A_1699 = arith.constant 0 : i32
      %ne3A_1700 = arith.cmpi ne, %rem3A_1698, %ne3A_1699 : i32
      %and3A_1701 = arith.andi %ne3A_1697, %ne3A_1700 : i1
      %sub3A_1702 = arith.constant 1 : i32
      %sub3A_1703 = arith.subi %div3A_1682, %sub3A_1702 : i32
      %select_n3A_1704 = arith.select %and3A_1701, %sub3A_1703, %div3A_1682 : i32
      %jit3A_1705 = arith.constant 2 : i32
      %eq3A_1706 = arith.constant 0 : i32
      %eq3A_1707 = arith.cmpi eq, %jit3A_1705, %eq3A_1706 : i32
      %jit3A_1708 = arith.constant 1 : i32
      %select_n3A_1709 = arith.select %eq3A_1707, %jit3A_1708, %jit3A_1705 : i32
      %rem3A_1710 = arith.remsi %add3A_1680, %select_n3A_1709 : i32
      %ne3A_1711 = arith.constant 0 : i32
      %ne3A_1712 = arith.cmpi ne, %rem3A_1710, %ne3A_1711 : i32
      %lt3A_1713 = arith.constant 0 : i32
      %lt3A_1714 = arith.cmpi slt, %rem3A_1710, %lt3A_1713 : i32
      %lt3A_1715 = arith.constant 0 : i32
      %lt3A_1716 = arith.cmpi slt, %select_n3A_1709, %lt3A_1715 : i32
      %ne3A_1717 = arith.xori %lt3A_1714, %lt3A_1716 : i1
      %and3A_1718 = arith.andi %ne3A_1717, %ne3A_1712 : i1
      %add3A_1719 = arith.addi %rem3A_1710, %select_n3A_1709 : i32
      %select_n3A_1720 = arith.select %and3A_1718, %add3A_1719, %rem3A_1710 : i32
      %mul3A_1721 = arith.constant 64 : i32
      %mul3A_1722 = arith.muli %select_n3A_1720, %mul3A_1721 : i32
      %dma_wait3A_1723 = arith.constant 8 : i32
      %dma_wait3A_1724 = arith.constant 8 : i32
      %dma_wait3A_1725 = arith.constant 0 : i32
      %dma_wait3A_1726 = arith.constant 0 : i32
      %dma_wait3A_1727 = tpu.memref_slice %arg6[%dma_wait3A_1723, %dma_wait3A_1725, %dma_wait3A_1726] : memref<10x64x128xf32, #tpu.memory_space<vmem>> -> memref<1x64x128xf32, #tpu.memory_space<vmem>>
      %dma_wait3A_1728 = tpu.memref_squeeze %dma_wait3A_1727 : memref<1x64x128xf32, #tpu.memory_space<vmem>> -> memref<64x128xf32, #tpu.memory_space<vmem>>
      %dma_wait3A_1729 = tpu.memref_slice %arg5[%select_n3A_1704, %mul3A_1722] : memref<50x128xi32, #tpu.memory_space<vmem>> -> memref<1x64xi32, #tpu.memory_space<vmem>>
      %dma_wait3A_1730 = tpu.memref_squeeze %dma_wait3A_1729 : memref<1x64xi32, #tpu.memory_space<vmem>> -> memref<64xi32, #tpu.memory_space<vmem>>
      %dma_wait3A_1731 = arith.constant 0 : i32
      %dma_wait3A_1732 = arith.constant 0 : i32
      %dma_wait3A_1733 = tpu.memref_slice %arg3[%dma_wait3A_1731, %dma_wait3A_1732] : memref<100000x128xf32, #tpu.memory_space<hbm>> -> memref<100000x128xf32, #tpu.memory_space<hbm>>
      %dma_wait3A_1734 = tpu.memref_slice %arg7[%dma_wait3A_1724] : memref<10x!tpu.dma_semaphore, #tpu.memory_space<semaphore_mem>> -> memref<1x!tpu.dma_semaphore, #tpu.memory_space<semaphore_mem>>
      %dma_wait3A_1735 = tpu.memref_squeeze %dma_wait3A_1734 : memref<1x!tpu.dma_semaphore, #tpu.memory_space<semaphore_mem>> -> memref<!tpu.dma_semaphore, #tpu.memory_space<semaphore_mem>>
      tpu.wait_indirect_dma semaphore(%dma_wait3A_1735 : memref<!tpu.dma_semaphore, #tpu.memory_space<semaphore_mem>>) src(%dma_wait3A_1733 : memref<100000x128xf32, #tpu.memory_space<hbm>>) dst(%dma_wait3A_1728 : memref<64x128xf32, #tpu.memory_space<vmem>>)
      %add3A_1736 = arith.constant 8 : i32
      %add3A_1737 = arith.addi %mul3A_728, %add3A_1736 : i32
      %jit3A_1738 = arith.constant 2 : i32
      %div3A_1739 = arith.divsi %add3A_1737, %jit3A_1738 : i32
      %sign3A_1740 = arith.constant 0 : i32
      %sign3A_1741 = arith.cmpi sgt, %add3A_1737, %sign3A_1740 : i32
      %sign3A_1742 = arith.extui %sign3A_1741 : i1 to i32
      %sign3A_1743 = arith.constant 0 : i32
      %sign3A_1744 = arith.cmpi slt, %add3A_1737, %sign3A_1743 : i32
      %sign3A_1745 = arith.extui %sign3A_1744 : i1 to i32
      %sign3A_1746 = arith.subi %sign3A_1742, %sign3A_1745 : i32
      %sign3A_1747 = arith.constant 0 : i32
      %sign3A_1748 = arith.cmpi sgt, %jit3A_1738, %sign3A_1747 : i32
      %sign3A_1749 = arith.extui %sign3A_1748 : i1 to i32
      %sign3A_1750 = arith.constant 0 : i32
      %sign3A_1751 = arith.cmpi slt, %jit3A_1738, %sign3A_1750 : i32
      %sign3A_1752 = arith.extui %sign3A_1751 : i1 to i32
      %sign3A_1753 = arith.subi %sign3A_1749, %sign3A_1752 : i32
      %ne3A_1754 = arith.cmpi ne, %sign3A_1746, %sign3A_1753 : i32
      %rem3A_1755 = arith.remsi %add3A_1737, %jit3A_1738 : i32
      %ne3A_1756 = arith.constant 0 : i32
      %ne3A_1757 = arith.cmpi ne, %rem3A_1755, %ne3A_1756 : i32
      %and3A_1758 = arith.andi %ne3A_1754, %ne3A_1757 : i1
      %sub3A_1759 = arith.constant 1 : i32
      %sub3A_1760 = arith.subi %div3A_1739, %sub3A_1759 : i32
      %select_n3A_1761 = arith.select %and3A_1758, %sub3A_1760, %div3A_1739 : i32
      %jit3A_1762 = arith.constant 2 : i32
      %eq3A_1763 = arith.constant 0 : i32
      %eq3A_1764 = arith.cmpi eq, %jit3A_1762, %eq3A_1763 : i32
      %jit3A_1765 = arith.constant 1 : i32
      %select_n3A_1766 = arith.select %eq3A_1764, %jit3A_1765, %jit3A_1762 : i32
      %rem3A_1767 = arith.remsi %add3A_1737, %select_n3A_1766 : i32
      %ne3A_1768 = arith.constant 0 : i32
      %ne3A_1769 = arith.cmpi ne, %rem3A_1767, %ne3A_1768 : i32
      %lt3A_1770 = arith.constant 0 : i32
      %lt3A_1771 = arith.cmpi slt, %rem3A_1767, %lt3A_1770 : i32
      %lt3A_1772 = arith.constant 0 : i32
      %lt3A_1773 = arith.cmpi slt, %select_n3A_1766, %lt3A_1772 : i32
      %ne3A_1774 = arith.xori %lt3A_1771, %lt3A_1773 : i1
      %and3A_1775 = arith.andi %ne3A_1774, %ne3A_1769 : i1
      %add3A_1776 = arith.addi %rem3A_1767, %select_n3A_1766 : i32
      %select_n3A_1777 = arith.select %and3A_1775, %add3A_1776, %rem3A_1767 : i32
      %mul3A_1778 = arith.constant 64 : i32
      %mul3A_1779 = arith.muli %select_n3A_1777, %mul3A_1778 : i32
      %add3A_1780 = arith.addi %mul3A_2, %mul3A_1779 : i32
      %dma_start3A_1781 = arith.constant 8 : i32
      %dma_start3A_1782 = arith.constant 8 : i32
      %dma_start3A_1783 = arith.constant 0 : i32
      %dma_start3A_1784 = arith.constant 0 : i32
      %dma_start3A_1785 = tpu.memref_slice %arg6[%dma_start3A_1781, %dma_start3A_1783, %dma_start3A_1784] : memref<10x64x128xf32, #tpu.memory_space<vmem>> -> memref<1x64x128xf32, #tpu.memory_space<vmem>>
      %dma_start3A_1786 = tpu.memref_squeeze %dma_start3A_1785 : memref<1x64x128xf32, #tpu.memory_space<vmem>> -> memref<64x128xf32, #tpu.memory_space<vmem>>
      %dma_start3A_1787 = arith.constant 0 : i32
      %dma_start3A_1788 = tpu.memref_slice %arg4[%select_n3A_1761, %add3A_1780, %dma_start3A_1787] : memref<50x4096x128xf32, #tpu.memory_space<hbm>> -> memref<1x64x128xf32, #tpu.memory_space<hbm>>
      %dma_start3A_1789 = tpu.memref_squeeze %dma_start3A_1788 : memref<1x64x128xf32, #tpu.memory_space<hbm>> -> memref<64x128xf32, #tpu.memory_space<hbm>>
      %dma_start3A_1790 = tpu.memref_slice %arg8[%dma_start3A_1782] : memref<10x!tpu.dma_semaphore, #tpu.memory_space<semaphore_mem>> -> memref<1x!tpu.dma_semaphore, #tpu.memory_space<semaphore_mem>>
      %dma_start3A_1791 = tpu.memref_squeeze %dma_start3A_1790 : memref<1x!tpu.dma_semaphore, #tpu.memory_space<semaphore_mem>> -> memref<!tpu.dma_semaphore, #tpu.memory_space<semaphore_mem>>
      %dma_start3A_1792 = arith.constant 0 : i32
      %dma_start3A_1793 = tpu.memref_slice %arg4[%select_n3A_1761, %add3A_1780, %dma_start3A_1792] : memref<50x4096x128xf32, #tpu.memory_space<hbm>> -> memref<1x64x128xf32, #tpu.memory_space<hbm>>
      %dma_start3A_1794 = tpu.memref_squeeze %dma_start3A_1793 : memref<1x64x128xf32, #tpu.memory_space<hbm>> -> memref<64x128xf32, #tpu.memory_space<hbm>>
      %dma_start3A_1795 = arith.constant 0 : i32
      %dma_start3A_1796 = arith.constant 0 : i32
      %dma_start3A_1797 = tpu.memref_slice %arg6[%dma_start3A_1781, %dma_start3A_1795, %dma_start3A_1796] : memref<10x64x128xf32, #tpu.memory_space<vmem>> -> memref<1x64x128xf32, #tpu.memory_space<vmem>>
      %dma_start3A_1798 = tpu.memref_squeeze %dma_start3A_1797 : memref<1x64x128xf32, #tpu.memory_space<vmem>> -> memref<64x128xf32, #tpu.memory_space<vmem>>
      tpu.enqueue_dma source(%dma_start3A_1798 : memref<64x128xf32, #tpu.memory_space<vmem>>) target(%dma_start3A_1794 : memref<64x128xf32, #tpu.memory_space<hbm>>) target_semaphore(%dma_start3A_1791 : memref<!tpu.dma_semaphore, #tpu.memory_space<semaphore_mem>>)
      %add3A_1799 = arith.constant 9 : i32
      %add3A_1800 = arith.addi %mul3A_728, %add3A_1799 : i32
      %jit3A_1801 = arith.constant 2 : i32
      %div3A_1802 = arith.divsi %add3A_1800, %jit3A_1801 : i32
      %sign3A_1803 = arith.constant 0 : i32
      %sign3A_1804 = arith.cmpi sgt, %add3A_1800, %sign3A_1803 : i32
      %sign3A_1805 = arith.extui %sign3A_1804 : i1 to i32
      %sign3A_1806 = arith.constant 0 : i32
      %sign3A_1807 = arith.cmpi slt, %add3A_1800, %sign3A_1806 : i32
      %sign3A_1808 = arith.extui %sign3A_1807 : i1 to i32
      %sign3A_1809 = arith.subi %sign3A_1805, %sign3A_1808 : i32
      %sign3A_1810 = arith.constant 0 : i32
      %sign3A_1811 = arith.cmpi sgt, %jit3A_1801, %sign3A_1810 : i32
      %sign3A_1812 = arith.extui %sign3A_1811 : i1 to i32
      %sign3A_1813 = arith.constant 0 : i32
      %sign3A_1814 = arith.cmpi slt, %jit3A_1801, %sign3A_1813 : i32
      %sign3A_1815 = arith.extui %sign3A_1814 : i1 to i32
      %sign3A_1816 = arith.subi %sign3A_1812, %sign3A_1815 : i32
      %ne3A_1817 = arith.cmpi ne, %sign3A_1809, %sign3A_1816 : i32
      %rem3A_1818 = arith.remsi %add3A_1800, %jit3A_1801 : i32
      %ne3A_1819 = arith.constant 0 : i32
      %ne3A_1820 = arith.cmpi ne, %rem3A_1818, %ne3A_1819 : i32
      %and3A_1821 = arith.andi %ne3A_1817, %ne3A_1820 : i1
      %sub3A_1822 = arith.constant 1 : i32
      %sub3A_1823 = arith.subi %div3A_1802, %sub3A_1822 : i32
      %select_n3A_1824 = arith.select %and3A_1821, %sub3A_1823, %div3A_1802 : i32
      %jit3A_1825 = arith.constant 2 : i32
      %eq3A_1826 = arith.constant 0 : i32
      %eq3A_1827 = arith.cmpi eq, %jit3A_1825, %eq3A_1826 : i32
      %jit3A_1828 = arith.constant 1 : i32
      %select_n3A_1829 = arith.select %eq3A_1827, %jit3A_1828, %jit3A_1825 : i32
      %rem3A_1830 = arith.remsi %add3A_1800, %select_n3A_1829 : i32
      %ne3A_1831 = arith.constant 0 : i32
      %ne3A_1832 = arith.cmpi ne, %rem3A_1830, %ne3A_1831 : i32
      %lt3A_1833 = arith.constant 0 : i32
      %lt3A_1834 = arith.cmpi slt, %rem3A_1830, %lt3A_1833 : i32
      %lt3A_1835 = arith.constant 0 : i32
      %lt3A_1836 = arith.cmpi slt, %select_n3A_1829, %lt3A_1835 : i32
      %ne3A_1837 = arith.xori %lt3A_1834, %lt3A_1836 : i1
      %and3A_1838 = arith.andi %ne3A_1837, %ne3A_1832 : i1
      %add3A_1839 = arith.addi %rem3A_1830, %select_n3A_1829 : i32
      %select_n3A_1840 = arith.select %and3A_1838, %add3A_1839, %rem3A_1830 : i32
      %mul3A_1841 = arith.constant 64 : i32
      %mul3A_1842 = arith.muli %select_n3A_1840, %mul3A_1841 : i32
      %dma_wait3A_1843 = arith.constant 9 : i32
      %dma_wait3A_1844 = arith.constant 9 : i32
      %dma_wait3A_1845 = arith.constant 0 : i32
      %dma_wait3A_1846 = arith.constant 0 : i32
      %dma_wait3A_1847 = tpu.memref_slice %arg6[%dma_wait3A_1843, %dma_wait3A_1845, %dma_wait3A_1846] : memref<10x64x128xf32, #tpu.memory_space<vmem>> -> memref<1x64x128xf32, #tpu.memory_space<vmem>>
      %dma_wait3A_1848 = tpu.memref_squeeze %dma_wait3A_1847 : memref<1x64x128xf32, #tpu.memory_space<vmem>> -> memref<64x128xf32, #tpu.memory_space<vmem>>
      %dma_wait3A_1849 = tpu.memref_slice %arg5[%select_n3A_1824, %mul3A_1842] : memref<50x128xi32, #tpu.memory_space<vmem>> -> memref<1x64xi32, #tpu.memory_space<vmem>>
      %dma_wait3A_1850 = tpu.memref_squeeze %dma_wait3A_1849 : memref<1x64xi32, #tpu.memory_space<vmem>> -> memref<64xi32, #tpu.memory_space<vmem>>
      %dma_wait3A_1851 = arith.constant 0 : i32
      %dma_wait3A_1852 = arith.constant 0 : i32
      %dma_wait3A_1853 = tpu.memref_slice %arg3[%dma_wait3A_1851, %dma_wait3A_1852] : memref<100000x128xf32, #tpu.memory_space<hbm>> -> memref<100000x128xf32, #tpu.memory_space<hbm>>
      %dma_wait3A_1854 = tpu.memref_slice %arg7[%dma_wait3A_1844] : memref<10x!tpu.dma_semaphore, #tpu.memory_space<semaphore_mem>> -> memref<1x!tpu.dma_semaphore, #tpu.memory_space<semaphore_mem>>
      %dma_wait3A_1855 = tpu.memref_squeeze %dma_wait3A_1854 : memref<1x!tpu.dma_semaphore, #tpu.memory_space<semaphore_mem>> -> memref<!tpu.dma_semaphore, #tpu.memory_space<semaphore_mem>>
      tpu.wait_indirect_dma semaphore(%dma_wait3A_1855 : memref<!tpu.dma_semaphore, #tpu.memory_space<semaphore_mem>>) src(%dma_wait3A_1853 : memref<100000x128xf32, #tpu.memory_space<hbm>>) dst(%dma_wait3A_1848 : memref<64x128xf32, #tpu.memory_space<vmem>>)
      %add3A_1856 = arith.constant 9 : i32
      %add3A_1857 = arith.addi %mul3A_728, %add3A_1856 : i32
      %jit3A_1858 = arith.constant 2 : i32
      %div3A_1859 = arith.divsi %add3A_1857, %jit3A_1858 : i32
      %sign3A_1860 = arith.constant 0 : i32
      %sign3A_1861 = arith.cmpi sgt, %add3A_1857, %sign3A_1860 : i32
      %sign3A_1862 = arith.extui %sign3A_1861 : i1 to i32
      %sign3A_1863 = arith.constant 0 : i32
      %sign3A_1864 = arith.cmpi slt, %add3A_1857, %sign3A_1863 : i32
      %sign3A_1865 = arith.extui %sign3A_1864 : i1 to i32
      %sign3A_1866 = arith.subi %sign3A_1862, %sign3A_1865 : i32
      %sign3A_1867 = arith.constant 0 : i32
      %sign3A_1868 = arith.cmpi sgt, %jit3A_1858, %sign3A_1867 : i32
      %sign3A_1869 = arith.extui %sign3A_1868 : i1 to i32
      %sign3A_1870 = arith.constant 0 : i32
      %sign3A_1871 = arith.cmpi slt, %jit3A_1858, %sign3A_1870 : i32
      %sign3A_1872 = arith.extui %sign3A_1871 : i1 to i32
      %sign3A_1873 = arith.subi %sign3A_1869, %sign3A_1872 : i32
      %ne3A_1874 = arith.cmpi ne, %sign3A_1866, %sign3A_1873 : i32
      %rem3A_1875 = arith.remsi %add3A_1857, %jit3A_1858 : i32
      %ne3A_1876 = arith.constant 0 : i32
      %ne3A_1877 = arith.cmpi ne, %rem3A_1875, %ne3A_1876 : i32
      %and3A_1878 = arith.andi %ne3A_1874, %ne3A_1877 : i1
      %sub3A_1879 = arith.constant 1 : i32
      %sub3A_1880 = arith.subi %div3A_1859, %sub3A_1879 : i32
      %select_n3A_1881 = arith.select %and3A_1878, %sub3A_1880, %div3A_1859 : i32
      %jit3A_1882 = arith.constant 2 : i32
      %eq3A_1883 = arith.constant 0 : i32
      %eq3A_1884 = arith.cmpi eq, %jit3A_1882, %eq3A_1883 : i32
      %jit3A_1885 = arith.constant 1 : i32
      %select_n3A_1886 = arith.select %eq3A_1884, %jit3A_1885, %jit3A_1882 : i32
      %rem3A_1887 = arith.remsi %add3A_1857, %select_n3A_1886 : i32
      %ne3A_1888 = arith.constant 0 : i32
      %ne3A_1889 = arith.cmpi ne, %rem3A_1887, %ne3A_1888 : i32
      %lt3A_1890 = arith.constant 0 : i32
      %lt3A_1891 = arith.cmpi slt, %rem3A_1887, %lt3A_1890 : i32
      %lt3A_1892 = arith.constant 0 : i32
      %lt3A_1893 = arith.cmpi slt, %select_n3A_1886, %lt3A_1892 : i32
      %ne3A_1894 = arith.xori %lt3A_1891, %lt3A_1893 : i1
      %and3A_1895 = arith.andi %ne3A_1894, %ne3A_1889 : i1
      %add3A_1896 = arith.addi %rem3A_1887, %select_n3A_1886 : i32
      %select_n3A_1897 = arith.select %and3A_1895, %add3A_1896, %rem3A_1887 : i32
      %mul3A_1898 = arith.constant 64 : i32
      %mul3A_1899 = arith.muli %select_n3A_1897, %mul3A_1898 : i32
      %add3A_1900 = arith.addi %mul3A_2, %mul3A_1899 : i32
      %dma_start3A_1901 = arith.constant 9 : i32
      %dma_start3A_1902 = arith.constant 9 : i32
      %dma_start3A_1903 = arith.constant 0 : i32
      %dma_start3A_1904 = arith.constant 0 : i32
      %dma_start3A_1905 = tpu.memref_slice %arg6[%dma_start3A_1901, %dma_start3A_1903, %dma_start3A_1904] : memref<10x64x128xf32, #tpu.memory_space<vmem>> -> memref<1x64x128xf32, #tpu.memory_space<vmem>>
      %dma_start3A_1906 = tpu.memref_squeeze %dma_start3A_1905 : memref<1x64x128xf32, #tpu.memory_space<vmem>> -> memref<64x128xf32, #tpu.memory_space<vmem>>
      %dma_start3A_1907 = arith.constant 0 : i32
      %dma_start3A_1908 = tpu.memref_slice %arg4[%select_n3A_1881, %add3A_1900, %dma_start3A_1907] : memref<50x4096x128xf32, #tpu.memory_space<hbm>> -> memref<1x64x128xf32, #tpu.memory_space<hbm>>
      %dma_start3A_1909 = tpu.memref_squeeze %dma_start3A_1908 : memref<1x64x128xf32, #tpu.memory_space<hbm>> -> memref<64x128xf32, #tpu.memory_space<hbm>>
      %dma_start3A_1910 = tpu.memref_slice %arg8[%dma_start3A_1902] : memref<10x!tpu.dma_semaphore, #tpu.memory_space<semaphore_mem>> -> memref<1x!tpu.dma_semaphore, #tpu.memory_space<semaphore_mem>>
      %dma_start3A_1911 = tpu.memref_squeeze %dma_start3A_1910 : memref<1x!tpu.dma_semaphore, #tpu.memory_space<semaphore_mem>> -> memref<!tpu.dma_semaphore, #tpu.memory_space<semaphore_mem>>
      %dma_start3A_1912 = arith.constant 0 : i32
      %dma_start3A_1913 = tpu.memref_slice %arg4[%select_n3A_1881, %add3A_1900, %dma_start3A_1912] : memref<50x4096x128xf32, #tpu.memory_space<hbm>> -> memref<1x64x128xf32, #tpu.memory_space<hbm>>
      %dma_start3A_1914 = tpu.memref_squeeze %dma_start3A_1913 : memref<1x64x128xf32, #tpu.memory_space<hbm>> -> memref<64x128xf32, #tpu.memory_space<hbm>>
      %dma_start3A_1915 = arith.constant 0 : i32
      %dma_start3A_1916 = arith.constant 0 : i32
      %dma_start3A_1917 = tpu.memref_slice %arg6[%dma_start3A_1901, %dma_start3A_1915, %dma_start3A_1916] : memref<10x64x128xf32, #tpu.memory_space<vmem>> -> memref<1x64x128xf32, #tpu.memory_space<vmem>>
      %dma_start3A_1918 = tpu.memref_squeeze %dma_start3A_1917 : memref<1x64x128xf32, #tpu.memory_space<vmem>> -> memref<64x128xf32, #tpu.memory_space<vmem>>
      tpu.enqueue_dma source(%dma_start3A_1918 : memref<64x128xf32, #tpu.memory_space<vmem>>) target(%dma_start3A_1914 : memref<64x128xf32, #tpu.memory_space<hbm>>) target_semaphore(%dma_start3A_1911 : memref<!tpu.dma_semaphore, #tpu.memory_space<semaphore_mem>>)
      %add3A_1919 = arith.constant 0 : i32
      %add3A_1920 = arith.addi %mul3A_728, %add3A_1919 : i32
      %jit3A_1921 = arith.constant 2 : i32
      %div3A_1922 = arith.divsi %add3A_1920, %jit3A_1921 : i32
      %sign3A_1923 = arith.constant 0 : i32
      %sign3A_1924 = arith.cmpi sgt, %add3A_1920, %sign3A_1923 : i32
      %sign3A_1925 = arith.extui %sign3A_1924 : i1 to i32
      %sign3A_1926 = arith.constant 0 : i32
      %sign3A_1927 = arith.cmpi slt, %add3A_1920, %sign3A_1926 : i32
      %sign3A_1928 = arith.extui %sign3A_1927 : i1 to i32
      %sign3A_1929 = arith.subi %sign3A_1925, %sign3A_1928 : i32
      %sign3A_1930 = arith.constant 0 : i32
      %sign3A_1931 = arith.cmpi sgt, %jit3A_1921, %sign3A_1930 : i32
      %sign3A_1932 = arith.extui %sign3A_1931 : i1 to i32
      %sign3A_1933 = arith.constant 0 : i32
      %sign3A_1934 = arith.cmpi slt, %jit3A_1921, %sign3A_1933 : i32
      %sign3A_1935 = arith.extui %sign3A_1934 : i1 to i32
      %sign3A_1936 = arith.subi %sign3A_1932, %sign3A_1935 : i32
      %ne3A_1937 = arith.cmpi ne, %sign3A_1929, %sign3A_1936 : i32
      %rem3A_1938 = arith.remsi %add3A_1920, %jit3A_1921 : i32
      %ne3A_1939 = arith.constant 0 : i32
      %ne3A_1940 = arith.cmpi ne, %rem3A_1938, %ne3A_1939 : i32
      %and3A_1941 = arith.andi %ne3A_1937, %ne3A_1940 : i1
      %sub3A_1942 = arith.constant 1 : i32
      %sub3A_1943 = arith.subi %div3A_1922, %sub3A_1942 : i32
      %select_n3A_1944 = arith.select %and3A_1941, %sub3A_1943, %div3A_1922 : i32
      %jit3A_1945 = arith.constant 2 : i32
      %eq3A_1946 = arith.constant 0 : i32
      %eq3A_1947 = arith.cmpi eq, %jit3A_1945, %eq3A_1946 : i32
      %jit3A_1948 = arith.constant 1 : i32
      %select_n3A_1949 = arith.select %eq3A_1947, %jit3A_1948, %jit3A_1945 : i32
      %rem3A_1950 = arith.remsi %add3A_1920, %select_n3A_1949 : i32
      %ne3A_1951 = arith.constant 0 : i32
      %ne3A_1952 = arith.cmpi ne, %rem3A_1950, %ne3A_1951 : i32
      %lt3A_1953 = arith.constant 0 : i32
      %lt3A_1954 = arith.cmpi slt, %rem3A_1950, %lt3A_1953 : i32
      %lt3A_1955 = arith.constant 0 : i32
      %lt3A_1956 = arith.cmpi slt, %select_n3A_1949, %lt3A_1955 : i32
      %ne3A_1957 = arith.xori %lt3A_1954, %lt3A_1956 : i1
      %and3A_1958 = arith.andi %ne3A_1957, %ne3A_1952 : i1
      %add3A_1959 = arith.addi %rem3A_1950, %select_n3A_1949 : i32
      %select_n3A_1960 = arith.select %and3A_1958, %add3A_1959, %rem3A_1950 : i32
      %mul3A_1961 = arith.constant 64 : i32
      %mul3A_1962 = arith.muli %select_n3A_1960, %mul3A_1961 : i32
      %add3A_1963 = arith.addi %mul3A_2, %mul3A_1962 : i32
      %dma_wait3A_1964 = arith.constant 0 : i32
      %dma_wait3A_1965 = arith.constant 0 : i32
      %dma_wait3A_1966 = arith.constant 0 : i32
      %dma_wait3A_1967 = arith.constant 0 : i32
      %dma_wait3A_1968 = tpu.memref_slice %arg6[%dma_wait3A_1964, %dma_wait3A_1966, %dma_wait3A_1967] : memref<10x64x128xf32, #tpu.memory_space<vmem>> -> memref<1x64x128xf32, #tpu.memory_space<vmem>>
      %dma_wait3A_1969 = tpu.memref_squeeze %dma_wait3A_1968 : memref<1x64x128xf32, #tpu.memory_space<vmem>> -> memref<64x128xf32, #tpu.memory_space<vmem>>
      %dma_wait3A_1970 = arith.constant 0 : i32
      %dma_wait3A_1971 = tpu.memref_slice %arg4[%select_n3A_1944, %add3A_1963, %dma_wait3A_1970] : memref<50x4096x128xf32, #tpu.memory_space<hbm>> -> memref<1x64x128xf32, #tpu.memory_space<hbm>>
      %dma_wait3A_1972 = tpu.memref_squeeze %dma_wait3A_1971 : memref<1x64x128xf32, #tpu.memory_space<hbm>> -> memref<64x128xf32, #tpu.memory_space<hbm>>
      %dma_wait3A_1973 = tpu.memref_slice %arg8[%dma_wait3A_1965] : memref<10x!tpu.dma_semaphore, #tpu.memory_space<semaphore_mem>> -> memref<1x!tpu.dma_semaphore, #tpu.memory_space<semaphore_mem>>
      %dma_wait3A_1974 = tpu.memref_squeeze %dma_wait3A_1973 : memref<1x!tpu.dma_semaphore, #tpu.memory_space<semaphore_mem>> -> memref<!tpu.dma_semaphore, #tpu.memory_space<semaphore_mem>>
      %dma_wait3A_1975 = arith.constant 0 : i32
      %dma_wait3A_1976 = tpu.memref_slice %arg4[%select_n3A_1944, %add3A_1963, %dma_wait3A_1975] : memref<50x4096x128xf32, #tpu.memory_space<hbm>> -> memref<1x64x128xf32, #tpu.memory_space<hbm>>
      %dma_wait3A_1977 = tpu.memref_squeeze %dma_wait3A_1976 : memref<1x64x128xf32, #tpu.memory_space<hbm>> -> memref<64x128xf32, #tpu.memory_space<hbm>>
      %dma_wait3A_1978 = arith.constant 0 : i32
      %dma_wait3A_1979 = arith.constant 0 : i32
      %dma_wait3A_1980 = tpu.memref_slice %arg6[%dma_wait3A_1964, %dma_wait3A_1978, %dma_wait3A_1979] : memref<10x64x128xf32, #tpu.memory_space<vmem>> -> memref<1x64x128xf32, #tpu.memory_space<vmem>>
      %dma_wait3A_1981 = tpu.memref_squeeze %dma_wait3A_1980 : memref<1x64x128xf32, #tpu.memory_space<vmem>> -> memref<64x128xf32, #tpu.memory_space<vmem>>
      tpu.wait_dma2 semaphore(%dma_wait3A_1974 : memref<!tpu.dma_semaphore, #tpu.memory_space<semaphore_mem>>) src(%dma_wait3A_1981 : memref<64x128xf32, #tpu.memory_space<vmem>>) dst(%dma_wait3A_1977 : memref<64x128xf32, #tpu.memory_space<hbm>>)
      %add3A_1982 = arith.constant 10 : i32
      %add3A_1983 = arith.addi %mul3A_728, %add3A_1982 : i32
      %add3A_1984 = arith.constant 0 : i32
      %add3A_1985 = arith.addi %add3A_1983, %add3A_1984 : i32
      %jit3A_1986 = arith.constant 2 : i32
      %div3A_1987 = arith.divsi %add3A_1985, %jit3A_1986 : i32
      %sign3A_1988 = arith.constant 0 : i32
      %sign3A_1989 = arith.cmpi sgt, %add3A_1985, %sign3A_1988 : i32
      %sign3A_1990 = arith.extui %sign3A_1989 : i1 to i32
      %sign3A_1991 = arith.constant 0 : i32
      %sign3A_1992 = arith.cmpi slt, %add3A_1985, %sign3A_1991 : i32
      %sign3A_1993 = arith.extui %sign3A_1992 : i1 to i32
      %sign3A_1994 = arith.subi %sign3A_1990, %sign3A_1993 : i32
      %sign3A_1995 = arith.constant 0 : i32
      %sign3A_1996 = arith.cmpi sgt, %jit3A_1986, %sign3A_1995 : i32
      %sign3A_1997 = arith.extui %sign3A_1996 : i1 to i32
      %sign3A_1998 = arith.constant 0 : i32
      %sign3A_1999 = arith.cmpi slt, %jit3A_1986, %sign3A_1998 : i32
      %sign3A_2000 = arith.extui %sign3A_1999 : i1 to i32
      %sign3A_2001 = arith.subi %sign3A_1997, %sign3A_2000 : i32
      %ne3A_2002 = arith.cmpi ne, %sign3A_1994, %sign3A_2001 : i32
      %rem3A_2003 = arith.remsi %add3A_1985, %jit3A_1986 : i32
      %ne3A_2004 = arith.constant 0 : i32
      %ne3A_2005 = arith.cmpi ne, %rem3A_2003, %ne3A_2004 : i32
      %and3A_2006 = arith.andi %ne3A_2002, %ne3A_2005 : i1
      %sub3A_2007 = arith.constant 1 : i32
      %sub3A_2008 = arith.subi %div3A_1987, %sub3A_2007 : i32
      %select_n3A_2009 = arith.select %and3A_2006, %sub3A_2008, %div3A_1987 : i32
      %jit3A_2010 = arith.constant 2 : i32
      %eq3A_2011 = arith.constant 0 : i32
      %eq3A_2012 = arith.cmpi eq, %jit3A_2010, %eq3A_2011 : i32
      %jit3A_2013 = arith.constant 1 : i32
      %select_n3A_2014 = arith.select %eq3A_2012, %jit3A_2013, %jit3A_2010 : i32
      %rem3A_2015 = arith.remsi %add3A_1985, %select_n3A_2014 : i32
      %ne3A_2016 = arith.constant 0 : i32
      %ne3A_2017 = arith.cmpi ne, %rem3A_2015, %ne3A_2016 : i32
      %lt3A_2018 = arith.constant 0 : i32
      %lt3A_2019 = arith.cmpi slt, %rem3A_2015, %lt3A_2018 : i32
      %lt3A_2020 = arith.constant 0 : i32
      %lt3A_2021 = arith.cmpi slt, %select_n3A_2014, %lt3A_2020 : i32
      %ne3A_2022 = arith.xori %lt3A_2019, %lt3A_2021 : i1
      %and3A_2023 = arith.andi %ne3A_2022, %ne3A_2017 : i1
      %add3A_2024 = arith.addi %rem3A_2015, %select_n3A_2014 : i32
      %select_n3A_2025 = arith.select %and3A_2023, %add3A_2024, %rem3A_2015 : i32
      %mul3A_2026 = arith.constant 64 : i32
      %mul3A_2027 = arith.muli %select_n3A_2025, %mul3A_2026 : i32
      %dma_start3A_2028 = arith.constant 0 : i32
      %dma_start3A_2029 = arith.constant 0 : i32
      %dma_start3A_2030 = arith.constant 0 : i32
      %dma_start3A_2031 = arith.constant 0 : i32
      %dma_start3A_2032 = tpu.memref_slice %arg6[%dma_start3A_2028, %dma_start3A_2030, %dma_start3A_2031] : memref<10x64x128xf32, #tpu.memory_space<vmem>> -> memref<1x64x128xf32, #tpu.memory_space<vmem>>
      %dma_start3A_2033 = tpu.memref_squeeze %dma_start3A_2032 : memref<1x64x128xf32, #tpu.memory_space<vmem>> -> memref<64x128xf32, #tpu.memory_space<vmem>>
      %dma_start3A_2034 = tpu.memref_slice %arg5[%select_n3A_2009, %mul3A_2027] : memref<50x128xi32, #tpu.memory_space<vmem>> -> memref<1x64xi32, #tpu.memory_space<vmem>>
      %dma_start3A_2035 = tpu.memref_squeeze %dma_start3A_2034 : memref<1x64xi32, #tpu.memory_space<vmem>> -> memref<64xi32, #tpu.memory_space<vmem>>
      %dma_start3A_2036 = arith.constant 0 : i32
      %dma_start3A_2037 = arith.constant 0 : i32
      %dma_start3A_2038 = tpu.memref_slice %arg3[%dma_start3A_2036, %dma_start3A_2037] : memref<100000x128xf32, #tpu.memory_space<hbm>> -> memref<100000x128xf32, #tpu.memory_space<hbm>>
      %dma_start3A_2039 = tpu.memref_slice %arg7[%dma_start3A_2029] : memref<10x!tpu.dma_semaphore, #tpu.memory_space<semaphore_mem>> -> memref<1x!tpu.dma_semaphore, #tpu.memory_space<semaphore_mem>>
      %dma_start3A_2040 = tpu.memref_squeeze %dma_start3A_2039 : memref<1x!tpu.dma_semaphore, #tpu.memory_space<semaphore_mem>> -> memref<!tpu.dma_semaphore, #tpu.memory_space<semaphore_mem>>
      tpu.enqueue_indirect_dma source(%dma_start3A_2038 : memref<100000x128xf32, #tpu.memory_space<hbm>>) target(%dma_start3A_2033 : memref<64x128xf32, #tpu.memory_space<vmem>>) offsets(%dma_start3A_2035 : memref<64xi32, #tpu.memory_space<vmem>>) semaphore(%dma_start3A_2040 : memref<!tpu.dma_semaphore, #tpu.memory_space<semaphore_mem>>)
      %add3A_2041 = arith.constant 1 : i32
      %add3A_2042 = arith.addi %mul3A_728, %add3A_2041 : i32
      %jit3A_2043 = arith.constant 2 : i32
      %div3A_2044 = arith.divsi %add3A_2042, %jit3A_2043 : i32
      %sign3A_2045 = arith.constant 0 : i32
      %sign3A_2046 = arith.cmpi sgt, %add3A_2042, %sign3A_2045 : i32
      %sign3A_2047 = arith.extui %sign3A_2046 : i1 to i32
      %sign3A_2048 = arith.constant 0 : i32
      %sign3A_2049 = arith.cmpi slt, %add3A_2042, %sign3A_2048 : i32
      %sign3A_2050 = arith.extui %sign3A_2049 : i1 to i32
      %sign3A_2051 = arith.subi %sign3A_2047, %sign3A_2050 : i32
      %sign3A_2052 = arith.constant 0 : i32
      %sign3A_2053 = arith.cmpi sgt, %jit3A_2043, %sign3A_2052 : i32
      %sign3A_2054 = arith.extui %sign3A_2053 : i1 to i32
      %sign3A_2055 = arith.constant 0 : i32
      %sign3A_2056 = arith.cmpi slt, %jit3A_2043, %sign3A_2055 : i32
      %sign3A_2057 = arith.extui %sign3A_2056 : i1 to i32
      %sign3A_2058 = arith.subi %sign3A_2054, %sign3A_2057 : i32
      %ne3A_2059 = arith.cmpi ne, %sign3A_2051, %sign3A_2058 : i32
      %rem3A_2060 = arith.remsi %add3A_2042, %jit3A_2043 : i32
      %ne3A_2061 = arith.constant 0 : i32
      %ne3A_2062 = arith.cmpi ne, %rem3A_2060, %ne3A_2061 : i32
      %and3A_2063 = arith.andi %ne3A_2059, %ne3A_2062 : i1
      %sub3A_2064 = arith.constant 1 : i32
      %sub3A_2065 = arith.subi %div3A_2044, %sub3A_2064 : i32
      %select_n3A_2066 = arith.select %and3A_2063, %sub3A_2065, %div3A_2044 : i32
      %jit3A_2067 = arith.constant 2 : i32
      %eq3A_2068 = arith.constant 0 : i32
      %eq3A_2069 = arith.cmpi eq, %jit3A_2067, %eq3A_2068 : i32
      %jit3A_2070 = arith.constant 1 : i32
      %select_n3A_2071 = arith.select %eq3A_2069, %jit3A_2070, %jit3A_2067 : i32
      %rem3A_2072 = arith.remsi %add3A_2042, %select_n3A_2071 : i32
      %ne3A_2073 = arith.constant 0 : i32
      %ne3A_2074 = arith.cmpi ne, %rem3A_2072, %ne3A_2073 : i32
      %lt3A_2075 = arith.constant 0 : i32
      %lt3A_2076 = arith.cmpi slt, %rem3A_2072, %lt3A_2075 : i32
      %lt3A_2077 = arith.constant 0 : i32
      %lt3A_2078 = arith.cmpi slt, %select_n3A_2071, %lt3A_2077 : i32
      %ne3A_2079 = arith.xori %lt3A_2076, %lt3A_2078 : i1
      %and3A_2080 = arith.andi %ne3A_2079, %ne3A_2074 : i1
      %add3A_2081 = arith.addi %rem3A_2072, %select_n3A_2071 : i32
      %select_n3A_2082 = arith.select %and3A_2080, %add3A_2081, %rem3A_2072 : i32
      %mul3A_2083 = arith.constant 64 : i32
      %mul3A_2084 = arith.muli %select_n3A_2082, %mul3A_2083 : i32
      %add3A_2085 = arith.addi %mul3A_2, %mul3A_2084 : i32
      %dma_wait3A_2086 = arith.constant 1 : i32
      %dma_wait3A_2087 = arith.constant 1 : i32
      %dma_wait3A_2088 = arith.constant 0 : i32
      %dma_wait3A_2089 = arith.constant 0 : i32
      %dma_wait3A_2090 = tpu.memref_slice %arg6[%dma_wait3A_2086, %dma_wait3A_2088, %dma_wait3A_2089] : memref<10x64x128xf32, #tpu.memory_space<vmem>> -> memref<1x64x128xf32, #tpu.memory_space<vmem>>
      %dma_wait3A_2091 = tpu.memref_squeeze %dma_wait3A_2090 : memref<1x64x128xf32, #tpu.memory_space<vmem>> -> memref<64x128xf32, #tpu.memory_space<vmem>>
      %dma_wait3A_2092 = arith.constant 0 : i32
      %dma_wait3A_2093 = tpu.memref_slice %arg4[%select_n3A_2066, %add3A_2085, %dma_wait3A_2092] : memref<50x4096x128xf32, #tpu.memory_space<hbm>> -> memref<1x64x128xf32, #tpu.memory_space<hbm>>
      %dma_wait3A_2094 = tpu.memref_squeeze %dma_wait3A_2093 : memref<1x64x128xf32, #tpu.memory_space<hbm>> -> memref<64x128xf32, #tpu.memory_space<hbm>>
      %dma_wait3A_2095 = tpu.memref_slice %arg8[%dma_wait3A_2087] : memref<10x!tpu.dma_semaphore, #tpu.memory_space<semaphore_mem>> -> memref<1x!tpu.dma_semaphore, #tpu.memory_space<semaphore_mem>>
      %dma_wait3A_2096 = tpu.memref_squeeze %dma_wait3A_2095 : memref<1x!tpu.dma_semaphore, #tpu.memory_space<semaphore_mem>> -> memref<!tpu.dma_semaphore, #tpu.memory_space<semaphore_mem>>
      %dma_wait3A_2097 = arith.constant 0 : i32
      %dma_wait3A_2098 = tpu.memref_slice %arg4[%select_n3A_2066, %add3A_2085, %dma_wait3A_2097] : memref<50x4096x128xf32, #tpu.memory_space<hbm>> -> memref<1x64x128xf32, #tpu.memory_space<hbm>>
      %dma_wait3A_2099 = tpu.memref_squeeze %dma_wait3A_2098 : memref<1x64x128xf32, #tpu.memory_space<hbm>> -> memref<64x128xf32, #tpu.memory_space<hbm>>
      %dma_wait3A_2100 = arith.constant 0 : i32
      %dma_wait3A_2101 = arith.constant 0 : i32
      %dma_wait3A_2102 = tpu.memref_slice %arg6[%dma_wait3A_2086, %dma_wait3A_2100, %dma_wait3A_2101] : memref<10x64x128xf32, #tpu.memory_space<vmem>> -> memref<1x64x128xf32, #tpu.memory_space<vmem>>
      %dma_wait3A_2103 = tpu.memref_squeeze %dma_wait3A_2102 : memref<1x64x128xf32, #tpu.memory_space<vmem>> -> memref<64x128xf32, #tpu.memory_space<vmem>>
      tpu.wait_dma2 semaphore(%dma_wait3A_2096 : memref<!tpu.dma_semaphore, #tpu.memory_space<semaphore_mem>>) src(%dma_wait3A_2103 : memref<64x128xf32, #tpu.memory_space<vmem>>) dst(%dma_wait3A_2099 : memref<64x128xf32, #tpu.memory_space<hbm>>)
      %add3A_2104 = arith.constant 10 : i32
      %add3A_2105 = arith.addi %mul3A_728, %add3A_2104 : i32
      %add3A_2106 = arith.constant 1 : i32
      %add3A_2107 = arith.addi %add3A_2105, %add3A_2106 : i32
      %jit3A_2108 = arith.constant 2 : i32
      %div3A_2109 = arith.divsi %add3A_2107, %jit3A_2108 : i32
      %sign3A_2110 = arith.constant 0 : i32
      %sign3A_2111 = arith.cmpi sgt, %add3A_2107, %sign3A_2110 : i32
      %sign3A_2112 = arith.extui %sign3A_2111 : i1 to i32
      %sign3A_2113 = arith.constant 0 : i32
      %sign3A_2114 = arith.cmpi slt, %add3A_2107, %sign3A_2113 : i32
      %sign3A_2115 = arith.extui %sign3A_2114 : i1 to i32
      %sign3A_2116 = arith.subi %sign3A_2112, %sign3A_2115 : i32
      %sign3A_2117 = arith.constant 0 : i32
      %sign3A_2118 = arith.cmpi sgt, %jit3A_2108, %sign3A_2117 : i32
      %sign3A_2119 = arith.extui %sign3A_2118 : i1 to i32
      %sign3A_2120 = arith.constant 0 : i32
      %sign3A_2121 = arith.cmpi slt, %jit3A_2108, %sign3A_2120 : i32
      %sign3A_2122 = arith.extui %sign3A_2121 : i1 to i32
      %sign3A_2123 = arith.subi %sign3A_2119, %sign3A_2122 : i32
      %ne3A_2124 = arith.cmpi ne, %sign3A_2116, %sign3A_2123 : i32
      %rem3A_2125 = arith.remsi %add3A_2107, %jit3A_2108 : i32
      %ne3A_2126 = arith.constant 0 : i32
      %ne3A_2127 = arith.cmpi ne, %rem3A_2125, %ne3A_2126 : i32
      %and3A_2128 = arith.andi %ne3A_2124, %ne3A_2127 : i1
      %sub3A_2129 = arith.constant 1 : i32
      %sub3A_2130 = arith.subi %div3A_2109, %sub3A_2129 : i32
      %select_n3A_2131 = arith.select %and3A_2128, %sub3A_2130, %div3A_2109 : i32
      %jit3A_2132 = arith.constant 2 : i32
      %eq3A_2133 = arith.constant 0 : i32
      %eq3A_2134 = arith.cmpi eq, %jit3A_2132, %eq3A_2133 : i32
      %jit3A_2135 = arith.constant 1 : i32
      %select_n3A_2136 = arith.select %eq3A_2134, %jit3A_2135, %jit3A_2132 : i32
      %rem3A_2137 = arith.remsi %add3A_2107, %select_n3A_2136 : i32
      %ne3A_2138 = arith.constant 0 : i32
      %ne3A_2139 = arith.cmpi ne, %rem3A_2137, %ne3A_2138 : i32
      %lt3A_2140 = arith.constant 0 : i32
      %lt3A_2141 = arith.cmpi slt, %rem3A_2137, %lt3A_2140 : i32
      %lt3A_2142 = arith.constant 0 : i32
      %lt3A_2143 = arith.cmpi slt, %select_n3A_2136, %lt3A_2142 : i32
      %ne3A_2144 = arith.xori %lt3A_2141, %lt3A_2143 : i1
      %and3A_2145 = arith.andi %ne3A_2144, %ne3A_2139 : i1
      %add3A_2146 = arith.addi %rem3A_2137, %select_n3A_2136 : i32
      %select_n3A_2147 = arith.select %and3A_2145, %add3A_2146, %rem3A_2137 : i32
      %mul3A_2148 = arith.constant 64 : i32
      %mul3A_2149 = arith.muli %select_n3A_2147, %mul3A_2148 : i32
      %dma_start3A_2150 = arith.constant 1 : i32
      %dma_start3A_2151 = arith.constant 1 : i32
      %dma_start3A_2152 = arith.constant 0 : i32
      %dma_start3A_2153 = arith.constant 0 : i32
      %dma_start3A_2154 = tpu.memref_slice %arg6[%dma_start3A_2150, %dma_start3A_2152, %dma_start3A_2153] : memref<10x64x128xf32, #tpu.memory_space<vmem>> -> memref<1x64x128xf32, #tpu.memory_space<vmem>>
      %dma_start3A_2155 = tpu.memref_squeeze %dma_start3A_2154 : memref<1x64x128xf32, #tpu.memory_space<vmem>> -> memref<64x128xf32, #tpu.memory_space<vmem>>
      %dma_start3A_2156 = tpu.memref_slice %arg5[%select_n3A_2131, %mul3A_2149] : memref<50x128xi32, #tpu.memory_space<vmem>> -> memref<1x64xi32, #tpu.memory_space<vmem>>
      %dma_start3A_2157 = tpu.memref_squeeze %dma_start3A_2156 : memref<1x64xi32, #tpu.memory_space<vmem>> -> memref<64xi32, #tpu.memory_space<vmem>>
      %dma_start3A_2158 = arith.constant 0 : i32
      %dma_start3A_2159 = arith.constant 0 : i32
      %dma_start3A_2160 = tpu.memref_slice %arg3[%dma_start3A_2158, %dma_start3A_2159] : memref<100000x128xf32, #tpu.memory_space<hbm>> -> memref<100000x128xf32, #tpu.memory_space<hbm>>
      %dma_start3A_2161 = tpu.memref_slice %arg7[%dma_start3A_2151] : memref<10x!tpu.dma_semaphore, #tpu.memory_space<semaphore_mem>> -> memref<1x!tpu.dma_semaphore, #tpu.memory_space<semaphore_mem>>
      %dma_start3A_2162 = tpu.memref_squeeze %dma_start3A_2161 : memref<1x!tpu.dma_semaphore, #tpu.memory_space<semaphore_mem>> -> memref<!tpu.dma_semaphore, #tpu.memory_space<semaphore_mem>>
      tpu.enqueue_indirect_dma source(%dma_start3A_2160 : memref<100000x128xf32, #tpu.memory_space<hbm>>) target(%dma_start3A_2155 : memref<64x128xf32, #tpu.memory_space<vmem>>) offsets(%dma_start3A_2157 : memref<64xi32, #tpu.memory_space<vmem>>) semaphore(%dma_start3A_2162 : memref<!tpu.dma_semaphore, #tpu.memory_space<semaphore_mem>>)
      %add3A_2163 = arith.constant 2 : i32
      %add3A_2164 = arith.addi %mul3A_728, %add3A_2163 : i32
      %jit3A_2165 = arith.constant 2 : i32
      %div3A_2166 = arith.divsi %add3A_2164, %jit3A_2165 : i32
      %sign3A_2167 = arith.constant 0 : i32
      %sign3A_2168 = arith.cmpi sgt, %add3A_2164, %sign3A_2167 : i32
      %sign3A_2169 = arith.extui %sign3A_2168 : i1 to i32
      %sign3A_2170 = arith.constant 0 : i32
      %sign3A_2171 = arith.cmpi slt, %add3A_2164, %sign3A_2170 : i32
      %sign3A_2172 = arith.extui %sign3A_2171 : i1 to i32
      %sign3A_2173 = arith.subi %sign3A_2169, %sign3A_2172 : i32
      %sign3A_2174 = arith.constant 0 : i32
      %sign3A_2175 = arith.cmpi sgt, %jit3A_2165, %sign3A_2174 : i32
      %sign3A_2176 = arith.extui %sign3A_2175 : i1 to i32
      %sign3A_2177 = arith.constant 0 : i32
      %sign3A_2178 = arith.cmpi slt, %jit3A_2165, %sign3A_2177 : i32
      %sign3A_2179 = arith.extui %sign3A_2178 : i1 to i32
      %sign3A_2180 = arith.subi %sign3A_2176, %sign3A_2179 : i32
      %ne3A_2181 = arith.cmpi ne, %sign3A_2173, %sign3A_2180 : i32
      %rem3A_2182 = arith.remsi %add3A_2164, %jit3A_2165 : i32
      %ne3A_2183 = arith.constant 0 : i32
      %ne3A_2184 = arith.cmpi ne, %rem3A_2182, %ne3A_2183 : i32
      %and3A_2185 = arith.andi %ne3A_2181, %ne3A_2184 : i1
      %sub3A_2186 = arith.constant 1 : i32
      %sub3A_2187 = arith.subi %div3A_2166, %sub3A_2186 : i32
      %select_n3A_2188 = arith.select %and3A_2185, %sub3A_2187, %div3A_2166 : i32
      %jit3A_2189 = arith.constant 2 : i32
      %eq3A_2190 = arith.constant 0 : i32
      %eq3A_2191 = arith.cmpi eq, %jit3A_2189, %eq3A_2190 : i32
      %jit3A_2192 = arith.constant 1 : i32
      %select_n3A_2193 = arith.select %eq3A_2191, %jit3A_2192, %jit3A_2189 : i32
      %rem3A_2194 = arith.remsi %add3A_2164, %select_n3A_2193 : i32
      %ne3A_2195 = arith.constant 0 : i32
      %ne3A_2196 = arith.cmpi ne, %rem3A_2194, %ne3A_2195 : i32
      %lt3A_2197 = arith.constant 0 : i32
      %lt3A_2198 = arith.cmpi slt, %rem3A_2194, %lt3A_2197 : i32
      %lt3A_2199 = arith.constant 0 : i32
      %lt3A_2200 = arith.cmpi slt, %select_n3A_2193, %lt3A_2199 : i32
      %ne3A_2201 = arith.xori %lt3A_2198, %lt3A_2200 : i1
      %and3A_2202 = arith.andi %ne3A_2201, %ne3A_2196 : i1
      %add3A_2203 = arith.addi %rem3A_2194, %select_n3A_2193 : i32
      %select_n3A_2204 = arith.select %and3A_2202, %add3A_2203, %rem3A_2194 : i32
      %mul3A_2205 = arith.constant 64 : i32
      %mul3A_2206 = arith.muli %select_n3A_2204, %mul3A_2205 : i32
      %add3A_2207 = arith.addi %mul3A_2, %mul3A_2206 : i32
      %dma_wait3A_2208 = arith.constant 2 : i32
      %dma_wait3A_2209 = arith.constant 2 : i32
      %dma_wait3A_2210 = arith.constant 0 : i32
      %dma_wait3A_2211 = arith.constant 0 : i32
      %dma_wait3A_2212 = tpu.memref_slice %arg6[%dma_wait3A_2208, %dma_wait3A_2210, %dma_wait3A_2211] : memref<10x64x128xf32, #tpu.memory_space<vmem>> -> memref<1x64x128xf32, #tpu.memory_space<vmem>>
      %dma_wait3A_2213 = tpu.memref_squeeze %dma_wait3A_2212 : memref<1x64x128xf32, #tpu.memory_space<vmem>> -> memref<64x128xf32, #tpu.memory_space<vmem>>
      %dma_wait3A_2214 = arith.constant 0 : i32
      %dma_wait3A_2215 = tpu.memref_slice %arg4[%select_n3A_2188, %add3A_2207, %dma_wait3A_2214] : memref<50x4096x128xf32, #tpu.memory_space<hbm>> -> memref<1x64x128xf32, #tpu.memory_space<hbm>>
      %dma_wait3A_2216 = tpu.memref_squeeze %dma_wait3A_2215 : memref<1x64x128xf32, #tpu.memory_space<hbm>> -> memref<64x128xf32, #tpu.memory_space<hbm>>
      %dma_wait3A_2217 = tpu.memref_slice %arg8[%dma_wait3A_2209] : memref<10x!tpu.dma_semaphore, #tpu.memory_space<semaphore_mem>> -> memref<1x!tpu.dma_semaphore, #tpu.memory_space<semaphore_mem>>
      %dma_wait3A_2218 = tpu.memref_squeeze %dma_wait3A_2217 : memref<1x!tpu.dma_semaphore, #tpu.memory_space<semaphore_mem>> -> memref<!tpu.dma_semaphore, #tpu.memory_space<semaphore_mem>>
      %dma_wait3A_2219 = arith.constant 0 : i32
      %dma_wait3A_2220 = tpu.memref_slice %arg4[%select_n3A_2188, %add3A_2207, %dma_wait3A_2219] : memref<50x4096x128xf32, #tpu.memory_space<hbm>> -> memref<1x64x128xf32, #tpu.memory_space<hbm>>
      %dma_wait3A_2221 = tpu.memref_squeeze %dma_wait3A_2220 : memref<1x64x128xf32, #tpu.memory_space<hbm>> -> memref<64x128xf32, #tpu.memory_space<hbm>>
      %dma_wait3A_2222 = arith.constant 0 : i32
      %dma_wait3A_2223 = arith.constant 0 : i32
      %dma_wait3A_2224 = tpu.memref_slice %arg6[%dma_wait3A_2208, %dma_wait3A_2222, %dma_wait3A_2223] : memref<10x64x128xf32, #tpu.memory_space<vmem>> -> memref<1x64x128xf32, #tpu.memory_space<vmem>>
      %dma_wait3A_2225 = tpu.memref_squeeze %dma_wait3A_2224 : memref<1x64x128xf32, #tpu.memory_space<vmem>> -> memref<64x128xf32, #tpu.memory_space<vmem>>
      tpu.wait_dma2 semaphore(%dma_wait3A_2218 : memref<!tpu.dma_semaphore, #tpu.memory_space<semaphore_mem>>) src(%dma_wait3A_2225 : memref<64x128xf32, #tpu.memory_space<vmem>>) dst(%dma_wait3A_2221 : memref<64x128xf32, #tpu.memory_space<hbm>>)
      %add3A_2226 = arith.constant 10 : i32
      %add3A_2227 = arith.addi %mul3A_728, %add3A_2226 : i32
      %add3A_2228 = arith.constant 2 : i32
      %add3A_2229 = arith.addi %add3A_2227, %add3A_2228 : i32
      %jit3A_2230 = arith.constant 2 : i32
      %div3A_2231 = arith.divsi %add3A_2229, %jit3A_2230 : i32
      %sign3A_2232 = arith.constant 0 : i32
      %sign3A_2233 = arith.cmpi sgt, %add3A_2229, %sign3A_2232 : i32
      %sign3A_2234 = arith.extui %sign3A_2233 : i1 to i32
      %sign3A_2235 = arith.constant 0 : i32
      %sign3A_2236 = arith.cmpi slt, %add3A_2229, %sign3A_2235 : i32
      %sign3A_2237 = arith.extui %sign3A_2236 : i1 to i32
      %sign3A_2238 = arith.subi %sign3A_2234, %sign3A_2237 : i32
      %sign3A_2239 = arith.constant 0 : i32
      %sign3A_2240 = arith.cmpi sgt, %jit3A_2230, %sign3A_2239 : i32
      %sign3A_2241 = arith.extui %sign3A_2240 : i1 to i32
      %sign3A_2242 = arith.constant 0 : i32
      %sign3A_2243 = arith.cmpi slt, %jit3A_2230, %sign3A_2242 : i32
      %sign3A_2244 = arith.extui %sign3A_2243 : i1 to i32
      %sign3A_2245 = arith.subi %sign3A_2241, %sign3A_2244 : i32
      %ne3A_2246 = arith.cmpi ne, %sign3A_2238, %sign3A_2245 : i32
      %rem3A_2247 = arith.remsi %add3A_2229, %jit3A_2230 : i32
      %ne3A_2248 = arith.constant 0 : i32
      %ne3A_2249 = arith.cmpi ne, %rem3A_2247, %ne3A_2248 : i32
      %and3A_2250 = arith.andi %ne3A_2246, %ne3A_2249 : i1
      %sub3A_2251 = arith.constant 1 : i32
      %sub3A_2252 = arith.subi %div3A_2231, %sub3A_2251 : i32
      %select_n3A_2253 = arith.select %and3A_2250, %sub3A_2252, %div3A_2231 : i32
      %jit3A_2254 = arith.constant 2 : i32
      %eq3A_2255 = arith.constant 0 : i32
      %eq3A_2256 = arith.cmpi eq, %jit3A_2254, %eq3A_2255 : i32
      %jit3A_2257 = arith.constant 1 : i32
      %select_n3A_2258 = arith.select %eq3A_2256, %jit3A_2257, %jit3A_2254 : i32
      %rem3A_2259 = arith.remsi %add3A_2229, %select_n3A_2258 : i32
      %ne3A_2260 = arith.constant 0 : i32
      %ne3A_2261 = arith.cmpi ne, %rem3A_2259, %ne3A_2260 : i32
      %lt3A_2262 = arith.constant 0 : i32
      %lt3A_2263 = arith.cmpi slt, %rem3A_2259, %lt3A_2262 : i32
      %lt3A_2264 = arith.constant 0 : i32
      %lt3A_2265 = arith.cmpi slt, %select_n3A_2258, %lt3A_2264 : i32
      %ne3A_2266 = arith.xori %lt3A_2263, %lt3A_2265 : i1
      %and3A_2267 = arith.andi %ne3A_2266, %ne3A_2261 : i1
      %add3A_2268 = arith.addi %rem3A_2259, %select_n3A_2258 : i32
      %select_n3A_2269 = arith.select %and3A_2267, %add3A_2268, %rem3A_2259 : i32
      %mul3A_2270 = arith.constant 64 : i32
      %mul3A_2271 = arith.muli %select_n3A_2269, %mul3A_2270 : i32
      %dma_start3A_2272 = arith.constant 2 : i32
      %dma_start3A_2273 = arith.constant 2 : i32
      %dma_start3A_2274 = arith.constant 0 : i32
      %dma_start3A_2275 = arith.constant 0 : i32
      %dma_start3A_2276 = tpu.memref_slice %arg6[%dma_start3A_2272, %dma_start3A_2274, %dma_start3A_2275] : memref<10x64x128xf32, #tpu.memory_space<vmem>> -> memref<1x64x128xf32, #tpu.memory_space<vmem>>
      %dma_start3A_2277 = tpu.memref_squeeze %dma_start3A_2276 : memref<1x64x128xf32, #tpu.memory_space<vmem>> -> memref<64x128xf32, #tpu.memory_space<vmem>>
      %dma_start3A_2278 = tpu.memref_slice %arg5[%select_n3A_2253, %mul3A_2271] : memref<50x128xi32, #tpu.memory_space<vmem>> -> memref<1x64xi32, #tpu.memory_space<vmem>>
      %dma_start3A_2279 = tpu.memref_squeeze %dma_start3A_2278 : memref<1x64xi32, #tpu.memory_space<vmem>> -> memref<64xi32, #tpu.memory_space<vmem>>
      %dma_start3A_2280 = arith.constant 0 : i32
      %dma_start3A_2281 = arith.constant 0 : i32
      %dma_start3A_2282 = tpu.memref_slice %arg3[%dma_start3A_2280, %dma_start3A_2281] : memref<100000x128xf32, #tpu.memory_space<hbm>> -> memref<100000x128xf32, #tpu.memory_space<hbm>>
      %dma_start3A_2283 = tpu.memref_slice %arg7[%dma_start3A_2273] : memref<10x!tpu.dma_semaphore, #tpu.memory_space<semaphore_mem>> -> memref<1x!tpu.dma_semaphore, #tpu.memory_space<semaphore_mem>>
      %dma_start3A_2284 = tpu.memref_squeeze %dma_start3A_2283 : memref<1x!tpu.dma_semaphore, #tpu.memory_space<semaphore_mem>> -> memref<!tpu.dma_semaphore, #tpu.memory_space<semaphore_mem>>
      tpu.enqueue_indirect_dma source(%dma_start3A_2282 : memref<100000x128xf32, #tpu.memory_space<hbm>>) target(%dma_start3A_2277 : memref<64x128xf32, #tpu.memory_space<vmem>>) offsets(%dma_start3A_2279 : memref<64xi32, #tpu.memory_space<vmem>>) semaphore(%dma_start3A_2284 : memref<!tpu.dma_semaphore, #tpu.memory_space<semaphore_mem>>)
      %add3A_2285 = arith.constant 3 : i32
      %add3A_2286 = arith.addi %mul3A_728, %add3A_2285 : i32
      %jit3A_2287 = arith.constant 2 : i32
      %div3A_2288 = arith.divsi %add3A_2286, %jit3A_2287 : i32
      %sign3A_2289 = arith.constant 0 : i32
      %sign3A_2290 = arith.cmpi sgt, %add3A_2286, %sign3A_2289 : i32
      %sign3A_2291 = arith.extui %sign3A_2290 : i1 to i32
      %sign3A_2292 = arith.constant 0 : i32
      %sign3A_2293 = arith.cmpi slt, %add3A_2286, %sign3A_2292 : i32
      %sign3A_2294 = arith.extui %sign3A_2293 : i1 to i32
      %sign3A_2295 = arith.subi %sign3A_2291, %sign3A_2294 : i32
      %sign3A_2296 = arith.constant 0 : i32
      %sign3A_2297 = arith.cmpi sgt, %jit3A_2287, %sign3A_2296 : i32
      %sign3A_2298 = arith.extui %sign3A_2297 : i1 to i32
      %sign3A_2299 = arith.constant 0 : i32
      %sign3A_2300 = arith.cmpi slt, %jit3A_2287, %sign3A_2299 : i32
      %sign3A_2301 = arith.extui %sign3A_2300 : i1 to i32
      %sign3A_2302 = arith.subi %sign3A_2298, %sign3A_2301 : i32
      %ne3A_2303 = arith.cmpi ne, %sign3A_2295, %sign3A_2302 : i32
      %rem3A_2304 = arith.remsi %add3A_2286, %jit3A_2287 : i32
      %ne3A_2305 = arith.constant 0 : i32
      %ne3A_2306 = arith.cmpi ne, %rem3A_2304, %ne3A_2305 : i32
      %and3A_2307 = arith.andi %ne3A_2303, %ne3A_2306 : i1
      %sub3A_2308 = arith.constant 1 : i32
      %sub3A_2309 = arith.subi %div3A_2288, %sub3A_2308 : i32
      %select_n3A_2310 = arith.select %and3A_2307, %sub3A_2309, %div3A_2288 : i32
      %jit3A_2311 = arith.constant 2 : i32
      %eq3A_2312 = arith.constant 0 : i32
      %eq3A_2313 = arith.cmpi eq, %jit3A_2311, %eq3A_2312 : i32
      %jit3A_2314 = arith.constant 1 : i32
      %select_n3A_2315 = arith.select %eq3A_2313, %jit3A_2314, %jit3A_2311 : i32
      %rem3A_2316 = arith.remsi %add3A_2286, %select_n3A_2315 : i32
      %ne3A_2317 = arith.constant 0 : i32
      %ne3A_2318 = arith.cmpi ne, %rem3A_2316, %ne3A_2317 : i32
      %lt3A_2319 = arith.constant 0 : i32
      %lt3A_2320 = arith.cmpi slt, %rem3A_2316, %lt3A_2319 : i32
      %lt3A_2321 = arith.constant 0 : i32
      %lt3A_2322 = arith.cmpi slt, %select_n3A_2315, %lt3A_2321 : i32
      %ne3A_2323 = arith.xori %lt3A_2320, %lt3A_2322 : i1
      %and3A_2324 = arith.andi %ne3A_2323, %ne3A_2318 : i1
      %add3A_2325 = arith.addi %rem3A_2316, %select_n3A_2315 : i32
      %select_n3A_2326 = arith.select %and3A_2324, %add3A_2325, %rem3A_2316 : i32
      %mul3A_2327 = arith.constant 64 : i32
      %mul3A_2328 = arith.muli %select_n3A_2326, %mul3A_2327 : i32
      %add3A_2329 = arith.addi %mul3A_2, %mul3A_2328 : i32
      %dma_wait3A_2330 = arith.constant 3 : i32
      %dma_wait3A_2331 = arith.constant 3 : i32
      %dma_wait3A_2332 = arith.constant 0 : i32
      %dma_wait3A_2333 = arith.constant 0 : i32
      %dma_wait3A_2334 = tpu.memref_slice %arg6[%dma_wait3A_2330, %dma_wait3A_2332, %dma_wait3A_2333] : memref<10x64x128xf32, #tpu.memory_space<vmem>> -> memref<1x64x128xf32, #tpu.memory_space<vmem>>
      %dma_wait3A_2335 = tpu.memref_squeeze %dma_wait3A_2334 : memref<1x64x128xf32, #tpu.memory_space<vmem>> -> memref<64x128xf32, #tpu.memory_space<vmem>>
      %dma_wait3A_2336 = arith.constant 0 : i32
      %dma_wait3A_2337 = tpu.memref_slice %arg4[%select_n3A_2310, %add3A_2329, %dma_wait3A_2336] : memref<50x4096x128xf32, #tpu.memory_space<hbm>> -> memref<1x64x128xf32, #tpu.memory_space<hbm>>
      %dma_wait3A_2338 = tpu.memref_squeeze %dma_wait3A_2337 : memref<1x64x128xf32, #tpu.memory_space<hbm>> -> memref<64x128xf32, #tpu.memory_space<hbm>>
      %dma_wait3A_2339 = tpu.memref_slice %arg8[%dma_wait3A_2331] : memref<10x!tpu.dma_semaphore, #tpu.memory_space<semaphore_mem>> -> memref<1x!tpu.dma_semaphore, #tpu.memory_space<semaphore_mem>>
      %dma_wait3A_2340 = tpu.memref_squeeze %dma_wait3A_2339 : memref<1x!tpu.dma_semaphore, #tpu.memory_space<semaphore_mem>> -> memref<!tpu.dma_semaphore, #tpu.memory_space<semaphore_mem>>
      %dma_wait3A_2341 = arith.constant 0 : i32
      %dma_wait3A_2342 = tpu.memref_slice %arg4[%select_n3A_2310, %add3A_2329, %dma_wait3A_2341] : memref<50x4096x128xf32, #tpu.memory_space<hbm>> -> memref<1x64x128xf32, #tpu.memory_space<hbm>>
      %dma_wait3A_2343 = tpu.memref_squeeze %dma_wait3A_2342 : memref<1x64x128xf32, #tpu.memory_space<hbm>> -> memref<64x128xf32, #tpu.memory_space<hbm>>
      %dma_wait3A_2344 = arith.constant 0 : i32
      %dma_wait3A_2345 = arith.constant 0 : i32
      %dma_wait3A_2346 = tpu.memref_slice %arg6[%dma_wait3A_2330, %dma_wait3A_2344, %dma_wait3A_2345] : memref<10x64x128xf32, #tpu.memory_space<vmem>> -> memref<1x64x128xf32, #tpu.memory_space<vmem>>
      %dma_wait3A_2347 = tpu.memref_squeeze %dma_wait3A_2346 : memref<1x64x128xf32, #tpu.memory_space<vmem>> -> memref<64x128xf32, #tpu.memory_space<vmem>>
      tpu.wait_dma2 semaphore(%dma_wait3A_2340 : memref<!tpu.dma_semaphore, #tpu.memory_space<semaphore_mem>>) src(%dma_wait3A_2347 : memref<64x128xf32, #tpu.memory_space<vmem>>) dst(%dma_wait3A_2343 : memref<64x128xf32, #tpu.memory_space<hbm>>)
      %add3A_2348 = arith.constant 10 : i32
      %add3A_2349 = arith.addi %mul3A_728, %add3A_2348 : i32
      %add3A_2350 = arith.constant 3 : i32
      %add3A_2351 = arith.addi %add3A_2349, %add3A_2350 : i32
      %jit3A_2352 = arith.constant 2 : i32
      %div3A_2353 = arith.divsi %add3A_2351, %jit3A_2352 : i32
      %sign3A_2354 = arith.constant 0 : i32
      %sign3A_2355 = arith.cmpi sgt, %add3A_2351, %sign3A_2354 : i32
      %sign3A_2356 = arith.extui %sign3A_2355 : i1 to i32
      %sign3A_2357 = arith.constant 0 : i32
      %sign3A_2358 = arith.cmpi slt, %add3A_2351, %sign3A_2357 : i32
      %sign3A_2359 = arith.extui %sign3A_2358 : i1 to i32
      %sign3A_2360 = arith.subi %sign3A_2356, %sign3A_2359 : i32
      %sign3A_2361 = arith.constant 0 : i32
      %sign3A_2362 = arith.cmpi sgt, %jit3A_2352, %sign3A_2361 : i32
      %sign3A_2363 = arith.extui %sign3A_2362 : i1 to i32
      %sign3A_2364 = arith.constant 0 : i32
      %sign3A_2365 = arith.cmpi slt, %jit3A_2352, %sign3A_2364 : i32
      %sign3A_2366 = arith.extui %sign3A_2365 : i1 to i32
      %sign3A_2367 = arith.subi %sign3A_2363, %sign3A_2366 : i32
      %ne3A_2368 = arith.cmpi ne, %sign3A_2360, %sign3A_2367 : i32
      %rem3A_2369 = arith.remsi %add3A_2351, %jit3A_2352 : i32
      %ne3A_2370 = arith.constant 0 : i32
      %ne3A_2371 = arith.cmpi ne, %rem3A_2369, %ne3A_2370 : i32
      %and3A_2372 = arith.andi %ne3A_2368, %ne3A_2371 : i1
      %sub3A_2373 = arith.constant 1 : i32
      %sub3A_2374 = arith.subi %div3A_2353, %sub3A_2373 : i32
      %select_n3A_2375 = arith.select %and3A_2372, %sub3A_2374, %div3A_2353 : i32
      %jit3A_2376 = arith.constant 2 : i32
      %eq3A_2377 = arith.constant 0 : i32
      %eq3A_2378 = arith.cmpi eq, %jit3A_2376, %eq3A_2377 : i32
      %jit3A_2379 = arith.constant 1 : i32
      %select_n3A_2380 = arith.select %eq3A_2378, %jit3A_2379, %jit3A_2376 : i32
      %rem3A_2381 = arith.remsi %add3A_2351, %select_n3A_2380 : i32
      %ne3A_2382 = arith.constant 0 : i32
      %ne3A_2383 = arith.cmpi ne, %rem3A_2381, %ne3A_2382 : i32
      %lt3A_2384 = arith.constant 0 : i32
      %lt3A_2385 = arith.cmpi slt, %rem3A_2381, %lt3A_2384 : i32
      %lt3A_2386 = arith.constant 0 : i32
      %lt3A_2387 = arith.cmpi slt, %select_n3A_2380, %lt3A_2386 : i32
      %ne3A_2388 = arith.xori %lt3A_2385, %lt3A_2387 : i1
      %and3A_2389 = arith.andi %ne3A_2388, %ne3A_2383 : i1
      %add3A_2390 = arith.addi %rem3A_2381, %select_n3A_2380 : i32
      %select_n3A_2391 = arith.select %and3A_2389, %add3A_2390, %rem3A_2381 : i32
      %mul3A_2392 = arith.constant 64 : i32
      %mul3A_2393 = arith.muli %select_n3A_2391, %mul3A_2392 : i32
      %dma_start3A_2394 = arith.constant 3 : i32
      %dma_start3A_2395 = arith.constant 3 : i32
      %dma_start3A_2396 = arith.constant 0 : i32
      %dma_start3A_2397 = arith.constant 0 : i32
      %dma_start3A_2398 = tpu.memref_slice %arg6[%dma_start3A_2394, %dma_start3A_2396, %dma_start3A_2397] : memref<10x64x128xf32, #tpu.memory_space<vmem>> -> memref<1x64x128xf32, #tpu.memory_space<vmem>>
      %dma_start3A_2399 = tpu.memref_squeeze %dma_start3A_2398 : memref<1x64x128xf32, #tpu.memory_space<vmem>> -> memref<64x128xf32, #tpu.memory_space<vmem>>
      %dma_start3A_2400 = tpu.memref_slice %arg5[%select_n3A_2375, %mul3A_2393] : memref<50x128xi32, #tpu.memory_space<vmem>> -> memref<1x64xi32, #tpu.memory_space<vmem>>
      %dma_start3A_2401 = tpu.memref_squeeze %dma_start3A_2400 : memref<1x64xi32, #tpu.memory_space<vmem>> -> memref<64xi32, #tpu.memory_space<vmem>>
      %dma_start3A_2402 = arith.constant 0 : i32
      %dma_start3A_2403 = arith.constant 0 : i32
      %dma_start3A_2404 = tpu.memref_slice %arg3[%dma_start3A_2402, %dma_start3A_2403] : memref<100000x128xf32, #tpu.memory_space<hbm>> -> memref<100000x128xf32, #tpu.memory_space<hbm>>
      %dma_start3A_2405 = tpu.memref_slice %arg7[%dma_start3A_2395] : memref<10x!tpu.dma_semaphore, #tpu.memory_space<semaphore_mem>> -> memref<1x!tpu.dma_semaphore, #tpu.memory_space<semaphore_mem>>
      %dma_start3A_2406 = tpu.memref_squeeze %dma_start3A_2405 : memref<1x!tpu.dma_semaphore, #tpu.memory_space<semaphore_mem>> -> memref<!tpu.dma_semaphore, #tpu.memory_space<semaphore_mem>>
      tpu.enqueue_indirect_dma source(%dma_start3A_2404 : memref<100000x128xf32, #tpu.memory_space<hbm>>) target(%dma_start3A_2399 : memref<64x128xf32, #tpu.memory_space<vmem>>) offsets(%dma_start3A_2401 : memref<64xi32, #tpu.memory_space<vmem>>) semaphore(%dma_start3A_2406 : memref<!tpu.dma_semaphore, #tpu.memory_space<semaphore_mem>>)
      %add3A_2407 = arith.constant 4 : i32
      %add3A_2408 = arith.addi %mul3A_728, %add3A_2407 : i32
      %jit3A_2409 = arith.constant 2 : i32
      %div3A_2410 = arith.divsi %add3A_2408, %jit3A_2409 : i32
      %sign3A_2411 = arith.constant 0 : i32
      %sign3A_2412 = arith.cmpi sgt, %add3A_2408, %sign3A_2411 : i32
      %sign3A_2413 = arith.extui %sign3A_2412 : i1 to i32
      %sign3A_2414 = arith.constant 0 : i32
      %sign3A_2415 = arith.cmpi slt, %add3A_2408, %sign3A_2414 : i32
      %sign3A_2416 = arith.extui %sign3A_2415 : i1 to i32
      %sign3A_2417 = arith.subi %sign3A_2413, %sign3A_2416 : i32
      %sign3A_2418 = arith.constant 0 : i32
      %sign3A_2419 = arith.cmpi sgt, %jit3A_2409, %sign3A_2418 : i32
      %sign3A_2420 = arith.extui %sign3A_2419 : i1 to i32
      %sign3A_2421 = arith.constant 0 : i32
      %sign3A_2422 = arith.cmpi slt, %jit3A_2409, %sign3A_2421 : i32
      %sign3A_2423 = arith.extui %sign3A_2422 : i1 to i32
      %sign3A_2424 = arith.subi %sign3A_2420, %sign3A_2423 : i32
      %ne3A_2425 = arith.cmpi ne, %sign3A_2417, %sign3A_2424 : i32
      %rem3A_2426 = arith.remsi %add3A_2408, %jit3A_2409 : i32
      %ne3A_2427 = arith.constant 0 : i32
      %ne3A_2428 = arith.cmpi ne, %rem3A_2426, %ne3A_2427 : i32
      %and3A_2429 = arith.andi %ne3A_2425, %ne3A_2428 : i1
      %sub3A_2430 = arith.constant 1 : i32
      %sub3A_2431 = arith.subi %div3A_2410, %sub3A_2430 : i32
      %select_n3A_2432 = arith.select %and3A_2429, %sub3A_2431, %div3A_2410 : i32
      %jit3A_2433 = arith.constant 2 : i32
      %eq3A_2434 = arith.constant 0 : i32
      %eq3A_2435 = arith.cmpi eq, %jit3A_2433, %eq3A_2434 : i32
      %jit3A_2436 = arith.constant 1 : i32
      %select_n3A_2437 = arith.select %eq3A_2435, %jit3A_2436, %jit3A_2433 : i32
      %rem3A_2438 = arith.remsi %add3A_2408, %select_n3A_2437 : i32
      %ne3A_2439 = arith.constant 0 : i32
      %ne3A_2440 = arith.cmpi ne, %rem3A_2438, %ne3A_2439 : i32
      %lt3A_2441 = arith.constant 0 : i32
      %lt3A_2442 = arith.cmpi slt, %rem3A_2438, %lt3A_2441 : i32
      %lt3A_2443 = arith.constant 0 : i32
      %lt3A_2444 = arith.cmpi slt, %select_n3A_2437, %lt3A_2443 : i32
      %ne3A_2445 = arith.xori %lt3A_2442, %lt3A_2444 : i1
      %and3A_2446 = arith.andi %ne3A_2445, %ne3A_2440 : i1
      %add3A_2447 = arith.addi %rem3A_2438, %select_n3A_2437 : i32
      %select_n3A_2448 = arith.select %and3A_2446, %add3A_2447, %rem3A_2438 : i32
      %mul3A_2449 = arith.constant 64 : i32
      %mul3A_2450 = arith.muli %select_n3A_2448, %mul3A_2449 : i32
      %add3A_2451 = arith.addi %mul3A_2, %mul3A_2450 : i32
      %dma_wait3A_2452 = arith.constant 4 : i32
      %dma_wait3A_2453 = arith.constant 4 : i32
      %dma_wait3A_2454 = arith.constant 0 : i32
      %dma_wait3A_2455 = arith.constant 0 : i32
      %dma_wait3A_2456 = tpu.memref_slice %arg6[%dma_wait3A_2452, %dma_wait3A_2454, %dma_wait3A_2455] : memref<10x64x128xf32, #tpu.memory_space<vmem>> -> memref<1x64x128xf32, #tpu.memory_space<vmem>>
      %dma_wait3A_2457 = tpu.memref_squeeze %dma_wait3A_2456 : memref<1x64x128xf32, #tpu.memory_space<vmem>> -> memref<64x128xf32, #tpu.memory_space<vmem>>
      %dma_wait3A_2458 = arith.constant 0 : i32
      %dma_wait3A_2459 = tpu.memref_slice %arg4[%select_n3A_2432, %add3A_2451, %dma_wait3A_2458] : memref<50x4096x128xf32, #tpu.memory_space<hbm>> -> memref<1x64x128xf32, #tpu.memory_space<hbm>>
      %dma_wait3A_2460 = tpu.memref_squeeze %dma_wait3A_2459 : memref<1x64x128xf32, #tpu.memory_space<hbm>> -> memref<64x128xf32, #tpu.memory_space<hbm>>
      %dma_wait3A_2461 = tpu.memref_slice %arg8[%dma_wait3A_2453] : memref<10x!tpu.dma_semaphore, #tpu.memory_space<semaphore_mem>> -> memref<1x!tpu.dma_semaphore, #tpu.memory_space<semaphore_mem>>
      %dma_wait3A_2462 = tpu.memref_squeeze %dma_wait3A_2461 : memref<1x!tpu.dma_semaphore, #tpu.memory_space<semaphore_mem>> -> memref<!tpu.dma_semaphore, #tpu.memory_space<semaphore_mem>>
      %dma_wait3A_2463 = arith.constant 0 : i32
      %dma_wait3A_2464 = tpu.memref_slice %arg4[%select_n3A_2432, %add3A_2451, %dma_wait3A_2463] : memref<50x4096x128xf32, #tpu.memory_space<hbm>> -> memref<1x64x128xf32, #tpu.memory_space<hbm>>
      %dma_wait3A_2465 = tpu.memref_squeeze %dma_wait3A_2464 : memref<1x64x128xf32, #tpu.memory_space<hbm>> -> memref<64x128xf32, #tpu.memory_space<hbm>>
      %dma_wait3A_2466 = arith.constant 0 : i32
      %dma_wait3A_2467 = arith.constant 0 : i32
      %dma_wait3A_2468 = tpu.memref_slice %arg6[%dma_wait3A_2452, %dma_wait3A_2466, %dma_wait3A_2467] : memref<10x64x128xf32, #tpu.memory_space<vmem>> -> memref<1x64x128xf32, #tpu.memory_space<vmem>>
      %dma_wait3A_2469 = tpu.memref_squeeze %dma_wait3A_2468 : memref<1x64x128xf32, #tpu.memory_space<vmem>> -> memref<64x128xf32, #tpu.memory_space<vmem>>
      tpu.wait_dma2 semaphore(%dma_wait3A_2462 : memref<!tpu.dma_semaphore, #tpu.memory_space<semaphore_mem>>) src(%dma_wait3A_2469 : memref<64x128xf32, #tpu.memory_space<vmem>>) dst(%dma_wait3A_2465 : memref<64x128xf32, #tpu.memory_space<hbm>>)
      %add3A_2470 = arith.constant 10 : i32
      %add3A_2471 = arith.addi %mul3A_728, %add3A_2470 : i32
      %add3A_2472 = arith.constant 4 : i32
      %add3A_2473 = arith.addi %add3A_2471, %add3A_2472 : i32
      %jit3A_2474 = arith.constant 2 : i32
      %div3A_2475 = arith.divsi %add3A_2473, %jit3A_2474 : i32
      %sign3A_2476 = arith.constant 0 : i32
      %sign3A_2477 = arith.cmpi sgt, %add3A_2473, %sign3A_2476 : i32
      %sign3A_2478 = arith.extui %sign3A_2477 : i1 to i32
      %sign3A_2479 = arith.constant 0 : i32
      %sign3A_2480 = arith.cmpi slt, %add3A_2473, %sign3A_2479 : i32
      %sign3A_2481 = arith.extui %sign3A_2480 : i1 to i32
      %sign3A_2482 = arith.subi %sign3A_2478, %sign3A_2481 : i32
      %sign3A_2483 = arith.constant 0 : i32
      %sign3A_2484 = arith.cmpi sgt, %jit3A_2474, %sign3A_2483 : i32
      %sign3A_2485 = arith.extui %sign3A_2484 : i1 to i32
      %sign3A_2486 = arith.constant 0 : i32
      %sign3A_2487 = arith.cmpi slt, %jit3A_2474, %sign3A_2486 : i32
      %sign3A_2488 = arith.extui %sign3A_2487 : i1 to i32
      %sign3A_2489 = arith.subi %sign3A_2485, %sign3A_2488 : i32
      %ne3A_2490 = arith.cmpi ne, %sign3A_2482, %sign3A_2489 : i32
      %rem3A_2491 = arith.remsi %add3A_2473, %jit3A_2474 : i32
      %ne3A_2492 = arith.constant 0 : i32
      %ne3A_2493 = arith.cmpi ne, %rem3A_2491, %ne3A_2492 : i32
      %and3A_2494 = arith.andi %ne3A_2490, %ne3A_2493 : i1
      %sub3A_2495 = arith.constant 1 : i32
      %sub3A_2496 = arith.subi %div3A_2475, %sub3A_2495 : i32
      %select_n3A_2497 = arith.select %and3A_2494, %sub3A_2496, %div3A_2475 : i32
      %jit3A_2498 = arith.constant 2 : i32
      %eq3A_2499 = arith.constant 0 : i32
      %eq3A_2500 = arith.cmpi eq, %jit3A_2498, %eq3A_2499 : i32
      %jit3A_2501 = arith.constant 1 : i32
      %select_n3A_2502 = arith.select %eq3A_2500, %jit3A_2501, %jit3A_2498 : i32
      %rem3A_2503 = arith.remsi %add3A_2473, %select_n3A_2502 : i32
      %ne3A_2504 = arith.constant 0 : i32
      %ne3A_2505 = arith.cmpi ne, %rem3A_2503, %ne3A_2504 : i32
      %lt3A_2506 = arith.constant 0 : i32
      %lt3A_2507 = arith.cmpi slt, %rem3A_2503, %lt3A_2506 : i32
      %lt3A_2508 = arith.constant 0 : i32
      %lt3A_2509 = arith.cmpi slt, %select_n3A_2502, %lt3A_2508 : i32
      %ne3A_2510 = arith.xori %lt3A_2507, %lt3A_2509 : i1
      %and3A_2511 = arith.andi %ne3A_2510, %ne3A_2505 : i1
      %add3A_2512 = arith.addi %rem3A_2503, %select_n3A_2502 : i32
      %select_n3A_2513 = arith.select %and3A_2511, %add3A_2512, %rem3A_2503 : i32
      %mul3A_2514 = arith.constant 64 : i32
      %mul3A_2515 = arith.muli %select_n3A_2513, %mul3A_2514 : i32
      %dma_start3A_2516 = arith.constant 4 : i32
      %dma_start3A_2517 = arith.constant 4 : i32
      %dma_start3A_2518 = arith.constant 0 : i32
      %dma_start3A_2519 = arith.constant 0 : i32
      %dma_start3A_2520 = tpu.memref_slice %arg6[%dma_start3A_2516, %dma_start3A_2518, %dma_start3A_2519] : memref<10x64x128xf32, #tpu.memory_space<vmem>> -> memref<1x64x128xf32, #tpu.memory_space<vmem>>
      %dma_start3A_2521 = tpu.memref_squeeze %dma_start3A_2520 : memref<1x64x128xf32, #tpu.memory_space<vmem>> -> memref<64x128xf32, #tpu.memory_space<vmem>>
      %dma_start3A_2522 = tpu.memref_slice %arg5[%select_n3A_2497, %mul3A_2515] : memref<50x128xi32, #tpu.memory_space<vmem>> -> memref<1x64xi32, #tpu.memory_space<vmem>>
      %dma_start3A_2523 = tpu.memref_squeeze %dma_start3A_2522 : memref<1x64xi32, #tpu.memory_space<vmem>> -> memref<64xi32, #tpu.memory_space<vmem>>
      %dma_start3A_2524 = arith.constant 0 : i32
      %dma_start3A_2525 = arith.constant 0 : i32
      %dma_start3A_2526 = tpu.memref_slice %arg3[%dma_start3A_2524, %dma_start3A_2525] : memref<100000x128xf32, #tpu.memory_space<hbm>> -> memref<100000x128xf32, #tpu.memory_space<hbm>>
      %dma_start3A_2527 = tpu.memref_slice %arg7[%dma_start3A_2517] : memref<10x!tpu.dma_semaphore, #tpu.memory_space<semaphore_mem>> -> memref<1x!tpu.dma_semaphore, #tpu.memory_space<semaphore_mem>>
      %dma_start3A_2528 = tpu.memref_squeeze %dma_start3A_2527 : memref<1x!tpu.dma_semaphore, #tpu.memory_space<semaphore_mem>> -> memref<!tpu.dma_semaphore, #tpu.memory_space<semaphore_mem>>
      tpu.enqueue_indirect_dma source(%dma_start3A_2526 : memref<100000x128xf32, #tpu.memory_space<hbm>>) target(%dma_start3A_2521 : memref<64x128xf32, #tpu.memory_space<vmem>>) offsets(%dma_start3A_2523 : memref<64xi32, #tpu.memory_space<vmem>>) semaphore(%dma_start3A_2528 : memref<!tpu.dma_semaphore, #tpu.memory_space<semaphore_mem>>)
      %add3A_2529 = arith.constant 5 : i32
      %add3A_2530 = arith.addi %mul3A_728, %add3A_2529 : i32
      %jit3A_2531 = arith.constant 2 : i32
      %div3A_2532 = arith.divsi %add3A_2530, %jit3A_2531 : i32
      %sign3A_2533 = arith.constant 0 : i32
      %sign3A_2534 = arith.cmpi sgt, %add3A_2530, %sign3A_2533 : i32
      %sign3A_2535 = arith.extui %sign3A_2534 : i1 to i32
      %sign3A_2536 = arith.constant 0 : i32
      %sign3A_2537 = arith.cmpi slt, %add3A_2530, %sign3A_2536 : i32
      %sign3A_2538 = arith.extui %sign3A_2537 : i1 to i32
      %sign3A_2539 = arith.subi %sign3A_2535, %sign3A_2538 : i32
      %sign3A_2540 = arith.constant 0 : i32
      %sign3A_2541 = arith.cmpi sgt, %jit3A_2531, %sign3A_2540 : i32
      %sign3A_2542 = arith.extui %sign3A_2541 : i1 to i32
      %sign3A_2543 = arith.constant 0 : i32
      %sign3A_2544 = arith.cmpi slt, %jit3A_2531, %sign3A_2543 : i32
      %sign3A_2545 = arith.extui %sign3A_2544 : i1 to i32
      %sign3A_2546 = arith.subi %sign3A_2542, %sign3A_2545 : i32
      %ne3A_2547 = arith.cmpi ne, %sign3A_2539, %sign3A_2546 : i32
      %rem3A_2548 = arith.remsi %add3A_2530, %jit3A_2531 : i32
      %ne3A_2549 = arith.constant 0 : i32
      %ne3A_2550 = arith.cmpi ne, %rem3A_2548, %ne3A_2549 : i32
      %and3A_2551 = arith.andi %ne3A_2547, %ne3A_2550 : i1
      %sub3A_2552 = arith.constant 1 : i32
      %sub3A_2553 = arith.subi %div3A_2532, %sub3A_2552 : i32
      %select_n3A_2554 = arith.select %and3A_2551, %sub3A_2553, %div3A_2532 : i32
      %jit3A_2555 = arith.constant 2 : i32
      %eq3A_2556 = arith.constant 0 : i32
      %eq3A_2557 = arith.cmpi eq, %jit3A_2555, %eq3A_2556 : i32
      %jit3A_2558 = arith.constant 1 : i32
      %select_n3A_2559 = arith.select %eq3A_2557, %jit3A_2558, %jit3A_2555 : i32
      %rem3A_2560 = arith.remsi %add3A_2530, %select_n3A_2559 : i32
      %ne3A_2561 = arith.constant 0 : i32
      %ne3A_2562 = arith.cmpi ne, %rem3A_2560, %ne3A_2561 : i32
      %lt3A_2563 = arith.constant 0 : i32
      %lt3A_2564 = arith.cmpi slt, %rem3A_2560, %lt3A_2563 : i32
      %lt3A_2565 = arith.constant 0 : i32
      %lt3A_2566 = arith.cmpi slt, %select_n3A_2559, %lt3A_2565 : i32
      %ne3A_2567 = arith.xori %lt3A_2564, %lt3A_2566 : i1
      %and3A_2568 = arith.andi %ne3A_2567, %ne3A_2562 : i1
      %add3A_2569 = arith.addi %rem3A_2560, %select_n3A_2559 : i32
      %select_n3A_2570 = arith.select %and3A_2568, %add3A_2569, %rem3A_2560 : i32
      %mul3A_2571 = arith.constant 64 : i32
      %mul3A_2572 = arith.muli %select_n3A_2570, %mul3A_2571 : i32
      %add3A_2573 = arith.addi %mul3A_2, %mul3A_2572 : i32
      %dma_wait3A_2574 = arith.constant 5 : i32
      %dma_wait3A_2575 = arith.constant 5 : i32
      %dma_wait3A_2576 = arith.constant 0 : i32
      %dma_wait3A_2577 = arith.constant 0 : i32
      %dma_wait3A_2578 = tpu.memref_slice %arg6[%dma_wait3A_2574, %dma_wait3A_2576, %dma_wait3A_2577] : memref<10x64x128xf32, #tpu.memory_space<vmem>> -> memref<1x64x128xf32, #tpu.memory_space<vmem>>
      %dma_wait3A_2579 = tpu.memref_squeeze %dma_wait3A_2578 : memref<1x64x128xf32, #tpu.memory_space<vmem>> -> memref<64x128xf32, #tpu.memory_space<vmem>>
      %dma_wait3A_2580 = arith.constant 0 : i32
      %dma_wait3A_2581 = tpu.memref_slice %arg4[%select_n3A_2554, %add3A_2573, %dma_wait3A_2580] : memref<50x4096x128xf32, #tpu.memory_space<hbm>> -> memref<1x64x128xf32, #tpu.memory_space<hbm>>
      %dma_wait3A_2582 = tpu.memref_squeeze %dma_wait3A_2581 : memref<1x64x128xf32, #tpu.memory_space<hbm>> -> memref<64x128xf32, #tpu.memory_space<hbm>>
      %dma_wait3A_2583 = tpu.memref_slice %arg8[%dma_wait3A_2575] : memref<10x!tpu.dma_semaphore, #tpu.memory_space<semaphore_mem>> -> memref<1x!tpu.dma_semaphore, #tpu.memory_space<semaphore_mem>>
      %dma_wait3A_2584 = tpu.memref_squeeze %dma_wait3A_2583 : memref<1x!tpu.dma_semaphore, #tpu.memory_space<semaphore_mem>> -> memref<!tpu.dma_semaphore, #tpu.memory_space<semaphore_mem>>
      %dma_wait3A_2585 = arith.constant 0 : i32
      %dma_wait3A_2586 = tpu.memref_slice %arg4[%select_n3A_2554, %add3A_2573, %dma_wait3A_2585] : memref<50x4096x128xf32, #tpu.memory_space<hbm>> -> memref<1x64x128xf32, #tpu.memory_space<hbm>>
      %dma_wait3A_2587 = tpu.memref_squeeze %dma_wait3A_2586 : memref<1x64x128xf32, #tpu.memory_space<hbm>> -> memref<64x128xf32, #tpu.memory_space<hbm>>
      %dma_wait3A_2588 = arith.constant 0 : i32
      %dma_wait3A_2589 = arith.constant 0 : i32
      %dma_wait3A_2590 = tpu.memref_slice %arg6[%dma_wait3A_2574, %dma_wait3A_2588, %dma_wait3A_2589] : memref<10x64x128xf32, #tpu.memory_space<vmem>> -> memref<1x64x128xf32, #tpu.memory_space<vmem>>
      %dma_wait3A_2591 = tpu.memref_squeeze %dma_wait3A_2590 : memref<1x64x128xf32, #tpu.memory_space<vmem>> -> memref<64x128xf32, #tpu.memory_space<vmem>>
      tpu.wait_dma2 semaphore(%dma_wait3A_2584 : memref<!tpu.dma_semaphore, #tpu.memory_space<semaphore_mem>>) src(%dma_wait3A_2591 : memref<64x128xf32, #tpu.memory_space<vmem>>) dst(%dma_wait3A_2587 : memref<64x128xf32, #tpu.memory_space<hbm>>)
      %add3A_2592 = arith.constant 10 : i32
      %add3A_2593 = arith.addi %mul3A_728, %add3A_2592 : i32
      %add3A_2594 = arith.constant 5 : i32
      %add3A_2595 = arith.addi %add3A_2593, %add3A_2594 : i32
      %jit3A_2596 = arith.constant 2 : i32
      %div3A_2597 = arith.divsi %add3A_2595, %jit3A_2596 : i32
      %sign3A_2598 = arith.constant 0 : i32
      %sign3A_2599 = arith.cmpi sgt, %add3A_2595, %sign3A_2598 : i32
      %sign3A_2600 = arith.extui %sign3A_2599 : i1 to i32
      %sign3A_2601 = arith.constant 0 : i32
      %sign3A_2602 = arith.cmpi slt, %add3A_2595, %sign3A_2601 : i32
      %sign3A_2603 = arith.extui %sign3A_2602 : i1 to i32
      %sign3A_2604 = arith.subi %sign3A_2600, %sign3A_2603 : i32
      %sign3A_2605 = arith.constant 0 : i32
      %sign3A_2606 = arith.cmpi sgt, %jit3A_2596, %sign3A_2605 : i32
      %sign3A_2607 = arith.extui %sign3A_2606 : i1 to i32
      %sign3A_2608 = arith.constant 0 : i32
      %sign3A_2609 = arith.cmpi slt, %jit3A_2596, %sign3A_2608 : i32
      %sign3A_2610 = arith.extui %sign3A_2609 : i1 to i32
      %sign3A_2611 = arith.subi %sign3A_2607, %sign3A_2610 : i32
      %ne3A_2612 = arith.cmpi ne, %sign3A_2604, %sign3A_2611 : i32
      %rem3A_2613 = arith.remsi %add3A_2595, %jit3A_2596 : i32
      %ne3A_2614 = arith.constant 0 : i32
      %ne3A_2615 = arith.cmpi ne, %rem3A_2613, %ne3A_2614 : i32
      %and3A_2616 = arith.andi %ne3A_2612, %ne3A_2615 : i1
      %sub3A_2617 = arith.constant 1 : i32
      %sub3A_2618 = arith.subi %div3A_2597, %sub3A_2617 : i32
      %select_n3A_2619 = arith.select %and3A_2616, %sub3A_2618, %div3A_2597 : i32
      %jit3A_2620 = arith.constant 2 : i32
      %eq3A_2621 = arith.constant 0 : i32
      %eq3A_2622 = arith.cmpi eq, %jit3A_2620, %eq3A_2621 : i32
      %jit3A_2623 = arith.constant 1 : i32
      %select_n3A_2624 = arith.select %eq3A_2622, %jit3A_2623, %jit3A_2620 : i32
      %rem3A_2625 = arith.remsi %add3A_2595, %select_n3A_2624 : i32
      %ne3A_2626 = arith.constant 0 : i32
      %ne3A_2627 = arith.cmpi ne, %rem3A_2625, %ne3A_2626 : i32
      %lt3A_2628 = arith.constant 0 : i32
      %lt3A_2629 = arith.cmpi slt, %rem3A_2625, %lt3A_2628 : i32
      %lt3A_2630 = arith.constant 0 : i32
      %lt3A_2631 = arith.cmpi slt, %select_n3A_2624, %lt3A_2630 : i32
      %ne3A_2632 = arith.xori %lt3A_2629, %lt3A_2631 : i1
      %and3A_2633 = arith.andi %ne3A_2632, %ne3A_2627 : i1
      %add3A_2634 = arith.addi %rem3A_2625, %select_n3A_2624 : i32
      %select_n3A_2635 = arith.select %and3A_2633, %add3A_2634, %rem3A_2625 : i32
      %mul3A_2636 = arith.constant 64 : i32
      %mul3A_2637 = arith.muli %select_n3A_2635, %mul3A_2636 : i32
      %dma_start3A_2638 = arith.constant 5 : i32
      %dma_start3A_2639 = arith.constant 5 : i32
      %dma_start3A_2640 = arith.constant 0 : i32
      %dma_start3A_2641 = arith.constant 0 : i32
      %dma_start3A_2642 = tpu.memref_slice %arg6[%dma_start3A_2638, %dma_start3A_2640, %dma_start3A_2641] : memref<10x64x128xf32, #tpu.memory_space<vmem>> -> memref<1x64x128xf32, #tpu.memory_space<vmem>>
      %dma_start3A_2643 = tpu.memref_squeeze %dma_start3A_2642 : memref<1x64x128xf32, #tpu.memory_space<vmem>> -> memref<64x128xf32, #tpu.memory_space<vmem>>
      %dma_start3A_2644 = tpu.memref_slice %arg5[%select_n3A_2619, %mul3A_2637] : memref<50x128xi32, #tpu.memory_space<vmem>> -> memref<1x64xi32, #tpu.memory_space<vmem>>
      %dma_start3A_2645 = tpu.memref_squeeze %dma_start3A_2644 : memref<1x64xi32, #tpu.memory_space<vmem>> -> memref<64xi32, #tpu.memory_space<vmem>>
      %dma_start3A_2646 = arith.constant 0 : i32
      %dma_start3A_2647 = arith.constant 0 : i32
      %dma_start3A_2648 = tpu.memref_slice %arg3[%dma_start3A_2646, %dma_start3A_2647] : memref<100000x128xf32, #tpu.memory_space<hbm>> -> memref<100000x128xf32, #tpu.memory_space<hbm>>
      %dma_start3A_2649 = tpu.memref_slice %arg7[%dma_start3A_2639] : memref<10x!tpu.dma_semaphore, #tpu.memory_space<semaphore_mem>> -> memref<1x!tpu.dma_semaphore, #tpu.memory_space<semaphore_mem>>
      %dma_start3A_2650 = tpu.memref_squeeze %dma_start3A_2649 : memref<1x!tpu.dma_semaphore, #tpu.memory_space<semaphore_mem>> -> memref<!tpu.dma_semaphore, #tpu.memory_space<semaphore_mem>>
      tpu.enqueue_indirect_dma source(%dma_start3A_2648 : memref<100000x128xf32, #tpu.memory_space<hbm>>) target(%dma_start3A_2643 : memref<64x128xf32, #tpu.memory_space<vmem>>) offsets(%dma_start3A_2645 : memref<64xi32, #tpu.memory_space<vmem>>) semaphore(%dma_start3A_2650 : memref<!tpu.dma_semaphore, #tpu.memory_space<semaphore_mem>>)
      %add3A_2651 = arith.constant 6 : i32
      %add3A_2652 = arith.addi %mul3A_728, %add3A_2651 : i32
      %jit3A_2653 = arith.constant 2 : i32
      %div3A_2654 = arith.divsi %add3A_2652, %jit3A_2653 : i32
      %sign3A_2655 = arith.constant 0 : i32
      %sign3A_2656 = arith.cmpi sgt, %add3A_2652, %sign3A_2655 : i32
      %sign3A_2657 = arith.extui %sign3A_2656 : i1 to i32
      %sign3A_2658 = arith.constant 0 : i32
      %sign3A_2659 = arith.cmpi slt, %add3A_2652, %sign3A_2658 : i32
      %sign3A_2660 = arith.extui %sign3A_2659 : i1 to i32
      %sign3A_2661 = arith.subi %sign3A_2657, %sign3A_2660 : i32
      %sign3A_2662 = arith.constant 0 : i32
      %sign3A_2663 = arith.cmpi sgt, %jit3A_2653, %sign3A_2662 : i32
      %sign3A_2664 = arith.extui %sign3A_2663 : i1 to i32
      %sign3A_2665 = arith.constant 0 : i32
      %sign3A_2666 = arith.cmpi slt, %jit3A_2653, %sign3A_2665 : i32
      %sign3A_2667 = arith.extui %sign3A_2666 : i1 to i32
      %sign3A_2668 = arith.subi %sign3A_2664, %sign3A_2667 : i32
      %ne3A_2669 = arith.cmpi ne, %sign3A_2661, %sign3A_2668 : i32
      %rem3A_2670 = arith.remsi %add3A_2652, %jit3A_2653 : i32
      %ne3A_2671 = arith.constant 0 : i32
      %ne3A_2672 = arith.cmpi ne, %rem3A_2670, %ne3A_2671 : i32
      %and3A_2673 = arith.andi %ne3A_2669, %ne3A_2672 : i1
      %sub3A_2674 = arith.constant 1 : i32
      %sub3A_2675 = arith.subi %div3A_2654, %sub3A_2674 : i32
      %select_n3A_2676 = arith.select %and3A_2673, %sub3A_2675, %div3A_2654 : i32
      %jit3A_2677 = arith.constant 2 : i32
      %eq3A_2678 = arith.constant 0 : i32
      %eq3A_2679 = arith.cmpi eq, %jit3A_2677, %eq3A_2678 : i32
      %jit3A_2680 = arith.constant 1 : i32
      %select_n3A_2681 = arith.select %eq3A_2679, %jit3A_2680, %jit3A_2677 : i32
      %rem3A_2682 = arith.remsi %add3A_2652, %select_n3A_2681 : i32
      %ne3A_2683 = arith.constant 0 : i32
      %ne3A_2684 = arith.cmpi ne, %rem3A_2682, %ne3A_2683 : i32
      %lt3A_2685 = arith.constant 0 : i32
      %lt3A_2686 = arith.cmpi slt, %rem3A_2682, %lt3A_2685 : i32
      %lt3A_2687 = arith.constant 0 : i32
      %lt3A_2688 = arith.cmpi slt, %select_n3A_2681, %lt3A_2687 : i32
      %ne3A_2689 = arith.xori %lt3A_2686, %lt3A_2688 : i1
      %and3A_2690 = arith.andi %ne3A_2689, %ne3A_2684 : i1
      %add3A_2691 = arith.addi %rem3A_2682, %select_n3A_2681 : i32
      %select_n3A_2692 = arith.select %and3A_2690, %add3A_2691, %rem3A_2682 : i32
      %mul3A_2693 = arith.constant 64 : i32
      %mul3A_2694 = arith.muli %select_n3A_2692, %mul3A_2693 : i32
      %add3A_2695 = arith.addi %mul3A_2, %mul3A_2694 : i32
      %dma_wait3A_2696 = arith.constant 6 : i32
      %dma_wait3A_2697 = arith.constant 6 : i32
      %dma_wait3A_2698 = arith.constant 0 : i32
      %dma_wait3A_2699 = arith.constant 0 : i32
      %dma_wait3A_2700 = tpu.memref_slice %arg6[%dma_wait3A_2696, %dma_wait3A_2698, %dma_wait3A_2699] : memref<10x64x128xf32, #tpu.memory_space<vmem>> -> memref<1x64x128xf32, #tpu.memory_space<vmem>>
      %dma_wait3A_2701 = tpu.memref_squeeze %dma_wait3A_2700 : memref<1x64x128xf32, #tpu.memory_space<vmem>> -> memref<64x128xf32, #tpu.memory_space<vmem>>
      %dma_wait3A_2702 = arith.constant 0 : i32
      %dma_wait3A_2703 = tpu.memref_slice %arg4[%select_n3A_2676, %add3A_2695, %dma_wait3A_2702] : memref<50x4096x128xf32, #tpu.memory_space<hbm>> -> memref<1x64x128xf32, #tpu.memory_space<hbm>>
      %dma_wait3A_2704 = tpu.memref_squeeze %dma_wait3A_2703 : memref<1x64x128xf32, #tpu.memory_space<hbm>> -> memref<64x128xf32, #tpu.memory_space<hbm>>
      %dma_wait3A_2705 = tpu.memref_slice %arg8[%dma_wait3A_2697] : memref<10x!tpu.dma_semaphore, #tpu.memory_space<semaphore_mem>> -> memref<1x!tpu.dma_semaphore, #tpu.memory_space<semaphore_mem>>
      %dma_wait3A_2706 = tpu.memref_squeeze %dma_wait3A_2705 : memref<1x!tpu.dma_semaphore, #tpu.memory_space<semaphore_mem>> -> memref<!tpu.dma_semaphore, #tpu.memory_space<semaphore_mem>>
      %dma_wait3A_2707 = arith.constant 0 : i32
      %dma_wait3A_2708 = tpu.memref_slice %arg4[%select_n3A_2676, %add3A_2695, %dma_wait3A_2707] : memref<50x4096x128xf32, #tpu.memory_space<hbm>> -> memref<1x64x128xf32, #tpu.memory_space<hbm>>
      %dma_wait3A_2709 = tpu.memref_squeeze %dma_wait3A_2708 : memref<1x64x128xf32, #tpu.memory_space<hbm>> -> memref<64x128xf32, #tpu.memory_space<hbm>>
      %dma_wait3A_2710 = arith.constant 0 : i32
      %dma_wait3A_2711 = arith.constant 0 : i32
      %dma_wait3A_2712 = tpu.memref_slice %arg6[%dma_wait3A_2696, %dma_wait3A_2710, %dma_wait3A_2711] : memref<10x64x128xf32, #tpu.memory_space<vmem>> -> memref<1x64x128xf32, #tpu.memory_space<vmem>>
      %dma_wait3A_2713 = tpu.memref_squeeze %dma_wait3A_2712 : memref<1x64x128xf32, #tpu.memory_space<vmem>> -> memref<64x128xf32, #tpu.memory_space<vmem>>
      tpu.wait_dma2 semaphore(%dma_wait3A_2706 : memref<!tpu.dma_semaphore, #tpu.memory_space<semaphore_mem>>) src(%dma_wait3A_2713 : memref<64x128xf32, #tpu.memory_space<vmem>>) dst(%dma_wait3A_2709 : memref<64x128xf32, #tpu.memory_space<hbm>>)
      %add3A_2714 = arith.constant 10 : i32
      %add3A_2715 = arith.addi %mul3A_728, %add3A_2714 : i32
      %add3A_2716 = arith.constant 6 : i32
      %add3A_2717 = arith.addi %add3A_2715, %add3A_2716 : i32
      %jit3A_2718 = arith.constant 2 : i32
      %div3A_2719 = arith.divsi %add3A_2717, %jit3A_2718 : i32
      %sign3A_2720 = arith.constant 0 : i32
      %sign3A_2721 = arith.cmpi sgt, %add3A_2717, %sign3A_2720 : i32
      %sign3A_2722 = arith.extui %sign3A_2721 : i1 to i32
      %sign3A_2723 = arith.constant 0 : i32
      %sign3A_2724 = arith.cmpi slt, %add3A_2717, %sign3A_2723 : i32
      %sign3A_2725 = arith.extui %sign3A_2724 : i1 to i32
      %sign3A_2726 = arith.subi %sign3A_2722, %sign3A_2725 : i32
      %sign3A_2727 = arith.constant 0 : i32
      %sign3A_2728 = arith.cmpi sgt, %jit3A_2718, %sign3A_2727 : i32
      %sign3A_2729 = arith.extui %sign3A_2728 : i1 to i32
      %sign3A_2730 = arith.constant 0 : i32
      %sign3A_2731 = arith.cmpi slt, %jit3A_2718, %sign3A_2730 : i32
      %sign3A_2732 = arith.extui %sign3A_2731 : i1 to i32
      %sign3A_2733 = arith.subi %sign3A_2729, %sign3A_2732 : i32
      %ne3A_2734 = arith.cmpi ne, %sign3A_2726, %sign3A_2733 : i32
      %rem3A_2735 = arith.remsi %add3A_2717, %jit3A_2718 : i32
      %ne3A_2736 = arith.constant 0 : i32
      %ne3A_2737 = arith.cmpi ne, %rem3A_2735, %ne3A_2736 : i32
      %and3A_2738 = arith.andi %ne3A_2734, %ne3A_2737 : i1
      %sub3A_2739 = arith.constant 1 : i32
      %sub3A_2740 = arith.subi %div3A_2719, %sub3A_2739 : i32
      %select_n3A_2741 = arith.select %and3A_2738, %sub3A_2740, %div3A_2719 : i32
      %jit3A_2742 = arith.constant 2 : i32
      %eq3A_2743 = arith.constant 0 : i32
      %eq3A_2744 = arith.cmpi eq, %jit3A_2742, %eq3A_2743 : i32
      %jit3A_2745 = arith.constant 1 : i32
      %select_n3A_2746 = arith.select %eq3A_2744, %jit3A_2745, %jit3A_2742 : i32
      %rem3A_2747 = arith.remsi %add3A_2717, %select_n3A_2746 : i32
      %ne3A_2748 = arith.constant 0 : i32
      %ne3A_2749 = arith.cmpi ne, %rem3A_2747, %ne3A_2748 : i32
      %lt3A_2750 = arith.constant 0 : i32
      %lt3A_2751 = arith.cmpi slt, %rem3A_2747, %lt3A_2750 : i32
      %lt3A_2752 = arith.constant 0 : i32
      %lt3A_2753 = arith.cmpi slt, %select_n3A_2746, %lt3A_2752 : i32
      %ne3A_2754 = arith.xori %lt3A_2751, %lt3A_2753 : i1
      %and3A_2755 = arith.andi %ne3A_2754, %ne3A_2749 : i1
      %add3A_2756 = arith.addi %rem3A_2747, %select_n3A_2746 : i32
      %select_n3A_2757 = arith.select %and3A_2755, %add3A_2756, %rem3A_2747 : i32
      %mul3A_2758 = arith.constant 64 : i32
      %mul3A_2759 = arith.muli %select_n3A_2757, %mul3A_2758 : i32
      %dma_start3A_2760 = arith.constant 6 : i32
      %dma_start3A_2761 = arith.constant 6 : i32
      %dma_start3A_2762 = arith.constant 0 : i32
      %dma_start3A_2763 = arith.constant 0 : i32
      %dma_start3A_2764 = tpu.memref_slice %arg6[%dma_start3A_2760, %dma_start3A_2762, %dma_start3A_2763] : memref<10x64x128xf32, #tpu.memory_space<vmem>> -> memref<1x64x128xf32, #tpu.memory_space<vmem>>
      %dma_start3A_2765 = tpu.memref_squeeze %dma_start3A_2764 : memref<1x64x128xf32, #tpu.memory_space<vmem>> -> memref<64x128xf32, #tpu.memory_space<vmem>>
      %dma_start3A_2766 = tpu.memref_slice %arg5[%select_n3A_2741, %mul3A_2759] : memref<50x128xi32, #tpu.memory_space<vmem>> -> memref<1x64xi32, #tpu.memory_space<vmem>>
      %dma_start3A_2767 = tpu.memref_squeeze %dma_start3A_2766 : memref<1x64xi32, #tpu.memory_space<vmem>> -> memref<64xi32, #tpu.memory_space<vmem>>
      %dma_start3A_2768 = arith.constant 0 : i32
      %dma_start3A_2769 = arith.constant 0 : i32
      %dma_start3A_2770 = tpu.memref_slice %arg3[%dma_start3A_2768, %dma_start3A_2769] : memref<100000x128xf32, #tpu.memory_space<hbm>> -> memref<100000x128xf32, #tpu.memory_space<hbm>>
      %dma_start3A_2771 = tpu.memref_slice %arg7[%dma_start3A_2761] : memref<10x!tpu.dma_semaphore, #tpu.memory_space<semaphore_mem>> -> memref<1x!tpu.dma_semaphore, #tpu.memory_space<semaphore_mem>>
      %dma_start3A_2772 = tpu.memref_squeeze %dma_start3A_2771 : memref<1x!tpu.dma_semaphore, #tpu.memory_space<semaphore_mem>> -> memref<!tpu.dma_semaphore, #tpu.memory_space<semaphore_mem>>
      tpu.enqueue_indirect_dma source(%dma_start3A_2770 : memref<100000x128xf32, #tpu.memory_space<hbm>>) target(%dma_start3A_2765 : memref<64x128xf32, #tpu.memory_space<vmem>>) offsets(%dma_start3A_2767 : memref<64xi32, #tpu.memory_space<vmem>>) semaphore(%dma_start3A_2772 : memref<!tpu.dma_semaphore, #tpu.memory_space<semaphore_mem>>)
      %add3A_2773 = arith.constant 7 : i32
      %add3A_2774 = arith.addi %mul3A_728, %add3A_2773 : i32
      %jit3A_2775 = arith.constant 2 : i32
      %div3A_2776 = arith.divsi %add3A_2774, %jit3A_2775 : i32
      %sign3A_2777 = arith.constant 0 : i32
      %sign3A_2778 = arith.cmpi sgt, %add3A_2774, %sign3A_2777 : i32
      %sign3A_2779 = arith.extui %sign3A_2778 : i1 to i32
      %sign3A_2780 = arith.constant 0 : i32
      %sign3A_2781 = arith.cmpi slt, %add3A_2774, %sign3A_2780 : i32
      %sign3A_2782 = arith.extui %sign3A_2781 : i1 to i32
      %sign3A_2783 = arith.subi %sign3A_2779, %sign3A_2782 : i32
      %sign3A_2784 = arith.constant 0 : i32
      %sign3A_2785 = arith.cmpi sgt, %jit3A_2775, %sign3A_2784 : i32
      %sign3A_2786 = arith.extui %sign3A_2785 : i1 to i32
      %sign3A_2787 = arith.constant 0 : i32
      %sign3A_2788 = arith.cmpi slt, %jit3A_2775, %sign3A_2787 : i32
      %sign3A_2789 = arith.extui %sign3A_2788 : i1 to i32
      %sign3A_2790 = arith.subi %sign3A_2786, %sign3A_2789 : i32
      %ne3A_2791 = arith.cmpi ne, %sign3A_2783, %sign3A_2790 : i32
      %rem3A_2792 = arith.remsi %add3A_2774, %jit3A_2775 : i32
      %ne3A_2793 = arith.constant 0 : i32
      %ne3A_2794 = arith.cmpi ne, %rem3A_2792, %ne3A_2793 : i32
      %and3A_2795 = arith.andi %ne3A_2791, %ne3A_2794 : i1
      %sub3A_2796 = arith.constant 1 : i32
      %sub3A_2797 = arith.subi %div3A_2776, %sub3A_2796 : i32
      %select_n3A_2798 = arith.select %and3A_2795, %sub3A_2797, %div3A_2776 : i32
      %jit3A_2799 = arith.constant 2 : i32
      %eq3A_2800 = arith.constant 0 : i32
      %eq3A_2801 = arith.cmpi eq, %jit3A_2799, %eq3A_2800 : i32
      %jit3A_2802 = arith.constant 1 : i32
      %select_n3A_2803 = arith.select %eq3A_2801, %jit3A_2802, %jit3A_2799 : i32
      %rem3A_2804 = arith.remsi %add3A_2774, %select_n3A_2803 : i32
      %ne3A_2805 = arith.constant 0 : i32
      %ne3A_2806 = arith.cmpi ne, %rem3A_2804, %ne3A_2805 : i32
      %lt3A_2807 = arith.constant 0 : i32
      %lt3A_2808 = arith.cmpi slt, %rem3A_2804, %lt3A_2807 : i32
      %lt3A_2809 = arith.constant 0 : i32
      %lt3A_2810 = arith.cmpi slt, %select_n3A_2803, %lt3A_2809 : i32
      %ne3A_2811 = arith.xori %lt3A_2808, %lt3A_2810 : i1
      %and3A_2812 = arith.andi %ne3A_2811, %ne3A_2806 : i1
      %add3A_2813 = arith.addi %rem3A_2804, %select_n3A_2803 : i32
      %select_n3A_2814 = arith.select %and3A_2812, %add3A_2813, %rem3A_2804 : i32
      %mul3A_2815 = arith.constant 64 : i32
      %mul3A_2816 = arith.muli %select_n3A_2814, %mul3A_2815 : i32
      %add3A_2817 = arith.addi %mul3A_2, %mul3A_2816 : i32
      %dma_wait3A_2818 = arith.constant 7 : i32
      %dma_wait3A_2819 = arith.constant 7 : i32
      %dma_wait3A_2820 = arith.constant 0 : i32
      %dma_wait3A_2821 = arith.constant 0 : i32
      %dma_wait3A_2822 = tpu.memref_slice %arg6[%dma_wait3A_2818, %dma_wait3A_2820, %dma_wait3A_2821] : memref<10x64x128xf32, #tpu.memory_space<vmem>> -> memref<1x64x128xf32, #tpu.memory_space<vmem>>
      %dma_wait3A_2823 = tpu.memref_squeeze %dma_wait3A_2822 : memref<1x64x128xf32, #tpu.memory_space<vmem>> -> memref<64x128xf32, #tpu.memory_space<vmem>>
      %dma_wait3A_2824 = arith.constant 0 : i32
      %dma_wait3A_2825 = tpu.memref_slice %arg4[%select_n3A_2798, %add3A_2817, %dma_wait3A_2824] : memref<50x4096x128xf32, #tpu.memory_space<hbm>> -> memref<1x64x128xf32, #tpu.memory_space<hbm>>
      %dma_wait3A_2826 = tpu.memref_squeeze %dma_wait3A_2825 : memref<1x64x128xf32, #tpu.memory_space<hbm>> -> memref<64x128xf32, #tpu.memory_space<hbm>>
      %dma_wait3A_2827 = tpu.memref_slice %arg8[%dma_wait3A_2819] : memref<10x!tpu.dma_semaphore, #tpu.memory_space<semaphore_mem>> -> memref<1x!tpu.dma_semaphore, #tpu.memory_space<semaphore_mem>>
      %dma_wait3A_2828 = tpu.memref_squeeze %dma_wait3A_2827 : memref<1x!tpu.dma_semaphore, #tpu.memory_space<semaphore_mem>> -> memref<!tpu.dma_semaphore, #tpu.memory_space<semaphore_mem>>
      %dma_wait3A_2829 = arith.constant 0 : i32
      %dma_wait3A_2830 = tpu.memref_slice %arg4[%select_n3A_2798, %add3A_2817, %dma_wait3A_2829] : memref<50x4096x128xf32, #tpu.memory_space<hbm>> -> memref<1x64x128xf32, #tpu.memory_space<hbm>>
      %dma_wait3A_2831 = tpu.memref_squeeze %dma_wait3A_2830 : memref<1x64x128xf32, #tpu.memory_space<hbm>> -> memref<64x128xf32, #tpu.memory_space<hbm>>
      %dma_wait3A_2832 = arith.constant 0 : i32
      %dma_wait3A_2833 = arith.constant 0 : i32
      %dma_wait3A_2834 = tpu.memref_slice %arg6[%dma_wait3A_2818, %dma_wait3A_2832, %dma_wait3A_2833] : memref<10x64x128xf32, #tpu.memory_space<vmem>> -> memref<1x64x128xf32, #tpu.memory_space<vmem>>
      %dma_wait3A_2835 = tpu.memref_squeeze %dma_wait3A_2834 : memref<1x64x128xf32, #tpu.memory_space<vmem>> -> memref<64x128xf32, #tpu.memory_space<vmem>>
      tpu.wait_dma2 semaphore(%dma_wait3A_2828 : memref<!tpu.dma_semaphore, #tpu.memory_space<semaphore_mem>>) src(%dma_wait3A_2835 : memref<64x128xf32, #tpu.memory_space<vmem>>) dst(%dma_wait3A_2831 : memref<64x128xf32, #tpu.memory_space<hbm>>)
      %add3A_2836 = arith.constant 10 : i32
      %add3A_2837 = arith.addi %mul3A_728, %add3A_2836 : i32
      %add3A_2838 = arith.constant 7 : i32
      %add3A_2839 = arith.addi %add3A_2837, %add3A_2838 : i32
      %jit3A_2840 = arith.constant 2 : i32
      %div3A_2841 = arith.divsi %add3A_2839, %jit3A_2840 : i32
      %sign3A_2842 = arith.constant 0 : i32
      %sign3A_2843 = arith.cmpi sgt, %add3A_2839, %sign3A_2842 : i32
      %sign3A_2844 = arith.extui %sign3A_2843 : i1 to i32
      %sign3A_2845 = arith.constant 0 : i32
      %sign3A_2846 = arith.cmpi slt, %add3A_2839, %sign3A_2845 : i32
      %sign3A_2847 = arith.extui %sign3A_2846 : i1 to i32
      %sign3A_2848 = arith.subi %sign3A_2844, %sign3A_2847 : i32
      %sign3A_2849 = arith.constant 0 : i32
      %sign3A_2850 = arith.cmpi sgt, %jit3A_2840, %sign3A_2849 : i32
      %sign3A_2851 = arith.extui %sign3A_2850 : i1 to i32
      %sign3A_2852 = arith.constant 0 : i32
      %sign3A_2853 = arith.cmpi slt, %jit3A_2840, %sign3A_2852 : i32
      %sign3A_2854 = arith.extui %sign3A_2853 : i1 to i32
      %sign3A_2855 = arith.subi %sign3A_2851, %sign3A_2854 : i32
      %ne3A_2856 = arith.cmpi ne, %sign3A_2848, %sign3A_2855 : i32
      %rem3A_2857 = arith.remsi %add3A_2839, %jit3A_2840 : i32
      %ne3A_2858 = arith.constant 0 : i32
      %ne3A_2859 = arith.cmpi ne, %rem3A_2857, %ne3A_2858 : i32
      %and3A_2860 = arith.andi %ne3A_2856, %ne3A_2859 : i1
      %sub3A_2861 = arith.constant 1 : i32
      %sub3A_2862 = arith.subi %div3A_2841, %sub3A_2861 : i32
      %select_n3A_2863 = arith.select %and3A_2860, %sub3A_2862, %div3A_2841 : i32
      %jit3A_2864 = arith.constant 2 : i32
      %eq3A_2865 = arith.constant 0 : i32
      %eq3A_2866 = arith.cmpi eq, %jit3A_2864, %eq3A_2865 : i32
      %jit3A_2867 = arith.constant 1 : i32
      %select_n3A_2868 = arith.select %eq3A_2866, %jit3A_2867, %jit3A_2864 : i32
      %rem3A_2869 = arith.remsi %add3A_2839, %select_n3A_2868 : i32
      %ne3A_2870 = arith.constant 0 : i32
      %ne3A_2871 = arith.cmpi ne, %rem3A_2869, %ne3A_2870 : i32
      %lt3A_2872 = arith.constant 0 : i32
      %lt3A_2873 = arith.cmpi slt, %rem3A_2869, %lt3A_2872 : i32
      %lt3A_2874 = arith.constant 0 : i32
      %lt3A_2875 = arith.cmpi slt, %select_n3A_2868, %lt3A_2874 : i32
      %ne3A_2876 = arith.xori %lt3A_2873, %lt3A_2875 : i1
      %and3A_2877 = arith.andi %ne3A_2876, %ne3A_2871 : i1
      %add3A_2878 = arith.addi %rem3A_2869, %select_n3A_2868 : i32
      %select_n3A_2879 = arith.select %and3A_2877, %add3A_2878, %rem3A_2869 : i32
      %mul3A_2880 = arith.constant 64 : i32
      %mul3A_2881 = arith.muli %select_n3A_2879, %mul3A_2880 : i32
      %dma_start3A_2882 = arith.constant 7 : i32
      %dma_start3A_2883 = arith.constant 7 : i32
      %dma_start3A_2884 = arith.constant 0 : i32
      %dma_start3A_2885 = arith.constant 0 : i32
      %dma_start3A_2886 = tpu.memref_slice %arg6[%dma_start3A_2882, %dma_start3A_2884, %dma_start3A_2885] : memref<10x64x128xf32, #tpu.memory_space<vmem>> -> memref<1x64x128xf32, #tpu.memory_space<vmem>>
      %dma_start3A_2887 = tpu.memref_squeeze %dma_start3A_2886 : memref<1x64x128xf32, #tpu.memory_space<vmem>> -> memref<64x128xf32, #tpu.memory_space<vmem>>
      %dma_start3A_2888 = tpu.memref_slice %arg5[%select_n3A_2863, %mul3A_2881] : memref<50x128xi32, #tpu.memory_space<vmem>> -> memref<1x64xi32, #tpu.memory_space<vmem>>
      %dma_start3A_2889 = tpu.memref_squeeze %dma_start3A_2888 : memref<1x64xi32, #tpu.memory_space<vmem>> -> memref<64xi32, #tpu.memory_space<vmem>>
      %dma_start3A_2890 = arith.constant 0 : i32
      %dma_start3A_2891 = arith.constant 0 : i32
      %dma_start3A_2892 = tpu.memref_slice %arg3[%dma_start3A_2890, %dma_start3A_2891] : memref<100000x128xf32, #tpu.memory_space<hbm>> -> memref<100000x128xf32, #tpu.memory_space<hbm>>
      %dma_start3A_2893 = tpu.memref_slice %arg7[%dma_start3A_2883] : memref<10x!tpu.dma_semaphore, #tpu.memory_space<semaphore_mem>> -> memref<1x!tpu.dma_semaphore, #tpu.memory_space<semaphore_mem>>
      %dma_start3A_2894 = tpu.memref_squeeze %dma_start3A_2893 : memref<1x!tpu.dma_semaphore, #tpu.memory_space<semaphore_mem>> -> memref<!tpu.dma_semaphore, #tpu.memory_space<semaphore_mem>>
      tpu.enqueue_indirect_dma source(%dma_start3A_2892 : memref<100000x128xf32, #tpu.memory_space<hbm>>) target(%dma_start3A_2887 : memref<64x128xf32, #tpu.memory_space<vmem>>) offsets(%dma_start3A_2889 : memref<64xi32, #tpu.memory_space<vmem>>) semaphore(%dma_start3A_2894 : memref<!tpu.dma_semaphore, #tpu.memory_space<semaphore_mem>>)
      %add3A_2895 = arith.constant 8 : i32
      %add3A_2896 = arith.addi %mul3A_728, %add3A_2895 : i32
      %jit3A_2897 = arith.constant 2 : i32
      %div3A_2898 = arith.divsi %add3A_2896, %jit3A_2897 : i32
      %sign3A_2899 = arith.constant 0 : i32
      %sign3A_2900 = arith.cmpi sgt, %add3A_2896, %sign3A_2899 : i32
      %sign3A_2901 = arith.extui %sign3A_2900 : i1 to i32
      %sign3A_2902 = arith.constant 0 : i32
      %sign3A_2903 = arith.cmpi slt, %add3A_2896, %sign3A_2902 : i32
      %sign3A_2904 = arith.extui %sign3A_2903 : i1 to i32
      %sign3A_2905 = arith.subi %sign3A_2901, %sign3A_2904 : i32
      %sign3A_2906 = arith.constant 0 : i32
      %sign3A_2907 = arith.cmpi sgt, %jit3A_2897, %sign3A_2906 : i32
      %sign3A_2908 = arith.extui %sign3A_2907 : i1 to i32
      %sign3A_2909 = arith.constant 0 : i32
      %sign3A_2910 = arith.cmpi slt, %jit3A_2897, %sign3A_2909 : i32
      %sign3A_2911 = arith.extui %sign3A_2910 : i1 to i32
      %sign3A_2912 = arith.subi %sign3A_2908, %sign3A_2911 : i32
      %ne3A_2913 = arith.cmpi ne, %sign3A_2905, %sign3A_2912 : i32
      %rem3A_2914 = arith.remsi %add3A_2896, %jit3A_2897 : i32
      %ne3A_2915 = arith.constant 0 : i32
      %ne3A_2916 = arith.cmpi ne, %rem3A_2914, %ne3A_2915 : i32
      %and3A_2917 = arith.andi %ne3A_2913, %ne3A_2916 : i1
      %sub3A_2918 = arith.constant 1 : i32
      %sub3A_2919 = arith.subi %div3A_2898, %sub3A_2918 : i32
      %select_n3A_2920 = arith.select %and3A_2917, %sub3A_2919, %div3A_2898 : i32
      %jit3A_2921 = arith.constant 2 : i32
      %eq3A_2922 = arith.constant 0 : i32
      %eq3A_2923 = arith.cmpi eq, %jit3A_2921, %eq3A_2922 : i32
      %jit3A_2924 = arith.constant 1 : i32
      %select_n3A_2925 = arith.select %eq3A_2923, %jit3A_2924, %jit3A_2921 : i32
      %rem3A_2926 = arith.remsi %add3A_2896, %select_n3A_2925 : i32
      %ne3A_2927 = arith.constant 0 : i32
      %ne3A_2928 = arith.cmpi ne, %rem3A_2926, %ne3A_2927 : i32
      %lt3A_2929 = arith.constant 0 : i32
      %lt3A_2930 = arith.cmpi slt, %rem3A_2926, %lt3A_2929 : i32
      %lt3A_2931 = arith.constant 0 : i32
      %lt3A_2932 = arith.cmpi slt, %select_n3A_2925, %lt3A_2931 : i32
      %ne3A_2933 = arith.xori %lt3A_2930, %lt3A_2932 : i1
      %and3A_2934 = arith.andi %ne3A_2933, %ne3A_2928 : i1
      %add3A_2935 = arith.addi %rem3A_2926, %select_n3A_2925 : i32
      %select_n3A_2936 = arith.select %and3A_2934, %add3A_2935, %rem3A_2926 : i32
      %mul3A_2937 = arith.constant 64 : i32
      %mul3A_2938 = arith.muli %select_n3A_2936, %mul3A_2937 : i32
      %add3A_2939 = arith.addi %mul3A_2, %mul3A_2938 : i32
      %dma_wait3A_2940 = arith.constant 8 : i32
      %dma_wait3A_2941 = arith.constant 8 : i32
      %dma_wait3A_2942 = arith.constant 0 : i32
      %dma_wait3A_2943 = arith.constant 0 : i32
      %dma_wait3A_2944 = tpu.memref_slice %arg6[%dma_wait3A_2940, %dma_wait3A_2942, %dma_wait3A_2943] : memref<10x64x128xf32, #tpu.memory_space<vmem>> -> memref<1x64x128xf32, #tpu.memory_space<vmem>>
      %dma_wait3A_2945 = tpu.memref_squeeze %dma_wait3A_2944 : memref<1x64x128xf32, #tpu.memory_space<vmem>> -> memref<64x128xf32, #tpu.memory_space<vmem>>
      %dma_wait3A_2946 = arith.constant 0 : i32
      %dma_wait3A_2947 = tpu.memref_slice %arg4[%select_n3A_2920, %add3A_2939, %dma_wait3A_2946] : memref<50x4096x128xf32, #tpu.memory_space<hbm>> -> memref<1x64x128xf32, #tpu.memory_space<hbm>>
      %dma_wait3A_2948 = tpu.memref_squeeze %dma_wait3A_2947 : memref<1x64x128xf32, #tpu.memory_space<hbm>> -> memref<64x128xf32, #tpu.memory_space<hbm>>
      %dma_wait3A_2949 = tpu.memref_slice %arg8[%dma_wait3A_2941] : memref<10x!tpu.dma_semaphore, #tpu.memory_space<semaphore_mem>> -> memref<1x!tpu.dma_semaphore, #tpu.memory_space<semaphore_mem>>
      %dma_wait3A_2950 = tpu.memref_squeeze %dma_wait3A_2949 : memref<1x!tpu.dma_semaphore, #tpu.memory_space<semaphore_mem>> -> memref<!tpu.dma_semaphore, #tpu.memory_space<semaphore_mem>>
      %dma_wait3A_2951 = arith.constant 0 : i32
      %dma_wait3A_2952 = tpu.memref_slice %arg4[%select_n3A_2920, %add3A_2939, %dma_wait3A_2951] : memref<50x4096x128xf32, #tpu.memory_space<hbm>> -> memref<1x64x128xf32, #tpu.memory_space<hbm>>
      %dma_wait3A_2953 = tpu.memref_squeeze %dma_wait3A_2952 : memref<1x64x128xf32, #tpu.memory_space<hbm>> -> memref<64x128xf32, #tpu.memory_space<hbm>>
      %dma_wait3A_2954 = arith.constant 0 : i32
      %dma_wait3A_2955 = arith.constant 0 : i32
      %dma_wait3A_2956 = tpu.memref_slice %arg6[%dma_wait3A_2940, %dma_wait3A_2954, %dma_wait3A_2955] : memref<10x64x128xf32, #tpu.memory_space<vmem>> -> memref<1x64x128xf32, #tpu.memory_space<vmem>>
      %dma_wait3A_2957 = tpu.memref_squeeze %dma_wait3A_2956 : memref<1x64x128xf32, #tpu.memory_space<vmem>> -> memref<64x128xf32, #tpu.memory_space<vmem>>
      tpu.wait_dma2 semaphore(%dma_wait3A_2950 : memref<!tpu.dma_semaphore, #tpu.memory_space<semaphore_mem>>) src(%dma_wait3A_2957 : memref<64x128xf32, #tpu.memory_space<vmem>>) dst(%dma_wait3A_2953 : memref<64x128xf32, #tpu.memory_space<hbm>>)
      %add3A_2958 = arith.constant 10 : i32
      %add3A_2959 = arith.addi %mul3A_728, %add3A_2958 : i32
      %add3A_2960 = arith.constant 8 : i32
      %add3A_2961 = arith.addi %add3A_2959, %add3A_2960 : i32
      %jit3A_2962 = arith.constant 2 : i32
      %div3A_2963 = arith.divsi %add3A_2961, %jit3A_2962 : i32
      %sign3A_2964 = arith.constant 0 : i32
      %sign3A_2965 = arith.cmpi sgt, %add3A_2961, %sign3A_2964 : i32
      %sign3A_2966 = arith.extui %sign3A_2965 : i1 to i32
      %sign3A_2967 = arith.constant 0 : i32
      %sign3A_2968 = arith.cmpi slt, %add3A_2961, %sign3A_2967 : i32
      %sign3A_2969 = arith.extui %sign3A_2968 : i1 to i32
      %sign3A_2970 = arith.subi %sign3A_2966, %sign3A_2969 : i32
      %sign3A_2971 = arith.constant 0 : i32
      %sign3A_2972 = arith.cmpi sgt, %jit3A_2962, %sign3A_2971 : i32
      %sign3A_2973 = arith.extui %sign3A_2972 : i1 to i32
      %sign3A_2974 = arith.constant 0 : i32
      %sign3A_2975 = arith.cmpi slt, %jit3A_2962, %sign3A_2974 : i32
      %sign3A_2976 = arith.extui %sign3A_2975 : i1 to i32
      %sign3A_2977 = arith.subi %sign3A_2973, %sign3A_2976 : i32
      %ne3A_2978 = arith.cmpi ne, %sign3A_2970, %sign3A_2977 : i32
      %rem3A_2979 = arith.remsi %add3A_2961, %jit3A_2962 : i32
      %ne3A_2980 = arith.constant 0 : i32
      %ne3A_2981 = arith.cmpi ne, %rem3A_2979, %ne3A_2980 : i32
      %and3A_2982 = arith.andi %ne3A_2978, %ne3A_2981 : i1
      %sub3A_2983 = arith.constant 1 : i32
      %sub3A_2984 = arith.subi %div3A_2963, %sub3A_2983 : i32
      %select_n3A_2985 = arith.select %and3A_2982, %sub3A_2984, %div3A_2963 : i32
      %jit3A_2986 = arith.constant 2 : i32
      %eq3A_2987 = arith.constant 0 : i32
      %eq3A_2988 = arith.cmpi eq, %jit3A_2986, %eq3A_2987 : i32
      %jit3A_2989 = arith.constant 1 : i32
      %select_n3A_2990 = arith.select %eq3A_2988, %jit3A_2989, %jit3A_2986 : i32
      %rem3A_2991 = arith.remsi %add3A_2961, %select_n3A_2990 : i32
      %ne3A_2992 = arith.constant 0 : i32
      %ne3A_2993 = arith.cmpi ne, %rem3A_2991, %ne3A_2992 : i32
      %lt3A_2994 = arith.constant 0 : i32
      %lt3A_2995 = arith.cmpi slt, %rem3A_2991, %lt3A_2994 : i32
      %lt3A_2996 = arith.constant 0 : i32
      %lt3A_2997 = arith.cmpi slt, %select_n3A_2990, %lt3A_2996 : i32
      %ne3A_2998 = arith.xori %lt3A_2995, %lt3A_2997 : i1
      %and3A_2999 = arith.andi %ne3A_2998, %ne3A_2993 : i1
      %add3A_3000 = arith.addi %rem3A_2991, %select_n3A_2990 : i32
      %select_n3A_3001 = arith.select %and3A_2999, %add3A_3000, %rem3A_2991 : i32
      %mul3A_3002 = arith.constant 64 : i32
      %mul3A_3003 = arith.muli %select_n3A_3001, %mul3A_3002 : i32
      %dma_start3A_3004 = arith.constant 8 : i32
      %dma_start3A_3005 = arith.constant 8 : i32
      %dma_start3A_3006 = arith.constant 0 : i32
      %dma_start3A_3007 = arith.constant 0 : i32
      %dma_start3A_3008 = tpu.memref_slice %arg6[%dma_start3A_3004, %dma_start3A_3006, %dma_start3A_3007] : memref<10x64x128xf32, #tpu.memory_space<vmem>> -> memref<1x64x128xf32, #tpu.memory_space<vmem>>
      %dma_start3A_3009 = tpu.memref_squeeze %dma_start3A_3008 : memref<1x64x128xf32, #tpu.memory_space<vmem>> -> memref<64x128xf32, #tpu.memory_space<vmem>>
      %dma_start3A_3010 = tpu.memref_slice %arg5[%select_n3A_2985, %mul3A_3003] : memref<50x128xi32, #tpu.memory_space<vmem>> -> memref<1x64xi32, #tpu.memory_space<vmem>>
      %dma_start3A_3011 = tpu.memref_squeeze %dma_start3A_3010 : memref<1x64xi32, #tpu.memory_space<vmem>> -> memref<64xi32, #tpu.memory_space<vmem>>
      %dma_start3A_3012 = arith.constant 0 : i32
      %dma_start3A_3013 = arith.constant 0 : i32
      %dma_start3A_3014 = tpu.memref_slice %arg3[%dma_start3A_3012, %dma_start3A_3013] : memref<100000x128xf32, #tpu.memory_space<hbm>> -> memref<100000x128xf32, #tpu.memory_space<hbm>>
      %dma_start3A_3015 = tpu.memref_slice %arg7[%dma_start3A_3005] : memref<10x!tpu.dma_semaphore, #tpu.memory_space<semaphore_mem>> -> memref<1x!tpu.dma_semaphore, #tpu.memory_space<semaphore_mem>>
      %dma_start3A_3016 = tpu.memref_squeeze %dma_start3A_3015 : memref<1x!tpu.dma_semaphore, #tpu.memory_space<semaphore_mem>> -> memref<!tpu.dma_semaphore, #tpu.memory_space<semaphore_mem>>
      tpu.enqueue_indirect_dma source(%dma_start3A_3014 : memref<100000x128xf32, #tpu.memory_space<hbm>>) target(%dma_start3A_3009 : memref<64x128xf32, #tpu.memory_space<vmem>>) offsets(%dma_start3A_3011 : memref<64xi32, #tpu.memory_space<vmem>>) semaphore(%dma_start3A_3016 : memref<!tpu.dma_semaphore, #tpu.memory_space<semaphore_mem>>)
      %add3A_3017 = arith.constant 9 : i32
      %add3A_3018 = arith.addi %mul3A_728, %add3A_3017 : i32
      %jit3A_3019 = arith.constant 2 : i32
      %div3A_3020 = arith.divsi %add3A_3018, %jit3A_3019 : i32
      %sign3A_3021 = arith.constant 0 : i32
      %sign3A_3022 = arith.cmpi sgt, %add3A_3018, %sign3A_3021 : i32
      %sign3A_3023 = arith.extui %sign3A_3022 : i1 to i32
      %sign3A_3024 = arith.constant 0 : i32
      %sign3A_3025 = arith.cmpi slt, %add3A_3018, %sign3A_3024 : i32
      %sign3A_3026 = arith.extui %sign3A_3025 : i1 to i32
      %sign3A_3027 = arith.subi %sign3A_3023, %sign3A_3026 : i32
      %sign3A_3028 = arith.constant 0 : i32
      %sign3A_3029 = arith.cmpi sgt, %jit3A_3019, %sign3A_3028 : i32
      %sign3A_3030 = arith.extui %sign3A_3029 : i1 to i32
      %sign3A_3031 = arith.constant 0 : i32
      %sign3A_3032 = arith.cmpi slt, %jit3A_3019, %sign3A_3031 : i32
      %sign3A_3033 = arith.extui %sign3A_3032 : i1 to i32
      %sign3A_3034 = arith.subi %sign3A_3030, %sign3A_3033 : i32
      %ne3A_3035 = arith.cmpi ne, %sign3A_3027, %sign3A_3034 : i32
      %rem3A_3036 = arith.remsi %add3A_3018, %jit3A_3019 : i32
      %ne3A_3037 = arith.constant 0 : i32
      %ne3A_3038 = arith.cmpi ne, %rem3A_3036, %ne3A_3037 : i32
      %and3A_3039 = arith.andi %ne3A_3035, %ne3A_3038 : i1
      %sub3A_3040 = arith.constant 1 : i32
      %sub3A_3041 = arith.subi %div3A_3020, %sub3A_3040 : i32
      %select_n3A_3042 = arith.select %and3A_3039, %sub3A_3041, %div3A_3020 : i32
      %jit3A_3043 = arith.constant 2 : i32
      %eq3A_3044 = arith.constant 0 : i32
      %eq3A_3045 = arith.cmpi eq, %jit3A_3043, %eq3A_3044 : i32
      %jit3A_3046 = arith.constant 1 : i32
      %select_n3A_3047 = arith.select %eq3A_3045, %jit3A_3046, %jit3A_3043 : i32
      %rem3A_3048 = arith.remsi %add3A_3018, %select_n3A_3047 : i32
      %ne3A_3049 = arith.constant 0 : i32
      %ne3A_3050 = arith.cmpi ne, %rem3A_3048, %ne3A_3049 : i32
      %lt3A_3051 = arith.constant 0 : i32
      %lt3A_3052 = arith.cmpi slt, %rem3A_3048, %lt3A_3051 : i32
      %lt3A_3053 = arith.constant 0 : i32
      %lt3A_3054 = arith.cmpi slt, %select_n3A_3047, %lt3A_3053 : i32
      %ne3A_3055 = arith.xori %lt3A_3052, %lt3A_3054 : i1
      %and3A_3056 = arith.andi %ne3A_3055, %ne3A_3050 : i1
      %add3A_3057 = arith.addi %rem3A_3048, %select_n3A_3047 : i32
      %select_n3A_3058 = arith.select %and3A_3056, %add3A_3057, %rem3A_3048 : i32
      %mul3A_3059 = arith.constant 64 : i32
      %mul3A_3060 = arith.muli %select_n3A_3058, %mul3A_3059 : i32
      %add3A_3061 = arith.addi %mul3A_2, %mul3A_3060 : i32
      %dma_wait3A_3062 = arith.constant 9 : i32
      %dma_wait3A_3063 = arith.constant 9 : i32
      %dma_wait3A_3064 = arith.constant 0 : i32
      %dma_wait3A_3065 = arith.constant 0 : i32
      %dma_wait3A_3066 = tpu.memref_slice %arg6[%dma_wait3A_3062, %dma_wait3A_3064, %dma_wait3A_3065] : memref<10x64x128xf32, #tpu.memory_space<vmem>> -> memref<1x64x128xf32, #tpu.memory_space<vmem>>
      %dma_wait3A_3067 = tpu.memref_squeeze %dma_wait3A_3066 : memref<1x64x128xf32, #tpu.memory_space<vmem>> -> memref<64x128xf32, #tpu.memory_space<vmem>>
      %dma_wait3A_3068 = arith.constant 0 : i32
      %dma_wait3A_3069 = tpu.memref_slice %arg4[%select_n3A_3042, %add3A_3061, %dma_wait3A_3068] : memref<50x4096x128xf32, #tpu.memory_space<hbm>> -> memref<1x64x128xf32, #tpu.memory_space<hbm>>
      %dma_wait3A_3070 = tpu.memref_squeeze %dma_wait3A_3069 : memref<1x64x128xf32, #tpu.memory_space<hbm>> -> memref<64x128xf32, #tpu.memory_space<hbm>>
      %dma_wait3A_3071 = tpu.memref_slice %arg8[%dma_wait3A_3063] : memref<10x!tpu.dma_semaphore, #tpu.memory_space<semaphore_mem>> -> memref<1x!tpu.dma_semaphore, #tpu.memory_space<semaphore_mem>>
      %dma_wait3A_3072 = tpu.memref_squeeze %dma_wait3A_3071 : memref<1x!tpu.dma_semaphore, #tpu.memory_space<semaphore_mem>> -> memref<!tpu.dma_semaphore, #tpu.memory_space<semaphore_mem>>
      %dma_wait3A_3073 = arith.constant 0 : i32
      %dma_wait3A_3074 = tpu.memref_slice %arg4[%select_n3A_3042, %add3A_3061, %dma_wait3A_3073] : memref<50x4096x128xf32, #tpu.memory_space<hbm>> -> memref<1x64x128xf32, #tpu.memory_space<hbm>>
      %dma_wait3A_3075 = tpu.memref_squeeze %dma_wait3A_3074 : memref<1x64x128xf32, #tpu.memory_space<hbm>> -> memref<64x128xf32, #tpu.memory_space<hbm>>
      %dma_wait3A_3076 = arith.constant 0 : i32
      %dma_wait3A_3077 = arith.constant 0 : i32
      %dma_wait3A_3078 = tpu.memref_slice %arg6[%dma_wait3A_3062, %dma_wait3A_3076, %dma_wait3A_3077] : memref<10x64x128xf32, #tpu.memory_space<vmem>> -> memref<1x64x128xf32, #tpu.memory_space<vmem>>
      %dma_wait3A_3079 = tpu.memref_squeeze %dma_wait3A_3078 : memref<1x64x128xf32, #tpu.memory_space<vmem>> -> memref<64x128xf32, #tpu.memory_space<vmem>>
      tpu.wait_dma2 semaphore(%dma_wait3A_3072 : memref<!tpu.dma_semaphore, #tpu.memory_space<semaphore_mem>>) src(%dma_wait3A_3079 : memref<64x128xf32, #tpu.memory_space<vmem>>) dst(%dma_wait3A_3075 : memref<64x128xf32, #tpu.memory_space<hbm>>)
      %add3A_3080 = arith.constant 10 : i32
      %add3A_3081 = arith.addi %mul3A_728, %add3A_3080 : i32
      %add3A_3082 = arith.constant 9 : i32
      %add3A_3083 = arith.addi %add3A_3081, %add3A_3082 : i32
      %jit3A_3084 = arith.constant 2 : i32
      %div3A_3085 = arith.divsi %add3A_3083, %jit3A_3084 : i32
      %sign3A_3086 = arith.constant 0 : i32
      %sign3A_3087 = arith.cmpi sgt, %add3A_3083, %sign3A_3086 : i32
      %sign3A_3088 = arith.extui %sign3A_3087 : i1 to i32
      %sign3A_3089 = arith.constant 0 : i32
      %sign3A_3090 = arith.cmpi slt, %add3A_3083, %sign3A_3089 : i32
      %sign3A_3091 = arith.extui %sign3A_3090 : i1 to i32
      %sign3A_3092 = arith.subi %sign3A_3088, %sign3A_3091 : i32
      %sign3A_3093 = arith.constant 0 : i32
      %sign3A_3094 = arith.cmpi sgt, %jit3A_3084, %sign3A_3093 : i32
      %sign3A_3095 = arith.extui %sign3A_3094 : i1 to i32
      %sign3A_3096 = arith.constant 0 : i32
      %sign3A_3097 = arith.cmpi slt, %jit3A_3084, %sign3A_3096 : i32
      %sign3A_3098 = arith.extui %sign3A_3097 : i1 to i32
      %sign3A_3099 = arith.subi %sign3A_3095, %sign3A_3098 : i32
      %ne3A_3100 = arith.cmpi ne, %sign3A_3092, %sign3A_3099 : i32
      %rem3A_3101 = arith.remsi %add3A_3083, %jit3A_3084 : i32
      %ne3A_3102 = arith.constant 0 : i32
      %ne3A_3103 = arith.cmpi ne, %rem3A_3101, %ne3A_3102 : i32
      %and3A_3104 = arith.andi %ne3A_3100, %ne3A_3103 : i1
      %sub3A_3105 = arith.constant 1 : i32
      %sub3A_3106 = arith.subi %div3A_3085, %sub3A_3105 : i32
      %select_n3A_3107 = arith.select %and3A_3104, %sub3A_3106, %div3A_3085 : i32
      %jit3A_3108 = arith.constant 2 : i32
      %eq3A_3109 = arith.constant 0 : i32
      %eq3A_3110 = arith.cmpi eq, %jit3A_3108, %eq3A_3109 : i32
      %jit3A_3111 = arith.constant 1 : i32
      %select_n3A_3112 = arith.select %eq3A_3110, %jit3A_3111, %jit3A_3108 : i32
      %rem3A_3113 = arith.remsi %add3A_3083, %select_n3A_3112 : i32
      %ne3A_3114 = arith.constant 0 : i32
      %ne3A_3115 = arith.cmpi ne, %rem3A_3113, %ne3A_3114 : i32
      %lt3A_3116 = arith.constant 0 : i32
      %lt3A_3117 = arith.cmpi slt, %rem3A_3113, %lt3A_3116 : i32
      %lt3A_3118 = arith.constant 0 : i32
      %lt3A_3119 = arith.cmpi slt, %select_n3A_3112, %lt3A_3118 : i32
      %ne3A_3120 = arith.xori %lt3A_3117, %lt3A_3119 : i1
      %and3A_3121 = arith.andi %ne3A_3120, %ne3A_3115 : i1
      %add3A_3122 = arith.addi %rem3A_3113, %select_n3A_3112 : i32
      %select_n3A_3123 = arith.select %and3A_3121, %add3A_3122, %rem3A_3113 : i32
      %mul3A_3124 = arith.constant 64 : i32
      %mul3A_3125 = arith.muli %select_n3A_3123, %mul3A_3124 : i32
      %dma_start3A_3126 = arith.constant 9 : i32
      %dma_start3A_3127 = arith.constant 9 : i32
      %dma_start3A_3128 = arith.constant 0 : i32
      %dma_start3A_3129 = arith.constant 0 : i32
      %dma_start3A_3130 = tpu.memref_slice %arg6[%dma_start3A_3126, %dma_start3A_3128, %dma_start3A_3129] : memref<10x64x128xf32, #tpu.memory_space<vmem>> -> memref<1x64x128xf32, #tpu.memory_space<vmem>>
      %dma_start3A_3131 = tpu.memref_squeeze %dma_start3A_3130 : memref<1x64x128xf32, #tpu.memory_space<vmem>> -> memref<64x128xf32, #tpu.memory_space<vmem>>
      %dma_start3A_3132 = tpu.memref_slice %arg5[%select_n3A_3107, %mul3A_3125] : memref<50x128xi32, #tpu.memory_space<vmem>> -> memref<1x64xi32, #tpu.memory_space<vmem>>
      %dma_start3A_3133 = tpu.memref_squeeze %dma_start3A_3132 : memref<1x64xi32, #tpu.memory_space<vmem>> -> memref<64xi32, #tpu.memory_space<vmem>>
      %dma_start3A_3134 = arith.constant 0 : i32
      %dma_start3A_3135 = arith.constant 0 : i32
      %dma_start3A_3136 = tpu.memref_slice %arg3[%dma_start3A_3134, %dma_start3A_3135] : memref<100000x128xf32, #tpu.memory_space<hbm>> -> memref<100000x128xf32, #tpu.memory_space<hbm>>
      %dma_start3A_3137 = tpu.memref_slice %arg7[%dma_start3A_3127] : memref<10x!tpu.dma_semaphore, #tpu.memory_space<semaphore_mem>> -> memref<1x!tpu.dma_semaphore, #tpu.memory_space<semaphore_mem>>
      %dma_start3A_3138 = tpu.memref_squeeze %dma_start3A_3137 : memref<1x!tpu.dma_semaphore, #tpu.memory_space<semaphore_mem>> -> memref<!tpu.dma_semaphore, #tpu.memory_space<semaphore_mem>>
      tpu.enqueue_indirect_dma source(%dma_start3A_3136 : memref<100000x128xf32, #tpu.memory_space<hbm>>) target(%dma_start3A_3131 : memref<64x128xf32, #tpu.memory_space<vmem>>) offsets(%dma_start3A_3133 : memref<64xi32, #tpu.memory_space<vmem>>) semaphore(%dma_start3A_3138 : memref<!tpu.dma_semaphore, #tpu.memory_space<semaphore_mem>>)
    }
    %scan3A_156 = arith.constant 9 : i32
    %dma_wait3A = arith.constant 45 : i32
    %dma_wait3A_157 = arith.constant 0 : i32
    %dma_wait3A_158 = arith.constant 0 : i32
    %dma_wait3A_159 = arith.constant 0 : i32
    %dma_wait3A_160 = arith.constant 0 : i32
    %dma_wait3A_161 = tpu.memref_slice %arg6[%dma_wait3A_157, %dma_wait3A_159, %dma_wait3A_160] : memref<10x64x128xf32, #tpu.memory_space<vmem>> -> memref<1x64x128xf32, #tpu.memory_space<vmem>>
    %dma_wait3A_162 = tpu.memref_squeeze %dma_wait3A_161 : memref<1x64x128xf32, #tpu.memory_space<vmem>> -> memref<64x128xf32, #tpu.memory_space<vmem>>
    %dma_wait3A_163 = arith.constant 0 : i32
    %dma_wait3A_164 = tpu.memref_slice %arg5[%dma_wait3A, %dma_wait3A_163] : memref<50x128xi32, #tpu.memory_space<vmem>> -> memref<1x64xi32, #tpu.memory_space<vmem>>
    %dma_wait3A_165 = tpu.memref_squeeze %dma_wait3A_164 : memref<1x64xi32, #tpu.memory_space<vmem>> -> memref<64xi32, #tpu.memory_space<vmem>>
    %dma_wait3A_166 = arith.constant 0 : i32
    %dma_wait3A_167 = arith.constant 0 : i32
    %dma_wait3A_168 = tpu.memref_slice %arg3[%dma_wait3A_166, %dma_wait3A_167] : memref<100000x128xf32, #tpu.memory_space<hbm>> -> memref<100000x128xf32, #tpu.memory_space<hbm>>
    %dma_wait3A_169 = tpu.memref_slice %arg7[%dma_wait3A_158] : memref<10x!tpu.dma_semaphore, #tpu.memory_space<semaphore_mem>> -> memref<1x!tpu.dma_semaphore, #tpu.memory_space<semaphore_mem>>
    %dma_wait3A_170 = tpu.memref_squeeze %dma_wait3A_169 : memref<1x!tpu.dma_semaphore, #tpu.memory_space<semaphore_mem>> -> memref<!tpu.dma_semaphore, #tpu.memory_space<semaphore_mem>>
    tpu.wait_indirect_dma semaphore(%dma_wait3A_170 : memref<!tpu.dma_semaphore, #tpu.memory_space<semaphore_mem>>) src(%dma_wait3A_168 : memref<100000x128xf32, #tpu.memory_space<hbm>>) dst(%dma_wait3A_162 : memref<64x128xf32, #tpu.memory_space<vmem>>)
    %add3A_171 = arith.constant 0 : i32
    %add3A_172 = arith.addi %mul3A_2, %add3A_171 : i32
    %dma_start3A_173 = arith.constant 0 : i32
    %dma_start3A_174 = arith.constant 45 : i32
    %dma_start3A_175 = arith.constant 0 : i32
    %dma_start3A_176 = arith.constant 0 : i32
    %dma_start3A_177 = arith.constant 0 : i32
    %dma_start3A_178 = tpu.memref_slice %arg6[%dma_start3A_173, %dma_start3A_176, %dma_start3A_177] : memref<10x64x128xf32, #tpu.memory_space<vmem>> -> memref<1x64x128xf32, #tpu.memory_space<vmem>>
    %dma_start3A_179 = tpu.memref_squeeze %dma_start3A_178 : memref<1x64x128xf32, #tpu.memory_space<vmem>> -> memref<64x128xf32, #tpu.memory_space<vmem>>
    %dma_start3A_180 = arith.constant 0 : i32
    %dma_start3A_181 = tpu.memref_slice %arg4[%dma_start3A_174, %add3A_172, %dma_start3A_180] : memref<50x4096x128xf32, #tpu.memory_space<hbm>> -> memref<1x64x128xf32, #tpu.memory_space<hbm>>
    %dma_start3A_182 = tpu.memref_squeeze %dma_start3A_181 : memref<1x64x128xf32, #tpu.memory_space<hbm>> -> memref<64x128xf32, #tpu.memory_space<hbm>>
    %dma_start3A_183 = tpu.memref_slice %arg8[%dma_start3A_175] : memref<10x!tpu.dma_semaphore, #tpu.memory_space<semaphore_mem>> -> memref<1x!tpu.dma_semaphore, #tpu.memory_space<semaphore_mem>>
    %dma_start3A_184 = tpu.memref_squeeze %dma_start3A_183 : memref<1x!tpu.dma_semaphore, #tpu.memory_space<semaphore_mem>> -> memref<!tpu.dma_semaphore, #tpu.memory_space<semaphore_mem>>
    %dma_start3A_185 = arith.constant 0 : i32
    %dma_start3A_186 = tpu.memref_slice %arg4[%dma_start3A_174, %add3A_172, %dma_start3A_185] : memref<50x4096x128xf32, #tpu.memory_space<hbm>> -> memref<1x64x128xf32, #tpu.memory_space<hbm>>
    %dma_start3A_187 = tpu.memref_squeeze %dma_start3A_186 : memref<1x64x128xf32, #tpu.memory_space<hbm>> -> memref<64x128xf32, #tpu.memory_space<hbm>>
    %dma_start3A_188 = arith.constant 0 : i32
    %dma_start3A_189 = arith.constant 0 : i32
    %dma_start3A_190 = tpu.memref_slice %arg6[%dma_start3A_173, %dma_start3A_188, %dma_start3A_189] : memref<10x64x128xf32, #tpu.memory_space<vmem>> -> memref<1x64x128xf32, #tpu.memory_space<vmem>>
    %dma_start3A_191 = tpu.memref_squeeze %dma_start3A_190 : memref<1x64x128xf32, #tpu.memory_space<vmem>> -> memref<64x128xf32, #tpu.memory_space<vmem>>
    tpu.enqueue_dma source(%dma_start3A_191 : memref<64x128xf32, #tpu.memory_space<vmem>>) target(%dma_start3A_187 : memref<64x128xf32, #tpu.memory_space<hbm>>) target_semaphore(%dma_start3A_184 : memref<!tpu.dma_semaphore, #tpu.memory_space<semaphore_mem>>)
    %dma_wait3A_192 = arith.constant 45 : i32
    %dma_wait3A_193 = arith.constant 1 : i32
    %dma_wait3A_194 = arith.constant 1 : i32
    %dma_wait3A_195 = arith.constant 0 : i32
    %dma_wait3A_196 = arith.constant 0 : i32
    %dma_wait3A_197 = tpu.memref_slice %arg6[%dma_wait3A_193, %dma_wait3A_195, %dma_wait3A_196] : memref<10x64x128xf32, #tpu.memory_space<vmem>> -> memref<1x64x128xf32, #tpu.memory_space<vmem>>
    %dma_wait3A_198 = tpu.memref_squeeze %dma_wait3A_197 : memref<1x64x128xf32, #tpu.memory_space<vmem>> -> memref<64x128xf32, #tpu.memory_space<vmem>>
    %dma_wait3A_199 = arith.constant 64 : i32
    %dma_wait3A_200 = tpu.memref_slice %arg5[%dma_wait3A_192, %dma_wait3A_199] : memref<50x128xi32, #tpu.memory_space<vmem>> -> memref<1x64xi32, #tpu.memory_space<vmem>>
    %dma_wait3A_201 = tpu.memref_squeeze %dma_wait3A_200 : memref<1x64xi32, #tpu.memory_space<vmem>> -> memref<64xi32, #tpu.memory_space<vmem>>
    %dma_wait3A_202 = arith.constant 0 : i32
    %dma_wait3A_203 = arith.constant 0 : i32
    %dma_wait3A_204 = tpu.memref_slice %arg3[%dma_wait3A_202, %dma_wait3A_203] : memref<100000x128xf32, #tpu.memory_space<hbm>> -> memref<100000x128xf32, #tpu.memory_space<hbm>>
    %dma_wait3A_205 = tpu.memref_slice %arg7[%dma_wait3A_194] : memref<10x!tpu.dma_semaphore, #tpu.memory_space<semaphore_mem>> -> memref<1x!tpu.dma_semaphore, #tpu.memory_space<semaphore_mem>>
    %dma_wait3A_206 = tpu.memref_squeeze %dma_wait3A_205 : memref<1x!tpu.dma_semaphore, #tpu.memory_space<semaphore_mem>> -> memref<!tpu.dma_semaphore, #tpu.memory_space<semaphore_mem>>
    tpu.wait_indirect_dma semaphore(%dma_wait3A_206 : memref<!tpu.dma_semaphore, #tpu.memory_space<semaphore_mem>>) src(%dma_wait3A_204 : memref<100000x128xf32, #tpu.memory_space<hbm>>) dst(%dma_wait3A_198 : memref<64x128xf32, #tpu.memory_space<vmem>>)
    %add3A_207 = arith.constant 64 : i32
    %add3A_208 = arith.addi %mul3A_2, %add3A_207 : i32
    %dma_start3A_209 = arith.constant 1 : i32
    %dma_start3A_210 = arith.constant 45 : i32
    %dma_start3A_211 = arith.constant 1 : i32
    %dma_start3A_212 = arith.constant 0 : i32
    %dma_start3A_213 = arith.constant 0 : i32
    %dma_start3A_214 = tpu.memref_slice %arg6[%dma_start3A_209, %dma_start3A_212, %dma_start3A_213] : memref<10x64x128xf32, #tpu.memory_space<vmem>> -> memref<1x64x128xf32, #tpu.memory_space<vmem>>
    %dma_start3A_215 = tpu.memref_squeeze %dma_start3A_214 : memref<1x64x128xf32, #tpu.memory_space<vmem>> -> memref<64x128xf32, #tpu.memory_space<vmem>>
    %dma_start3A_216 = arith.constant 0 : i32
    %dma_start3A_217 = tpu.memref_slice %arg4[%dma_start3A_210, %add3A_208, %dma_start3A_216] : memref<50x4096x128xf32, #tpu.memory_space<hbm>> -> memref<1x64x128xf32, #tpu.memory_space<hbm>>
    %dma_start3A_218 = tpu.memref_squeeze %dma_start3A_217 : memref<1x64x128xf32, #tpu.memory_space<hbm>> -> memref<64x128xf32, #tpu.memory_space<hbm>>
    %dma_start3A_219 = tpu.memref_slice %arg8[%dma_start3A_211] : memref<10x!tpu.dma_semaphore, #tpu.memory_space<semaphore_mem>> -> memref<1x!tpu.dma_semaphore, #tpu.memory_space<semaphore_mem>>
    %dma_start3A_220 = tpu.memref_squeeze %dma_start3A_219 : memref<1x!tpu.dma_semaphore, #tpu.memory_space<semaphore_mem>> -> memref<!tpu.dma_semaphore, #tpu.memory_space<semaphore_mem>>
    %dma_start3A_221 = arith.constant 0 : i32
    %dma_start3A_222 = tpu.memref_slice %arg4[%dma_start3A_210, %add3A_208, %dma_start3A_221] : memref<50x4096x128xf32, #tpu.memory_space<hbm>> -> memref<1x64x128xf32, #tpu.memory_space<hbm>>
    %dma_start3A_223 = tpu.memref_squeeze %dma_start3A_222 : memref<1x64x128xf32, #tpu.memory_space<hbm>> -> memref<64x128xf32, #tpu.memory_space<hbm>>
    %dma_start3A_224 = arith.constant 0 : i32
    %dma_start3A_225 = arith.constant 0 : i32
    %dma_start3A_226 = tpu.memref_slice %arg6[%dma_start3A_209, %dma_start3A_224, %dma_start3A_225] : memref<10x64x128xf32, #tpu.memory_space<vmem>> -> memref<1x64x128xf32, #tpu.memory_space<vmem>>
    %dma_start3A_227 = tpu.memref_squeeze %dma_start3A_226 : memref<1x64x128xf32, #tpu.memory_space<vmem>> -> memref<64x128xf32, #tpu.memory_space<vmem>>
    tpu.enqueue_dma source(%dma_start3A_227 : memref<64x128xf32, #tpu.memory_space<vmem>>) target(%dma_start3A_223 : memref<64x128xf32, #tpu.memory_space<hbm>>) target_semaphore(%dma_start3A_220 : memref<!tpu.dma_semaphore, #tpu.memory_space<semaphore_mem>>)
    %dma_wait3A_228 = arith.constant 46 : i32
    %dma_wait3A_229 = arith.constant 2 : i32
    %dma_wait3A_230 = arith.constant 2 : i32
    %dma_wait3A_231 = arith.constant 0 : i32
    %dma_wait3A_232 = arith.constant 0 : i32
    %dma_wait3A_233 = tpu.memref_slice %arg6[%dma_wait3A_229, %dma_wait3A_231, %dma_wait3A_232] : memref<10x64x128xf32, #tpu.memory_space<vmem>> -> memref<1x64x128xf32, #tpu.memory_space<vmem>>
    %dma_wait3A_234 = tpu.memref_squeeze %dma_wait3A_233 : memref<1x64x128xf32, #tpu.memory_space<vmem>> -> memref<64x128xf32, #tpu.memory_space<vmem>>
    %dma_wait3A_235 = arith.constant 0 : i32
    %dma_wait3A_236 = tpu.memref_slice %arg5[%dma_wait3A_228, %dma_wait3A_235] : memref<50x128xi32, #tpu.memory_space<vmem>> -> memref<1x64xi32, #tpu.memory_space<vmem>>
    %dma_wait3A_237 = tpu.memref_squeeze %dma_wait3A_236 : memref<1x64xi32, #tpu.memory_space<vmem>> -> memref<64xi32, #tpu.memory_space<vmem>>
    %dma_wait3A_238 = arith.constant 0 : i32
    %dma_wait3A_239 = arith.constant 0 : i32
    %dma_wait3A_240 = tpu.memref_slice %arg3[%dma_wait3A_238, %dma_wait3A_239] : memref<100000x128xf32, #tpu.memory_space<hbm>> -> memref<100000x128xf32, #tpu.memory_space<hbm>>
    %dma_wait3A_241 = tpu.memref_slice %arg7[%dma_wait3A_230] : memref<10x!tpu.dma_semaphore, #tpu.memory_space<semaphore_mem>> -> memref<1x!tpu.dma_semaphore, #tpu.memory_space<semaphore_mem>>
    %dma_wait3A_242 = tpu.memref_squeeze %dma_wait3A_241 : memref<1x!tpu.dma_semaphore, #tpu.memory_space<semaphore_mem>> -> memref<!tpu.dma_semaphore, #tpu.memory_space<semaphore_mem>>
    tpu.wait_indirect_dma semaphore(%dma_wait3A_242 : memref<!tpu.dma_semaphore, #tpu.memory_space<semaphore_mem>>) src(%dma_wait3A_240 : memref<100000x128xf32, #tpu.memory_space<hbm>>) dst(%dma_wait3A_234 : memref<64x128xf32, #tpu.memory_space<vmem>>)
    %add3A_243 = arith.constant 0 : i32
    %add3A_244 = arith.addi %mul3A_2, %add3A_243 : i32
    %dma_start3A_245 = arith.constant 2 : i32
    %dma_start3A_246 = arith.constant 46 : i32
    %dma_start3A_247 = arith.constant 2 : i32
    %dma_start3A_248 = arith.constant 0 : i32
    %dma_start3A_249 = arith.constant 0 : i32
    %dma_start3A_250 = tpu.memref_slice %arg6[%dma_start3A_245, %dma_start3A_248, %dma_start3A_249] : memref<10x64x128xf32, #tpu.memory_space<vmem>> -> memref<1x64x128xf32, #tpu.memory_space<vmem>>
    %dma_start3A_251 = tpu.memref_squeeze %dma_start3A_250 : memref<1x64x128xf32, #tpu.memory_space<vmem>> -> memref<64x128xf32, #tpu.memory_space<vmem>>
    %dma_start3A_252 = arith.constant 0 : i32
    %dma_start3A_253 = tpu.memref_slice %arg4[%dma_start3A_246, %add3A_244, %dma_start3A_252] : memref<50x4096x128xf32, #tpu.memory_space<hbm>> -> memref<1x64x128xf32, #tpu.memory_space<hbm>>
    %dma_start3A_254 = tpu.memref_squeeze %dma_start3A_253 : memref<1x64x128xf32, #tpu.memory_space<hbm>> -> memref<64x128xf32, #tpu.memory_space<hbm>>
    %dma_start3A_255 = tpu.memref_slice %arg8[%dma_start3A_247] : memref<10x!tpu.dma_semaphore, #tpu.memory_space<semaphore_mem>> -> memref<1x!tpu.dma_semaphore, #tpu.memory_space<semaphore_mem>>
    %dma_start3A_256 = tpu.memref_squeeze %dma_start3A_255 : memref<1x!tpu.dma_semaphore, #tpu.memory_space<semaphore_mem>> -> memref<!tpu.dma_semaphore, #tpu.memory_space<semaphore_mem>>
    %dma_start3A_257 = arith.constant 0 : i32
    %dma_start3A_258 = tpu.memref_slice %arg4[%dma_start3A_246, %add3A_244, %dma_start3A_257] : memref<50x4096x128xf32, #tpu.memory_space<hbm>> -> memref<1x64x128xf32, #tpu.memory_space<hbm>>
    %dma_start3A_259 = tpu.memref_squeeze %dma_start3A_258 : memref<1x64x128xf32, #tpu.memory_space<hbm>> -> memref<64x128xf32, #tpu.memory_space<hbm>>
    %dma_start3A_260 = arith.constant 0 : i32
    %dma_start3A_261 = arith.constant 0 : i32
    %dma_start3A_262 = tpu.memref_slice %arg6[%dma_start3A_245, %dma_start3A_260, %dma_start3A_261] : memref<10x64x128xf32, #tpu.memory_space<vmem>> -> memref<1x64x128xf32, #tpu.memory_space<vmem>>
    %dma_start3A_263 = tpu.memref_squeeze %dma_start3A_262 : memref<1x64x128xf32, #tpu.memory_space<vmem>> -> memref<64x128xf32, #tpu.memory_space<vmem>>
    tpu.enqueue_dma source(%dma_start3A_263 : memref<64x128xf32, #tpu.memory_space<vmem>>) target(%dma_start3A_259 : memref<64x128xf32, #tpu.memory_space<hbm>>) target_semaphore(%dma_start3A_256 : memref<!tpu.dma_semaphore, #tpu.memory_space<semaphore_mem>>)
    %dma_wait3A_264 = arith.constant 46 : i32
    %dma_wait3A_265 = arith.constant 3 : i32
    %dma_wait3A_266 = arith.constant 3 : i32
    %dma_wait3A_267 = arith.constant 0 : i32
    %dma_wait3A_268 = arith.constant 0 : i32
    %dma_wait3A_269 = tpu.memref_slice %arg6[%dma_wait3A_265, %dma_wait3A_267, %dma_wait3A_268] : memref<10x64x128xf32, #tpu.memory_space<vmem>> -> memref<1x64x128xf32, #tpu.memory_space<vmem>>
    %dma_wait3A_270 = tpu.memref_squeeze %dma_wait3A_269 : memref<1x64x128xf32, #tpu.memory_space<vmem>> -> memref<64x128xf32, #tpu.memory_space<vmem>>
    %dma_wait3A_271 = arith.constant 64 : i32
    %dma_wait3A_272 = tpu.memref_slice %arg5[%dma_wait3A_264, %dma_wait3A_271] : memref<50x128xi32, #tpu.memory_space<vmem>> -> memref<1x64xi32, #tpu.memory_space<vmem>>
    %dma_wait3A_273 = tpu.memref_squeeze %dma_wait3A_272 : memref<1x64xi32, #tpu.memory_space<vmem>> -> memref<64xi32, #tpu.memory_space<vmem>>
    %dma_wait3A_274 = arith.constant 0 : i32
    %dma_wait3A_275 = arith.constant 0 : i32
    %dma_wait3A_276 = tpu.memref_slice %arg3[%dma_wait3A_274, %dma_wait3A_275] : memref<100000x128xf32, #tpu.memory_space<hbm>> -> memref<100000x128xf32, #tpu.memory_space<hbm>>
    %dma_wait3A_277 = tpu.memref_slice %arg7[%dma_wait3A_266] : memref<10x!tpu.dma_semaphore, #tpu.memory_space<semaphore_mem>> -> memref<1x!tpu.dma_semaphore, #tpu.memory_space<semaphore_mem>>
    %dma_wait3A_278 = tpu.memref_squeeze %dma_wait3A_277 : memref<1x!tpu.dma_semaphore, #tpu.memory_space<semaphore_mem>> -> memref<!tpu.dma_semaphore, #tpu.memory_space<semaphore_mem>>
    tpu.wait_indirect_dma semaphore(%dma_wait3A_278 : memref<!tpu.dma_semaphore, #tpu.memory_space<semaphore_mem>>) src(%dma_wait3A_276 : memref<100000x128xf32, #tpu.memory_space<hbm>>) dst(%dma_wait3A_270 : memref<64x128xf32, #tpu.memory_space<vmem>>)
    %add3A_279 = arith.constant 64 : i32
    %add3A_280 = arith.addi %mul3A_2, %add3A_279 : i32
    %dma_start3A_281 = arith.constant 3 : i32
    %dma_start3A_282 = arith.constant 46 : i32
    %dma_start3A_283 = arith.constant 3 : i32
    %dma_start3A_284 = arith.constant 0 : i32
    %dma_start3A_285 = arith.constant 0 : i32
    %dma_start3A_286 = tpu.memref_slice %arg6[%dma_start3A_281, %dma_start3A_284, %dma_start3A_285] : memref<10x64x128xf32, #tpu.memory_space<vmem>> -> memref<1x64x128xf32, #tpu.memory_space<vmem>>
    %dma_start3A_287 = tpu.memref_squeeze %dma_start3A_286 : memref<1x64x128xf32, #tpu.memory_space<vmem>> -> memref<64x128xf32, #tpu.memory_space<vmem>>
    %dma_start3A_288 = arith.constant 0 : i32
    %dma_start3A_289 = tpu.memref_slice %arg4[%dma_start3A_282, %add3A_280, %dma_start3A_288] : memref<50x4096x128xf32, #tpu.memory_space<hbm>> -> memref<1x64x128xf32, #tpu.memory_space<hbm>>
    %dma_start3A_290 = tpu.memref_squeeze %dma_start3A_289 : memref<1x64x128xf32, #tpu.memory_space<hbm>> -> memref<64x128xf32, #tpu.memory_space<hbm>>
    %dma_start3A_291 = tpu.memref_slice %arg8[%dma_start3A_283] : memref<10x!tpu.dma_semaphore, #tpu.memory_space<semaphore_mem>> -> memref<1x!tpu.dma_semaphore, #tpu.memory_space<semaphore_mem>>
    %dma_start3A_292 = tpu.memref_squeeze %dma_start3A_291 : memref<1x!tpu.dma_semaphore, #tpu.memory_space<semaphore_mem>> -> memref<!tpu.dma_semaphore, #tpu.memory_space<semaphore_mem>>
    %dma_start3A_293 = arith.constant 0 : i32
    %dma_start3A_294 = tpu.memref_slice %arg4[%dma_start3A_282, %add3A_280, %dma_start3A_293] : memref<50x4096x128xf32, #tpu.memory_space<hbm>> -> memref<1x64x128xf32, #tpu.memory_space<hbm>>
    %dma_start3A_295 = tpu.memref_squeeze %dma_start3A_294 : memref<1x64x128xf32, #tpu.memory_space<hbm>> -> memref<64x128xf32, #tpu.memory_space<hbm>>
    %dma_start3A_296 = arith.constant 0 : i32
    %dma_start3A_297 = arith.constant 0 : i32
    %dma_start3A_298 = tpu.memref_slice %arg6[%dma_start3A_281, %dma_start3A_296, %dma_start3A_297] : memref<10x64x128xf32, #tpu.memory_space<vmem>> -> memref<1x64x128xf32, #tpu.memory_space<vmem>>
    %dma_start3A_299 = tpu.memref_squeeze %dma_start3A_298 : memref<1x64x128xf32, #tpu.memory_space<vmem>> -> memref<64x128xf32, #tpu.memory_space<vmem>>
    tpu.enqueue_dma source(%dma_start3A_299 : memref<64x128xf32, #tpu.memory_space<vmem>>) target(%dma_start3A_295 : memref<64x128xf32, #tpu.memory_space<hbm>>) target_semaphore(%dma_start3A_292 : memref<!tpu.dma_semaphore, #tpu.memory_space<semaphore_mem>>)
    %dma_wait3A_300 = arith.constant 47 : i32
    %dma_wait3A_301 = arith.constant 4 : i32
    %dma_wait3A_302 = arith.constant 4 : i32
    %dma_wait3A_303 = arith.constant 0 : i32
    %dma_wait3A_304 = arith.constant 0 : i32
    %dma_wait3A_305 = tpu.memref_slice %arg6[%dma_wait3A_301, %dma_wait3A_303, %dma_wait3A_304] : memref<10x64x128xf32, #tpu.memory_space<vmem>> -> memref<1x64x128xf32, #tpu.memory_space<vmem>>
    %dma_wait3A_306 = tpu.memref_squeeze %dma_wait3A_305 : memref<1x64x128xf32, #tpu.memory_space<vmem>> -> memref<64x128xf32, #tpu.memory_space<vmem>>
    %dma_wait3A_307 = arith.constant 0 : i32
    %dma_wait3A_308 = tpu.memref_slice %arg5[%dma_wait3A_300, %dma_wait3A_307] : memref<50x128xi32, #tpu.memory_space<vmem>> -> memref<1x64xi32, #tpu.memory_space<vmem>>
    %dma_wait3A_309 = tpu.memref_squeeze %dma_wait3A_308 : memref<1x64xi32, #tpu.memory_space<vmem>> -> memref<64xi32, #tpu.memory_space<vmem>>
    %dma_wait3A_310 = arith.constant 0 : i32
    %dma_wait3A_311 = arith.constant 0 : i32
    %dma_wait3A_312 = tpu.memref_slice %arg3[%dma_wait3A_310, %dma_wait3A_311] : memref<100000x128xf32, #tpu.memory_space<hbm>> -> memref<100000x128xf32, #tpu.memory_space<hbm>>
    %dma_wait3A_313 = tpu.memref_slice %arg7[%dma_wait3A_302] : memref<10x!tpu.dma_semaphore, #tpu.memory_space<semaphore_mem>> -> memref<1x!tpu.dma_semaphore, #tpu.memory_space<semaphore_mem>>
    %dma_wait3A_314 = tpu.memref_squeeze %dma_wait3A_313 : memref<1x!tpu.dma_semaphore, #tpu.memory_space<semaphore_mem>> -> memref<!tpu.dma_semaphore, #tpu.memory_space<semaphore_mem>>
    tpu.wait_indirect_dma semaphore(%dma_wait3A_314 : memref<!tpu.dma_semaphore, #tpu.memory_space<semaphore_mem>>) src(%dma_wait3A_312 : memref<100000x128xf32, #tpu.memory_space<hbm>>) dst(%dma_wait3A_306 : memref<64x128xf32, #tpu.memory_space<vmem>>)
    %add3A_315 = arith.constant 0 : i32
    %add3A_316 = arith.addi %mul3A_2, %add3A_315 : i32
    %dma_start3A_317 = arith.constant 4 : i32
    %dma_start3A_318 = arith.constant 47 : i32
    %dma_start3A_319 = arith.constant 4 : i32
    %dma_start3A_320 = arith.constant 0 : i32
    %dma_start3A_321 = arith.constant 0 : i32
    %dma_start3A_322 = tpu.memref_slice %arg6[%dma_start3A_317, %dma_start3A_320, %dma_start3A_321] : memref<10x64x128xf32, #tpu.memory_space<vmem>> -> memref<1x64x128xf32, #tpu.memory_space<vmem>>
    %dma_start3A_323 = tpu.memref_squeeze %dma_start3A_322 : memref<1x64x128xf32, #tpu.memory_space<vmem>> -> memref<64x128xf32, #tpu.memory_space<vmem>>
    %dma_start3A_324 = arith.constant 0 : i32
    %dma_start3A_325 = tpu.memref_slice %arg4[%dma_start3A_318, %add3A_316, %dma_start3A_324] : memref<50x4096x128xf32, #tpu.memory_space<hbm>> -> memref<1x64x128xf32, #tpu.memory_space<hbm>>
    %dma_start3A_326 = tpu.memref_squeeze %dma_start3A_325 : memref<1x64x128xf32, #tpu.memory_space<hbm>> -> memref<64x128xf32, #tpu.memory_space<hbm>>
    %dma_start3A_327 = tpu.memref_slice %arg8[%dma_start3A_319] : memref<10x!tpu.dma_semaphore, #tpu.memory_space<semaphore_mem>> -> memref<1x!tpu.dma_semaphore, #tpu.memory_space<semaphore_mem>>
    %dma_start3A_328 = tpu.memref_squeeze %dma_start3A_327 : memref<1x!tpu.dma_semaphore, #tpu.memory_space<semaphore_mem>> -> memref<!tpu.dma_semaphore, #tpu.memory_space<semaphore_mem>>
    %dma_start3A_329 = arith.constant 0 : i32
    %dma_start3A_330 = tpu.memref_slice %arg4[%dma_start3A_318, %add3A_316, %dma_start3A_329] : memref<50x4096x128xf32, #tpu.memory_space<hbm>> -> memref<1x64x128xf32, #tpu.memory_space<hbm>>
    %dma_start3A_331 = tpu.memref_squeeze %dma_start3A_330 : memref<1x64x128xf32, #tpu.memory_space<hbm>> -> memref<64x128xf32, #tpu.memory_space<hbm>>
    %dma_start3A_332 = arith.constant 0 : i32
    %dma_start3A_333 = arith.constant 0 : i32
    %dma_start3A_334 = tpu.memref_slice %arg6[%dma_start3A_317, %dma_start3A_332, %dma_start3A_333] : memref<10x64x128xf32, #tpu.memory_space<vmem>> -> memref<1x64x128xf32, #tpu.memory_space<vmem>>
    %dma_start3A_335 = tpu.memref_squeeze %dma_start3A_334 : memref<1x64x128xf32, #tpu.memory_space<vmem>> -> memref<64x128xf32, #tpu.memory_space<vmem>>
    tpu.enqueue_dma source(%dma_start3A_335 : memref<64x128xf32, #tpu.memory_space<vmem>>) target(%dma_start3A_331 : memref<64x128xf32, #tpu.memory_space<hbm>>) target_semaphore(%dma_start3A_328 : memref<!tpu.dma_semaphore, #tpu.memory_space<semaphore_mem>>)
    %dma_wait3A_336 = arith.constant 47 : i32
    %dma_wait3A_337 = arith.constant 5 : i32
    %dma_wait3A_338 = arith.constant 5 : i32
    %dma_wait3A_339 = arith.constant 0 : i32
    %dma_wait3A_340 = arith.constant 0 : i32
    %dma_wait3A_341 = tpu.memref_slice %arg6[%dma_wait3A_337, %dma_wait3A_339, %dma_wait3A_340] : memref<10x64x128xf32, #tpu.memory_space<vmem>> -> memref<1x64x128xf32, #tpu.memory_space<vmem>>
    %dma_wait3A_342 = tpu.memref_squeeze %dma_wait3A_341 : memref<1x64x128xf32, #tpu.memory_space<vmem>> -> memref<64x128xf32, #tpu.memory_space<vmem>>
    %dma_wait3A_343 = arith.constant 64 : i32
    %dma_wait3A_344 = tpu.memref_slice %arg5[%dma_wait3A_336, %dma_wait3A_343] : memref<50x128xi32, #tpu.memory_space<vmem>> -> memref<1x64xi32, #tpu.memory_space<vmem>>
    %dma_wait3A_345 = tpu.memref_squeeze %dma_wait3A_344 : memref<1x64xi32, #tpu.memory_space<vmem>> -> memref<64xi32, #tpu.memory_space<vmem>>
    %dma_wait3A_346 = arith.constant 0 : i32
    %dma_wait3A_347 = arith.constant 0 : i32
    %dma_wait3A_348 = tpu.memref_slice %arg3[%dma_wait3A_346, %dma_wait3A_347] : memref<100000x128xf32, #tpu.memory_space<hbm>> -> memref<100000x128xf32, #tpu.memory_space<hbm>>
    %dma_wait3A_349 = tpu.memref_slice %arg7[%dma_wait3A_338] : memref<10x!tpu.dma_semaphore, #tpu.memory_space<semaphore_mem>> -> memref<1x!tpu.dma_semaphore, #tpu.memory_space<semaphore_mem>>
    %dma_wait3A_350 = tpu.memref_squeeze %dma_wait3A_349 : memref<1x!tpu.dma_semaphore, #tpu.memory_space<semaphore_mem>> -> memref<!tpu.dma_semaphore, #tpu.memory_space<semaphore_mem>>
    tpu.wait_indirect_dma semaphore(%dma_wait3A_350 : memref<!tpu.dma_semaphore, #tpu.memory_space<semaphore_mem>>) src(%dma_wait3A_348 : memref<100000x128xf32, #tpu.memory_space<hbm>>) dst(%dma_wait3A_342 : memref<64x128xf32, #tpu.memory_space<vmem>>)
    %add3A_351 = arith.constant 64 : i32
    %add3A_352 = arith.addi %mul3A_2, %add3A_351 : i32
    %dma_start3A_353 = arith.constant 5 : i32
    %dma_start3A_354 = arith.constant 47 : i32
    %dma_start3A_355 = arith.constant 5 : i32
    %dma_start3A_356 = arith.constant 0 : i32
    %dma_start3A_357 = arith.constant 0 : i32
    %dma_start3A_358 = tpu.memref_slice %arg6[%dma_start3A_353, %dma_start3A_356, %dma_start3A_357] : memref<10x64x128xf32, #tpu.memory_space<vmem>> -> memref<1x64x128xf32, #tpu.memory_space<vmem>>
    %dma_start3A_359 = tpu.memref_squeeze %dma_start3A_358 : memref<1x64x128xf32, #tpu.memory_space<vmem>> -> memref<64x128xf32, #tpu.memory_space<vmem>>
    %dma_start3A_360 = arith.constant 0 : i32
    %dma_start3A_361 = tpu.memref_slice %arg4[%dma_start3A_354, %add3A_352, %dma_start3A_360] : memref<50x4096x128xf32, #tpu.memory_space<hbm>> -> memref<1x64x128xf32, #tpu.memory_space<hbm>>
    %dma_start3A_362 = tpu.memref_squeeze %dma_start3A_361 : memref<1x64x128xf32, #tpu.memory_space<hbm>> -> memref<64x128xf32, #tpu.memory_space<hbm>>
    %dma_start3A_363 = tpu.memref_slice %arg8[%dma_start3A_355] : memref<10x!tpu.dma_semaphore, #tpu.memory_space<semaphore_mem>> -> memref<1x!tpu.dma_semaphore, #tpu.memory_space<semaphore_mem>>
    %dma_start3A_364 = tpu.memref_squeeze %dma_start3A_363 : memref<1x!tpu.dma_semaphore, #tpu.memory_space<semaphore_mem>> -> memref<!tpu.dma_semaphore, #tpu.memory_space<semaphore_mem>>
    %dma_start3A_365 = arith.constant 0 : i32
    %dma_start3A_366 = tpu.memref_slice %arg4[%dma_start3A_354, %add3A_352, %dma_start3A_365] : memref<50x4096x128xf32, #tpu.memory_space<hbm>> -> memref<1x64x128xf32, #tpu.memory_space<hbm>>
    %dma_start3A_367 = tpu.memref_squeeze %dma_start3A_366 : memref<1x64x128xf32, #tpu.memory_space<hbm>> -> memref<64x128xf32, #tpu.memory_space<hbm>>
    %dma_start3A_368 = arith.constant 0 : i32
    %dma_start3A_369 = arith.constant 0 : i32
    %dma_start3A_370 = tpu.memref_slice %arg6[%dma_start3A_353, %dma_start3A_368, %dma_start3A_369] : memref<10x64x128xf32, #tpu.memory_space<vmem>> -> memref<1x64x128xf32, #tpu.memory_space<vmem>>
    %dma_start3A_371 = tpu.memref_squeeze %dma_start3A_370 : memref<1x64x128xf32, #tpu.memory_space<vmem>> -> memref<64x128xf32, #tpu.memory_space<vmem>>
    tpu.enqueue_dma source(%dma_start3A_371 : memref<64x128xf32, #tpu.memory_space<vmem>>) target(%dma_start3A_367 : memref<64x128xf32, #tpu.memory_space<hbm>>) target_semaphore(%dma_start3A_364 : memref<!tpu.dma_semaphore, #tpu.memory_space<semaphore_mem>>)
    %dma_wait3A_372 = arith.constant 48 : i32
    %dma_wait3A_373 = arith.constant 6 : i32
    %dma_wait3A_374 = arith.constant 6 : i32
    %dma_wait3A_375 = arith.constant 0 : i32
    %dma_wait3A_376 = arith.constant 0 : i32
    %dma_wait3A_377 = tpu.memref_slice %arg6[%dma_wait3A_373, %dma_wait3A_375, %dma_wait3A_376] : memref<10x64x128xf32, #tpu.memory_space<vmem>> -> memref<1x64x128xf32, #tpu.memory_space<vmem>>
    %dma_wait3A_378 = tpu.memref_squeeze %dma_wait3A_377 : memref<1x64x128xf32, #tpu.memory_space<vmem>> -> memref<64x128xf32, #tpu.memory_space<vmem>>
    %dma_wait3A_379 = arith.constant 0 : i32
    %dma_wait3A_380 = tpu.memref_slice %arg5[%dma_wait3A_372, %dma_wait3A_379] : memref<50x128xi32, #tpu.memory_space<vmem>> -> memref<1x64xi32, #tpu.memory_space<vmem>>
    %dma_wait3A_381 = tpu.memref_squeeze %dma_wait3A_380 : memref<1x64xi32, #tpu.memory_space<vmem>> -> memref<64xi32, #tpu.memory_space<vmem>>
    %dma_wait3A_382 = arith.constant 0 : i32
    %dma_wait3A_383 = arith.constant 0 : i32
    %dma_wait3A_384 = tpu.memref_slice %arg3[%dma_wait3A_382, %dma_wait3A_383] : memref<100000x128xf32, #tpu.memory_space<hbm>> -> memref<100000x128xf32, #tpu.memory_space<hbm>>
    %dma_wait3A_385 = tpu.memref_slice %arg7[%dma_wait3A_374] : memref<10x!tpu.dma_semaphore, #tpu.memory_space<semaphore_mem>> -> memref<1x!tpu.dma_semaphore, #tpu.memory_space<semaphore_mem>>
    %dma_wait3A_386 = tpu.memref_squeeze %dma_wait3A_385 : memref<1x!tpu.dma_semaphore, #tpu.memory_space<semaphore_mem>> -> memref<!tpu.dma_semaphore, #tpu.memory_space<semaphore_mem>>
    tpu.wait_indirect_dma semaphore(%dma_wait3A_386 : memref<!tpu.dma_semaphore, #tpu.memory_space<semaphore_mem>>) src(%dma_wait3A_384 : memref<100000x128xf32, #tpu.memory_space<hbm>>) dst(%dma_wait3A_378 : memref<64x128xf32, #tpu.memory_space<vmem>>)
    %add3A_387 = arith.constant 0 : i32
    %add3A_388 = arith.addi %mul3A_2, %add3A_387 : i32
    %dma_start3A_389 = arith.constant 6 : i32
    %dma_start3A_390 = arith.constant 48 : i32
    %dma_start3A_391 = arith.constant 6 : i32
    %dma_start3A_392 = arith.constant 0 : i32
    %dma_start3A_393 = arith.constant 0 : i32
    %dma_start3A_394 = tpu.memref_slice %arg6[%dma_start3A_389, %dma_start3A_392, %dma_start3A_393] : memref<10x64x128xf32, #tpu.memory_space<vmem>> -> memref<1x64x128xf32, #tpu.memory_space<vmem>>
    %dma_start3A_395 = tpu.memref_squeeze %dma_start3A_394 : memref<1x64x128xf32, #tpu.memory_space<vmem>> -> memref<64x128xf32, #tpu.memory_space<vmem>>
    %dma_start3A_396 = arith.constant 0 : i32
    %dma_start3A_397 = tpu.memref_slice %arg4[%dma_start3A_390, %add3A_388, %dma_start3A_396] : memref<50x4096x128xf32, #tpu.memory_space<hbm>> -> memref<1x64x128xf32, #tpu.memory_space<hbm>>
    %dma_start3A_398 = tpu.memref_squeeze %dma_start3A_397 : memref<1x64x128xf32, #tpu.memory_space<hbm>> -> memref<64x128xf32, #tpu.memory_space<hbm>>
    %dma_start3A_399 = tpu.memref_slice %arg8[%dma_start3A_391] : memref<10x!tpu.dma_semaphore, #tpu.memory_space<semaphore_mem>> -> memref<1x!tpu.dma_semaphore, #tpu.memory_space<semaphore_mem>>
    %dma_start3A_400 = tpu.memref_squeeze %dma_start3A_399 : memref<1x!tpu.dma_semaphore, #tpu.memory_space<semaphore_mem>> -> memref<!tpu.dma_semaphore, #tpu.memory_space<semaphore_mem>>
    %dma_start3A_401 = arith.constant 0 : i32
    %dma_start3A_402 = tpu.memref_slice %arg4[%dma_start3A_390, %add3A_388, %dma_start3A_401] : memref<50x4096x128xf32, #tpu.memory_space<hbm>> -> memref<1x64x128xf32, #tpu.memory_space<hbm>>
    %dma_start3A_403 = tpu.memref_squeeze %dma_start3A_402 : memref<1x64x128xf32, #tpu.memory_space<hbm>> -> memref<64x128xf32, #tpu.memory_space<hbm>>
    %dma_start3A_404 = arith.constant 0 : i32
    %dma_start3A_405 = arith.constant 0 : i32
    %dma_start3A_406 = tpu.memref_slice %arg6[%dma_start3A_389, %dma_start3A_404, %dma_start3A_405] : memref<10x64x128xf32, #tpu.memory_space<vmem>> -> memref<1x64x128xf32, #tpu.memory_space<vmem>>
    %dma_start3A_407 = tpu.memref_squeeze %dma_start3A_406 : memref<1x64x128xf32, #tpu.memory_space<vmem>> -> memref<64x128xf32, #tpu.memory_space<vmem>>
    tpu.enqueue_dma source(%dma_start3A_407 : memref<64x128xf32, #tpu.memory_space<vmem>>) target(%dma_start3A_403 : memref<64x128xf32, #tpu.memory_space<hbm>>) target_semaphore(%dma_start3A_400 : memref<!tpu.dma_semaphore, #tpu.memory_space<semaphore_mem>>)
    %dma_wait3A_408 = arith.constant 48 : i32
    %dma_wait3A_409 = arith.constant 7 : i32
    %dma_wait3A_410 = arith.constant 7 : i32
    %dma_wait3A_411 = arith.constant 0 : i32
    %dma_wait3A_412 = arith.constant 0 : i32
    %dma_wait3A_413 = tpu.memref_slice %arg6[%dma_wait3A_409, %dma_wait3A_411, %dma_wait3A_412] : memref<10x64x128xf32, #tpu.memory_space<vmem>> -> memref<1x64x128xf32, #tpu.memory_space<vmem>>
    %dma_wait3A_414 = tpu.memref_squeeze %dma_wait3A_413 : memref<1x64x128xf32, #tpu.memory_space<vmem>> -> memref<64x128xf32, #tpu.memory_space<vmem>>
    %dma_wait3A_415 = arith.constant 64 : i32
    %dma_wait3A_416 = tpu.memref_slice %arg5[%dma_wait3A_408, %dma_wait3A_415] : memref<50x128xi32, #tpu.memory_space<vmem>> -> memref<1x64xi32, #tpu.memory_space<vmem>>
    %dma_wait3A_417 = tpu.memref_squeeze %dma_wait3A_416 : memref<1x64xi32, #tpu.memory_space<vmem>> -> memref<64xi32, #tpu.memory_space<vmem>>
    %dma_wait3A_418 = arith.constant 0 : i32
    %dma_wait3A_419 = arith.constant 0 : i32
    %dma_wait3A_420 = tpu.memref_slice %arg3[%dma_wait3A_418, %dma_wait3A_419] : memref<100000x128xf32, #tpu.memory_space<hbm>> -> memref<100000x128xf32, #tpu.memory_space<hbm>>
    %dma_wait3A_421 = tpu.memref_slice %arg7[%dma_wait3A_410] : memref<10x!tpu.dma_semaphore, #tpu.memory_space<semaphore_mem>> -> memref<1x!tpu.dma_semaphore, #tpu.memory_space<semaphore_mem>>
    %dma_wait3A_422 = tpu.memref_squeeze %dma_wait3A_421 : memref<1x!tpu.dma_semaphore, #tpu.memory_space<semaphore_mem>> -> memref<!tpu.dma_semaphore, #tpu.memory_space<semaphore_mem>>
    tpu.wait_indirect_dma semaphore(%dma_wait3A_422 : memref<!tpu.dma_semaphore, #tpu.memory_space<semaphore_mem>>) src(%dma_wait3A_420 : memref<100000x128xf32, #tpu.memory_space<hbm>>) dst(%dma_wait3A_414 : memref<64x128xf32, #tpu.memory_space<vmem>>)
    %add3A_423 = arith.constant 64 : i32
    %add3A_424 = arith.addi %mul3A_2, %add3A_423 : i32
    %dma_start3A_425 = arith.constant 7 : i32
    %dma_start3A_426 = arith.constant 48 : i32
    %dma_start3A_427 = arith.constant 7 : i32
    %dma_start3A_428 = arith.constant 0 : i32
    %dma_start3A_429 = arith.constant 0 : i32
    %dma_start3A_430 = tpu.memref_slice %arg6[%dma_start3A_425, %dma_start3A_428, %dma_start3A_429] : memref<10x64x128xf32, #tpu.memory_space<vmem>> -> memref<1x64x128xf32, #tpu.memory_space<vmem>>
    %dma_start3A_431 = tpu.memref_squeeze %dma_start3A_430 : memref<1x64x128xf32, #tpu.memory_space<vmem>> -> memref<64x128xf32, #tpu.memory_space<vmem>>
    %dma_start3A_432 = arith.constant 0 : i32
    %dma_start3A_433 = tpu.memref_slice %arg4[%dma_start3A_426, %add3A_424, %dma_start3A_432] : memref<50x4096x128xf32, #tpu.memory_space<hbm>> -> memref<1x64x128xf32, #tpu.memory_space<hbm>>
    %dma_start3A_434 = tpu.memref_squeeze %dma_start3A_433 : memref<1x64x128xf32, #tpu.memory_space<hbm>> -> memref<64x128xf32, #tpu.memory_space<hbm>>
    %dma_start3A_435 = tpu.memref_slice %arg8[%dma_start3A_427] : memref<10x!tpu.dma_semaphore, #tpu.memory_space<semaphore_mem>> -> memref<1x!tpu.dma_semaphore, #tpu.memory_space<semaphore_mem>>
    %dma_start3A_436 = tpu.memref_squeeze %dma_start3A_435 : memref<1x!tpu.dma_semaphore, #tpu.memory_space<semaphore_mem>> -> memref<!tpu.dma_semaphore, #tpu.memory_space<semaphore_mem>>
    %dma_start3A_437 = arith.constant 0 : i32
    %dma_start3A_438 = tpu.memref_slice %arg4[%dma_start3A_426, %add3A_424, %dma_start3A_437] : memref<50x4096x128xf32, #tpu.memory_space<hbm>> -> memref<1x64x128xf32, #tpu.memory_space<hbm>>
    %dma_start3A_439 = tpu.memref_squeeze %dma_start3A_438 : memref<1x64x128xf32, #tpu.memory_space<hbm>> -> memref<64x128xf32, #tpu.memory_space<hbm>>
    %dma_start3A_440 = arith.constant 0 : i32
    %dma_start3A_441 = arith.constant 0 : i32
    %dma_start3A_442 = tpu.memref_slice %arg6[%dma_start3A_425, %dma_start3A_440, %dma_start3A_441] : memref<10x64x128xf32, #tpu.memory_space<vmem>> -> memref<1x64x128xf32, #tpu.memory_space<vmem>>
    %dma_start3A_443 = tpu.memref_squeeze %dma_start3A_442 : memref<1x64x128xf32, #tpu.memory_space<vmem>> -> memref<64x128xf32, #tpu.memory_space<vmem>>
    tpu.enqueue_dma source(%dma_start3A_443 : memref<64x128xf32, #tpu.memory_space<vmem>>) target(%dma_start3A_439 : memref<64x128xf32, #tpu.memory_space<hbm>>) target_semaphore(%dma_start3A_436 : memref<!tpu.dma_semaphore, #tpu.memory_space<semaphore_mem>>)
    %dma_wait3A_444 = arith.constant 49 : i32
    %dma_wait3A_445 = arith.constant 8 : i32
    %dma_wait3A_446 = arith.constant 8 : i32
    %dma_wait3A_447 = arith.constant 0 : i32
    %dma_wait3A_448 = arith.constant 0 : i32
    %dma_wait3A_449 = tpu.memref_slice %arg6[%dma_wait3A_445, %dma_wait3A_447, %dma_wait3A_448] : memref<10x64x128xf32, #tpu.memory_space<vmem>> -> memref<1x64x128xf32, #tpu.memory_space<vmem>>
    %dma_wait3A_450 = tpu.memref_squeeze %dma_wait3A_449 : memref<1x64x128xf32, #tpu.memory_space<vmem>> -> memref<64x128xf32, #tpu.memory_space<vmem>>
    %dma_wait3A_451 = arith.constant 0 : i32
    %dma_wait3A_452 = tpu.memref_slice %arg5[%dma_wait3A_444, %dma_wait3A_451] : memref<50x128xi32, #tpu.memory_space<vmem>> -> memref<1x64xi32, #tpu.memory_space<vmem>>
    %dma_wait3A_453 = tpu.memref_squeeze %dma_wait3A_452 : memref<1x64xi32, #tpu.memory_space<vmem>> -> memref<64xi32, #tpu.memory_space<vmem>>
    %dma_wait3A_454 = arith.constant 0 : i32
    %dma_wait3A_455 = arith.constant 0 : i32
    %dma_wait3A_456 = tpu.memref_slice %arg3[%dma_wait3A_454, %dma_wait3A_455] : memref<100000x128xf32, #tpu.memory_space<hbm>> -> memref<100000x128xf32, #tpu.memory_space<hbm>>
    %dma_wait3A_457 = tpu.memref_slice %arg7[%dma_wait3A_446] : memref<10x!tpu.dma_semaphore, #tpu.memory_space<semaphore_mem>> -> memref<1x!tpu.dma_semaphore, #tpu.memory_space<semaphore_mem>>
    %dma_wait3A_458 = tpu.memref_squeeze %dma_wait3A_457 : memref<1x!tpu.dma_semaphore, #tpu.memory_space<semaphore_mem>> -> memref<!tpu.dma_semaphore, #tpu.memory_space<semaphore_mem>>
    tpu.wait_indirect_dma semaphore(%dma_wait3A_458 : memref<!tpu.dma_semaphore, #tpu.memory_space<semaphore_mem>>) src(%dma_wait3A_456 : memref<100000x128xf32, #tpu.memory_space<hbm>>) dst(%dma_wait3A_450 : memref<64x128xf32, #tpu.memory_space<vmem>>)
    %add3A_459 = arith.constant 0 : i32
    %add3A_460 = arith.addi %mul3A_2, %add3A_459 : i32
    %dma_start3A_461 = arith.constant 8 : i32
    %dma_start3A_462 = arith.constant 49 : i32
    %dma_start3A_463 = arith.constant 8 : i32
    %dma_start3A_464 = arith.constant 0 : i32
    %dma_start3A_465 = arith.constant 0 : i32
    %dma_start3A_466 = tpu.memref_slice %arg6[%dma_start3A_461, %dma_start3A_464, %dma_start3A_465] : memref<10x64x128xf32, #tpu.memory_space<vmem>> -> memref<1x64x128xf32, #tpu.memory_space<vmem>>
    %dma_start3A_467 = tpu.memref_squeeze %dma_start3A_466 : memref<1x64x128xf32, #tpu.memory_space<vmem>> -> memref<64x128xf32, #tpu.memory_space<vmem>>
    %dma_start3A_468 = arith.constant 0 : i32
    %dma_start3A_469 = tpu.memref_slice %arg4[%dma_start3A_462, %add3A_460, %dma_start3A_468] : memref<50x4096x128xf32, #tpu.memory_space<hbm>> -> memref<1x64x128xf32, #tpu.memory_space<hbm>>
    %dma_start3A_470 = tpu.memref_squeeze %dma_start3A_469 : memref<1x64x128xf32, #tpu.memory_space<hbm>> -> memref<64x128xf32, #tpu.memory_space<hbm>>
    %dma_start3A_471 = tpu.memref_slice %arg8[%dma_start3A_463] : memref<10x!tpu.dma_semaphore, #tpu.memory_space<semaphore_mem>> -> memref<1x!tpu.dma_semaphore, #tpu.memory_space<semaphore_mem>>
    %dma_start3A_472 = tpu.memref_squeeze %dma_start3A_471 : memref<1x!tpu.dma_semaphore, #tpu.memory_space<semaphore_mem>> -> memref<!tpu.dma_semaphore, #tpu.memory_space<semaphore_mem>>
    %dma_start3A_473 = arith.constant 0 : i32
    %dma_start3A_474 = tpu.memref_slice %arg4[%dma_start3A_462, %add3A_460, %dma_start3A_473] : memref<50x4096x128xf32, #tpu.memory_space<hbm>> -> memref<1x64x128xf32, #tpu.memory_space<hbm>>
    %dma_start3A_475 = tpu.memref_squeeze %dma_start3A_474 : memref<1x64x128xf32, #tpu.memory_space<hbm>> -> memref<64x128xf32, #tpu.memory_space<hbm>>
    %dma_start3A_476 = arith.constant 0 : i32
    %dma_start3A_477 = arith.constant 0 : i32
    %dma_start3A_478 = tpu.memref_slice %arg6[%dma_start3A_461, %dma_start3A_476, %dma_start3A_477] : memref<10x64x128xf32, #tpu.memory_space<vmem>> -> memref<1x64x128xf32, #tpu.memory_space<vmem>>
    %dma_start3A_479 = tpu.memref_squeeze %dma_start3A_478 : memref<1x64x128xf32, #tpu.memory_space<vmem>> -> memref<64x128xf32, #tpu.memory_space<vmem>>
    tpu.enqueue_dma source(%dma_start3A_479 : memref<64x128xf32, #tpu.memory_space<vmem>>) target(%dma_start3A_475 : memref<64x128xf32, #tpu.memory_space<hbm>>) target_semaphore(%dma_start3A_472 : memref<!tpu.dma_semaphore, #tpu.memory_space<semaphore_mem>>)
    %dma_wait3A_480 = arith.constant 49 : i32
    %dma_wait3A_481 = arith.constant 9 : i32
    %dma_wait3A_482 = arith.constant 9 : i32
    %dma_wait3A_483 = arith.constant 0 : i32
    %dma_wait3A_484 = arith.constant 0 : i32
    %dma_wait3A_485 = tpu.memref_slice %arg6[%dma_wait3A_481, %dma_wait3A_483, %dma_wait3A_484] : memref<10x64x128xf32, #tpu.memory_space<vmem>> -> memref<1x64x128xf32, #tpu.memory_space<vmem>>
    %dma_wait3A_486 = tpu.memref_squeeze %dma_wait3A_485 : memref<1x64x128xf32, #tpu.memory_space<vmem>> -> memref<64x128xf32, #tpu.memory_space<vmem>>
    %dma_wait3A_487 = arith.constant 64 : i32
    %dma_wait3A_488 = tpu.memref_slice %arg5[%dma_wait3A_480, %dma_wait3A_487] : memref<50x128xi32, #tpu.memory_space<vmem>> -> memref<1x64xi32, #tpu.memory_space<vmem>>
    %dma_wait3A_489 = tpu.memref_squeeze %dma_wait3A_488 : memref<1x64xi32, #tpu.memory_space<vmem>> -> memref<64xi32, #tpu.memory_space<vmem>>
    %dma_wait3A_490 = arith.constant 0 : i32
    %dma_wait3A_491 = arith.constant 0 : i32
    %dma_wait3A_492 = tpu.memref_slice %arg3[%dma_wait3A_490, %dma_wait3A_491] : memref<100000x128xf32, #tpu.memory_space<hbm>> -> memref<100000x128xf32, #tpu.memory_space<hbm>>
    %dma_wait3A_493 = tpu.memref_slice %arg7[%dma_wait3A_482] : memref<10x!tpu.dma_semaphore, #tpu.memory_space<semaphore_mem>> -> memref<1x!tpu.dma_semaphore, #tpu.memory_space<semaphore_mem>>
    %dma_wait3A_494 = tpu.memref_squeeze %dma_wait3A_493 : memref<1x!tpu.dma_semaphore, #tpu.memory_space<semaphore_mem>> -> memref<!tpu.dma_semaphore, #tpu.memory_space<semaphore_mem>>
    tpu.wait_indirect_dma semaphore(%dma_wait3A_494 : memref<!tpu.dma_semaphore, #tpu.memory_space<semaphore_mem>>) src(%dma_wait3A_492 : memref<100000x128xf32, #tpu.memory_space<hbm>>) dst(%dma_wait3A_486 : memref<64x128xf32, #tpu.memory_space<vmem>>)
    %add3A_495 = arith.constant 64 : i32
    %add3A_496 = arith.addi %mul3A_2, %add3A_495 : i32
    %dma_start3A_497 = arith.constant 9 : i32
    %dma_start3A_498 = arith.constant 49 : i32
    %dma_start3A_499 = arith.constant 9 : i32
    %dma_start3A_500 = arith.constant 0 : i32
    %dma_start3A_501 = arith.constant 0 : i32
    %dma_start3A_502 = tpu.memref_slice %arg6[%dma_start3A_497, %dma_start3A_500, %dma_start3A_501] : memref<10x64x128xf32, #tpu.memory_space<vmem>> -> memref<1x64x128xf32, #tpu.memory_space<vmem>>
    %dma_start3A_503 = tpu.memref_squeeze %dma_start3A_502 : memref<1x64x128xf32, #tpu.memory_space<vmem>> -> memref<64x128xf32, #tpu.memory_space<vmem>>
    %dma_start3A_504 = arith.constant 0 : i32
    %dma_start3A_505 = tpu.memref_slice %arg4[%dma_start3A_498, %add3A_496, %dma_start3A_504] : memref<50x4096x128xf32, #tpu.memory_space<hbm>> -> memref<1x64x128xf32, #tpu.memory_space<hbm>>
    %dma_start3A_506 = tpu.memref_squeeze %dma_start3A_505 : memref<1x64x128xf32, #tpu.memory_space<hbm>> -> memref<64x128xf32, #tpu.memory_space<hbm>>
    %dma_start3A_507 = tpu.memref_slice %arg8[%dma_start3A_499] : memref<10x!tpu.dma_semaphore, #tpu.memory_space<semaphore_mem>> -> memref<1x!tpu.dma_semaphore, #tpu.memory_space<semaphore_mem>>
    %dma_start3A_508 = tpu.memref_squeeze %dma_start3A_507 : memref<1x!tpu.dma_semaphore, #tpu.memory_space<semaphore_mem>> -> memref<!tpu.dma_semaphore, #tpu.memory_space<semaphore_mem>>
    %dma_start3A_509 = arith.constant 0 : i32
    %dma_start3A_510 = tpu.memref_slice %arg4[%dma_start3A_498, %add3A_496, %dma_start3A_509] : memref<50x4096x128xf32, #tpu.memory_space<hbm>> -> memref<1x64x128xf32, #tpu.memory_space<hbm>>
    %dma_start3A_511 = tpu.memref_squeeze %dma_start3A_510 : memref<1x64x128xf32, #tpu.memory_space<hbm>> -> memref<64x128xf32, #tpu.memory_space<hbm>>
    %dma_start3A_512 = arith.constant 0 : i32
    %dma_start3A_513 = arith.constant 0 : i32
    %dma_start3A_514 = tpu.memref_slice %arg6[%dma_start3A_497, %dma_start3A_512, %dma_start3A_513] : memref<10x64x128xf32, #tpu.memory_space<vmem>> -> memref<1x64x128xf32, #tpu.memory_space<vmem>>
    %dma_start3A_515 = tpu.memref_squeeze %dma_start3A_514 : memref<1x64x128xf32, #tpu.memory_space<vmem>> -> memref<64x128xf32, #tpu.memory_space<vmem>>
    tpu.enqueue_dma source(%dma_start3A_515 : memref<64x128xf32, #tpu.memory_space<vmem>>) target(%dma_start3A_511 : memref<64x128xf32, #tpu.memory_space<hbm>>) target_semaphore(%dma_start3A_508 : memref<!tpu.dma_semaphore, #tpu.memory_space<semaphore_mem>>)
    %add3A_516 = arith.constant 0 : i32
    %add3A_517 = arith.addi %mul3A_2, %add3A_516 : i32
    %dma_wait3A_518 = arith.constant 0 : i32
    %dma_wait3A_519 = arith.constant 45 : i32
    %dma_wait3A_520 = arith.constant 0 : i32
    %dma_wait3A_521 = arith.constant 0 : i32
    %dma_wait3A_522 = arith.constant 0 : i32
    %dma_wait3A_523 = tpu.memref_slice %arg6[%dma_wait3A_518, %dma_wait3A_521, %dma_wait3A_522] : memref<10x64x128xf32, #tpu.memory_space<vmem>> -> memref<1x64x128xf32, #tpu.memory_space<vmem>>
    %dma_wait3A_524 = tpu.memref_squeeze %dma_wait3A_523 : memref<1x64x128xf32, #tpu.memory_space<vmem>> -> memref<64x128xf32, #tpu.memory_space<vmem>>
    %dma_wait3A_525 = arith.constant 0 : i32
    %dma_wait3A_526 = tpu.memref_slice %arg4[%dma_wait3A_519, %add3A_517, %dma_wait3A_525] : memref<50x4096x128xf32, #tpu.memory_space<hbm>> -> memref<1x64x128xf32, #tpu.memory_space<hbm>>
    %dma_wait3A_527 = tpu.memref_squeeze %dma_wait3A_526 : memref<1x64x128xf32, #tpu.memory_space<hbm>> -> memref<64x128xf32, #tpu.memory_space<hbm>>
    %dma_wait3A_528 = tpu.memref_slice %arg8[%dma_wait3A_520] : memref<10x!tpu.dma_semaphore, #tpu.memory_space<semaphore_mem>> -> memref<1x!tpu.dma_semaphore, #tpu.memory_space<semaphore_mem>>
    %dma_wait3A_529 = tpu.memref_squeeze %dma_wait3A_528 : memref<1x!tpu.dma_semaphore, #tpu.memory_space<semaphore_mem>> -> memref<!tpu.dma_semaphore, #tpu.memory_space<semaphore_mem>>
    %dma_wait3A_530 = arith.constant 0 : i32
    %dma_wait3A_531 = tpu.memref_slice %arg4[%dma_wait3A_519, %add3A_517, %dma_wait3A_530] : memref<50x4096x128xf32, #tpu.memory_space<hbm>> -> memref<1x64x128xf32, #tpu.memory_space<hbm>>
    %dma_wait3A_532 = tpu.memref_squeeze %dma_wait3A_531 : memref<1x64x128xf32, #tpu.memory_space<hbm>> -> memref<64x128xf32, #tpu.memory_space<hbm>>
    %dma_wait3A_533 = arith.constant 0 : i32
    %dma_wait3A_534 = arith.constant 0 : i32
    %dma_wait3A_535 = tpu.memref_slice %arg6[%dma_wait3A_518, %dma_wait3A_533, %dma_wait3A_534] : memref<10x64x128xf32, #tpu.memory_space<vmem>> -> memref<1x64x128xf32, #tpu.memory_space<vmem>>
    %dma_wait3A_536 = tpu.memref_squeeze %dma_wait3A_535 : memref<1x64x128xf32, #tpu.memory_space<vmem>> -> memref<64x128xf32, #tpu.memory_space<vmem>>
    tpu.wait_dma2 semaphore(%dma_wait3A_529 : memref<!tpu.dma_semaphore, #tpu.memory_space<semaphore_mem>>) src(%dma_wait3A_536 : memref<64x128xf32, #tpu.memory_space<vmem>>) dst(%dma_wait3A_532 : memref<64x128xf32, #tpu.memory_space<hbm>>)
    %add3A_537 = arith.constant 64 : i32
    %add3A_538 = arith.addi %mul3A_2, %add3A_537 : i32
    %dma_wait3A_539 = arith.constant 1 : i32
    %dma_wait3A_540 = arith.constant 45 : i32
    %dma_wait3A_541 = arith.constant 1 : i32
    %dma_wait3A_542 = arith.constant 0 : i32
    %dma_wait3A_543 = arith.constant 0 : i32
    %dma_wait3A_544 = tpu.memref_slice %arg6[%dma_wait3A_539, %dma_wait3A_542, %dma_wait3A_543] : memref<10x64x128xf32, #tpu.memory_space<vmem>> -> memref<1x64x128xf32, #tpu.memory_space<vmem>>
    %dma_wait3A_545 = tpu.memref_squeeze %dma_wait3A_544 : memref<1x64x128xf32, #tpu.memory_space<vmem>> -> memref<64x128xf32, #tpu.memory_space<vmem>>
    %dma_wait3A_546 = arith.constant 0 : i32
    %dma_wait3A_547 = tpu.memref_slice %arg4[%dma_wait3A_540, %add3A_538, %dma_wait3A_546] : memref<50x4096x128xf32, #tpu.memory_space<hbm>> -> memref<1x64x128xf32, #tpu.memory_space<hbm>>
    %dma_wait3A_548 = tpu.memref_squeeze %dma_wait3A_547 : memref<1x64x128xf32, #tpu.memory_space<hbm>> -> memref<64x128xf32, #tpu.memory_space<hbm>>
    %dma_wait3A_549 = tpu.memref_slice %arg8[%dma_wait3A_541] : memref<10x!tpu.dma_semaphore, #tpu.memory_space<semaphore_mem>> -> memref<1x!tpu.dma_semaphore, #tpu.memory_space<semaphore_mem>>
    %dma_wait3A_550 = tpu.memref_squeeze %dma_wait3A_549 : memref<1x!tpu.dma_semaphore, #tpu.memory_space<semaphore_mem>> -> memref<!tpu.dma_semaphore, #tpu.memory_space<semaphore_mem>>
    %dma_wait3A_551 = arith.constant 0 : i32
    %dma_wait3A_552 = tpu.memref_slice %arg4[%dma_wait3A_540, %add3A_538, %dma_wait3A_551] : memref<50x4096x128xf32, #tpu.memory_space<hbm>> -> memref<1x64x128xf32, #tpu.memory_space<hbm>>
    %dma_wait3A_553 = tpu.memref_squeeze %dma_wait3A_552 : memref<1x64x128xf32, #tpu.memory_space<hbm>> -> memref<64x128xf32, #tpu.memory_space<hbm>>
    %dma_wait3A_554 = arith.constant 0 : i32
    %dma_wait3A_555 = arith.constant 0 : i32
    %dma_wait3A_556 = tpu.memref_slice %arg6[%dma_wait3A_539, %dma_wait3A_554, %dma_wait3A_555] : memref<10x64x128xf32, #tpu.memory_space<vmem>> -> memref<1x64x128xf32, #tpu.memory_space<vmem>>
    %dma_wait3A_557 = tpu.memref_squeeze %dma_wait3A_556 : memref<1x64x128xf32, #tpu.memory_space<vmem>> -> memref<64x128xf32, #tpu.memory_space<vmem>>
    tpu.wait_dma2 semaphore(%dma_wait3A_550 : memref<!tpu.dma_semaphore, #tpu.memory_space<semaphore_mem>>) src(%dma_wait3A_557 : memref<64x128xf32, #tpu.memory_space<vmem>>) dst(%dma_wait3A_553 : memref<64x128xf32, #tpu.memory_space<hbm>>)
    %add3A_558 = arith.constant 0 : i32
    %add3A_559 = arith.addi %mul3A_2, %add3A_558 : i32
    %dma_wait3A_560 = arith.constant 2 : i32
    %dma_wait3A_561 = arith.constant 46 : i32
    %dma_wait3A_562 = arith.constant 2 : i32
    %dma_wait3A_563 = arith.constant 0 : i32
    %dma_wait3A_564 = arith.constant 0 : i32
    %dma_wait3A_565 = tpu.memref_slice %arg6[%dma_wait3A_560, %dma_wait3A_563, %dma_wait3A_564] : memref<10x64x128xf32, #tpu.memory_space<vmem>> -> memref<1x64x128xf32, #tpu.memory_space<vmem>>
    %dma_wait3A_566 = tpu.memref_squeeze %dma_wait3A_565 : memref<1x64x128xf32, #tpu.memory_space<vmem>> -> memref<64x128xf32, #tpu.memory_space<vmem>>
    %dma_wait3A_567 = arith.constant 0 : i32
    %dma_wait3A_568 = tpu.memref_slice %arg4[%dma_wait3A_561, %add3A_559, %dma_wait3A_567] : memref<50x4096x128xf32, #tpu.memory_space<hbm>> -> memref<1x64x128xf32, #tpu.memory_space<hbm>>
    %dma_wait3A_569 = tpu.memref_squeeze %dma_wait3A_568 : memref<1x64x128xf32, #tpu.memory_space<hbm>> -> memref<64x128xf32, #tpu.memory_space<hbm>>
    %dma_wait3A_570 = tpu.memref_slice %arg8[%dma_wait3A_562] : memref<10x!tpu.dma_semaphore, #tpu.memory_space<semaphore_mem>> -> memref<1x!tpu.dma_semaphore, #tpu.memory_space<semaphore_mem>>
    %dma_wait3A_571 = tpu.memref_squeeze %dma_wait3A_570 : memref<1x!tpu.dma_semaphore, #tpu.memory_space<semaphore_mem>> -> memref<!tpu.dma_semaphore, #tpu.memory_space<semaphore_mem>>
    %dma_wait3A_572 = arith.constant 0 : i32
    %dma_wait3A_573 = tpu.memref_slice %arg4[%dma_wait3A_561, %add3A_559, %dma_wait3A_572] : memref<50x4096x128xf32, #tpu.memory_space<hbm>> -> memref<1x64x128xf32, #tpu.memory_space<hbm>>
    %dma_wait3A_574 = tpu.memref_squeeze %dma_wait3A_573 : memref<1x64x128xf32, #tpu.memory_space<hbm>> -> memref<64x128xf32, #tpu.memory_space<hbm>>
    %dma_wait3A_575 = arith.constant 0 : i32
    %dma_wait3A_576 = arith.constant 0 : i32
    %dma_wait3A_577 = tpu.memref_slice %arg6[%dma_wait3A_560, %dma_wait3A_575, %dma_wait3A_576] : memref<10x64x128xf32, #tpu.memory_space<vmem>> -> memref<1x64x128xf32, #tpu.memory_space<vmem>>
    %dma_wait3A_578 = tpu.memref_squeeze %dma_wait3A_577 : memref<1x64x128xf32, #tpu.memory_space<vmem>> -> memref<64x128xf32, #tpu.memory_space<vmem>>
    tpu.wait_dma2 semaphore(%dma_wait3A_571 : memref<!tpu.dma_semaphore, #tpu.memory_space<semaphore_mem>>) src(%dma_wait3A_578 : memref<64x128xf32, #tpu.memory_space<vmem>>) dst(%dma_wait3A_574 : memref<64x128xf32, #tpu.memory_space<hbm>>)
    %add3A_579 = arith.constant 64 : i32
    %add3A_580 = arith.addi %mul3A_2, %add3A_579 : i32
    %dma_wait3A_581 = arith.constant 3 : i32
    %dma_wait3A_582 = arith.constant 46 : i32
    %dma_wait3A_583 = arith.constant 3 : i32
    %dma_wait3A_584 = arith.constant 0 : i32
    %dma_wait3A_585 = arith.constant 0 : i32
    %dma_wait3A_586 = tpu.memref_slice %arg6[%dma_wait3A_581, %dma_wait3A_584, %dma_wait3A_585] : memref<10x64x128xf32, #tpu.memory_space<vmem>> -> memref<1x64x128xf32, #tpu.memory_space<vmem>>
    %dma_wait3A_587 = tpu.memref_squeeze %dma_wait3A_586 : memref<1x64x128xf32, #tpu.memory_space<vmem>> -> memref<64x128xf32, #tpu.memory_space<vmem>>
    %dma_wait3A_588 = arith.constant 0 : i32
    %dma_wait3A_589 = tpu.memref_slice %arg4[%dma_wait3A_582, %add3A_580, %dma_wait3A_588] : memref<50x4096x128xf32, #tpu.memory_space<hbm>> -> memref<1x64x128xf32, #tpu.memory_space<hbm>>
    %dma_wait3A_590 = tpu.memref_squeeze %dma_wait3A_589 : memref<1x64x128xf32, #tpu.memory_space<hbm>> -> memref<64x128xf32, #tpu.memory_space<hbm>>
    %dma_wait3A_591 = tpu.memref_slice %arg8[%dma_wait3A_583] : memref<10x!tpu.dma_semaphore, #tpu.memory_space<semaphore_mem>> -> memref<1x!tpu.dma_semaphore, #tpu.memory_space<semaphore_mem>>
    %dma_wait3A_592 = tpu.memref_squeeze %dma_wait3A_591 : memref<1x!tpu.dma_semaphore, #tpu.memory_space<semaphore_mem>> -> memref<!tpu.dma_semaphore, #tpu.memory_space<semaphore_mem>>
    %dma_wait3A_593 = arith.constant 0 : i32
    %dma_wait3A_594 = tpu.memref_slice %arg4[%dma_wait3A_582, %add3A_580, %dma_wait3A_593] : memref<50x4096x128xf32, #tpu.memory_space<hbm>> -> memref<1x64x128xf32, #tpu.memory_space<hbm>>
    %dma_wait3A_595 = tpu.memref_squeeze %dma_wait3A_594 : memref<1x64x128xf32, #tpu.memory_space<hbm>> -> memref<64x128xf32, #tpu.memory_space<hbm>>
    %dma_wait3A_596 = arith.constant 0 : i32
    %dma_wait3A_597 = arith.constant 0 : i32
    %dma_wait3A_598 = tpu.memref_slice %arg6[%dma_wait3A_581, %dma_wait3A_596, %dma_wait3A_597] : memref<10x64x128xf32, #tpu.memory_space<vmem>> -> memref<1x64x128xf32, #tpu.memory_space<vmem>>
    %dma_wait3A_599 = tpu.memref_squeeze %dma_wait3A_598 : memref<1x64x128xf32, #tpu.memory_space<vmem>> -> memref<64x128xf32, #tpu.memory_space<vmem>>
    tpu.wait_dma2 semaphore(%dma_wait3A_592 : memref<!tpu.dma_semaphore, #tpu.memory_space<semaphore_mem>>) src(%dma_wait3A_599 : memref<64x128xf32, #tpu.memory_space<vmem>>) dst(%dma_wait3A_595 : memref<64x128xf32, #tpu.memory_space<hbm>>)
    %add3A_600 = arith.constant 0 : i32
    %add3A_601 = arith.addi %mul3A_2, %add3A_600 : i32
    %dma_wait3A_602 = arith.constant 4 : i32
    %dma_wait3A_603 = arith.constant 47 : i32
    %dma_wait3A_604 = arith.constant 4 : i32
    %dma_wait3A_605 = arith.constant 0 : i32
    %dma_wait3A_606 = arith.constant 0 : i32
    %dma_wait3A_607 = tpu.memref_slice %arg6[%dma_wait3A_602, %dma_wait3A_605, %dma_wait3A_606] : memref<10x64x128xf32, #tpu.memory_space<vmem>> -> memref<1x64x128xf32, #tpu.memory_space<vmem>>
    %dma_wait3A_608 = tpu.memref_squeeze %dma_wait3A_607 : memref<1x64x128xf32, #tpu.memory_space<vmem>> -> memref<64x128xf32, #tpu.memory_space<vmem>>
    %dma_wait3A_609 = arith.constant 0 : i32
    %dma_wait3A_610 = tpu.memref_slice %arg4[%dma_wait3A_603, %add3A_601, %dma_wait3A_609] : memref<50x4096x128xf32, #tpu.memory_space<hbm>> -> memref<1x64x128xf32, #tpu.memory_space<hbm>>
    %dma_wait3A_611 = tpu.memref_squeeze %dma_wait3A_610 : memref<1x64x128xf32, #tpu.memory_space<hbm>> -> memref<64x128xf32, #tpu.memory_space<hbm>>
    %dma_wait3A_612 = tpu.memref_slice %arg8[%dma_wait3A_604] : memref<10x!tpu.dma_semaphore, #tpu.memory_space<semaphore_mem>> -> memref<1x!tpu.dma_semaphore, #tpu.memory_space<semaphore_mem>>
    %dma_wait3A_613 = tpu.memref_squeeze %dma_wait3A_612 : memref<1x!tpu.dma_semaphore, #tpu.memory_space<semaphore_mem>> -> memref<!tpu.dma_semaphore, #tpu.memory_space<semaphore_mem>>
    %dma_wait3A_614 = arith.constant 0 : i32
    %dma_wait3A_615 = tpu.memref_slice %arg4[%dma_wait3A_603, %add3A_601, %dma_wait3A_614] : memref<50x4096x128xf32, #tpu.memory_space<hbm>> -> memref<1x64x128xf32, #tpu.memory_space<hbm>>
    %dma_wait3A_616 = tpu.memref_squeeze %dma_wait3A_615 : memref<1x64x128xf32, #tpu.memory_space<hbm>> -> memref<64x128xf32, #tpu.memory_space<hbm>>
    %dma_wait3A_617 = arith.constant 0 : i32
    %dma_wait3A_618 = arith.constant 0 : i32
    %dma_wait3A_619 = tpu.memref_slice %arg6[%dma_wait3A_602, %dma_wait3A_617, %dma_wait3A_618] : memref<10x64x128xf32, #tpu.memory_space<vmem>> -> memref<1x64x128xf32, #tpu.memory_space<vmem>>
    %dma_wait3A_620 = tpu.memref_squeeze %dma_wait3A_619 : memref<1x64x128xf32, #tpu.memory_space<vmem>> -> memref<64x128xf32, #tpu.memory_space<vmem>>
    tpu.wait_dma2 semaphore(%dma_wait3A_613 : memref<!tpu.dma_semaphore, #tpu.memory_space<semaphore_mem>>) src(%dma_wait3A_620 : memref<64x128xf32, #tpu.memory_space<vmem>>) dst(%dma_wait3A_616 : memref<64x128xf32, #tpu.memory_space<hbm>>)
    %add3A_621 = arith.constant 64 : i32
    %add3A_622 = arith.addi %mul3A_2, %add3A_621 : i32
    %dma_wait3A_623 = arith.constant 5 : i32
    %dma_wait3A_624 = arith.constant 47 : i32
    %dma_wait3A_625 = arith.constant 5 : i32
    %dma_wait3A_626 = arith.constant 0 : i32
    %dma_wait3A_627 = arith.constant 0 : i32
    %dma_wait3A_628 = tpu.memref_slice %arg6[%dma_wait3A_623, %dma_wait3A_626, %dma_wait3A_627] : memref<10x64x128xf32, #tpu.memory_space<vmem>> -> memref<1x64x128xf32, #tpu.memory_space<vmem>>
    %dma_wait3A_629 = tpu.memref_squeeze %dma_wait3A_628 : memref<1x64x128xf32, #tpu.memory_space<vmem>> -> memref<64x128xf32, #tpu.memory_space<vmem>>
    %dma_wait3A_630 = arith.constant 0 : i32
    %dma_wait3A_631 = tpu.memref_slice %arg4[%dma_wait3A_624, %add3A_622, %dma_wait3A_630] : memref<50x4096x128xf32, #tpu.memory_space<hbm>> -> memref<1x64x128xf32, #tpu.memory_space<hbm>>
    %dma_wait3A_632 = tpu.memref_squeeze %dma_wait3A_631 : memref<1x64x128xf32, #tpu.memory_space<hbm>> -> memref<64x128xf32, #tpu.memory_space<hbm>>
    %dma_wait3A_633 = tpu.memref_slice %arg8[%dma_wait3A_625] : memref<10x!tpu.dma_semaphore, #tpu.memory_space<semaphore_mem>> -> memref<1x!tpu.dma_semaphore, #tpu.memory_space<semaphore_mem>>
    %dma_wait3A_634 = tpu.memref_squeeze %dma_wait3A_633 : memref<1x!tpu.dma_semaphore, #tpu.memory_space<semaphore_mem>> -> memref<!tpu.dma_semaphore, #tpu.memory_space<semaphore_mem>>
    %dma_wait3A_635 = arith.constant 0 : i32
    %dma_wait3A_636 = tpu.memref_slice %arg4[%dma_wait3A_624, %add3A_622, %dma_wait3A_635] : memref<50x4096x128xf32, #tpu.memory_space<hbm>> -> memref<1x64x128xf32, #tpu.memory_space<hbm>>
    %dma_wait3A_637 = tpu.memref_squeeze %dma_wait3A_636 : memref<1x64x128xf32, #tpu.memory_space<hbm>> -> memref<64x128xf32, #tpu.memory_space<hbm>>
    %dma_wait3A_638 = arith.constant 0 : i32
    %dma_wait3A_639 = arith.constant 0 : i32
    %dma_wait3A_640 = tpu.memref_slice %arg6[%dma_wait3A_623, %dma_wait3A_638, %dma_wait3A_639] : memref<10x64x128xf32, #tpu.memory_space<vmem>> -> memref<1x64x128xf32, #tpu.memory_space<vmem>>
    %dma_wait3A_641 = tpu.memref_squeeze %dma_wait3A_640 : memref<1x64x128xf32, #tpu.memory_space<vmem>> -> memref<64x128xf32, #tpu.memory_space<vmem>>
    tpu.wait_dma2 semaphore(%dma_wait3A_634 : memref<!tpu.dma_semaphore, #tpu.memory_space<semaphore_mem>>) src(%dma_wait3A_641 : memref<64x128xf32, #tpu.memory_space<vmem>>) dst(%dma_wait3A_637 : memref<64x128xf32, #tpu.memory_space<hbm>>)
    %add3A_642 = arith.constant 0 : i32
    %add3A_643 = arith.addi %mul3A_2, %add3A_642 : i32
    %dma_wait3A_644 = arith.constant 6 : i32
    %dma_wait3A_645 = arith.constant 48 : i32
    %dma_wait3A_646 = arith.constant 6 : i32
    %dma_wait3A_647 = arith.constant 0 : i32
    %dma_wait3A_648 = arith.constant 0 : i32
    %dma_wait3A_649 = tpu.memref_slice %arg6[%dma_wait3A_644, %dma_wait3A_647, %dma_wait3A_648] : memref<10x64x128xf32, #tpu.memory_space<vmem>> -> memref<1x64x128xf32, #tpu.memory_space<vmem>>
    %dma_wait3A_650 = tpu.memref_squeeze %dma_wait3A_649 : memref<1x64x128xf32, #tpu.memory_space<vmem>> -> memref<64x128xf32, #tpu.memory_space<vmem>>
    %dma_wait3A_651 = arith.constant 0 : i32
    %dma_wait3A_652 = tpu.memref_slice %arg4[%dma_wait3A_645, %add3A_643, %dma_wait3A_651] : memref<50x4096x128xf32, #tpu.memory_space<hbm>> -> memref<1x64x128xf32, #tpu.memory_space<hbm>>
    %dma_wait3A_653 = tpu.memref_squeeze %dma_wait3A_652 : memref<1x64x128xf32, #tpu.memory_space<hbm>> -> memref<64x128xf32, #tpu.memory_space<hbm>>
    %dma_wait3A_654 = tpu.memref_slice %arg8[%dma_wait3A_646] : memref<10x!tpu.dma_semaphore, #tpu.memory_space<semaphore_mem>> -> memref<1x!tpu.dma_semaphore, #tpu.memory_space<semaphore_mem>>
    %dma_wait3A_655 = tpu.memref_squeeze %dma_wait3A_654 : memref<1x!tpu.dma_semaphore, #tpu.memory_space<semaphore_mem>> -> memref<!tpu.dma_semaphore, #tpu.memory_space<semaphore_mem>>
    %dma_wait3A_656 = arith.constant 0 : i32
    %dma_wait3A_657 = tpu.memref_slice %arg4[%dma_wait3A_645, %add3A_643, %dma_wait3A_656] : memref<50x4096x128xf32, #tpu.memory_space<hbm>> -> memref<1x64x128xf32, #tpu.memory_space<hbm>>
    %dma_wait3A_658 = tpu.memref_squeeze %dma_wait3A_657 : memref<1x64x128xf32, #tpu.memory_space<hbm>> -> memref<64x128xf32, #tpu.memory_space<hbm>>
    %dma_wait3A_659 = arith.constant 0 : i32
    %dma_wait3A_660 = arith.constant 0 : i32
    %dma_wait3A_661 = tpu.memref_slice %arg6[%dma_wait3A_644, %dma_wait3A_659, %dma_wait3A_660] : memref<10x64x128xf32, #tpu.memory_space<vmem>> -> memref<1x64x128xf32, #tpu.memory_space<vmem>>
    %dma_wait3A_662 = tpu.memref_squeeze %dma_wait3A_661 : memref<1x64x128xf32, #tpu.memory_space<vmem>> -> memref<64x128xf32, #tpu.memory_space<vmem>>
    tpu.wait_dma2 semaphore(%dma_wait3A_655 : memref<!tpu.dma_semaphore, #tpu.memory_space<semaphore_mem>>) src(%dma_wait3A_662 : memref<64x128xf32, #tpu.memory_space<vmem>>) dst(%dma_wait3A_658 : memref<64x128xf32, #tpu.memory_space<hbm>>)
    %add3A_663 = arith.constant 64 : i32
    %add3A_664 = arith.addi %mul3A_2, %add3A_663 : i32
    %dma_wait3A_665 = arith.constant 7 : i32
    %dma_wait3A_666 = arith.constant 48 : i32
    %dma_wait3A_667 = arith.constant 7 : i32
    %dma_wait3A_668 = arith.constant 0 : i32
    %dma_wait3A_669 = arith.constant 0 : i32
    %dma_wait3A_670 = tpu.memref_slice %arg6[%dma_wait3A_665, %dma_wait3A_668, %dma_wait3A_669] : memref<10x64x128xf32, #tpu.memory_space<vmem>> -> memref<1x64x128xf32, #tpu.memory_space<vmem>>
    %dma_wait3A_671 = tpu.memref_squeeze %dma_wait3A_670 : memref<1x64x128xf32, #tpu.memory_space<vmem>> -> memref<64x128xf32, #tpu.memory_space<vmem>>
    %dma_wait3A_672 = arith.constant 0 : i32
    %dma_wait3A_673 = tpu.memref_slice %arg4[%dma_wait3A_666, %add3A_664, %dma_wait3A_672] : memref<50x4096x128xf32, #tpu.memory_space<hbm>> -> memref<1x64x128xf32, #tpu.memory_space<hbm>>
    %dma_wait3A_674 = tpu.memref_squeeze %dma_wait3A_673 : memref<1x64x128xf32, #tpu.memory_space<hbm>> -> memref<64x128xf32, #tpu.memory_space<hbm>>
    %dma_wait3A_675 = tpu.memref_slice %arg8[%dma_wait3A_667] : memref<10x!tpu.dma_semaphore, #tpu.memory_space<semaphore_mem>> -> memref<1x!tpu.dma_semaphore, #tpu.memory_space<semaphore_mem>>
    %dma_wait3A_676 = tpu.memref_squeeze %dma_wait3A_675 : memref<1x!tpu.dma_semaphore, #tpu.memory_space<semaphore_mem>> -> memref<!tpu.dma_semaphore, #tpu.memory_space<semaphore_mem>>
    %dma_wait3A_677 = arith.constant 0 : i32
    %dma_wait3A_678 = tpu.memref_slice %arg4[%dma_wait3A_666, %add3A_664, %dma_wait3A_677] : memref<50x4096x128xf32, #tpu.memory_space<hbm>> -> memref<1x64x128xf32, #tpu.memory_space<hbm>>
    %dma_wait3A_679 = tpu.memref_squeeze %dma_wait3A_678 : memref<1x64x128xf32, #tpu.memory_space<hbm>> -> memref<64x128xf32, #tpu.memory_space<hbm>>
    %dma_wait3A_680 = arith.constant 0 : i32
    %dma_wait3A_681 = arith.constant 0 : i32
    %dma_wait3A_682 = tpu.memref_slice %arg6[%dma_wait3A_665, %dma_wait3A_680, %dma_wait3A_681] : memref<10x64x128xf32, #tpu.memory_space<vmem>> -> memref<1x64x128xf32, #tpu.memory_space<vmem>>
    %dma_wait3A_683 = tpu.memref_squeeze %dma_wait3A_682 : memref<1x64x128xf32, #tpu.memory_space<vmem>> -> memref<64x128xf32, #tpu.memory_space<vmem>>
    tpu.wait_dma2 semaphore(%dma_wait3A_676 : memref<!tpu.dma_semaphore, #tpu.memory_space<semaphore_mem>>) src(%dma_wait3A_683 : memref<64x128xf32, #tpu.memory_space<vmem>>) dst(%dma_wait3A_679 : memref<64x128xf32, #tpu.memory_space<hbm>>)
    %add3A_684 = arith.constant 0 : i32
    %add3A_685 = arith.addi %mul3A_2, %add3A_684 : i32
    %dma_wait3A_686 = arith.constant 8 : i32
    %dma_wait3A_687 = arith.constant 49 : i32
    %dma_wait3A_688 = arith.constant 8 : i32
    %dma_wait3A_689 = arith.constant 0 : i32
    %dma_wait3A_690 = arith.constant 0 : i32
    %dma_wait3A_691 = tpu.memref_slice %arg6[%dma_wait3A_686, %dma_wait3A_689, %dma_wait3A_690] : memref<10x64x128xf32, #tpu.memory_space<vmem>> -> memref<1x64x128xf32, #tpu.memory_space<vmem>>
    %dma_wait3A_692 = tpu.memref_squeeze %dma_wait3A_691 : memref<1x64x128xf32, #tpu.memory_space<vmem>> -> memref<64x128xf32, #tpu.memory_space<vmem>>
    %dma_wait3A_693 = arith.constant 0 : i32
    %dma_wait3A_694 = tpu.memref_slice %arg4[%dma_wait3A_687, %add3A_685, %dma_wait3A_693] : memref<50x4096x128xf32, #tpu.memory_space<hbm>> -> memref<1x64x128xf32, #tpu.memory_space<hbm>>
    %dma_wait3A_695 = tpu.memref_squeeze %dma_wait3A_694 : memref<1x64x128xf32, #tpu.memory_space<hbm>> -> memref<64x128xf32, #tpu.memory_space<hbm>>
    %dma_wait3A_696 = tpu.memref_slice %arg8[%dma_wait3A_688] : memref<10x!tpu.dma_semaphore, #tpu.memory_space<semaphore_mem>> -> memref<1x!tpu.dma_semaphore, #tpu.memory_space<semaphore_mem>>
    %dma_wait3A_697 = tpu.memref_squeeze %dma_wait3A_696 : memref<1x!tpu.dma_semaphore, #tpu.memory_space<semaphore_mem>> -> memref<!tpu.dma_semaphore, #tpu.memory_space<semaphore_mem>>
    %dma_wait3A_698 = arith.constant 0 : i32
    %dma_wait3A_699 = tpu.memref_slice %arg4[%dma_wait3A_687, %add3A_685, %dma_wait3A_698] : memref<50x4096x128xf32, #tpu.memory_space<hbm>> -> memref<1x64x128xf32, #tpu.memory_space<hbm>>
    %dma_wait3A_700 = tpu.memref_squeeze %dma_wait3A_699 : memref<1x64x128xf32, #tpu.memory_space<hbm>> -> memref<64x128xf32, #tpu.memory_space<hbm>>
    %dma_wait3A_701 = arith.constant 0 : i32
    %dma_wait3A_702 = arith.constant 0 : i32
    %dma_wait3A_703 = tpu.memref_slice %arg6[%dma_wait3A_686, %dma_wait3A_701, %dma_wait3A_702] : memref<10x64x128xf32, #tpu.memory_space<vmem>> -> memref<1x64x128xf32, #tpu.memory_space<vmem>>
    %dma_wait3A_704 = tpu.memref_squeeze %dma_wait3A_703 : memref<1x64x128xf32, #tpu.memory_space<vmem>> -> memref<64x128xf32, #tpu.memory_space<vmem>>
    tpu.wait_dma2 semaphore(%dma_wait3A_697 : memref<!tpu.dma_semaphore, #tpu.memory_space<semaphore_mem>>) src(%dma_wait3A_704 : memref<64x128xf32, #tpu.memory_space<vmem>>) dst(%dma_wait3A_700 : memref<64x128xf32, #tpu.memory_space<hbm>>)
    %add3A_705 = arith.constant 64 : i32
    %add3A_706 = arith.addi %mul3A_2, %add3A_705 : i32
    %dma_wait3A_707 = arith.constant 9 : i32
    %dma_wait3A_708 = arith.constant 49 : i32
    %dma_wait3A_709 = arith.constant 9 : i32
    %dma_wait3A_710 = arith.constant 0 : i32
    %dma_wait3A_711 = arith.constant 0 : i32
    %dma_wait3A_712 = tpu.memref_slice %arg6[%dma_wait3A_707, %dma_wait3A_710, %dma_wait3A_711] : memref<10x64x128xf32, #tpu.memory_space<vmem>> -> memref<1x64x128xf32, #tpu.memory_space<vmem>>
    %dma_wait3A_713 = tpu.memref_squeeze %dma_wait3A_712 : memref<1x64x128xf32, #tpu.memory_space<vmem>> -> memref<64x128xf32, #tpu.memory_space<vmem>>
    %dma_wait3A_714 = arith.constant 0 : i32
    %dma_wait3A_715 = tpu.memref_slice %arg4[%dma_wait3A_708, %add3A_706, %dma_wait3A_714] : memref<50x4096x128xf32, #tpu.memory_space<hbm>> -> memref<1x64x128xf32, #tpu.memory_space<hbm>>
    %dma_wait3A_716 = tpu.memref_squeeze %dma_wait3A_715 : memref<1x64x128xf32, #tpu.memory_space<hbm>> -> memref<64x128xf32, #tpu.memory_space<hbm>>
    %dma_wait3A_717 = tpu.memref_slice %arg8[%dma_wait3A_709] : memref<10x!tpu.dma_semaphore, #tpu.memory_space<semaphore_mem>> -> memref<1x!tpu.dma_semaphore, #tpu.memory_space<semaphore_mem>>
    %dma_wait3A_718 = tpu.memref_squeeze %dma_wait3A_717 : memref<1x!tpu.dma_semaphore, #tpu.memory_space<semaphore_mem>> -> memref<!tpu.dma_semaphore, #tpu.memory_space<semaphore_mem>>
    %dma_wait3A_719 = arith.constant 0 : i32
    %dma_wait3A_720 = tpu.memref_slice %arg4[%dma_wait3A_708, %add3A_706, %dma_wait3A_719] : memref<50x4096x128xf32, #tpu.memory_space<hbm>> -> memref<1x64x128xf32, #tpu.memory_space<hbm>>
    %dma_wait3A_721 = tpu.memref_squeeze %dma_wait3A_720 : memref<1x64x128xf32, #tpu.memory_space<hbm>> -> memref<64x128xf32, #tpu.memory_space<hbm>>
    %dma_wait3A_722 = arith.constant 0 : i32
    %dma_wait3A_723 = arith.constant 0 : i32
    %dma_wait3A_724 = tpu.memref_slice %arg6[%dma_wait3A_707, %dma_wait3A_722, %dma_wait3A_723] : memref<10x64x128xf32, #tpu.memory_space<vmem>> -> memref<1x64x128xf32, #tpu.memory_space<vmem>>
    %dma_wait3A_725 = tpu.memref_squeeze %dma_wait3A_724 : memref<1x64x128xf32, #tpu.memory_space<vmem>> -> memref<64x128xf32, #tpu.memory_space<vmem>>
    tpu.wait_dma2 semaphore(%dma_wait3A_718 : memref<!tpu.dma_semaphore, #tpu.memory_space<semaphore_mem>>) src(%dma_wait3A_725 : memref<64x128xf32, #tpu.memory_space<vmem>>) dst(%dma_wait3A_721 : memref<64x128xf32, #tpu.memory_space<hbm>>)
    return
  }
}

</mosaic_0001>

<sc_bundles>
// kernel: kernel.3.cloned.1.call-start
scs
__scs_entry_jumppad:
0x0: {  	(pc) =	sbr.rel $0x88, $3  }
0x1: {  	(tag) =	ssettag $0x0;
	lr =	simm.s32 $0x1  }
0x2: {  	[smem:$0x3F9F] =	sst lr;
	_ =	strace $0xD0000000  }
0x3: {  	_ = 	snop  }
0x4: {  	_ = 	snop  }
0x5: {  	_ = 	snop  }
0x6: {  	_ = 	snop  }
0x7: {  	_ = 	snop  }
__scs_overlays_trampoline_lowered:
0x8: {  	[smem:$0x3FAE] =	sst s0  }
0x9: {  	[smem:$0x3FAF] =	sst s1  }
0xa: {  	[smem:$0x3FB0] =	sst s2  }
0xb: {  	[smem:$0x3FB1] =	sst s3  }
0xc: {  	[smem:$0x3FB2] =	sst s4  }
0xd: {  	[smem:$0x3FB3] =	sst s5  }
0xe: {  	[smem:$0x3FB4] =	sst s6  }
0xf: {  	[smem:$0x3FB5] =	sst s7  }
0x10: {  	[smem:$0x3FB6] =	sst s8  }
0x11: {  	[smem:$0x3FB7] =	sst s9;
	s0 =	simm.s32 @!p0 $0x0  }
0x12: {  	s1 =	sld [smem:$0x3F9D];
	s0 =	simm.s32 @p0 $0x1  }
0x13: {  	[smem:$0x3FB8] =	sst s0;
	s0 =	simm.s32 @!p1 $0x0  }
0x14: {  	s2 =	sld [smem:$0x3F9C];
	s0 =	simm.s32 @p1 $0x1  }
0x15: {  	[smem:$0x3FB9] =	sst s0;
	s0 =	simm.s32 @!p2 $0x0  }
0x16: {  	s3 =	sld [smem:$0x3FDB];
	s0 =	simm.s32 @p2 $0x1  }
0x17: {  	s4 =	simm.s32 $0x1BF5;
	[smem:$0x3FBB] =	sst s0  }
0x18: {  	s0 =	sld [smem:$0x3F9E];
	_ =	swait.ge [sflag:s4], $0x0  }
0x19: {  	s7 =	sld [smem:$0x3F9F]  }
0x1a: {  	s8 =	sadd.s32 $0xFFFFE003, lr  }
0x1b: {  	s9 =	sadd.s32 $0xFFFFFEF7, lr;
	s5 =	simm.s32 $0xFFFFFFFF;
	p2 =	slt.u32 s8, $0xFFFFF086  }
0x1c: {  	p1 =	slt.u32 s9, $0xF7A;
	s5 =	simm.s32 @!p2 $0x0  }
0x1d: {  	s5 =	simm.s32 @p1 $0x1;
	p0 =	seq.s32 s7, s2  }
0x1e: {  	s7 =	smul.u32 @!p0 $0xF7A, s2;
	p2 =	seq.s32 @!p0 s5, $0x0  }
0x1f: {  	s9 =	smul.u32 $0xF7A, s1;
	s8 =	simm.s32 @!p0 $0x1BF5;
	p2 =	por !p2, p0  }
0x20: {  	[sflag:s8] =	ssyncset.s32 @!p0 $0xFFFFF086;
	s6 =	sadd.s32 @!p0 s3, s7;
	s7 =	simm.s32 @!p0 $0x108  }
0x21: {  	s3 =	sadd.s32 s3, s9;
	s6 =	sadd.s32 @!p0 $0x88, s6;
	s7 =	simm.s32 @p2 $0x1082  }
0x22: {  	[simem:s7], [sflag:s8] =	dma.local @!p0 [hbm:s6], $0xF7A  }
0x23: {  	s9 =	sor.u32 $0xD0000000, s2;
	s6 =	simm.s32 $0x108;
	_ =	swait.ge @!p0 [sflag:s8], $0x0  }
0x24: {  	s3 =	sadd.s32 $0x88, s3;
	s6 =	simm.s32 @!p1 $0x1082;
	[sflag:s4] =	ssyncset.s32 $0xFFFFF086  }
0x25: {  	[simem:s6], [sflag:s4] =	dma.local [hbm:s3], $0xF7A  }
0x26: {  	[smem:$0x3F9F] =	sst s1;
	(tag) =	ssettag s2;
	_ =	strace s9  }
0x27: {  	s1 =	sld [smem:$0x3FAF]  }
0x28: {  	s2 =	sld [smem:$0x3FB0]  }
0x29: {  	s4 =	sld [smem:$0x3FB2]  }
0x2a: {  	p0 =	seq.s32 s5, $0x0;
	s5 =	sld [smem:$0x3FB3]  }
0x2b: {  	s6 =	sld [smem:$0x3FB4]  }
0x2c: {  	s7 =	sld [smem:$0x3FB5]  }
0x2d: {  	s3 =	simm.s32 $0x108;
	s8 =	sld [smem:$0x3FB6]  }
0x2e: {  	s3 =	simm.s32 @!p0 $0x1082;
	s9 =	sld [smem:$0x3FB7]  }
0x2f: {  	lr =	sadd.s32 s0, s3;
	s0 =	sld [smem:$0x3FAE]  }
0x30: {  	s3 =	sld [smem:$0x3FB1]  }
0x31: {  	[smem:$0x3FBA] =	sst s10  }
0x32: {  	s10 =	sld [smem:$0x3FB8];
	_ =	sdelay $0x3  }
0x33: {  	p0 =	seq.s32 s10, $0x1;
	s10 =	sld [smem:$0x3FBA];
	_ =	sdelay $0x3  }
0x34: {  	[smem:$0x3FBA] =	sst s10  }
0x35: {  	s10 =	sld [smem:$0x3FB9];
	_ =	sdelay $0x3  }
0x36: {  	p1 =	seq.s32 s10, $0x1;
	s10 =	sld [smem:$0x3FBA];
	_ =	sdelay $0x3  }
0x37: {  	[smem:$0x3FBA] =	sst s10  }
0x38: {  	s10 =	sld [smem:$0x3FBB]  }
0x39: {  	_ = 	snop;
	(pc) =	sbr.ind lr, $3  }
0x3a: {  	_ = 	snop  }
0x3b: {  	_ = 	snop  }
0x3c: {  	p2 =	seq.s32 s10, $0x1;
	s10 =	sld [smem:$0x3FBA]  }
0x3d: {  	_ =	shalt  }
0x3e: {  	_ =	shalt  }
0x3f: {  	_ =	shalt  }
0x40: {  	_ =	shalt  }
0x41: {  	_ =	shalt  }
0x42: {  	_ =	shalt  }
0x43: {  	_ =	shalt  }
0x44: {  	_ =	shalt  }
0x45: {  	_ =	shalt  }
0x46: {  	_ =	shalt  }
0x47: {  	_ =	shalt  }
0x48: {  	_ =	shalt  }
0x49: {  	_ =	shalt  }
0x4a: {  	_ =	shalt  }
0x4b: {  	_ =	shalt  }
0x4c: {  	_ =	shalt  }
0x4d: {  	_ =	shalt  }
0x4e: {  	_ =	shalt  }
0x4f: {  	_ =	shalt  }
0x50: {  	_ =	shalt  }
0x51: {  	_ =	shalt  }
0x52: {  	_ =	shalt  }
0x53: {  	_ =	shalt  }
0x54: {  	_ =	shalt  }
0x55: {  	_ =	shalt  }
0x56: {  	_ =	shalt  }
0x57: {  	_ =	shalt  }
0x58: {  	_ =	shalt  }
0x59: {  	_ =	shalt  }
0x5a: {  	_ =	shalt  }
0x5b: {  	_ =	shalt  }
0x5c: {  	_ =	shalt  }
0x5d: {  	_ =	shalt  }
0x5e: {  	_ =	shalt  }
0x5f: {  	_ =	shalt  }
0x60: {  	_ =	shalt  }
0x61: {  	_ =	shalt  }
0x62: {  	_ =	shalt  }
0x63: {  	_ =	shalt  }
0x64: {  	_ =	shalt  }
0x65: {  	_ =	shalt  }
0x66: {  	_ =	shalt  }
0x67: {  	_ =	shalt  }
0x68: {  	_ =	shalt  }
0x69: {  	_ =	shalt  }
0x6a: {  	_ =	shalt  }
0x6b: {  	_ =	shalt  }
0x6c: {  	_ =	shalt  }
0x6d: {  	_ =	shalt  }
0x6e: {  	_ =	shalt  }
0x6f: {  	_ =	shalt  }
0x70: {  	_ =	shalt  }
0x71: {  	_ =	shalt  }
0x72: {  	_ =	shalt  }
0x73: {  	_ =	shalt  }
0x74: {  	_ =	shalt  }
0x75: {  	_ =	shalt  }
0x76: {  	_ =	shalt  }
0x77: {  	_ =	shalt  }
0x78: {  	_ =	shalt  }
0x79: {  	_ =	shalt  }
0x7a: {  	_ =	shalt  }
0x7b: {  	_ =	shalt  }
0x7c: {  	_ =	shalt  }
0x7d: {  	_ =	shalt  }
0x7e: {  	_ =	shalt  }
0x7f: {  	_ =	shalt  }
0x80: {  	_ =	shalt  }
0x81: {  	_ =	shalt  }
0x82: {  	_ =	shalt  }
0x83: {  	_ =	shalt  }
0x84: {  	_ =	shalt  }
0x85: {  	_ =	shalt  }
0x86: {  	_ =	shalt  }
0x87: {  	_ =	shalt  }
.Lfunc_end0:
.L_simem_size_0:
called_computation_lowered:
.L_overlay_start_0:
0x88: {  	s2 =	sld [smem:$0x3FD9]  }
0x89: {  	s3 =	sld [smem:$0x3FFE];
	_ =	sdelay $0x1  }
0x8a: {  	s1 =	srdreg.scid  }
0x8b: {  	s0 =	sand.u32 $0x1, s1  }
0x8c: {  	s17 =	sshll.u32 s0, $0xA;
	s2 =	sadd.s32 s3, s2  }
0x8d: {  	s2 =	sadd.s32 s2, s17  }
0x8e: {  	[smem:$0x3FC6] =	sst s2  }
0x8f: {  	_ = 	snop  }
0x90: {  	s2 =	sld [smem:$0x3FC8]  }
0x91: {  	s18 =	sld [smem:$0x3FD0];
	(tm) =	ssettm $0x1  }
0x92: {  	s4 =	sld [smem:$0x3FFB];
	_ =	sdelay $0x3  }
0x93: {  	_ =	strace s4  }
0x94: {  	s4 =	sld [smem:$0x3FFC];
	_ =	sdelay $0x3  }
0x95: {  	_ =	strace s4  }
0x96: {  	s4 =	sld [smem:$0x3FFD];
	_ =	sdelay $0x3  }
0x97: {  	_ =	strace s4  }
0x98: {  	_ =	strace $0x8FFFFFFF  }
0x99: {  	s19 =	sld [smem:$0x3FDB];
	_ =	sdelay $0x1  }
0x9a: {  	s5 =	simm.s32 $_scs_section_size  }
0x9b: {  	s6 =	simm.s32 $_size__tile_overlayer_lowered;
	s7 =	simm.s32 $_tile_overlayer_lowered  }
0x9c: {  	s22 =	simm.s32 $0x1BFF;
	s21 =	sshll.u32 s7, $0x1;
	s4 =	sadd.s32 s5, s19  }
0x9d: {  	s8 =	simm.s32 $0x0;
	s20 =	sshll.u32 s6, $0x1;
	s6 =	sadd.s32 s21, s4  }
0x9e: {  	[timem:s8], [sflag:s22] =	dma.local [hbm:s6], s20  }
0x9f: {  	_ =	swait.ge [sflag:s22], s20  }
0xa0: {  	s5 =	ssub.s32 $0x0, s20;
	[sflag:s22] =	ssyncset.done $0x0  }
0xa1: {  	[sflag:s22] =	ssyncadd.s32 s5;
	_ =	sdelay $0x1  }
0xa2: {  	s23 =	simm.s32 $0x1B8B  }
0xa3: {  	_ =	swait.ge [sflag:s23], $0x1  }
0xa4: {  	[sflag:s23] =	ssyncset.done $0x0  }
0xa5: {  	s25 =	simm.s32 $0x1B8E;
	s24 =	sld [smem:$0x3FFE];
	[sflag:s23] =	ssyncadd.s32 $0xFFFFFFFF  }
0xa6: {  	s26 =	simm.s32 $execute0_lowered;
	[smem:$0x3FD2] =	sst s25  }
0xa7: {  	s6 =	sshll.u32 s26, $0x1;
	_ =	strace $0x80000046;
	[dreg:$0x1] =	wrdreg $0xFFFFFFFF  }
0xa8: {  	s28 =	simm.s32 $_size_execute0_lowered;
	s4 =	sadd.s32 s4, s6;
	[dreg:$0x0] =	wrdreg $0x0  }
0xa9: {  	s6 =	sshll.u32 s28, $0x1;
	[dreg:$0x2] =	wrdreg s4  }
0xaa: {  	[dreg:$0x3] =	wrdreg s6  }
0xab: {  	[dreg:$0x4] =	wrdreg $0xC0  }
0xac: {  	_ =	task [dreg:s8], $0x5FFFF  }
0xad: {  	[dreg:$0x1] =	wrdreg $0xFFFFFFFF  }
0xae: {  	[dreg:$0x0] =	wrdreg $0x60  }
0xaf: {  	[dreg:$0x2] =	wrdreg s24  }
0xb0: {  	[dreg:$0x3] =	wrdreg s2  }
0xb1: {  	[dreg:$0x4] =	wrdreg s18  }
0xb2: {  	[dreg:$0x5] =	wrdreg $0x9  }
0xb3: {  	_ =	task.clear_ibuf [dreg:s8], $0x6FFFF;
	_ =	strace $0x90000046  }
0xb4: {  	s29 =	simm.s32 $0x9;
	_ =	strace $0x80000048  }
0xb5: {  	_ =	swait.ge [sflag:s29], $0x1  }
0xb6: {  	[sflag:s29] =	ssyncadd.s32 $0xFFFFFFFF  }
0xb7: {  	_ =	strace $0x90000048  }
0xb8: {  	_ =	sfence  }
0xb9: {  	s30 =	sld [smem:$0x0];
	_ =	sdelay $0x2  }
0xba: {  	s31 =	sshll.u32 s1, $0xD;
	s1 =	sshrl.u32 s1, $0x2  }
0xbb: {  	s3 =	sand.u32 $0x4000, s31;
	s1 =	sadd.s32 s1, s30  }
0xbc: {  	s0 =	sor.u32 s3, s0;
	s1 =	sshll.u32 s1, $0x11  }
0xbd: {  	s0 =	sor.u32 s1, s0  }
0xbe: {  	s0 =	sadd.s32 $0x8F2B, s0  }
0xbf: {  	[sflag:s0] =	ssyncadd.remote.s32 $0x1  }
0xc0: {  	_ =	sfence.sel $0xFFFF  }
0xc1: {  	[dreg:$0x0] =	wrdreg $0xFFFFFFFF;
	(pc) =	sbr.abs _section_cstart, $3  }
0xc2: {  	[dreg:$0x1] =	wrdreg $0xFFFFFFFF  }
0xc3: {  	_ =	task.clear_ibuf [dreg:s8], $0x2FFFF;
	_ =	strace $0x9FFFFFFF  }
0xc4: {  	(tm) =	ssettm $0x7FFFFFFF  }
0xc5: {  	_ =	shalt  }
tec
execute0_lowered:
.L_overlay_start_1:
0x0: {  	(tag) =	ssettag $0x1  }
0x1: {  	s0 =	rddreg [dreg:$0x0]  }
0x2: {  	s2 =	rddreg [dreg:$0x1];
	s1 =	srdreg.scid  }
0x3: {  	s7 =	stileid.u32;
	s8 =	rddreg [dreg:$0x2];
	s4 =	simm.s32 $0x0  }
0x4: {  	s1 =	sand.u32 $0x1, s1;
	s3 =	sshll.u32 s7, $0x1;
	[smem:$0x7FF] =	sst s4  }
0x5: {  	s31 =	sshll.u32 s7, $0xF;
	s3 =	sor.u32 s1, s3;
	_ =	strace $0x80000047  }
0x6: {  	s6 =	ssub.s32 $0x2, s1;
	s1 =	sshll.u32 s1, $0xE;
	s5 =	smul.u32 $0x380, s3  }
0x7: {  	s26 =	sshrl.u32 s6, $0x1;
	s3 =	sshll.u32 s3, $0xB;
	s1 =	sor.u32 s1, s31  }
0x8: {  	s13 =	sor.u32 $0x200000, s1;
	s15 =	sor.u32 $0x182000, s1;
	s31 =	sshrl.u32 s1, $0x3  }
0x9: {  	s17 =	sor.u32 $0x180000, s1;
	s14 =	sshrl.u32 s13, $0x3;
	[dreg:$0xd] =	wrdreg s31  }
0xa: {  	s19 =	sor.u32 $0x102000, s1;
	s16 =	sshrl.u32 s15, $0x3;
	[dreg:$0x5] =	wrdreg s14  }
0xb: {  	s21 =	sor.u32 $0x100000, s1;
	s18 =	sshrl.u32 s17, $0x3;
	[dreg:$0x6] =	wrdreg s16  }
0xc: {  	s23 =	sor.u32 $0x82000, s1;
	s20 =	sshrl.u32 s19, $0x3;
	[dreg:$0x7] =	wrdreg s18  }
0xd: {  	s25 =	sor.u32 $0x80000, s1;
	s22 =	sshrl.u32 s21, $0x3;
	[dreg:$0x8] =	wrdreg s20  }
0xe: {  	s0 =	sadd.s32 s5, s0;
	s24 =	sshrl.u32 s23, $0x3;
	[dreg:$0x9] =	wrdreg s22  }
0xf: {  	s5 =	ssub.s32 s6, s26;
	s0 =	sadd.s32 $0x400, s0;
	[dreg:$0xa] =	wrdreg s24  }
0x10: {  	s26 =	sshrl.u32 s25, $0x3;
	[dreg:$0xe] =	wrdreg s0;
	s0 =	sadd.s32 s3, s8  }
0x11: {  	s11 =	sor.u32 $0x202000, s1;
	[dreg:$0xb] =	wrdreg s26;
	s3 =	sadd.s32 $0x2D0000, s0  }
0x12: {  	s13 =	simm.s32 $0xD;
	s28 =	sadd.s32 $0x2D0400, s0;
	[dreg:$0xf] =	wrdreg s3  }
0x13: {  	s15 =	simm.s32 $0xF;
	s29 =	sadd.s32 $0x2E0000, s0;
	[dreg:$0x10] =	wrdreg s28  }
0x14: {  	s17 =	simm.s32 $0x11;
	s30 =	sadd.s32 $0x2E0400, s0;
	[dreg:$0x11] =	wrdreg s29  }
0x15: {  	s19 =	simm.s32 $0x13;
	s7 =	sadd.s32 $0x2F0000, s0;
	[dreg:$0x12] =	wrdreg s30  }
0x16: {  	s18 =	simm.s32 $0x40;
	s8 =	sadd.s32 $0x2F0400, s0;
	[dreg:$0x13] =	wrdreg s7  }
0x17: {  	s14 =	simm.s32 $0xE;
	s9 =	sadd.s32 $0x300000, s0;
	[dreg:$0x14] =	wrdreg s8  }
0x18: {  	s16 =	simm.s32 $0x10;
	s10 =	sadd.s32 $0x300400, s0;
	[dreg:$0x15] =	wrdreg s9  }
0x19: {  	s20 =	simm.s32 $0x14;
	s12 =	sadd.s32 $0x310000, s0;
	[dreg:$0x16] =	wrdreg s10  }
0x1a: {  	s0 =	sadd.s32 $0x310400, s0;
	[dreg:$0x17] =	wrdreg s12;
	s3 =	sshrl.u32 s11, $0x3  }
0x1b: {  	s28 =	sor.u32 $0x2000, s1;
	[dreg:$0x18] =	wrdreg s0;
	s30 =	smax.u32 s5, $0x1  }
0x1c: {  	s7 =	simm.s32 $0x7;
	s8 =	simm.s32 $0x8;
	s9 =	simm.s32 $0x9  }
0x1d: {  	s10 =	simm.s32 $0xA;
	s11 =	simm.s32 $0xB;
	[dreg:$0x4] =	wrdreg s3  }
0x1e: {  	s12 =	simm.s32 $0xC;
	s29 =	sshrl.u32 s28, $0x3;
	[dreg:$0x19] =	wrdreg s30  }
0x1f: {  	s0 =	simm.s32 $0x0;
	s3 =	simm.s32 $0x12;
	[dreg:$0xc] =	wrdreg s29  }
.LBB2_1:
0x20: {  	[dreg:$0x1a] =	wrdreg s0  }
0x21: {  	s22 =	rddreg [dreg:$0xe];
	s26 =	simm.s32 $0x15  }
0x22: {  	[tilespmem:s4], [sflag:$0x15] =	stream.linear.gather [hbm4b:s22+s4], $0x1900, $0x38;
	[tilespmem:$0x15C00] =	vst v63  }
0x23: {  	_ =	swait.ge [sflag:s26], $0x1900  }
0x24: {  	[sflag:s26] =	ssyncset.done $0x0  }
0x25: {  	s0 =	simm.s32 $0x1C00;
	[sflag:s26] =	ssyncadd.s32 $0xFFFFE700  }
0x26: {  	[tilespmem:s0], [sflag:$0x1] =	stream.indirect.gather [hbm4b:s2+s18], $0x80, s4, s18, $0xb8;
	[tilespmem:$0x15C00] =	vst v63  }
0x27: {  	s23 =	simm.s32 $0x3C00  }
0x28: {  	[tilespmem:s23], [sflag:$0x2] =	stream.indirect.gather [hbm4b:s2+s18], $0x80, s18, s18, $0xb8;
	[tilespmem:$0x15C00] =	vst v63  }
0x29: {  	s28 =	simm.s32 $0x80;
	s26 =	simm.s32 $0x5C00  }
0x2a: {  	[tilespmem:s26], [sflag:$0x3] =	stream.indirect.gather [hbm4b:s2+s18], $0x80, s28, s18, $0xb8;
	[tilespmem:$0x15C00] =	vst v63  }
0x2b: {  	s29 =	simm.s32 $0xC0;
	s28 =	simm.s32 $0x7C00  }
0x2c: {  	[tilespmem:s28], [sflag:$0x4] =	stream.indirect.gather [hbm4b:s2+s18], $0x80, s29, s18, $0xb8;
	[tilespmem:$0x15C00] =	vst v63  }
0x2d: {  	s30 =	simm.s32 $0x100;
	s1 =	simm.s32 $0x9C00  }
0x2e: {  	[tilespmem:s1], [sflag:$0x5] =	stream.indirect.gather [hbm4b:s2+s18], $0x80, s30, s18, $0xb8;
	[tilespmem:$0x15C00] =	vst v63  }
0x2f: {  	s31 =	simm.s32 $0x140;
	s21 =	simm.s32 $0xBC00  }
0x30: {  	[tilespmem:s21], [sflag:$0x6] =	stream.indirect.gather [hbm4b:s2+s18], $0x80, s31, s18, $0xb8;
	[tilespmem:$0x15C00] =	vst v63  }
0x31: {  	s5 =	simm.s32 $0x180;
	s25 =	simm.s32 $0xDC00  }
0x32: {  	[tilespmem:s25], [sflag:$0x7] =	stream.indirect.gather [hbm4b:s2+s18], $0x80, s5, s18, $0xb8;
	[tilespmem:$0x15C00] =	vst v63  }
0x33: {  	s6 =	simm.s32 $0x1C0;
	s29 =	simm.s32 $0xFC00  }
0x34: {  	[tilespmem:s29], [sflag:$0x8] =	stream.indirect.gather [hbm4b:s2+s18], $0x80, s6, s18, $0xb8;
	[tilespmem:$0x15C00] =	vst v63  }
0x35: {  	s30 =	simm.s32 $0x11C00;
	s5 =	simm.s32 $0x200  }
0x36: {  	[tilespmem:s30], [sflag:$0x9] =	stream.indirect.gather [hbm4b:s2+s18], $0x80, s5, s18, $0xb8;
	[tilespmem:$0x15C00] =	vst v63  }
0x37: {  	s24 =	simm.s32 $0x1;
	s22 =	simm.s32 $0x240;
	s6 =	simm.s32 $0x13C00  }
0x38: {  	[tilespmem:s6], [sflag:$0xA] =	stream.indirect.gather [hbm4b:s2+s18], $0x80, s22, s18, $0xb8;
	[tilespmem:$0x15C00] =	vst v63  }
0x39: {  	_ =	swait.ge [sflag:s24], $0x2000  }
0x3a: {  	[sflag:s24] =	ssyncset.done $0x0  }
0x3b: {  	s31 =	rddreg [dreg:$0xd];
	[sflag:s24] =	ssyncadd.s32 $0xFFFFE000  }
0x3c: {  	s24 =	rddreg [dreg:$0x2]  }
0x3d: {  	s22 =	sadd.s32 s24, s31  }
0x3e: {  	[hbm4b:s22+s4] =	stream.linear.scatter [tilespmem:s0], [sflag:$0xB], $0x2000, $0x38;
	[tilespmem:$0x15C00] =	vst v63  }
0x3f: {  	s22 =	simm.s32 $0x2  }
0x40: {  	_ =	swait.ge [sflag:s22], $0x2000  }
0x41: {  	s31 =	rddreg [dreg:$0xc];
	[sflag:s22] =	ssyncset.done $0x0  }
0x42: {  	[sflag:s22] =	ssyncadd.s32 $0xFFFFE000;
	s22 =	sadd.s32 s24, s31  }
0x43: {  	[hbm4b:s22+s4] =	stream.linear.scatter [tilespmem:s23], [sflag:$0xC], $0x2000, $0x38;
	[tilespmem:$0x15C00] =	vst v63  }
0x44: {  	s22 =	simm.s32 $0x3  }
0x45: {  	_ =	swait.ge [sflag:s22], $0x2000  }
0x46: {  	s31 =	rddreg [dreg:$0xb];
	[sflag:s22] =	ssyncset.done $0x0  }
0x47: {  	[sflag:s22] =	ssyncadd.s32 $0xFFFFE000;
	s22 =	sadd.s32 s24, s31  }
0x48: {  	[hbm4b:s22+s4] =	stream.linear.scatter [tilespmem:s26], [sflag:$0xD], $0x2000, $0x38;
	[tilespmem:$0x15C00] =	vst v63  }
0x49: {  	s22 =	simm.s32 $0x4  }
0x4a: {  	_ =	swait.ge [sflag:s22], $0x2000  }
0x4b: {  	s31 =	rddreg [dreg:$0xa];
	[sflag:s22] =	ssyncset.done $0x0  }
0x4c: {  	[sflag:s22] =	ssyncadd.s32 $0xFFFFE000;
	s22 =	sadd.s32 s24, s31  }
0x4d: {  	[hbm4b:s22+s4] =	stream.linear.scatter [tilespmem:s28], [sflag:$0xE], $0x2000, $0x38;
	[tilespmem:$0x15C00] =	vst v63  }
0x4e: {  	s22 =	simm.s32 $0x5  }
0x4f: {  	_ =	swait.ge [sflag:s22], $0x2000  }
0x50: {  	s31 =	rddreg [dreg:$0x9];
	[sflag:s22] =	ssyncset.done $0x0  }
0x51: {  	[sflag:s22] =	ssyncadd.s32 $0xFFFFE000;
	s22 =	sadd.s32 s24, s31  }
0x52: {  	[hbm4b:s22+s4] =	stream.linear.scatter [tilespmem:s1], [sflag:$0xF], $0x2000, $0x38;
	[tilespmem:$0x15C00] =	vst v63  }
0x53: {  	s22 =	simm.s32 $0x6  }
0x54: {  	_ =	swait.ge [sflag:s22], $0x2000  }
0x55: {  	s31 =	rddreg [dreg:$0x8];
	[sflag:s22] =	ssyncset.done $0x0  }
0x56: {  	[sflag:s22] =	ssyncadd.s32 $0xFFFFE000;
	s22 =	sadd.s32 s24, s31  }
0x57: {  	[hbm4b:s22+s4] =	stream.linear.scatter [tilespmem:s21], [sflag:$0x10], $0x2000, $0x38;
	[tilespmem:$0x15C00] =	vst v63  }
0x58: {  	_ =	swait.ge [sflag:s7], $0x2000  }
0x59: {  	s31 =	rddreg [dreg:$0x7];
	[sflag:s7] =	ssyncset.done $0x0  }
0x5a: {  	[sflag:s7] =	ssyncadd.s32 $0xFFFFE000;
	s22 =	sadd.s32 s24, s31  }
0x5b: {  	[hbm4b:s22+s4] =	stream.linear.scatter [tilespmem:s25], [sflag:$0x11], $0x2000, $0x38;
	[tilespmem:$0x15C00] =	vst v63  }
0x5c: {  	_ =	swait.ge [sflag:s8], $0x2000  }
0x5d: {  	s5 =	rddreg [dreg:$0x6];
	[sflag:s8] =	ssyncset.done $0x0  }
0x5e: {  	[sflag:s8] =	ssyncadd.s32 $0xFFFFE000;
	s22 =	sadd.s32 s24, s5  }
0x5f: {  	[hbm4b:s22+s4] =	stream.linear.scatter [tilespmem:s29], [sflag:$0x12], $0x2000, $0x38;
	[tilespmem:$0x15C00] =	vst v63  }
0x60: {  	_ =	swait.ge [sflag:s9], $0x2000  }
0x61: {  	s31 =	rddreg [dreg:$0x5];
	[sflag:s9] =	ssyncset.done $0x0  }
0x62: {  	[sflag:s9] =	ssyncadd.s32 $0xFFFFE000;
	s22 =	sadd.s32 s24, s31  }
0x63: {  	[hbm4b:s22+s4] =	stream.linear.scatter [tilespmem:s30], [sflag:$0x13], $0x2000, $0x38;
	[tilespmem:$0x15C00] =	vst v63  }
0x64: {  	_ =	swait.ge [sflag:s10], $0x2000  }
0x65: {  	s5 =	rddreg [dreg:$0x4];
	[sflag:s10] =	ssyncset.done $0x0  }
0x66: {  	[sflag:s10] =	ssyncadd.s32 $0xFFFFE000;
	s22 =	sadd.s32 s24, s5  }
0x67: {  	[hbm4b:s22+s4] =	stream.linear.scatter [tilespmem:s6], [sflag:$0x14], $0x2000, $0x38;
	[tilespmem:$0x15C00] =	vst v63  }
0x68: {  	_ =	swait.ge [sflag:s11], $0x2000  }
0x69: {  	[sflag:s11] =	ssyncset.done $0x0  }
0x6a: {  	s6 =	simm.s32 $0x280;
	[sflag:s11] =	ssyncadd.s32 $0xFFFFE000  }
0x6b: {  	[tilespmem:s0], [sflag:$0x1] =	stream.indirect.gather [hbm4b:s2+s18], $0x80, s6, s18, $0xb8;
	[tilespmem:$0x15C00] =	vst v63  }
0x6c: {  	_ =	swait.ge [sflag:s12], $0x2000  }
0x6d: {  	[sflag:s12] =	ssyncset.done $0x0  }
0x6e: {  	s31 =	simm.s32 $0x2C0;
	[sflag:s12] =	ssyncadd.s32 $0xFFFFE000  }
0x6f: {  	[tilespmem:s23], [sflag:$0x2] =	stream.indirect.gather [hbm4b:s2+s18], $0x80, s31, s18, $0xb8;
	[tilespmem:$0x15C00] =	vst v63  }
0x70: {  	_ =	swait.ge [sflag:s13], $0x2000  }
0x71: {  	[sflag:s13] =	ssyncset.done $0x0  }
0x72: {  	s0 =	simm.s32 $0x300;
	[sflag:s13] =	ssyncadd.s32 $0xFFFFE000  }
0x73: {  	[tilespmem:s26], [sflag:$0x3] =	stream.indirect.gather [hbm4b:s2+s18], $0x80, s0, s18, $0xb8;
	[tilespmem:$0x15C00] =	vst v63  }
0x74: {  	_ =	swait.ge [sflag:s14], $0x2000  }
0x75: {  	[sflag:s14] =	ssyncset.done $0x0  }
0x76: {  	s5 =	simm.s32 $0x340;
	[sflag:s14] =	ssyncadd.s32 $0xFFFFE000  }
0x77: {  	[tilespmem:s28], [sflag:$0x4] =	stream.indirect.gather [hbm4b:s2+s18], $0x80, s5, s18, $0xb8;
	[tilespmem:$0x15C00] =	vst v63  }
0x78: {  	_ =	swait.ge [sflag:s15], $0x2000  }
0x79: {  	[sflag:s15] =	ssyncset.done $0x0  }
0x7a: {  	s6 =	simm.s32 $0x380;
	[sflag:s15] =	ssyncadd.s32 $0xFFFFE000  }
0x7b: {  	[tilespmem:s1], [sflag:$0x5] =	stream.indirect.gather [hbm4b:s2+s18], $0x80, s6, s18, $0xb8;
	[tilespmem:$0x15C00] =	vst v63  }
0x7c: {  	_ =	swait.ge [sflag:s16], $0x2000  }
0x7d: {  	[sflag:s16] =	ssyncset.done $0x0  }
0x7e: {  	s23 =	simm.s32 $0x3C0;
	[sflag:s16] =	ssyncadd.s32 $0xFFFFE000  }
0x7f: {  	[tilespmem:s21], [sflag:$0x6] =	stream.indirect.gather [hbm4b:s2+s18], $0x80, s23, s18, $0xb8;
	[tilespmem:$0x15C00] =	vst v63  }
0x80: {  	_ =	swait.ge [sflag:s17], $0x2000  }
0x81: {  	[sflag:s17] =	ssyncset.done $0x0  }
0x82: {  	s26 =	simm.s32 $0x400;
	[sflag:s17] =	ssyncadd.s32 $0xFFFFE000  }
0x83: {  	[tilespmem:s25], [sflag:$0x7] =	stream.indirect.gather [hbm4b:s2+s18], $0x80, s26, s18, $0xb8;
	[tilespmem:$0x15C00] =	vst v63  }
0x84: {  	_ =	swait.ge [sflag:s3], $0x2000  }
0x85: {  	[sflag:s3] =	ssyncset.done $0x0  }
0x86: {  	s28 =	simm.s32 $0x440;
	[sflag:s3] =	ssyncadd.s32 $0xFFFFE000  }
0x87: {  	[tilespmem:s29], [sflag:$0x8] =	stream.indirect.gather [hbm4b:s2+s18], $0x80, s28, s18, $0xb8;
	[tilespmem:$0x15C00] =	vst v63  }
0x88: {  	_ =	swait.ge [sflag:s19], $0x2000  }
0x89: {  	[sflag:s19] =	ssyncset.done $0x0  }
0x8a: {  	s31 =	simm.s32 $0x480;
	[sflag:s19] =	ssyncadd.s32 $0xFFFFE000  }
0x8b: {  	[tilespmem:s30], [sflag:$0x9] =	stream.indirect.gather [hbm4b:s2+s18], $0x80, s31, s18, $0xb8;
	[tilespmem:$0x15C00] =	vst v63  }
0x8c: {  	_ =	swait.ge [sflag:s20], $0x2000  }
0x8d: {  	s24 =	sadd.s32 $0x50000, s24;
	[sflag:s20] =	ssyncset.done $0x0  }
0x8e: {  	s22 =	simm.s32 $0xA00;
	s26 =	simm.s32 $0x4C0;
	[sflag:s20] =	ssyncadd.s32 $0xFFFFE000  }
.LBB2_2:
0x8f: {  	s0 =	simm.s32 $0x13C00;
	s1 =	simm.s32 $0x1  }
0x90: {  	[tilespmem:s0], [sflag:$0xA] =	stream.indirect.gather [hbm4b:s2+s18], $0x80, s26, s18, $0xb8;
	[tilespmem:$0x15C00] =	vst v63  }
0x91: {  	_ =	swait.ge [sflag:s1], $0x2000  }
0x92: {  	s31 =	simm.s32 $0x1C00;
	s29 =	rddreg [dreg:$0xd];
	[sflag:s1] =	ssyncset.done $0x0  }
0x93: {  	s23 =	simm.s32 $0x2;
	[sflag:s1] =	ssyncadd.s32 $0xFFFFE000;
	s29 =	sadd.s32 s24, s29  }
0x94: {  	[hbm4b:s29+s4] =	stream.linear.scatter [tilespmem:s31], [sflag:$0xB], $0x2000, $0x38;
	[tilespmem:$0x15C00] =	vst v63  }
0x95: {  	_ =	swait.ge [sflag:s23], $0x2000  }
0x96: {  	s5 =	simm.s32 $0x3;
	s25 =	rddreg [dreg:$0xc];
	[sflag:s23] =	ssyncset.done $0x0  }
0x97: {  	[sflag:s23] =	ssyncadd.s32 $0xFFFFE000;
	s29 =	sadd.s32 s24, s25;
	s23 =	simm.s32 $0x3C00  }
0x98: {  	[hbm4b:s29+s4] =	stream.linear.scatter [tilespmem:s23], [sflag:$0xC], $0x2000, $0x38;
	[tilespmem:$0x15C00] =	vst v63  }
0x99: {  	_ =	swait.ge [sflag:s5], $0x2000  }
0x9a: {  	s28 =	simm.s32 $0x5C00;
	s6 =	rddreg [dreg:$0xb];
	[sflag:s5] =	ssyncset.done $0x0  }
0x9b: {  	s21 =	simm.s32 $0x4;
	[sflag:s5] =	ssyncadd.s32 $0xFFFFE000;
	s29 =	sadd.s32 s24, s6  }
0x9c: {  	[hbm4b:s29+s4] =	stream.linear.scatter [tilespmem:s28], [sflag:$0xD], $0x2000, $0x38;
	[tilespmem:$0x15C00] =	vst v63  }
0x9d: {  	_ =	swait.ge [sflag:s21], $0x2000  }
0x9e: {  	s30 =	simm.s32 $0x7C00;
	s25 =	rddreg [dreg:$0xa];
	[sflag:s21] =	ssyncset.done $0x0  }
0x9f: {  	s5 =	simm.s32 $0x5;
	[sflag:s21] =	ssyncadd.s32 $0xFFFFE000;
	s29 =	sadd.s32 s24, s25  }
0xa0: {  	[hbm4b:s29+s4] =	stream.linear.scatter [tilespmem:s30], [sflag:$0xE], $0x2000, $0x38;
	[tilespmem:$0x15C00] =	vst v63  }
0xa1: {  	_ =	swait.ge [sflag:s5], $0x2000  }
0xa2: {  	s1 =	simm.s32 $0x9C00;
	s6 =	rddreg [dreg:$0x9];
	[sflag:s5] =	ssyncset.done $0x0  }
0xa3: {  	[sflag:s5] =	ssyncadd.s32 $0xFFFFE000;
	s29 =	sadd.s32 s24, s6;
	s5 =	simm.s32 $0x6  }
0xa4: {  	[hbm4b:s29+s4] =	stream.linear.scatter [tilespmem:s1], [sflag:$0xF], $0x2000, $0x38;
	[tilespmem:$0x15C00] =	vst v63  }
0xa5: {  	_ =	swait.ge [sflag:s5], $0x2000  }
0xa6: {  	s21 =	rddreg [dreg:$0x8];
	[sflag:s5] =	ssyncset.done $0x0  }
0xa7: {  	[sflag:s5] =	ssyncadd.s32 $0xFFFFE000;
	s29 =	sadd.s32 s24, s21;
	s21 =	simm.s32 $0xBC00  }
0xa8: {  	[hbm4b:s29+s4] =	stream.linear.scatter [tilespmem:s21], [sflag:$0x10], $0x2000, $0x38;
	[tilespmem:$0x15C00] =	vst v63  }
0xa9: {  	_ =	swait.ge [sflag:s7], $0x2000  }
0xaa: {  	s25 =	rddreg [dreg:$0x7];
	[sflag:s7] =	ssyncset.done $0x0  }
0xab: {  	[sflag:s7] =	ssyncadd.s32 $0xFFFFE000;
	s29 =	sadd.s32 s24, s25;
	s25 =	simm.s32 $0xDC00  }
0xac: {  	[hbm4b:s29+s4] =	stream.linear.scatter [tilespmem:s25], [sflag:$0x11], $0x2000, $0x38;
	[tilespmem:$0x15C00] =	vst v63  }
0xad: {  	_ =	swait.ge [sflag:s8], $0x2000  }
0xae: {  	s5 =	rddreg [dreg:$0x6];
	[sflag:s8] =	ssyncset.done $0x0  }
0xaf: {  	[sflag:s8] =	ssyncadd.s32 $0xFFFFE000;
	s29 =	sadd.s32 s24, s5;
	s5 =	simm.s32 $0xFC00  }
0xb0: {  	[hbm4b:s29+s4] =	stream.linear.scatter [tilespmem:s5], [sflag:$0x12], $0x2000, $0x38;
	[tilespmem:$0x15C00] =	vst v63  }
0xb1: {  	_ =	swait.ge [sflag:s9], $0x2000  }
0xb2: {  	s6 =	rddreg [dreg:$0x5];
	[sflag:s9] =	ssyncset.done $0x0  }
0xb3: {  	[sflag:s9] =	ssyncadd.s32 $0xFFFFE000;
	s29 =	sadd.s32 s24, s6;
	s6 =	simm.s32 $0x11C00  }
0xb4: {  	[hbm4b:s29+s4] =	stream.linear.scatter [tilespmem:s6], [sflag:$0x13], $0x2000, $0x38;
	[tilespmem:$0x15C00] =	vst v63  }
0xb5: {  	_ =	swait.ge [sflag:s10], $0x2000  }
0xb6: {  	s29 =	rddreg [dreg:$0x4];
	[sflag:s10] =	ssyncset.done $0x0  }
0xb7: {  	[sflag:s10] =	ssyncadd.s32 $0xFFFFE000;
	s29 =	sadd.s32 s24, s29  }
0xb8: {  	[hbm4b:s29+s4] =	stream.linear.scatter [tilespmem:s0], [sflag:$0x14], $0x2000, $0x38;
	[tilespmem:$0x15C00] =	vst v63  }
0xb9: {  	s26 =	smov.u32 s22;
	_ =	swait.ge [sflag:s11], $0x2000  }
0xba: {  	s26 =	sshra.s32 s26, $0x2;
	[sflag:s11] =	ssyncset.done $0x0  }
0xbb: {  	s29 =	sadd.s32 $0x280, s26;
	[sflag:s11] =	ssyncadd.s32 $0xFFFFE000  }
0xbc: {  	[tilespmem:s31], [sflag:$0x1] =	stream.indirect.gather [hbm4b:s2+s18], $0x80, s29, s18, $0xb8;
	[tilespmem:$0x15C00] =	vst v63  }
0xbd: {  	_ =	swait.ge [sflag:s12], $0x2000  }
0xbe: {  	[sflag:s12] =	ssyncset.done $0x0  }
0xbf: {  	s29 =	sadd.s32 $0x2C0, s26;
	[sflag:s12] =	ssyncadd.s32 $0xFFFFE000  }
0xc0: {  	[tilespmem:s23], [sflag:$0x2] =	stream.indirect.gather [hbm4b:s2+s18], $0x80, s29, s18, $0xb8;
	[tilespmem:$0x15C00] =	vst v63  }
0xc1: {  	_ =	swait.ge [sflag:s13], $0x2000  }
0xc2: {  	[sflag:s13] =	ssyncset.done $0x0  }
0xc3: {  	s29 =	sadd.s32 $0x300, s26;
	[sflag:s13] =	ssyncadd.s32 $0xFFFFE000  }
0xc4: {  	[tilespmem:s28], [sflag:$0x3] =	stream.indirect.gather [hbm4b:s2+s18], $0x80, s29, s18, $0xb8;
	[tilespmem:$0x15C00] =	vst v63  }
0xc5: {  	_ =	swait.ge [sflag:s14], $0x2000  }
0xc6: {  	[sflag:s14] =	ssyncset.done $0x0  }
0xc7: {  	s29 =	sadd.s32 $0x340, s26;
	[sflag:s14] =	ssyncadd.s32 $0xFFFFE000  }
0xc8: {  	[tilespmem:s30], [sflag:$0x4] =	stream.indirect.gather [hbm4b:s2+s18], $0x80, s29, s18, $0xb8;
	[tilespmem:$0x15C00] =	vst v63  }
0xc9: {  	_ =	swait.ge [sflag:s15], $0x2000  }
0xca: {  	[sflag:s15] =	ssyncset.done $0x0  }
0xcb: {  	s29 =	sadd.s32 $0x380, s26;
	[sflag:s15] =	ssyncadd.s32 $0xFFFFE000  }
0xcc: {  	[tilespmem:s1], [sflag:$0x5] =	stream.indirect.gather [hbm4b:s2+s18], $0x80, s29, s18, $0xb8;
	[tilespmem:$0x15C00] =	vst v63  }
0xcd: {  	_ =	swait.ge [sflag:s16], $0x2000  }
0xce: {  	[sflag:s16] =	ssyncset.done $0x0  }
0xcf: {  	s29 =	sadd.s32 $0x3C0, s26;
	[sflag:s16] =	ssyncadd.s32 $0xFFFFE000  }
0xd0: {  	[tilespmem:s21], [sflag:$0x6] =	stream.indirect.gather [hbm4b:s2+s18], $0x80, s29, s18, $0xb8;
	[tilespmem:$0x15C00] =	vst v63  }
0xd1: {  	_ =	swait.ge [sflag:s17], $0x2000  }
0xd2: {  	[sflag:s17] =	ssyncset.done $0x0  }
0xd3: {  	s29 =	sadd.s32 $0x400, s26;
	[sflag:s17] =	ssyncadd.s32 $0xFFFFE000  }
0xd4: {  	[tilespmem:s25], [sflag:$0x7] =	stream.indirect.gather [hbm4b:s2+s18], $0x80, s29, s18, $0xb8;
	[tilespmem:$0x15C00] =	vst v63  }
0xd5: {  	_ =	swait.ge [sflag:s3], $0x2000  }
0xd6: {  	p0 =	sne.s32 s22, $0x5000;
	s22 =	sadd.s32 $0xA00, s22;
	[sflag:s3] =	ssyncset.done $0x0  }
0xd7: {  	s24 =	sadd.s32 $0x50000, s24;
	s29 =	sadd.s32 $0x440, s26;
	[sflag:s3] =	ssyncadd.s32 $0xFFFFE000  }
0xd8: {  	[tilespmem:s5], [sflag:$0x8] =	stream.indirect.gather [hbm4b:s2+s18], $0x80, s29, s18, $0xb8;
	[tilespmem:$0x15C00] =	vst v63  }
0xd9: {  	s0 =	simm.s32 $0x1C00;
	s31 =	simm.s32 $0x3C00;
	_ =	swait.ge [sflag:s19], $0x2000  }
0xda: {  	s23 =	simm.s32 $0x5C00;
	s28 =	simm.s32 $0x7C00;
	[sflag:s19] =	ssyncset.done $0x0  }
.Ltmp0:
0xdb: {  	s29 =	sadd.s32 $0x480, s26;
	[sflag:s19] =	ssyncadd.s32 $0xFFFFE000;
	(pc) =	sbr.rel @p0 .LBB2_2-.Ltmp0, $4  }
0xdc: {  	[tilespmem:s6], [sflag:$0x9] =	stream.indirect.gather [hbm4b:s2+s18], $0x80, s29, s18, $0xb8;
	[tilespmem:$0x15C00] =	vst v63  }
0xdd: {  	s30 =	simm.s32 $0x9C00;
	s1 =	simm.s32 $0xBC00;
	_ =	swait.ge [sflag:s20], $0x2000  }
0xde: {  	s21 =	simm.s32 $0xDC00;
	s25 =	simm.s32 $0xFC00;
	[sflag:s20] =	ssyncset.done $0x0  }
0xdf: {  	s5 =	simm.s32 $0x11C00;
	s26 =	sadd.s32 $0x4C0, s26;
	[sflag:s20] =	ssyncadd.s32 $0xFFFFE000  }
0xe0: {  	s6 =	simm.s32 $0x13C00;
	s22 =	simm.s32 $0x1  }
0xe1: {  	[tilespmem:s6], [sflag:$0xA] =	stream.indirect.gather [hbm4b:s2+s18], $0x80, s26, s18, $0xb8;
	[tilespmem:$0x15C00] =	vst v63  }
0xe2: {  	_ =	swait.ge [sflag:s22], $0x2000  }
0xe3: {  	[sflag:s22] =	ssyncset.done $0x0  }
0xe4: {  	s29 =	simm.s32 $0x2;
	s26 =	rddreg [dreg:$0xf];
	[sflag:s22] =	ssyncadd.s32 $0xFFFFE000  }
0xe5: {  	[hbm4b:s26+s4] =	stream.linear.scatter [tilespmem:s0], [sflag:$0xB], $0x2000, $0x38;
	[tilespmem:$0x15C00] =	vst v63  }
0xe6: {  	_ =	swait.ge [sflag:s29], $0x2000  }
0xe7: {  	[sflag:s29] =	ssyncset.done $0x0  }
0xe8: {  	s22 =	simm.s32 $0x3;
	s0 =	rddreg [dreg:$0x10];
	[sflag:s29] =	ssyncadd.s32 $0xFFFFE000  }
0xe9: {  	[hbm4b:s0+s4] =	stream.linear.scatter [tilespmem:s31], [sflag:$0xC], $0x2000, $0x38;
	[tilespmem:$0x15C00] =	vst v63  }
0xea: {  	_ =	swait.ge [sflag:s22], $0x2000  }
0xeb: {  	[sflag:s22] =	ssyncset.done $0x0  }
0xec: {  	s26 =	simm.s32 $0x4;
	s24 =	rddreg [dreg:$0x11];
	[sflag:s22] =	ssyncadd.s32 $0xFFFFE000  }
0xed: {  	[hbm4b:s24+s4] =	stream.linear.scatter [tilespmem:s23], [sflag:$0xD], $0x2000, $0x38;
	[tilespmem:$0x15C00] =	vst v63  }
0xee: {  	_ =	swait.ge [sflag:s26], $0x2000  }
0xef: {  	[sflag:s26] =	ssyncset.done $0x0  }
0xf0: {  	s31 =	simm.s32 $0x5;
	s29 =	rddreg [dreg:$0x12];
	[sflag:s26] =	ssyncadd.s32 $0xFFFFE000  }
0xf1: {  	[hbm4b:s29+s4] =	stream.linear.scatter [tilespmem:s28], [sflag:$0xE], $0x2000, $0x38;
	[tilespmem:$0x15C00] =	vst v63  }
0xf2: {  	_ =	swait.ge [sflag:s31], $0x2000  }
0xf3: {  	[sflag:s31] =	ssyncset.done $0x0  }
0xf4: {  	s22 =	simm.s32 $0x6;
	s0 =	rddreg [dreg:$0x13];
	[sflag:s31] =	ssyncadd.s32 $0xFFFFE000  }
0xf5: {  	[hbm4b:s0+s4] =	stream.linear.scatter [tilespmem:s30], [sflag:$0xF], $0x2000, $0x38;
	[tilespmem:$0x15C00] =	vst v63  }
0xf6: {  	_ =	swait.ge [sflag:s22], $0x2000  }
0xf7: {  	[sflag:s22] =	ssyncset.done $0x0  }
0xf8: {  	s23 =	rddreg [dreg:$0x14];
	[sflag:s22] =	ssyncadd.s32 $0xFFFFE000  }
0xf9: {  	[hbm4b:s23+s4] =	stream.linear.scatter [tilespmem:s1], [sflag:$0x10], $0x2000, $0x38;
	[tilespmem:$0x15C00] =	vst v63  }
0xfa: {  	_ =	swait.ge [sflag:s7], $0x2000  }
0xfb: {  	[sflag:s7] =	ssyncset.done $0x0  }
0xfc: {  	s24 =	rddreg [dreg:$0x15];
	[sflag:s7] =	ssyncadd.s32 $0xFFFFE000  }
0xfd: {  	[hbm4b:s24+s4] =	stream.linear.scatter [tilespmem:s21], [sflag:$0x11], $0x2000, $0x38;
	[tilespmem:$0x15C00] =	vst v63  }
0xfe: {  	_ =	swait.ge [sflag:s8], $0x2000  }
0xff: {  	[sflag:s8] =	ssyncset.done $0x0  }
0x100: {  	s26 =	rddreg [dreg:$0x16];
	[sflag:s8] =	ssyncadd.s32 $0xFFFFE000  }
0x101: {  	[hbm4b:s26+s4] =	stream.linear.scatter [tilespmem:s25], [sflag:$0x12], $0x2000, $0x38;
	[tilespmem:$0x15C00] =	vst v63  }
0x102: {  	_ =	swait.ge [sflag:s9], $0x2000  }
0x103: {  	[sflag:s9] =	ssyncset.done $0x0  }
0x104: {  	s28 =	rddreg [dreg:$0x17];
	[sflag:s9] =	ssyncadd.s32 $0xFFFFE000  }
0x105: {  	[hbm4b:s28+s4] =	stream.linear.scatter [tilespmem:s5], [sflag:$0x13], $0x2000, $0x38;
	[tilespmem:$0x15C00] =	vst v63  }
0x106: {  	_ =	swait.ge [sflag:s10], $0x2000  }
0x107: {  	[sflag:s10] =	ssyncset.done $0x0  }
0x108: {  	s29 =	rddreg [dreg:$0x18];
	[sflag:s10] =	ssyncadd.s32 $0xFFFFE000  }
0x109: {  	[hbm4b:s29+s4] =	stream.linear.scatter [tilespmem:s6], [sflag:$0x14], $0x2000, $0x38;
	[tilespmem:$0x15C00] =	vst v63  }
0x10a: {  	_ =	swait.ge [sflag:s11], $0x2000  }
0x10b: {  	[sflag:s11] =	ssyncset.done $0x0  }
0x10c: {  	[sflag:s11] =	ssyncadd.s32 $0xFFFFE000  }
0x10d: {  	_ =	swait.ge [sflag:s12], $0x2000  }
0x10e: {  	[sflag:s12] =	ssyncset.done $0x0  }
0x10f: {  	[sflag:s12] =	ssyncadd.s32 $0xFFFFE000  }
0x110: {  	_ =	swait.ge [sflag:s13], $0x2000  }
0x111: {  	[sflag:s13] =	ssyncset.done $0x0  }
0x112: {  	[sflag:s13] =	ssyncadd.s32 $0xFFFFE000  }
0x113: {  	_ =	swait.ge [sflag:s14], $0x2000  }
0x114: {  	[sflag:s14] =	ssyncset.done $0x0  }
0x115: {  	[sflag:s14] =	ssyncadd.s32 $0xFFFFE000  }
0x116: {  	_ =	swait.ge [sflag:s15], $0x2000  }
0x117: {  	[sflag:s15] =	ssyncset.done $0x0  }
0x118: {  	[sflag:s15] =	ssyncadd.s32 $0xFFFFE000  }
0x119: {  	_ =	swait.ge [sflag:s16], $0x2000  }
0x11a: {  	[sflag:s16] =	ssyncset.done $0x0  }
0x11b: {  	[sflag:s16] =	ssyncadd.s32 $0xFFFFE000  }
0x11c: {  	_ =	swait.ge [sflag:s17], $0x2000  }
0x11d: {  	[sflag:s17] =	ssyncset.done $0x0  }
0x11e: {  	[sflag:s17] =	ssyncadd.s32 $0xFFFFE000  }
0x11f: {  	_ =	swait.ge [sflag:s3], $0x2000  }
0x120: {  	[sflag:s3] =	ssyncset.done $0x0  }
0x121: {  	[sflag:s3] =	ssyncadd.s32 $0xFFFFE000  }
0x122: {  	_ =	swait.ge [sflag:s19], $0x2000  }
0x123: {  	[sflag:s19] =	ssyncset.done $0x0  }
0x124: {  	[sflag:s19] =	ssyncadd.s32 $0xFFFFE000  }
0x125: {  	_ =	swait.ge [sflag:s20], $0x2000  }
0x126: {  	s30 =	rddreg [dreg:$0x1a]  }
0x127: {  	s31 =	rddreg [dreg:$0x19];
	s0 =	sadd.s32 $0x1, s30  }
0x128: {  	p0 =	sne.s32 s0, s31  }
.Ltmp1:
0x129: {  	_ = 	snop;
	(pc) =	sbr.rel @p0 .LBB2_1-.Ltmp1, $3  }
0x12a: {  	_ =	sdelay $0x1  }
0x12b: {  	[sflag:s20] =	ssyncset.done $0x0  }
0x12c: {  	[sflag:s20] =	ssyncadd.s32 $0xFFFFE000  }
0x12d: {  	_ =	sfence.sel $0x180000  }
0x12e: {  	[bflag:$0x0] =	sbarrier.arrive $0xFFFF  }
0x12f: {  	_ =	strace $0x90000047  }
0x130: {  	s0 =	stileid.u32;
	[bflag:$0x2] =	sbarrier.arrive $0xFFFF  }
0x131: {  	p0 =	sne.s32 s0, $0x0;
	s0 =	rddreg [dreg:$0x3]  }
0x132: {  	s0 =	sadd.s32 @!p0 $0x100000, s0  }
0x133: {  	[sflag:s0] =	ssyncadd.tile.s32 @!p0 $0x1;
	_ =	shalt  }
.Lfunc_end2:
_tile_overlayer_lowered:
.L_overlay_start_2:
0x134: {  	(tag) =	ssettag $0x2  }
0x135: {  	s0 =	rddreg [dreg:$0x0];
	s2 =	stileid.u32  }
0x136: {  	s1 =	rddreg [dreg:$0x1];
	p0 =	sne.s32 s2, $0x0  }
0x137: {  	s3 =	rddreg [dreg:$0x2];
	[bflag:$0x3] =	sbarrier.arrive $0xFFFF;
	s2 =	simm.s32 @!p0 $0x1C15  }
0x138: {  	[timem:s3], [sflag:s2] =	dma.local @!p0 [hbm:s0], s1  }
0x139: {  	s0 =	simm.s32 @!p0 $0x15  }
0x13a: {  	_ =	swait.ge @!p0 [sflag:s0], s1  }
0x13b: {  	s1 =	ssub.s32 @!p0 $0x0, s1;
	[sflag:s0] =	ssyncset.done @!p0 $0x0  }
0x13c: {  	[sflag:s0] =	ssyncadd.s32 @!p0 s1  }
0x13d: {  	[bflag:$0x3] =	sbarrier.arrive $0xFFFF  }
0x13e: {  	_ =	shalt  }

</sc_bundles>
